<compile_context>
chip_gen: v7x
topology: tpu7x:2x2x1
jax: 0.10.2.dev20260603
libtpu: 0.0.44.dev20260713+nightly
codegen_flags: <defaults>
</compile_context>

<pallas_src>
import functools

import jax
import jax.numpy as jnp
from jax import lax
from jax.experimental import pallas as pl
from jax.experimental.pallas import tpu as pltpu
from jax.experimental.pallas import tpu_sc as plsc

VOCAB = 1000000
DIM = 64
BATCH = 16384
HIST = 50

NC = 2
NS = 16
NW = NC * NS
CHUNK = 128
N_CHUNKS_TOT = HIST * (BATCH // CHUNK)
PER_W = N_CHUNKS_TOT // NW
NB = 4
N_GROUPS = PER_W // NB
BT_N = BATCH // CHUNK


def _emb_body(idx_hbm, table_hbm, out_hbm, idx_v,
              r0, r1, r2, r3, t0, t1, g0, g1, g2, g3, w0, w1):
    rows = (r0, r1, r2, r3)
    gsems = (g0, g1, g2, g3)
    tiles = (t0, t1)
    wsems = (w0, w1)
    wid = lax.axis_index("s") * NC + lax.axis_index("c")
    cbase = wid * PER_W

    pltpu.sync_copy(idx_hbm.at[wid], idx_v)

    lanes = lax.iota(jnp.int32, 16)
    lanevecs = [lanes + lg * 16 for lg in range(8)]

    for k in range(NB):
        pltpu.async_copy(table_hbm.at[idx_v.at[k]], rows[k], gsems[k])

    def group(gi, carry):
        for j in range(NB):
            k = gi * NB + j
            c = cbase + k
            h = lax.shift_right_logical(c, 7)
            bt = lax.bitwise_and(c, BT_N - 1)
            rb = rows[j]
            tb = tiles[j & 1]
            wsem = wsems[j & 1]

            pltpu.make_async_copy(
                table_hbm.at[idx_v.at[0]], rb, gsems[j]).wait()

            @pl.when(k >= 2)
            def _drain():
                for _ in range(8):
                    pltpu.make_async_copy(
                        tb.at[pl.ds(0, 8), pl.ds(0, CHUNK)],
                        out_hbm.at[0, 0, 0], wsem).wait()

            def l_step(li, carry2):
                l0 = li * 4
                for u in range(4):
                    lv = jnp.full((16,), 0, jnp.int32) + (l0 + u)
                    for g in range(4):
                        vec = rb[l0 + u, pl.ds(g * 16, 16)]
                        plsc.store_scatter(
                            tb, [lanevecs[g], lv], vec)
                return carry2

            lax.fori_loop(0, CHUNK // 4, l_step, 0)

            @pl.when(k + NB < PER_W)
            def _prefetch():
                pltpu.async_copy(
                    table_hbm.at[idx_v.at[k + NB]], rb, gsems[j])

            for tr in range(8):
                pltpu.async_copy(
                    tb.at[pl.ds(tr * 8, 8), pl.ds(0, CHUNK)],
                    out_hbm.at[h, tr, bt], wsem)

        return carry

    lax.fori_loop(0, N_GROUPS, group, 0)

    for wsem in wsems:
        for _ in range(8):
            pltpu.make_async_copy(
                t0.at[pl.ds(0, 8), pl.ds(0, CHUNK)],
                out_hbm.at[0, 0, 0], wsem).wait()


_emb = functools.partial(
    pl.kernel,
    out_type=jax.ShapeDtypeStruct((HIST, 8, BT_N, 8, CHUNK), jnp.float32),
    mesh=plsc.VectorSubcoreMesh(core_axis_name="c", subcore_axis_name="s"),
    scratch_types=[
        pltpu.VMEM((PER_W, CHUNK), jnp.int32),
    ] + [pltpu.VMEM((CHUNK, DIM), jnp.float32)] * NB
      + [pltpu.VMEM((DIM, CHUNK + 1), jnp.float32)] * 2
      + [pltpu.SemaphoreType.DMA] * (NB + 2),
    compiler_params=pltpu.CompilerParams(
        use_tc_tiling_on_sc=False, needs_layout_passes=False),
)(_emb_body)


@jax.jit
def kernel(x, table):
    xq = (x.T.astype(jnp.int32) * 2).reshape(NW, PER_W, CHUNK)
    tab128 = jnp.concatenate(
        [table, jnp.zeros((VOCAB, DIM), jnp.float32)], axis=1)
    tab2m = tab128.reshape(2 * VOCAB, DIM)
    out5 = _emb(xq, tab2m)
    return out5.transpose(2, 4, 0, 1, 3).reshape(BATCH, HIST, DIM)

# --- scband reference (transcript-rebuilt; emitter-appended) ---
"""Pipeline reference for scband-vocab-parallel-embedding-55044300865737 (READ-ONLY COPY).

The authoritative reference and input builder live on the scoring server;
editing this copy changes nothing except your own understanding.
"""

import jax, jax.numpy as jnp
import numpy as np

VOCAB = 1000000
DIM = 64
BATCH = 16384
HIST = 50

def setup_inputs(seed: int = 0) -> dict:
    key = jax.random.key(seed)
    k_idx, k_tab = jax.random.split(key)
    x = jax.random.randint(k_idx, (BATCH, HIST), 0, VOCAB, dtype=jnp.int64)
    table = jax.random.normal(k_tab, (VOCAB, DIM), dtype=jnp.float32) * 0.02
    return {"x": x, "table": table}

def reference(x, table):
    # nn.Embedding forward: row gather from the embedding table
    return jnp.take(table, x, axis=0)

if __name__ == "__main__":
    import jax
    _d = setup_inputs()
    print(jax.jit(kernel)(*tuple(_d.values())))

</pallas_src>

<mosaic_0001>
#map = affine_map<(d0, d1) -> (0, 0, 0)>
#map1 = affine_map<(d0, d1) -> (0, 0)>
#map2 = affine_map<(d0, d1) -> (0, 0, 0, 0, 0)>
module attributes {stable_mosaic.version = 14 : i64} {
  func.func @_emb_body(%arg0: i32, %arg1: i32, %arg2: memref<32x200x128xi32, #tpu.memory_space<hbm>>, %arg3: memref<2000000x64xf32, #tpu.memory_space<hbm>>, %arg4: memref<50x8x128x8x128xf32, #tpu.memory_space<hbm>>, %arg5: memref<200x128xi32, #tpu.memory_space<vmem>>, %arg6: memref<128x64xf32, #tpu.memory_space<vmem>>, %arg7: memref<128x64xf32, #tpu.memory_space<vmem>>, %arg8: memref<128x64xf32, #tpu.memory_space<vmem>>, %arg9: memref<128x64xf32, #tpu.memory_space<vmem>>, %arg10: memref<64x129xf32, #tpu.memory_space<vmem>>, %arg11: memref<64x129xf32, #tpu.memory_space<vmem>>, %arg12: memref<!tpu.dma_semaphore, #tpu.memory_space<semaphore_mem>>, %arg13: memref<!tpu.dma_semaphore, #tpu.memory_space<semaphore_mem>>, %arg14: memref<!tpu.dma_semaphore, #tpu.memory_space<semaphore_mem>>, %arg15: memref<!tpu.dma_semaphore, #tpu.memory_space<semaphore_mem>>, %arg16: memref<!tpu.dma_semaphore, #tpu.memory_space<semaphore_mem>>, %arg17: memref<!tpu.dma_semaphore, #tpu.memory_space<semaphore_mem>>) attributes {dimension_semantics = [#tpu.dimension_semantics<core_parallel>, #tpu.dimension_semantics<subcore_parallel>], iteration_bounds = array<i64: 2, 16>, scalar_prefetch = 0 : i64, scratch_operands = 13 : i64, tpu.core_type = #tpu.core_type<sc_vector_subcore>, window_params = [{transform_indices = #map}, {transform_indices = #map1}, {transform_indices = #map2}]} {
    %mul3A = arith.constant 2 : i32
    %mul3A_0 = arith.muli %arg1, %mul3A : i32
    %add3A = arith.addi %mul3A_0, %arg0 : i32
    %mul3A_1 = arith.constant 200 : i32
    %mul3A_2 = arith.muli %add3A, %mul3A_1 : i32
    "tpu.region"() ({
      %run_scoped3A = tpu.sem_alloc : memref<!tpu.dma_semaphore, #tpu.memory_space<semaphore_mem>>
      %dma_start3A_330 = arith.constant 0 : i32
      %dma_start3A_331 = arith.constant 0 : i32
      %dma_start3A_332 = tpu.memref_slice %arg2[%add3A, %dma_start3A_330, %dma_start3A_331] : memref<32x200x128xi32, #tpu.memory_space<hbm>> -> memref<1x200x128xi32, #tpu.memory_space<hbm>>
      %dma_start3A_333 = tpu.memref_squeeze %dma_start3A_332 : memref<1x200x128xi32, #tpu.memory_space<hbm>> -> memref<200x128xi32, #tpu.memory_space<hbm>>
      %dma_start3A_334 = arith.constant 0 : i32
      %dma_start3A_335 = arith.constant 0 : i32
      %dma_start3A_336 = tpu.memref_slice %arg2[%add3A, %dma_start3A_334, %dma_start3A_335] : memref<32x200x128xi32, #tpu.memory_space<hbm>> -> memref<1x200x128xi32, #tpu.memory_space<hbm>>
      %dma_start3A_337 = tpu.memref_squeeze %dma_start3A_336 : memref<1x200x128xi32, #tpu.memory_space<hbm>> -> memref<200x128xi32, #tpu.memory_space<hbm>>
      tpu.enqueue_dma source(%dma_start3A_337 : memref<200x128xi32, #tpu.memory_space<hbm>>) target(%arg5 : memref<200x128xi32, #tpu.memory_space<vmem>>) target_semaphore(%run_scoped3A : memref<!tpu.dma_semaphore, #tpu.memory_space<semaphore_mem>>)
      %dma_wait3A_338 = arith.constant 0 : i32
      %dma_wait3A_339 = arith.constant 0 : i32
      %dma_wait3A_340 = tpu.memref_slice %arg2[%add3A, %dma_wait3A_338, %dma_wait3A_339] : memref<32x200x128xi32, #tpu.memory_space<hbm>> -> memref<1x200x128xi32, #tpu.memory_space<hbm>>
      %dma_wait3A_341 = tpu.memref_squeeze %dma_wait3A_340 : memref<1x200x128xi32, #tpu.memory_space<hbm>> -> memref<200x128xi32, #tpu.memory_space<hbm>>
      %dma_wait3A_342 = arith.constant 0 : i32
      %dma_wait3A_343 = arith.constant 0 : i32
      %dma_wait3A_344 = tpu.memref_slice %arg2[%add3A, %dma_wait3A_342, %dma_wait3A_343] : memref<32x200x128xi32, #tpu.memory_space<hbm>> -> memref<1x200x128xi32, #tpu.memory_space<hbm>>
      %dma_wait3A_345 = tpu.memref_squeeze %dma_wait3A_344 : memref<1x200x128xi32, #tpu.memory_space<hbm>> -> memref<200x128xi32, #tpu.memory_space<hbm>>
      tpu.wait_dma2 semaphore(%run_scoped3A : memref<!tpu.dma_semaphore, #tpu.memory_space<semaphore_mem>>) src(%dma_wait3A_345 : memref<200x128xi32, #tpu.memory_space<hbm>>) dst(%arg5 : memref<200x128xi32, #tpu.memory_space<vmem>>)
      tpu.yield
    }) : () -> ()
    %iota3A = tpu.iota {dimensions = array<i32: 0>} : vector<16xi32>
    %add3A_3 = arith.constant 0 : i32
    %add3A_4 = vector.broadcast %add3A_3 : i32 to vector<16xi32>
    %add3A_5 = arith.addi %iota3A, %add3A_4 : vector<16xi32>
    %add3A_6 = arith.constant 16 : i32
    %add3A_7 = vector.broadcast %add3A_6 : i32 to vector<16xi32>
    %add3A_8 = arith.addi %iota3A, %add3A_7 : vector<16xi32>
    %add3A_9 = arith.constant 32 : i32
    %add3A_10 = vector.broadcast %add3A_9 : i32 to vector<16xi32>
    %add3A_11 = arith.addi %iota3A, %add3A_10 : vector<16xi32>
    %add3A_12 = arith.constant 48 : i32
    %add3A_13 = vector.broadcast %add3A_12 : i32 to vector<16xi32>
    %add3A_14 = arith.addi %iota3A, %add3A_13 : vector<16xi32>
    %add3A_15 = arith.constant 64 : i32
    %add3A_16 = vector.broadcast %add3A_15 : i32 to vector<16xi32>
    %add3A_17 = arith.addi %iota3A, %add3A_16 : vector<16xi32>
    %add3A_18 = arith.constant 80 : i32
    %add3A_19 = vector.broadcast %add3A_18 : i32 to vector<16xi32>
    %add3A_20 = arith.addi %iota3A, %add3A_19 : vector<16xi32>
    %add3A_21 = arith.constant 96 : i32
    %add3A_22 = vector.broadcast %add3A_21 : i32 to vector<16xi32>
    %add3A_23 = arith.addi %iota3A, %add3A_22 : vector<16xi32>
    %add3A_24 = arith.constant 112 : i32
    %add3A_25 = vector.broadcast %add3A_24 : i32 to vector<16xi32>
    %add3A_26 = arith.addi %iota3A, %add3A_25 : vector<16xi32>
    %dma_start3A = arith.constant 0 : i32
    %dma_start3A_27 = arith.constant 0 : i32
    %dma_start3A_28 = tpu.memref_slice %arg5[%dma_start3A, %dma_start3A_27] : memref<200x128xi32, #tpu.memory_space<vmem>> -> memref<1x128xi32, #tpu.memory_space<vmem>>
    %dma_start3A_29 = tpu.memref_squeeze %dma_start3A_28 : memref<1x128xi32, #tpu.memory_space<vmem>> -> memref<128xi32, #tpu.memory_space<vmem>>
    %dma_start3A_30 = arith.constant 0 : i32
    %dma_start3A_31 = arith.constant 0 : i32
    %dma_start3A_32 = tpu.memref_slice %arg3[%dma_start3A_30, %dma_start3A_31] : memref<2000000x64xf32, #tpu.memory_space<hbm>> -> memref<2000000x64xf32, #tpu.memory_space<hbm>>
    tpu.enqueue_indirect_dma source(%dma_start3A_32 : memref<2000000x64xf32, #tpu.memory_space<hbm>>) target(%arg6 : memref<128x64xf32, #tpu.memory_space<vmem>>) offsets(%dma_start3A_29 : memref<128xi32, #tpu.memory_space<vmem>>) semaphore(%arg12 : memref<!tpu.dma_semaphore, #tpu.memory_space<semaphore_mem>>)
    %dma_start3A_33 = arith.constant 1 : i32
    %dma_start3A_34 = arith.constant 0 : i32
    %dma_start3A_35 = tpu.memref_slice %arg5[%dma_start3A_33, %dma_start3A_34] : memref<200x128xi32, #tpu.memory_space<vmem>> -> memref<1x128xi32, #tpu.memory_space<vmem>>
    %dma_start3A_36 = tpu.memref_squeeze %dma_start3A_35 : memref<1x128xi32, #tpu.memory_space<vmem>> -> memref<128xi32, #tpu.memory_space<vmem>>
    %dma_start3A_37 = arith.constant 0 : i32
    %dma_start3A_38 = arith.constant 0 : i32
    %dma_start3A_39 = tpu.memref_slice %arg3[%dma_start3A_37, %dma_start3A_38] : memref<2000000x64xf32, #tpu.memory_space<hbm>> -> memref<2000000x64xf32, #tpu.memory_space<hbm>>
    tpu.enqueue_indirect_dma source(%dma_start3A_39 : memref<2000000x64xf32, #tpu.memory_space<hbm>>) target(%arg7 : memref<128x64xf32, #tpu.memory_space<vmem>>) offsets(%dma_start3A_36 : memref<128xi32, #tpu.memory_space<vmem>>) semaphore(%arg13 : memref<!tpu.dma_semaphore, #tpu.memory_space<semaphore_mem>>)
    %dma_start3A_40 = arith.constant 2 : i32
    %dma_start3A_41 = arith.constant 0 : i32
    %dma_start3A_42 = tpu.memref_slice %arg5[%dma_start3A_40, %dma_start3A_41] : memref<200x128xi32, #tpu.memory_space<vmem>> -> memref<1x128xi32, #tpu.memory_space<vmem>>
    %dma_start3A_43 = tpu.memref_squeeze %dma_start3A_42 : memref<1x128xi32, #tpu.memory_space<vmem>> -> memref<128xi32, #tpu.memory_space<vmem>>
    %dma_start3A_44 = arith.constant 0 : i32
    %dma_start3A_45 = arith.constant 0 : i32
    %dma_start3A_46 = tpu.memref_slice %arg3[%dma_start3A_44, %dma_start3A_45] : memref<2000000x64xf32, #tpu.memory_space<hbm>> -> memref<2000000x64xf32, #tpu.memory_space<hbm>>
    tpu.enqueue_indirect_dma source(%dma_start3A_46 : memref<2000000x64xf32, #tpu.memory_space<hbm>>) target(%arg8 : memref<128x64xf32, #tpu.memory_space<vmem>>) offsets(%dma_start3A_43 : memref<128xi32, #tpu.memory_space<vmem>>) semaphore(%arg14 : memref<!tpu.dma_semaphore, #tpu.memory_space<semaphore_mem>>)
    %dma_start3A_47 = arith.constant 3 : i32
    %dma_start3A_48 = arith.constant 0 : i32
    %dma_start3A_49 = tpu.memref_slice %arg5[%dma_start3A_47, %dma_start3A_48] : memref<200x128xi32, #tpu.memory_space<vmem>> -> memref<1x128xi32, #tpu.memory_space<vmem>>
    %dma_start3A_50 = tpu.memref_squeeze %dma_start3A_49 : memref<1x128xi32, #tpu.memory_space<vmem>> -> memref<128xi32, #tpu.memory_space<vmem>>
    %dma_start3A_51 = arith.constant 0 : i32
    %dma_start3A_52 = arith.constant 0 : i32
    %dma_start3A_53 = tpu.memref_slice %arg3[%dma_start3A_51, %dma_start3A_52] : memref<2000000x64xf32, #tpu.memory_space<hbm>> -> memref<2000000x64xf32, #tpu.memory_space<hbm>>
    tpu.enqueue_indirect_dma source(%dma_start3A_53 : memref<2000000x64xf32, #tpu.memory_space<hbm>>) target(%arg9 : memref<128x64xf32, #tpu.memory_space<vmem>>) offsets(%dma_start3A_50 : memref<128xi32, #tpu.memory_space<vmem>>) semaphore(%arg15 : memref<!tpu.dma_semaphore, #tpu.memory_space<semaphore_mem>>)
    %scan3A = arith.constant 0 : i32
    %scan3A_54 = arith.constant 0 : i32
    %scan3A_55 = arith.constant 50 : i32
    %scan3A_56 = arith.addi %scan3A_54, %scan3A_55 : i32
    %scan3A_57 = arith.constant 1 : i32
    scf.for %scan3A_330 = %scan3A_54 to %scan3A_56 step %scan3A_57  : i32 {
      %mul3A_331 = arith.constant 4 : i32
      %mul3A_332 = arith.muli %scan3A_330, %mul3A_331 : i32
      %add3A_333 = arith.constant 0 : i32
      %add3A_334 = arith.addi %mul3A_332, %add3A_333 : i32
      %add3A_335 = arith.addi %mul3A_2, %add3A_334 : i32
      %shift_right_logical3A = arith.constant 7 : i32
      %shift_right_logical3A_336 = arith.shrui %add3A_335, %shift_right_logical3A : i32
      %and3A = arith.constant 127 : i32
      %and3A_337 = arith.andi %add3A_335, %and3A : i32
      %dma_wait3A_338 = arith.constant 0 : i32
      %dma_wait3A_339 = arith.constant 0 : i32
      %dma_wait3A_340 = tpu.memref_slice %arg5[%dma_wait3A_338, %dma_wait3A_339] : memref<200x128xi32, #tpu.memory_space<vmem>> -> memref<1x128xi32, #tpu.memory_space<vmem>>
      %dma_wait3A_341 = tpu.memref_squeeze %dma_wait3A_340 : memref<1x128xi32, #tpu.memory_space<vmem>> -> memref<128xi32, #tpu.memory_space<vmem>>
      %dma_wait3A_342 = arith.constant 0 : i32
      %dma_wait3A_343 = arith.constant 0 : i32
      %dma_wait3A_344 = tpu.memref_slice %arg3[%dma_wait3A_342, %dma_wait3A_343] : memref<2000000x64xf32, #tpu.memory_space<hbm>> -> memref<2000000x64xf32, #tpu.memory_space<hbm>>
      tpu.wait_indirect_dma semaphore(%arg12 : memref<!tpu.dma_semaphore, #tpu.memory_space<semaphore_mem>>) src(%dma_wait3A_344 : memref<2000000x64xf32, #tpu.memory_space<hbm>>) dst(%arg6 : memref<128x64xf32, #tpu.memory_space<vmem>>)
      %ge3A = arith.constant 2 : i32
      %ge3A_345 = arith.cmpi sge, %add3A_334, %ge3A : i32
      %convert_element_type3A = arith.extui %ge3A_345 : i1 to i32
      %cond3A = arith.constant 0 : i32
      %cond3A_346 = arith.cmpi ne, %convert_element_type3A, %cond3A : i32
      scf.if %cond3A_346 {
        %dma_wait3A_941 = arith.constant 0 : i32
        %dma_wait3A_942 = arith.constant 0 : i32
        %dma_wait3A_943 = arith.constant 0 : i32
        %dma_wait3A_944 = arith.constant 0 : i32
        %dma_wait3A_945 = arith.constant 0 : i32
        %dma_wait3A_946 = tpu.memref_slice %arg10[%dma_wait3A_944, %dma_wait3A_945] : memref<64x129xf32, #tpu.memory_space<vmem>> -> memref<8x128xf32, #tpu.memory_space<vmem>>
        %dma_wait3A_947 = arith.constant 0 : i32
        %dma_wait3A_948 = arith.constant 0 : i32
        %dma_wait3A_949 = tpu.memref_slice %arg4[%dma_wait3A_941, %dma_wait3A_942, %dma_wait3A_943, %dma_wait3A_947, %dma_wait3A_948] : memref<50x8x128x8x128xf32, #tpu.memory_space<hbm>> -> memref<1x1x1x8x128xf32, #tpu.memory_space<hbm>>
        %dma_wait3A_950 = tpu.memref_squeeze %dma_wait3A_949 : memref<1x1x1x8x128xf32, #tpu.memory_space<hbm>> -> memref<8x128xf32, #tpu.memory_space<hbm>>
        %dma_wait3A_951 = arith.constant 0 : i32
        %dma_wait3A_952 = arith.constant 0 : i32
        %dma_wait3A_953 = tpu.memref_slice %arg4[%dma_wait3A_941, %dma_wait3A_942, %dma_wait3A_943, %dma_wait3A_951, %dma_wait3A_952] : memref<50x8x128x8x128xf32, #tpu.memory_space<hbm>> -> memref<1x1x1x8x128xf32, #tpu.memory_space<hbm>>
        %dma_wait3A_954 = tpu.memref_squeeze %dma_wait3A_953 : memref<1x1x1x8x128xf32, #tpu.memory_space<hbm>> -> memref<8x128xf32, #tpu.memory_space<hbm>>
        %dma_wait3A_955 = arith.constant 0 : i32
        %dma_wait3A_956 = arith.constant 0 : i32
        %dma_wait3A_957 = tpu.memref_slice %arg10[%dma_wait3A_955, %dma_wait3A_956] : memref<64x129xf32, #tpu.memory_space<vmem>> -> memref<8x128xf32, #tpu.memory_space<vmem>>
        tpu.wait_dma2 semaphore(%arg16 : memref<!tpu.dma_semaphore, #tpu.memory_space<semaphore_mem>>) src(%dma_wait3A_957 : memref<8x128xf32, #tpu.memory_space<vmem>>) dst(%dma_wait3A_954 : memref<8x128xf32, #tpu.memory_space<hbm>>)
        %dma_wait3A_958 = arith.constant 0 : i32
        %dma_wait3A_959 = arith.constant 0 : i32
        %dma_wait3A_960 = arith.constant 0 : i32
        %dma_wait3A_961 = arith.constant 0 : i32
        %dma_wait3A_962 = arith.constant 0 : i32
        %dma_wait3A_963 = tpu.memref_slice %arg10[%dma_wait3A_961, %dma_wait3A_962] : memref<64x129xf32, #tpu.memory_space<vmem>> -> memref<8x128xf32, #tpu.memory_space<vmem>>
        %dma_wait3A_964 = arith.constant 0 : i32
        %dma_wait3A_965 = arith.constant 0 : i32
        %dma_wait3A_966 = tpu.memref_slice %arg4[%dma_wait3A_958, %dma_wait3A_959, %dma_wait3A_960, %dma_wait3A_964, %dma_wait3A_965] : memref<50x8x128x8x128xf32, #tpu.memory_space<hbm>> -> memref<1x1x1x8x128xf32, #tpu.memory_space<hbm>>
        %dma_wait3A_967 = tpu.memref_squeeze %dma_wait3A_966 : memref<1x1x1x8x128xf32, #tpu.memory_space<hbm>> -> memref<8x128xf32, #tpu.memory_space<hbm>>
        %dma_wait3A_968 = arith.constant 0 : i32
        %dma_wait3A_969 = arith.constant 0 : i32
        %dma_wait3A_970 = tpu.memref_slice %arg4[%dma_wait3A_958, %dma_wait3A_959, %dma_wait3A_960, %dma_wait3A_968, %dma_wait3A_969] : memref<50x8x128x8x128xf32, #tpu.memory_space<hbm>> -> memref<1x1x1x8x128xf32, #tpu.memory_space<hbm>>
        %dma_wait3A_971 = tpu.memref_squeeze %dma_wait3A_970 : memref<1x1x1x8x128xf32, #tpu.memory_space<hbm>> -> memref<8x128xf32, #tpu.memory_space<hbm>>
        %dma_wait3A_972 = arith.constant 0 : i32
        %dma_wait3A_973 = arith.constant 0 : i32
        %dma_wait3A_974 = tpu.memref_slice %arg10[%dma_wait3A_972, %dma_wait3A_973] : memref<64x129xf32, #tpu.memory_space<vmem>> -> memref<8x128xf32, #tpu.memory_space<vmem>>
        tpu.wait_dma2 semaphore(%arg16 : memref<!tpu.dma_semaphore, #tpu.memory_space<semaphore_mem>>) src(%dma_wait3A_974 : memref<8x128xf32, #tpu.memory_space<vmem>>) dst(%dma_wait3A_971 : memref<8x128xf32, #tpu.memory_space<hbm>>)
        %dma_wait3A_975 = arith.constant 0 : i32
        %dma_wait3A_976 = arith.constant 0 : i32
        %dma_wait3A_977 = arith.constant 0 : i32
        %dma_wait3A_978 = arith.constant 0 : i32
        %dma_wait3A_979 = arith.constant 0 : i32
        %dma_wait3A_980 = tpu.memref_slice %arg10[%dma_wait3A_978, %dma_wait3A_979] : memref<64x129xf32, #tpu.memory_space<vmem>> -> memref<8x128xf32, #tpu.memory_space<vmem>>
        %dma_wait3A_981 = arith.constant 0 : i32
        %dma_wait3A_982 = arith.constant 0 : i32
        %dma_wait3A_983 = tpu.memref_slice %arg4[%dma_wait3A_975, %dma_wait3A_976, %dma_wait3A_977, %dma_wait3A_981, %dma_wait3A_982] : memref<50x8x128x8x128xf32, #tpu.memory_space<hbm>> -> memref<1x1x1x8x128xf32, #tpu.memory_space<hbm>>
        %dma_wait3A_984 = tpu.memref_squeeze %dma_wait3A_983 : memref<1x1x1x8x128xf32, #tpu.memory_space<hbm>> -> memref<8x128xf32, #tpu.memory_space<hbm>>
        %dma_wait3A_985 = arith.constant 0 : i32
        %dma_wait3A_986 = arith.constant 0 : i32
        %dma_wait3A_987 = tpu.memref_slice %arg4[%dma_wait3A_975, %dma_wait3A_976, %dma_wait3A_977, %dma_wait3A_985, %dma_wait3A_986] : memref<50x8x128x8x128xf32, #tpu.memory_space<hbm>> -> memref<1x1x1x8x128xf32, #tpu.memory_space<hbm>>
        %dma_wait3A_988 = tpu.memref_squeeze %dma_wait3A_987 : memref<1x1x1x8x128xf32, #tpu.memory_space<hbm>> -> memref<8x128xf32, #tpu.memory_space<hbm>>
        %dma_wait3A_989 = arith.constant 0 : i32
        %dma_wait3A_990 = arith.constant 0 : i32
        %dma_wait3A_991 = tpu.memref_slice %arg10[%dma_wait3A_989, %dma_wait3A_990] : memref<64x129xf32, #tpu.memory_space<vmem>> -> memref<8x128xf32, #tpu.memory_space<vmem>>
        tpu.wait_dma2 semaphore(%arg16 : memref<!tpu.dma_semaphore, #tpu.memory_space<semaphore_mem>>) src(%dma_wait3A_991 : memref<8x128xf32, #tpu.memory_space<vmem>>) dst(%dma_wait3A_988 : memref<8x128xf32, #tpu.memory_space<hbm>>)
        %dma_wait3A_992 = arith.constant 0 : i32
        %dma_wait3A_993 = arith.constant 0 : i32
        %dma_wait3A_994 = arith.constant 0 : i32
        %dma_wait3A_995 = arith.constant 0 : i32
        %dma_wait3A_996 = arith.constant 0 : i32
        %dma_wait3A_997 = tpu.memref_slice %arg10[%dma_wait3A_995, %dma_wait3A_996] : memref<64x129xf32, #tpu.memory_space<vmem>> -> memref<8x128xf32, #tpu.memory_space<vmem>>
        %dma_wait3A_998 = arith.constant 0 : i32
        %dma_wait3A_999 = arith.constant 0 : i32
        %dma_wait3A_1000 = tpu.memref_slice %arg4[%dma_wait3A_992, %dma_wait3A_993, %dma_wait3A_994, %dma_wait3A_998, %dma_wait3A_999] : memref<50x8x128x8x128xf32, #tpu.memory_space<hbm>> -> memref<1x1x1x8x128xf32, #tpu.memory_space<hbm>>
        %dma_wait3A_1001 = tpu.memref_squeeze %dma_wait3A_1000 : memref<1x1x1x8x128xf32, #tpu.memory_space<hbm>> -> memref<8x128xf32, #tpu.memory_space<hbm>>
        %dma_wait3A_1002 = arith.constant 0 : i32
        %dma_wait3A_1003 = arith.constant 0 : i32
        %dma_wait3A_1004 = tpu.memref_slice %arg4[%dma_wait3A_992, %dma_wait3A_993, %dma_wait3A_994, %dma_wait3A_1002, %dma_wait3A_1003] : memref<50x8x128x8x128xf32, #tpu.memory_space<hbm>> -> memref<1x1x1x8x128xf32, #tpu.memory_space<hbm>>
        %dma_wait3A_1005 = tpu.memref_squeeze %dma_wait3A_1004 : memref<1x1x1x8x128xf32, #tpu.memory_space<hbm>> -> memref<8x128xf32, #tpu.memory_space<hbm>>
        %dma_wait3A_1006 = arith.constant 0 : i32
        %dma_wait3A_1007 = arith.constant 0 : i32
        %dma_wait3A_1008 = tpu.memref_slice %arg10[%dma_wait3A_1006, %dma_wait3A_1007] : memref<64x129xf32, #tpu.memory_space<vmem>> -> memref<8x128xf32, #tpu.memory_space<vmem>>
        tpu.wait_dma2 semaphore(%arg16 : memref<!tpu.dma_semaphore, #tpu.memory_space<semaphore_mem>>) src(%dma_wait3A_1008 : memref<8x128xf32, #tpu.memory_space<vmem>>) dst(%dma_wait3A_1005 : memref<8x128xf32, #tpu.memory_space<hbm>>)
        %dma_wait3A_1009 = arith.constant 0 : i32
        %dma_wait3A_1010 = arith.constant 0 : i32
        %dma_wait3A_1011 = arith.constant 0 : i32
        %dma_wait3A_1012 = arith.constant 0 : i32
        %dma_wait3A_1013 = arith.constant 0 : i32
        %dma_wait3A_1014 = tpu.memref_slice %arg10[%dma_wait3A_1012, %dma_wait3A_1013] : memref<64x129xf32, #tpu.memory_space<vmem>> -> memref<8x128xf32, #tpu.memory_space<vmem>>
        %dma_wait3A_1015 = arith.constant 0 : i32
        %dma_wait3A_1016 = arith.constant 0 : i32
        %dma_wait3A_1017 = tpu.memref_slice %arg4[%dma_wait3A_1009, %dma_wait3A_1010, %dma_wait3A_1011, %dma_wait3A_1015, %dma_wait3A_1016] : memref<50x8x128x8x128xf32, #tpu.memory_space<hbm>> -> memref<1x1x1x8x128xf32, #tpu.memory_space<hbm>>
        %dma_wait3A_1018 = tpu.memref_squeeze %dma_wait3A_1017 : memref<1x1x1x8x128xf32, #tpu.memory_space<hbm>> -> memref<8x128xf32, #tpu.memory_space<hbm>>
        %dma_wait3A_1019 = arith.constant 0 : i32
        %dma_wait3A_1020 = arith.constant 0 : i32
        %dma_wait3A_1021 = tpu.memref_slice %arg4[%dma_wait3A_1009, %dma_wait3A_1010, %dma_wait3A_1011, %dma_wait3A_1019, %dma_wait3A_1020] : memref<50x8x128x8x128xf32, #tpu.memory_space<hbm>> -> memref<1x1x1x8x128xf32, #tpu.memory_space<hbm>>
        %dma_wait3A_1022 = tpu.memref_squeeze %dma_wait3A_1021 : memref<1x1x1x8x128xf32, #tpu.memory_space<hbm>> -> memref<8x128xf32, #tpu.memory_space<hbm>>
        %dma_wait3A_1023 = arith.constant 0 : i32
        %dma_wait3A_1024 = arith.constant 0 : i32
        %dma_wait3A_1025 = tpu.memref_slice %arg10[%dma_wait3A_1023, %dma_wait3A_1024] : memref<64x129xf32, #tpu.memory_space<vmem>> -> memref<8x128xf32, #tpu.memory_space<vmem>>
        tpu.wait_dma2 semaphore(%arg16 : memref<!tpu.dma_semaphore, #tpu.memory_space<semaphore_mem>>) src(%dma_wait3A_1025 : memref<8x128xf32, #tpu.memory_space<vmem>>) dst(%dma_wait3A_1022 : memref<8x128xf32, #tpu.memory_space<hbm>>)
        %dma_wait3A_1026 = arith.constant 0 : i32
        %dma_wait3A_1027 = arith.constant 0 : i32
        %dma_wait3A_1028 = arith.constant 0 : i32
        %dma_wait3A_1029 = arith.constant 0 : i32
        %dma_wait3A_1030 = arith.constant 0 : i32
        %dma_wait3A_1031 = tpu.memref_slice %arg10[%dma_wait3A_1029, %dma_wait3A_1030] : memref<64x129xf32, #tpu.memory_space<vmem>> -> memref<8x128xf32, #tpu.memory_space<vmem>>
        %dma_wait3A_1032 = arith.constant 0 : i32
        %dma_wait3A_1033 = arith.constant 0 : i32
        %dma_wait3A_1034 = tpu.memref_slice %arg4[%dma_wait3A_1026, %dma_wait3A_1027, %dma_wait3A_1028, %dma_wait3A_1032, %dma_wait3A_1033] : memref<50x8x128x8x128xf32, #tpu.memory_space<hbm>> -> memref<1x1x1x8x128xf32, #tpu.memory_space<hbm>>
        %dma_wait3A_1035 = tpu.memref_squeeze %dma_wait3A_1034 : memref<1x1x1x8x128xf32, #tpu.memory_space<hbm>> -> memref<8x128xf32, #tpu.memory_space<hbm>>
        %dma_wait3A_1036 = arith.constant 0 : i32
        %dma_wait3A_1037 = arith.constant 0 : i32
        %dma_wait3A_1038 = tpu.memref_slice %arg4[%dma_wait3A_1026, %dma_wait3A_1027, %dma_wait3A_1028, %dma_wait3A_1036, %dma_wait3A_1037] : memref<50x8x128x8x128xf32, #tpu.memory_space<hbm>> -> memref<1x1x1x8x128xf32, #tpu.memory_space<hbm>>
        %dma_wait3A_1039 = tpu.memref_squeeze %dma_wait3A_1038 : memref<1x1x1x8x128xf32, #tpu.memory_space<hbm>> -> memref<8x128xf32, #tpu.memory_space<hbm>>
        %dma_wait3A_1040 = arith.constant 0 : i32
        %dma_wait3A_1041 = arith.constant 0 : i32
        %dma_wait3A_1042 = tpu.memref_slice %arg10[%dma_wait3A_1040, %dma_wait3A_1041] : memref<64x129xf32, #tpu.memory_space<vmem>> -> memref<8x128xf32, #tpu.memory_space<vmem>>
        tpu.wait_dma2 semaphore(%arg16 : memref<!tpu.dma_semaphore, #tpu.memory_space<semaphore_mem>>) src(%dma_wait3A_1042 : memref<8x128xf32, #tpu.memory_space<vmem>>) dst(%dma_wait3A_1039 : memref<8x128xf32, #tpu.memory_space<hbm>>)
        %dma_wait3A_1043 = arith.constant 0 : i32
        %dma_wait3A_1044 = arith.constant 0 : i32
        %dma_wait3A_1045 = arith.constant 0 : i32
        %dma_wait3A_1046 = arith.constant 0 : i32
        %dma_wait3A_1047 = arith.constant 0 : i32
        %dma_wait3A_1048 = tpu.memref_slice %arg10[%dma_wait3A_1046, %dma_wait3A_1047] : memref<64x129xf32, #tpu.memory_space<vmem>> -> memref<8x128xf32, #tpu.memory_space<vmem>>
        %dma_wait3A_1049 = arith.constant 0 : i32
        %dma_wait3A_1050 = arith.constant 0 : i32
        %dma_wait3A_1051 = tpu.memref_slice %arg4[%dma_wait3A_1043, %dma_wait3A_1044, %dma_wait3A_1045, %dma_wait3A_1049, %dma_wait3A_1050] : memref<50x8x128x8x128xf32, #tpu.memory_space<hbm>> -> memref<1x1x1x8x128xf32, #tpu.memory_space<hbm>>
        %dma_wait3A_1052 = tpu.memref_squeeze %dma_wait3A_1051 : memref<1x1x1x8x128xf32, #tpu.memory_space<hbm>> -> memref<8x128xf32, #tpu.memory_space<hbm>>
        %dma_wait3A_1053 = arith.constant 0 : i32
        %dma_wait3A_1054 = arith.constant 0 : i32
        %dma_wait3A_1055 = tpu.memref_slice %arg4[%dma_wait3A_1043, %dma_wait3A_1044, %dma_wait3A_1045, %dma_wait3A_1053, %dma_wait3A_1054] : memref<50x8x128x8x128xf32, #tpu.memory_space<hbm>> -> memref<1x1x1x8x128xf32, #tpu.memory_space<hbm>>
        %dma_wait3A_1056 = tpu.memref_squeeze %dma_wait3A_1055 : memref<1x1x1x8x128xf32, #tpu.memory_space<hbm>> -> memref<8x128xf32, #tpu.memory_space<hbm>>
        %dma_wait3A_1057 = arith.constant 0 : i32
        %dma_wait3A_1058 = arith.constant 0 : i32
        %dma_wait3A_1059 = tpu.memref_slice %arg10[%dma_wait3A_1057, %dma_wait3A_1058] : memref<64x129xf32, #tpu.memory_space<vmem>> -> memref<8x128xf32, #tpu.memory_space<vmem>>
        tpu.wait_dma2 semaphore(%arg16 : memref<!tpu.dma_semaphore, #tpu.memory_space<semaphore_mem>>) src(%dma_wait3A_1059 : memref<8x128xf32, #tpu.memory_space<vmem>>) dst(%dma_wait3A_1056 : memref<8x128xf32, #tpu.memory_space<hbm>>)
        %dma_wait3A_1060 = arith.constant 0 : i32
        %dma_wait3A_1061 = arith.constant 0 : i32
        %dma_wait3A_1062 = arith.constant 0 : i32
        %dma_wait3A_1063 = arith.constant 0 : i32
        %dma_wait3A_1064 = arith.constant 0 : i32
        %dma_wait3A_1065 = tpu.memref_slice %arg10[%dma_wait3A_1063, %dma_wait3A_1064] : memref<64x129xf32, #tpu.memory_space<vmem>> -> memref<8x128xf32, #tpu.memory_space<vmem>>
        %dma_wait3A_1066 = arith.constant 0 : i32
        %dma_wait3A_1067 = arith.constant 0 : i32
        %dma_wait3A_1068 = tpu.memref_slice %arg4[%dma_wait3A_1060, %dma_wait3A_1061, %dma_wait3A_1062, %dma_wait3A_1066, %dma_wait3A_1067] : memref<50x8x128x8x128xf32, #tpu.memory_space<hbm>> -> memref<1x1x1x8x128xf32, #tpu.memory_space<hbm>>
        %dma_wait3A_1069 = tpu.memref_squeeze %dma_wait3A_1068 : memref<1x1x1x8x128xf32, #tpu.memory_space<hbm>> -> memref<8x128xf32, #tpu.memory_space<hbm>>
        %dma_wait3A_1070 = arith.constant 0 : i32
        %dma_wait3A_1071 = arith.constant 0 : i32
        %dma_wait3A_1072 = tpu.memref_slice %arg4[%dma_wait3A_1060, %dma_wait3A_1061, %dma_wait3A_1062, %dma_wait3A_1070, %dma_wait3A_1071] : memref<50x8x128x8x128xf32, #tpu.memory_space<hbm>> -> memref<1x1x1x8x128xf32, #tpu.memory_space<hbm>>
        %dma_wait3A_1073 = tpu.memref_squeeze %dma_wait3A_1072 : memref<1x1x1x8x128xf32, #tpu.memory_space<hbm>> -> memref<8x128xf32, #tpu.memory_space<hbm>>
        %dma_wait3A_1074 = arith.constant 0 : i32
        %dma_wait3A_1075 = arith.constant 0 : i32
        %dma_wait3A_1076 = tpu.memref_slice %arg10[%dma_wait3A_1074, %dma_wait3A_1075] : memref<64x129xf32, #tpu.memory_space<vmem>> -> memref<8x128xf32, #tpu.memory_space<vmem>>
        tpu.wait_dma2 semaphore(%arg16 : memref<!tpu.dma_semaphore, #tpu.memory_space<semaphore_mem>>) src(%dma_wait3A_1076 : memref<8x128xf32, #tpu.memory_space<vmem>>) dst(%dma_wait3A_1073 : memref<8x128xf32, #tpu.memory_space<hbm>>)
      } else {
      }
      %scan3A_347 = arith.constant 0 : i32
      %scan3A_348 = arith.constant 0 : i32
      %scan3A_349 = arith.constant 32 : i32
      %scan3A_350 = arith.addi %scan3A_348, %scan3A_349 : i32
      %scan3A_351 = arith.constant 1 : i32
      scf.for %scan3A_941 = %scan3A_348 to %scan3A_350 step %scan3A_351  : i32 {
        %mul3A_942 = arith.constant 4 : i32
        %mul3A_943 = arith.muli %scan3A_941, %mul3A_942 : i32
        %broadcast_in_dim3A = arith.constant 0 : i32
        %broadcast_in_dim3A_944 = vector.broadcast %broadcast_in_dim3A : i32 to vector<16xi32>
        %add3A_945 = arith.constant 0 : i32
        %add3A_946 = arith.addi %mul3A_943, %add3A_945 : i32
        %add3A_947 = vector.broadcast %add3A_946 : i32 to vector<16xi32>
        %add3A_948 = arith.addi %broadcast_in_dim3A_944, %add3A_947 : vector<16xi32>
        %add3A_949 = arith.constant 0 : i32
        %add3A_950 = arith.addi %mul3A_943, %add3A_949 : i32
        %get3A = arith.index_cast %add3A_950 : i32 to index
        %get3A_951 = arith.constant 0 : index
        %get3A_952 = tpu.vector_load %arg6[%get3A, %get3A_951] {strides = array<i32>} : memref<128x64xf32, #tpu.memory_space<vmem>>, vector<16xf32>,
        tpu.vector_store_idx %arg10[%add3A_5, %add3A_948], %get3A_952 : memref<64x129xf32, #tpu.memory_space<vmem>>[vector<16xi32>, vector<16xi32>], vector<16xf32>,
        %add3A_953 = arith.constant 0 : i32
        %add3A_954 = arith.addi %mul3A_943, %add3A_953 : i32
        %get3A_955 = arith.index_cast %add3A_954 : i32 to index
        %get3A_956 = arith.constant 16 : index
        %get3A_957 = tpu.vector_load %arg6[%get3A_955, %get3A_956] {strides = array<i32>} : memref<128x64xf32, #tpu.memory_space<vmem>>, vector<16xf32>,
        tpu.vector_store_idx %arg10[%add3A_8, %add3A_948], %get3A_957 : memref<64x129xf32, #tpu.memory_space<vmem>>[vector<16xi32>, vector<16xi32>], vector<16xf32>,
        %add3A_958 = arith.constant 0 : i32
        %add3A_959 = arith.addi %mul3A_943, %add3A_958 : i32
        %get3A_960 = arith.index_cast %add3A_959 : i32 to index
        %get3A_961 = arith.constant 32 : index
        %get3A_962 = tpu.vector_load %arg6[%get3A_960, %get3A_961] {strides = array<i32>} : memref<128x64xf32, #tpu.memory_space<vmem>>, vector<16xf32>,
        tpu.vector_store_idx %arg10[%add3A_11, %add3A_948], %get3A_962 : memref<64x129xf32, #tpu.memory_space<vmem>>[vector<16xi32>, vector<16xi32>], vector<16xf32>,
        %add3A_963 = arith.constant 0 : i32
        %add3A_964 = arith.addi %mul3A_943, %add3A_963 : i32
        %get3A_965 = arith.index_cast %add3A_964 : i32 to index
        %get3A_966 = arith.constant 48 : index
        %get3A_967 = tpu.vector_load %arg6[%get3A_965, %get3A_966] {strides = array<i32>} : memref<128x64xf32, #tpu.memory_space<vmem>>, vector<16xf32>,
        tpu.vector_store_idx %arg10[%add3A_14, %add3A_948], %get3A_967 : memref<64x129xf32, #tpu.memory_space<vmem>>[vector<16xi32>, vector<16xi32>], vector<16xf32>,
        %broadcast_in_dim3A_968 = arith.constant 0 : i32
        %broadcast_in_dim3A_969 = vector.broadcast %broadcast_in_dim3A_968 : i32 to vector<16xi32>
        %add3A_970 = arith.constant 1 : i32
        %add3A_971 = arith.addi %mul3A_943, %add3A_970 : i32
        %add3A_972 = vector.broadcast %add3A_971 : i32 to vector<16xi32>
        %add3A_973 = arith.addi %broadcast_in_dim3A_969, %add3A_972 : vector<16xi32>
        %add3A_974 = arith.constant 1 : i32
        %add3A_975 = arith.addi %mul3A_943, %add3A_974 : i32
        %get3A_976 = arith.index_cast %add3A_975 : i32 to index
        %get3A_977 = arith.constant 0 : index
        %get3A_978 = tpu.vector_load %arg6[%get3A_976, %get3A_977] {strides = array<i32>} : memref<128x64xf32, #tpu.memory_space<vmem>>, vector<16xf32>,
        tpu.vector_store_idx %arg10[%add3A_5, %add3A_973], %get3A_978 : memref<64x129xf32, #tpu.memory_space<vmem>>[vector<16xi32>, vector<16xi32>], vector<16xf32>,
        %add3A_979 = arith.constant 1 : i32
        %add3A_980 = arith.addi %mul3A_943, %add3A_979 : i32
        %get3A_981 = arith.index_cast %add3A_980 : i32 to index
        %get3A_982 = arith.constant 16 : index
        %get3A_983 = tpu.vector_load %arg6[%get3A_981, %get3A_982] {strides = array<i32>} : memref<128x64xf32, #tpu.memory_space<vmem>>, vector<16xf32>,
        tpu.vector_store_idx %arg10[%add3A_8, %add3A_973], %get3A_983 : memref<64x129xf32, #tpu.memory_space<vmem>>[vector<16xi32>, vector<16xi32>], vector<16xf32>,
        %add3A_984 = arith.constant 1 : i32
        %add3A_985 = arith.addi %mul3A_943, %add3A_984 : i32
        %get3A_986 = arith.index_cast %add3A_985 : i32 to index
        %get3A_987 = arith.constant 32 : index
        %get3A_988 = tpu.vector_load %arg6[%get3A_986, %get3A_987] {strides = array<i32>} : memref<128x64xf32, #tpu.memory_space<vmem>>, vector<16xf32>,
        tpu.vector_store_idx %arg10[%add3A_11, %add3A_973], %get3A_988 : memref<64x129xf32, #tpu.memory_space<vmem>>[vector<16xi32>, vector<16xi32>], vector<16xf32>,
        %add3A_989 = arith.constant 1 : i32
        %add3A_990 = arith.addi %mul3A_943, %add3A_989 : i32
        %get3A_991 = arith.index_cast %add3A_990 : i32 to index
        %get3A_992 = arith.constant 48 : index
        %get3A_993 = tpu.vector_load %arg6[%get3A_991, %get3A_992] {strides = array<i32>} : memref<128x64xf32, #tpu.memory_space<vmem>>, vector<16xf32>,
        tpu.vector_store_idx %arg10[%add3A_14, %add3A_973], %get3A_993 : memref<64x129xf32, #tpu.memory_space<vmem>>[vector<16xi32>, vector<16xi32>], vector<16xf32>,
        %broadcast_in_dim3A_994 = arith.constant 0 : i32
        %broadcast_in_dim3A_995 = vector.broadcast %broadcast_in_dim3A_994 : i32 to vector<16xi32>
        %add3A_996 = arith.constant 2 : i32
        %add3A_997 = arith.addi %mul3A_943, %add3A_996 : i32
        %add3A_998 = vector.broadcast %add3A_997 : i32 to vector<16xi32>
        %add3A_999 = arith.addi %broadcast_in_dim3A_995, %add3A_998 : vector<16xi32>
        %add3A_1000 = arith.constant 2 : i32
        %add3A_1001 = arith.addi %mul3A_943, %add3A_1000 : i32
        %get3A_1002 = arith.index_cast %add3A_1001 : i32 to index
        %get3A_1003 = arith.constant 0 : index
        %get3A_1004 = tpu.vector_load %arg6[%get3A_1002, %get3A_1003] {strides = array<i32>} : memref<128x64xf32, #tpu.memory_space<vmem>>, vector<16xf32>,
        tpu.vector_store_idx %arg10[%add3A_5, %add3A_999], %get3A_1004 : memref<64x129xf32, #tpu.memory_space<vmem>>[vector<16xi32>, vector<16xi32>], vector<16xf32>,
        %add3A_1005 = arith.constant 2 : i32
        %add3A_1006 = arith.addi %mul3A_943, %add3A_1005 : i32
        %get3A_1007 = arith.index_cast %add3A_1006 : i32 to index
        %get3A_1008 = arith.constant 16 : index
        %get3A_1009 = tpu.vector_load %arg6[%get3A_1007, %get3A_1008] {strides = array<i32>} : memref<128x64xf32, #tpu.memory_space<vmem>>, vector<16xf32>,
        tpu.vector_store_idx %arg10[%add3A_8, %add3A_999], %get3A_1009 : memref<64x129xf32, #tpu.memory_space<vmem>>[vector<16xi32>, vector<16xi32>], vector<16xf32>,
        %add3A_1010 = arith.constant 2 : i32
        %add3A_1011 = arith.addi %mul3A_943, %add3A_1010 : i32
        %get3A_1012 = arith.index_cast %add3A_1011 : i32 to index
        %get3A_1013 = arith.constant 32 : index
        %get3A_1014 = tpu.vector_load %arg6[%get3A_1012, %get3A_1013] {strides = array<i32>} : memref<128x64xf32, #tpu.memory_space<vmem>>, vector<16xf32>,
        tpu.vector_store_idx %arg10[%add3A_11, %add3A_999], %get3A_1014 : memref<64x129xf32, #tpu.memory_space<vmem>>[vector<16xi32>, vector<16xi32>], vector<16xf32>,
        %add3A_1015 = arith.constant 2 : i32
        %add3A_1016 = arith.addi %mul3A_943, %add3A_1015 : i32
        %get3A_1017 = arith.index_cast %add3A_1016 : i32 to index
        %get3A_1018 = arith.constant 48 : index
        %get3A_1019 = tpu.vector_load %arg6[%get3A_1017, %get3A_1018] {strides = array<i32>} : memref<128x64xf32, #tpu.memory_space<vmem>>, vector<16xf32>,
        tpu.vector_store_idx %arg10[%add3A_14, %add3A_999], %get3A_1019 : memref<64x129xf32, #tpu.memory_space<vmem>>[vector<16xi32>, vector<16xi32>], vector<16xf32>,
        %broadcast_in_dim3A_1020 = arith.constant 0 : i32
        %broadcast_in_dim3A_1021 = vector.broadcast %broadcast_in_dim3A_1020 : i32 to vector<16xi32>
        %add3A_1022 = arith.constant 3 : i32
        %add3A_1023 = arith.addi %mul3A_943, %add3A_1022 : i32
        %add3A_1024 = vector.broadcast %add3A_1023 : i32 to vector<16xi32>
        %add3A_1025 = arith.addi %broadcast_in_dim3A_1021, %add3A_1024 : vector<16xi32>
        %add3A_1026 = arith.constant 3 : i32
        %add3A_1027 = arith.addi %mul3A_943, %add3A_1026 : i32
        %get3A_1028 = arith.index_cast %add3A_1027 : i32 to index
        %get3A_1029 = arith.constant 0 : index
        %get3A_1030 = tpu.vector_load %arg6[%get3A_1028, %get3A_1029] {strides = array<i32>} : memref<128x64xf32, #tpu.memory_space<vmem>>, vector<16xf32>,
        tpu.vector_store_idx %arg10[%add3A_5, %add3A_1025], %get3A_1030 : memref<64x129xf32, #tpu.memory_space<vmem>>[vector<16xi32>, vector<16xi32>], vector<16xf32>,
        %add3A_1031 = arith.constant 3 : i32
        %add3A_1032 = arith.addi %mul3A_943, %add3A_1031 : i32
        %get3A_1033 = arith.index_cast %add3A_1032 : i32 to index
        %get3A_1034 = arith.constant 16 : index
        %get3A_1035 = tpu.vector_load %arg6[%get3A_1033, %get3A_1034] {strides = array<i32>} : memref<128x64xf32, #tpu.memory_space<vmem>>, vector<16xf32>,
        tpu.vector_store_idx %arg10[%add3A_8, %add3A_1025], %get3A_1035 : memref<64x129xf32, #tpu.memory_space<vmem>>[vector<16xi32>, vector<16xi32>], vector<16xf32>,
        %add3A_1036 = arith.constant 3 : i32
        %add3A_1037 = arith.addi %mul3A_943, %add3A_1036 : i32
        %get3A_1038 = arith.index_cast %add3A_1037 : i32 to index
        %get3A_1039 = arith.constant 32 : index
        %get3A_1040 = tpu.vector_load %arg6[%get3A_1038, %get3A_1039] {strides = array<i32>} : memref<128x64xf32, #tpu.memory_space<vmem>>, vector<16xf32>,
        tpu.vector_store_idx %arg10[%add3A_11, %add3A_1025], %get3A_1040 : memref<64x129xf32, #tpu.memory_space<vmem>>[vector<16xi32>, vector<16xi32>], vector<16xf32>,
        %add3A_1041 = arith.constant 3 : i32
        %add3A_1042 = arith.addi %mul3A_943, %add3A_1041 : i32
        %get3A_1043 = arith.index_cast %add3A_1042 : i32 to index
        %get3A_1044 = arith.constant 48 : index
        %get3A_1045 = tpu.vector_load %arg6[%get3A_1043, %get3A_1044] {strides = array<i32>} : memref<128x64xf32, #tpu.memory_space<vmem>>, vector<16xf32>,
        tpu.vector_store_idx %arg10[%add3A_14, %add3A_1025], %get3A_1045 : memref<64x129xf32, #tpu.memory_space<vmem>>[vector<16xi32>, vector<16xi32>], vector<16xf32>,
      }
      %scan3A_352 = arith.constant 32 : i32
      %add3A_353 = arith.constant 4 : i32
      %add3A_354 = arith.addi %add3A_334, %add3A_353 : i32
      %lt3A = arith.constant 200 : i32
      %lt3A_355 = arith.cmpi slt, %add3A_354, %lt3A : i32
      %convert_element_type3A_356 = arith.extui %lt3A_355 : i1 to i32
      %cond3A_357 = arith.constant 0 : i32
      %cond3A_358 = arith.cmpi ne, %convert_element_type3A_356, %cond3A_357 : i32
      scf.if %cond3A_358 {
        %add3A_941 = arith.constant 4 : i32
        %add3A_942 = arith.addi %add3A_334, %add3A_941 : i32
        %dma_start3A_943 = arith.constant 0 : i32
        %dma_start3A_944 = tpu.memref_slice %arg5[%add3A_942, %dma_start3A_943] : memref<200x128xi32, #tpu.memory_space<vmem>> -> memref<1x128xi32, #tpu.memory_space<vmem>>
        %dma_start3A_945 = tpu.memref_squeeze %dma_start3A_944 : memref<1x128xi32, #tpu.memory_space<vmem>> -> memref<128xi32, #tpu.memory_space<vmem>>
        %dma_start3A_946 = arith.constant 0 : i32
        %dma_start3A_947 = arith.constant 0 : i32
        %dma_start3A_948 = tpu.memref_slice %arg3[%dma_start3A_946, %dma_start3A_947] : memref<2000000x64xf32, #tpu.memory_space<hbm>> -> memref<2000000x64xf32, #tpu.memory_space<hbm>>
        tpu.enqueue_indirect_dma source(%dma_start3A_948 : memref<2000000x64xf32, #tpu.memory_space<hbm>>) target(%arg6 : memref<128x64xf32, #tpu.memory_space<vmem>>) offsets(%dma_start3A_945 : memref<128xi32, #tpu.memory_space<vmem>>) semaphore(%arg12 : memref<!tpu.dma_semaphore, #tpu.memory_space<semaphore_mem>>)
      } else {
      }
      %dma_start3A_359 = arith.constant 0 : i32
      %dma_start3A_360 = arith.constant 0 : i32
      %dma_start3A_361 = arith.constant 0 : i32
      %dma_start3A_362 = tpu.memref_slice %arg10[%dma_start3A_360, %dma_start3A_361] : memref<64x129xf32, #tpu.memory_space<vmem>> -> memref<8x128xf32, #tpu.memory_space<vmem>>
      %dma_start3A_363 = arith.constant 0 : i32
      %dma_start3A_364 = arith.constant 0 : i32
      %dma_start3A_365 = tpu.memref_slice %arg4[%shift_right_logical3A_336, %dma_start3A_359, %and3A_337, %dma_start3A_363, %dma_start3A_364] : memref<50x8x128x8x128xf32, #tpu.memory_space<hbm>> -> memref<1x1x1x8x128xf32, #tpu.memory_space<hbm>>
      %dma_start3A_366 = tpu.memref_squeeze %dma_start3A_365 : memref<1x1x1x8x128xf32, #tpu.memory_space<hbm>> -> memref<8x128xf32, #tpu.memory_space<hbm>>
      %dma_start3A_367 = arith.constant 0 : i32
      %dma_start3A_368 = arith.constant 0 : i32
      %dma_start3A_369 = tpu.memref_slice %arg4[%shift_right_logical3A_336, %dma_start3A_359, %and3A_337, %dma_start3A_367, %dma_start3A_368] : memref<50x8x128x8x128xf32, #tpu.memory_space<hbm>> -> memref<1x1x1x8x128xf32, #tpu.memory_space<hbm>>
      %dma_start3A_370 = tpu.memref_squeeze %dma_start3A_369 : memref<1x1x1x8x128xf32, #tpu.memory_space<hbm>> -> memref<8x128xf32, #tpu.memory_space<hbm>>
      %dma_start3A_371 = arith.constant 0 : i32
      %dma_start3A_372 = arith.constant 0 : i32
      %dma_start3A_373 = tpu.memref_slice %arg10[%dma_start3A_371, %dma_start3A_372] : memref<64x129xf32, #tpu.memory_space<vmem>> -> memref<8x128xf32, #tpu.memory_space<vmem>>
      tpu.enqueue_dma source(%dma_start3A_373 : memref<8x128xf32, #tpu.memory_space<vmem>>) target(%dma_start3A_370 : memref<8x128xf32, #tpu.memory_space<hbm>>) target_semaphore(%arg16 : memref<!tpu.dma_semaphore, #tpu.memory_space<semaphore_mem>>)
      %dma_start3A_374 = arith.constant 1 : i32
      %dma_start3A_375 = arith.constant 8 : i32
      %dma_start3A_376 = arith.constant 0 : i32
      %dma_start3A_377 = tpu.memref_slice %arg10[%dma_start3A_375, %dma_start3A_376] : memref<64x129xf32, #tpu.memory_space<vmem>> -> memref<8x128xf32, #tpu.memory_space<vmem>>
      %dma_start3A_378 = arith.constant 0 : i32
      %dma_start3A_379 = arith.constant 0 : i32
      %dma_start3A_380 = tpu.memref_slice %arg4[%shift_right_logical3A_336, %dma_start3A_374, %and3A_337, %dma_start3A_378, %dma_start3A_379] : memref<50x8x128x8x128xf32, #tpu.memory_space<hbm>> -> memref<1x1x1x8x128xf32, #tpu.memory_space<hbm>>
      %dma_start3A_381 = tpu.memref_squeeze %dma_start3A_380 : memref<1x1x1x8x128xf32, #tpu.memory_space<hbm>> -> memref<8x128xf32, #tpu.memory_space<hbm>>
      %dma_start3A_382 = arith.constant 0 : i32
      %dma_start3A_383 = arith.constant 0 : i32
      %dma_start3A_384 = tpu.memref_slice %arg4[%shift_right_logical3A_336, %dma_start3A_374, %and3A_337, %dma_start3A_382, %dma_start3A_383] : memref<50x8x128x8x128xf32, #tpu.memory_space<hbm>> -> memref<1x1x1x8x128xf32, #tpu.memory_space<hbm>>
      %dma_start3A_385 = tpu.memref_squeeze %dma_start3A_384 : memref<1x1x1x8x128xf32, #tpu.memory_space<hbm>> -> memref<8x128xf32, #tpu.memory_space<hbm>>
      %dma_start3A_386 = arith.constant 8 : i32
      %dma_start3A_387 = arith.constant 0 : i32
      %dma_start3A_388 = tpu.memref_slice %arg10[%dma_start3A_386, %dma_start3A_387] : memref<64x129xf32, #tpu.memory_space<vmem>> -> memref<8x128xf32, #tpu.memory_space<vmem>>
      tpu.enqueue_dma source(%dma_start3A_388 : memref<8x128xf32, #tpu.memory_space<vmem>>) target(%dma_start3A_385 : memref<8x128xf32, #tpu.memory_space<hbm>>) target_semaphore(%arg16 : memref<!tpu.dma_semaphore, #tpu.memory_space<semaphore_mem>>)
      %dma_start3A_389 = arith.constant 2 : i32
      %dma_start3A_390 = arith.constant 16 : i32
      %dma_start3A_391 = arith.constant 0 : i32
      %dma_start3A_392 = tpu.memref_slice %arg10[%dma_start3A_390, %dma_start3A_391] : memref<64x129xf32, #tpu.memory_space<vmem>> -> memref<8x128xf32, #tpu.memory_space<vmem>>
      %dma_start3A_393 = arith.constant 0 : i32
      %dma_start3A_394 = arith.constant 0 : i32
      %dma_start3A_395 = tpu.memref_slice %arg4[%shift_right_logical3A_336, %dma_start3A_389, %and3A_337, %dma_start3A_393, %dma_start3A_394] : memref<50x8x128x8x128xf32, #tpu.memory_space<hbm>> -> memref<1x1x1x8x128xf32, #tpu.memory_space<hbm>>
      %dma_start3A_396 = tpu.memref_squeeze %dma_start3A_395 : memref<1x1x1x8x128xf32, #tpu.memory_space<hbm>> -> memref<8x128xf32, #tpu.memory_space<hbm>>
      %dma_start3A_397 = arith.constant 0 : i32
      %dma_start3A_398 = arith.constant 0 : i32
      %dma_start3A_399 = tpu.memref_slice %arg4[%shift_right_logical3A_336, %dma_start3A_389, %and3A_337, %dma_start3A_397, %dma_start3A_398] : memref<50x8x128x8x128xf32, #tpu.memory_space<hbm>> -> memref<1x1x1x8x128xf32, #tpu.memory_space<hbm>>
      %dma_start3A_400 = tpu.memref_squeeze %dma_start3A_399 : memref<1x1x1x8x128xf32, #tpu.memory_space<hbm>> -> memref<8x128xf32, #tpu.memory_space<hbm>>
      %dma_start3A_401 = arith.constant 16 : i32
      %dma_start3A_402 = arith.constant 0 : i32
      %dma_start3A_403 = tpu.memref_slice %arg10[%dma_start3A_401, %dma_start3A_402] : memref<64x129xf32, #tpu.memory_space<vmem>> -> memref<8x128xf32, #tpu.memory_space<vmem>>
      tpu.enqueue_dma source(%dma_start3A_403 : memref<8x128xf32, #tpu.memory_space<vmem>>) target(%dma_start3A_400 : memref<8x128xf32, #tpu.memory_space<hbm>>) target_semaphore(%arg16 : memref<!tpu.dma_semaphore, #tpu.memory_space<semaphore_mem>>)
      %dma_start3A_404 = arith.constant 3 : i32
      %dma_start3A_405 = arith.constant 24 : i32
      %dma_start3A_406 = arith.constant 0 : i32
      %dma_start3A_407 = tpu.memref_slice %arg10[%dma_start3A_405, %dma_start3A_406] : memref<64x129xf32, #tpu.memory_space<vmem>> -> memref<8x128xf32, #tpu.memory_space<vmem>>
      %dma_start3A_408 = arith.constant 0 : i32
      %dma_start3A_409 = arith.constant 0 : i32
      %dma_start3A_410 = tpu.memref_slice %arg4[%shift_right_logical3A_336, %dma_start3A_404, %and3A_337, %dma_start3A_408, %dma_start3A_409] : memref<50x8x128x8x128xf32, #tpu.memory_space<hbm>> -> memref<1x1x1x8x128xf32, #tpu.memory_space<hbm>>
      %dma_start3A_411 = tpu.memref_squeeze %dma_start3A_410 : memref<1x1x1x8x128xf32, #tpu.memory_space<hbm>> -> memref<8x128xf32, #tpu.memory_space<hbm>>
      %dma_start3A_412 = arith.constant 0 : i32
      %dma_start3A_413 = arith.constant 0 : i32
      %dma_start3A_414 = tpu.memref_slice %arg4[%shift_right_logical3A_336, %dma_start3A_404, %and3A_337, %dma_start3A_412, %dma_start3A_413] : memref<50x8x128x8x128xf32, #tpu.memory_space<hbm>> -> memref<1x1x1x8x128xf32, #tpu.memory_space<hbm>>
      %dma_start3A_415 = tpu.memref_squeeze %dma_start3A_414 : memref<1x1x1x8x128xf32, #tpu.memory_space<hbm>> -> memref<8x128xf32, #tpu.memory_space<hbm>>
      %dma_start3A_416 = arith.constant 24 : i32
      %dma_start3A_417 = arith.constant 0 : i32
      %dma_start3A_418 = tpu.memref_slice %arg10[%dma_start3A_416, %dma_start3A_417] : memref<64x129xf32, #tpu.memory_space<vmem>> -> memref<8x128xf32, #tpu.memory_space<vmem>>
      tpu.enqueue_dma source(%dma_start3A_418 : memref<8x128xf32, #tpu.memory_space<vmem>>) target(%dma_start3A_415 : memref<8x128xf32, #tpu.memory_space<hbm>>) target_semaphore(%arg16 : memref<!tpu.dma_semaphore, #tpu.memory_space<semaphore_mem>>)
      %dma_start3A_419 = arith.constant 4 : i32
      %dma_start3A_420 = arith.constant 32 : i32
      %dma_start3A_421 = arith.constant 0 : i32
      %dma_start3A_422 = tpu.memref_slice %arg10[%dma_start3A_420, %dma_start3A_421] : memref<64x129xf32, #tpu.memory_space<vmem>> -> memref<8x128xf32, #tpu.memory_space<vmem>>
      %dma_start3A_423 = arith.constant 0 : i32
      %dma_start3A_424 = arith.constant 0 : i32
      %dma_start3A_425 = tpu.memref_slice %arg4[%shift_right_logical3A_336, %dma_start3A_419, %and3A_337, %dma_start3A_423, %dma_start3A_424] : memref<50x8x128x8x128xf32, #tpu.memory_space<hbm>> -> memref<1x1x1x8x128xf32, #tpu.memory_space<hbm>>
      %dma_start3A_426 = tpu.memref_squeeze %dma_start3A_425 : memref<1x1x1x8x128xf32, #tpu.memory_space<hbm>> -> memref<8x128xf32, #tpu.memory_space<hbm>>
      %dma_start3A_427 = arith.constant 0 : i32
      %dma_start3A_428 = arith.constant 0 : i32
      %dma_start3A_429 = tpu.memref_slice %arg4[%shift_right_logical3A_336, %dma_start3A_419, %and3A_337, %dma_start3A_427, %dma_start3A_428] : memref<50x8x128x8x128xf32, #tpu.memory_space<hbm>> -> memref<1x1x1x8x128xf32, #tpu.memory_space<hbm>>
      %dma_start3A_430 = tpu.memref_squeeze %dma_start3A_429 : memref<1x1x1x8x128xf32, #tpu.memory_space<hbm>> -> memref<8x128xf32, #tpu.memory_space<hbm>>
      %dma_start3A_431 = arith.constant 32 : i32
      %dma_start3A_432 = arith.constant 0 : i32
      %dma_start3A_433 = tpu.memref_slice %arg10[%dma_start3A_431, %dma_start3A_432] : memref<64x129xf32, #tpu.memory_space<vmem>> -> memref<8x128xf32, #tpu.memory_space<vmem>>
      tpu.enqueue_dma source(%dma_start3A_433 : memref<8x128xf32, #tpu.memory_space<vmem>>) target(%dma_start3A_430 : memref<8x128xf32, #tpu.memory_space<hbm>>) target_semaphore(%arg16 : memref<!tpu.dma_semaphore, #tpu.memory_space<semaphore_mem>>)
      %dma_start3A_434 = arith.constant 5 : i32
      %dma_start3A_435 = arith.constant 40 : i32
      %dma_start3A_436 = arith.constant 0 : i32
      %dma_start3A_437 = tpu.memref_slice %arg10[%dma_start3A_435, %dma_start3A_436] : memref<64x129xf32, #tpu.memory_space<vmem>> -> memref<8x128xf32, #tpu.memory_space<vmem>>
      %dma_start3A_438 = arith.constant 0 : i32
      %dma_start3A_439 = arith.constant 0 : i32
      %dma_start3A_440 = tpu.memref_slice %arg4[%shift_right_logical3A_336, %dma_start3A_434, %and3A_337, %dma_start3A_438, %dma_start3A_439] : memref<50x8x128x8x128xf32, #tpu.memory_space<hbm>> -> memref<1x1x1x8x128xf32, #tpu.memory_space<hbm>>
      %dma_start3A_441 = tpu.memref_squeeze %dma_start3A_440 : memref<1x1x1x8x128xf32, #tpu.memory_space<hbm>> -> memref<8x128xf32, #tpu.memory_space<hbm>>
      %dma_start3A_442 = arith.constant 0 : i32
      %dma_start3A_443 = arith.constant 0 : i32
      %dma_start3A_444 = tpu.memref_slice %arg4[%shift_right_logical3A_336, %dma_start3A_434, %and3A_337, %dma_start3A_442, %dma_start3A_443] : memref<50x8x128x8x128xf32, #tpu.memory_space<hbm>> -> memref<1x1x1x8x128xf32, #tpu.memory_space<hbm>>
      %dma_start3A_445 = tpu.memref_squeeze %dma_start3A_444 : memref<1x1x1x8x128xf32, #tpu.memory_space<hbm>> -> memref<8x128xf32, #tpu.memory_space<hbm>>
      %dma_start3A_446 = arith.constant 40 : i32
      %dma_start3A_447 = arith.constant 0 : i32
      %dma_start3A_448 = tpu.memref_slice %arg10[%dma_start3A_446, %dma_start3A_447] : memref<64x129xf32, #tpu.memory_space<vmem>> -> memref<8x128xf32, #tpu.memory_space<vmem>>
      tpu.enqueue_dma source(%dma_start3A_448 : memref<8x128xf32, #tpu.memory_space<vmem>>) target(%dma_start3A_445 : memref<8x128xf32, #tpu.memory_space<hbm>>) target_semaphore(%arg16 : memref<!tpu.dma_semaphore, #tpu.memory_space<semaphore_mem>>)
      %dma_start3A_449 = arith.constant 6 : i32
      %dma_start3A_450 = arith.constant 48 : i32
      %dma_start3A_451 = arith.constant 0 : i32
      %dma_start3A_452 = tpu.memref_slice %arg10[%dma_start3A_450, %dma_start3A_451] : memref<64x129xf32, #tpu.memory_space<vmem>> -> memref<8x128xf32, #tpu.memory_space<vmem>>
      %dma_start3A_453 = arith.constant 0 : i32
      %dma_start3A_454 = arith.constant 0 : i32
      %dma_start3A_455 = tpu.memref_slice %arg4[%shift_right_logical3A_336, %dma_start3A_449, %and3A_337, %dma_start3A_453, %dma_start3A_454] : memref<50x8x128x8x128xf32, #tpu.memory_space<hbm>> -> memref<1x1x1x8x128xf32, #tpu.memory_space<hbm>>
      %dma_start3A_456 = tpu.memref_squeeze %dma_start3A_455 : memref<1x1x1x8x128xf32, #tpu.memory_space<hbm>> -> memref<8x128xf32, #tpu.memory_space<hbm>>
      %dma_start3A_457 = arith.constant 0 : i32
      %dma_start3A_458 = arith.constant 0 : i32
      %dma_start3A_459 = tpu.memref_slice %arg4[%shift_right_logical3A_336, %dma_start3A_449, %and3A_337, %dma_start3A_457, %dma_start3A_458] : memref<50x8x128x8x128xf32, #tpu.memory_space<hbm>> -> memref<1x1x1x8x128xf32, #tpu.memory_space<hbm>>
      %dma_start3A_460 = tpu.memref_squeeze %dma_start3A_459 : memref<1x1x1x8x128xf32, #tpu.memory_space<hbm>> -> memref<8x128xf32, #tpu.memory_space<hbm>>
      %dma_start3A_461 = arith.constant 48 : i32
      %dma_start3A_462 = arith.constant 0 : i32
      %dma_start3A_463 = tpu.memref_slice %arg10[%dma_start3A_461, %dma_start3A_462] : memref<64x129xf32, #tpu.memory_space<vmem>> -> memref<8x128xf32, #tpu.memory_space<vmem>>
      tpu.enqueue_dma source(%dma_start3A_463 : memref<8x128xf32, #tpu.memory_space<vmem>>) target(%dma_start3A_460 : memref<8x128xf32, #tpu.memory_space<hbm>>) target_semaphore(%arg16 : memref<!tpu.dma_semaphore, #tpu.memory_space<semaphore_mem>>)
      %dma_start3A_464 = arith.constant 7 : i32
      %dma_start3A_465 = arith.constant 56 : i32
      %dma_start3A_466 = arith.constant 0 : i32
      %dma_start3A_467 = tpu.memref_slice %arg10[%dma_start3A_465, %dma_start3A_466] : memref<64x129xf32, #tpu.memory_space<vmem>> -> memref<8x128xf32, #tpu.memory_space<vmem>>
      %dma_start3A_468 = arith.constant 0 : i32
      %dma_start3A_469 = arith.constant 0 : i32
      %dma_start3A_470 = tpu.memref_slice %arg4[%shift_right_logical3A_336, %dma_start3A_464, %and3A_337, %dma_start3A_468, %dma_start3A_469] : memref<50x8x128x8x128xf32, #tpu.memory_space<hbm>> -> memref<1x1x1x8x128xf32, #tpu.memory_space<hbm>>
      %dma_start3A_471 = tpu.memref_squeeze %dma_start3A_470 : memref<1x1x1x8x128xf32, #tpu.memory_space<hbm>> -> memref<8x128xf32, #tpu.memory_space<hbm>>
      %dma_start3A_472 = arith.constant 0 : i32
      %dma_start3A_473 = arith.constant 0 : i32
      %dma_start3A_474 = tpu.memref_slice %arg4[%shift_right_logical3A_336, %dma_start3A_464, %and3A_337, %dma_start3A_472, %dma_start3A_473] : memref<50x8x128x8x128xf32, #tpu.memory_space<hbm>> -> memref<1x1x1x8x128xf32, #tpu.memory_space<hbm>>
      %dma_start3A_475 = tpu.memref_squeeze %dma_start3A_474 : memref<1x1x1x8x128xf32, #tpu.memory_space<hbm>> -> memref<8x128xf32, #tpu.memory_space<hbm>>
      %dma_start3A_476 = arith.constant 56 : i32
      %dma_start3A_477 = arith.constant 0 : i32
      %dma_start3A_478 = tpu.memref_slice %arg10[%dma_start3A_476, %dma_start3A_477] : memref<64x129xf32, #tpu.memory_space<vmem>> -> memref<8x128xf32, #tpu.memory_space<vmem>>
      tpu.enqueue_dma source(%dma_start3A_478 : memref<8x128xf32, #tpu.memory_space<vmem>>) target(%dma_start3A_475 : memref<8x128xf32, #tpu.memory_space<hbm>>) target_semaphore(%arg16 : memref<!tpu.dma_semaphore, #tpu.memory_space<semaphore_mem>>)
      %mul3A_479 = arith.constant 4 : i32
      %mul3A_480 = arith.muli %scan3A_330, %mul3A_479 : i32
      %add3A_481 = arith.constant 1 : i32
      %add3A_482 = arith.addi %mul3A_480, %add3A_481 : i32
      %add3A_483 = arith.addi %mul3A_2, %add3A_482 : i32
      %shift_right_logical3A_484 = arith.constant 7 : i32
      %shift_right_logical3A_485 = arith.shrui %add3A_483, %shift_right_logical3A_484 : i32
      %and3A_486 = arith.constant 127 : i32
      %and3A_487 = arith.andi %add3A_483, %and3A_486 : i32
      %dma_wait3A_488 = arith.constant 0 : i32
      %dma_wait3A_489 = arith.constant 0 : i32
      %dma_wait3A_490 = tpu.memref_slice %arg5[%dma_wait3A_488, %dma_wait3A_489] : memref<200x128xi32, #tpu.memory_space<vmem>> -> memref<1x128xi32, #tpu.memory_space<vmem>>
      %dma_wait3A_491 = tpu.memref_squeeze %dma_wait3A_490 : memref<1x128xi32, #tpu.memory_space<vmem>> -> memref<128xi32, #tpu.memory_space<vmem>>
      %dma_wait3A_492 = arith.constant 0 : i32
      %dma_wait3A_493 = arith.constant 0 : i32
      %dma_wait3A_494 = tpu.memref_slice %arg3[%dma_wait3A_492, %dma_wait3A_493] : memref<2000000x64xf32, #tpu.memory_space<hbm>> -> memref<2000000x64xf32, #tpu.memory_space<hbm>>
      tpu.wait_indirect_dma semaphore(%arg13 : memref<!tpu.dma_semaphore, #tpu.memory_space<semaphore_mem>>) src(%dma_wait3A_494 : memref<2000000x64xf32, #tpu.memory_space<hbm>>) dst(%arg7 : memref<128x64xf32, #tpu.memory_space<vmem>>)
      %ge3A_495 = arith.constant 2 : i32
      %ge3A_496 = arith.cmpi sge, %add3A_482, %ge3A_495 : i32
      %convert_element_type3A_497 = arith.extui %ge3A_496 : i1 to i32
      %cond3A_498 = arith.constant 0 : i32
      %cond3A_499 = arith.cmpi ne, %convert_element_type3A_497, %cond3A_498 : i32
      scf.if %cond3A_499 {
        %dma_wait3A_941 = arith.constant 0 : i32
        %dma_wait3A_942 = arith.constant 0 : i32
        %dma_wait3A_943 = arith.constant 0 : i32
        %dma_wait3A_944 = arith.constant 0 : i32
        %dma_wait3A_945 = arith.constant 0 : i32
        %dma_wait3A_946 = tpu.memref_slice %arg11[%dma_wait3A_944, %dma_wait3A_945] : memref<64x129xf32, #tpu.memory_space<vmem>> -> memref<8x128xf32, #tpu.memory_space<vmem>>
        %dma_wait3A_947 = arith.constant 0 : i32
        %dma_wait3A_948 = arith.constant 0 : i32
        %dma_wait3A_949 = tpu.memref_slice %arg4[%dma_wait3A_941, %dma_wait3A_942, %dma_wait3A_943, %dma_wait3A_947, %dma_wait3A_948] : memref<50x8x128x8x128xf32, #tpu.memory_space<hbm>> -> memref<1x1x1x8x128xf32, #tpu.memory_space<hbm>>
        %dma_wait3A_950 = tpu.memref_squeeze %dma_wait3A_949 : memref<1x1x1x8x128xf32, #tpu.memory_space<hbm>> -> memref<8x128xf32, #tpu.memory_space<hbm>>
        %dma_wait3A_951 = arith.constant 0 : i32
        %dma_wait3A_952 = arith.constant 0 : i32
        %dma_wait3A_953 = tpu.memref_slice %arg4[%dma_wait3A_941, %dma_wait3A_942, %dma_wait3A_943, %dma_wait3A_951, %dma_wait3A_952] : memref<50x8x128x8x128xf32, #tpu.memory_space<hbm>> -> memref<1x1x1x8x128xf32, #tpu.memory_space<hbm>>
        %dma_wait3A_954 = tpu.memref_squeeze %dma_wait3A_953 : memref<1x1x1x8x128xf32, #tpu.memory_space<hbm>> -> memref<8x128xf32, #tpu.memory_space<hbm>>
        %dma_wait3A_955 = arith.constant 0 : i32
        %dma_wait3A_956 = arith.constant 0 : i32
        %dma_wait3A_957 = tpu.memref_slice %arg11[%dma_wait3A_955, %dma_wait3A_956] : memref<64x129xf32, #tpu.memory_space<vmem>> -> memref<8x128xf32, #tpu.memory_space<vmem>>
        tpu.wait_dma2 semaphore(%arg17 : memref<!tpu.dma_semaphore, #tpu.memory_space<semaphore_mem>>) src(%dma_wait3A_957 : memref<8x128xf32, #tpu.memory_space<vmem>>) dst(%dma_wait3A_954 : memref<8x128xf32, #tpu.memory_space<hbm>>)
        %dma_wait3A_958 = arith.constant 0 : i32
        %dma_wait3A_959 = arith.constant 0 : i32
        %dma_wait3A_960 = arith.constant 0 : i32
        %dma_wait3A_961 = arith.constant 0 : i32
        %dma_wait3A_962 = arith.constant 0 : i32
        %dma_wait3A_963 = tpu.memref_slice %arg11[%dma_wait3A_961, %dma_wait3A_962] : memref<64x129xf32, #tpu.memory_space<vmem>> -> memref<8x128xf32, #tpu.memory_space<vmem>>
        %dma_wait3A_964 = arith.constant 0 : i32
        %dma_wait3A_965 = arith.constant 0 : i32
        %dma_wait3A_966 = tpu.memref_slice %arg4[%dma_wait3A_958, %dma_wait3A_959, %dma_wait3A_960, %dma_wait3A_964, %dma_wait3A_965] : memref<50x8x128x8x128xf32, #tpu.memory_space<hbm>> -> memref<1x1x1x8x128xf32, #tpu.memory_space<hbm>>
        %dma_wait3A_967 = tpu.memref_squeeze %dma_wait3A_966 : memref<1x1x1x8x128xf32, #tpu.memory_space<hbm>> -> memref<8x128xf32, #tpu.memory_space<hbm>>
        %dma_wait3A_968 = arith.constant 0 : i32
        %dma_wait3A_969 = arith.constant 0 : i32
        %dma_wait3A_970 = tpu.memref_slice %arg4[%dma_wait3A_958, %dma_wait3A_959, %dma_wait3A_960, %dma_wait3A_968, %dma_wait3A_969] : memref<50x8x128x8x128xf32, #tpu.memory_space<hbm>> -> memref<1x1x1x8x128xf32, #tpu.memory_space<hbm>>
        %dma_wait3A_971 = tpu.memref_squeeze %dma_wait3A_970 : memref<1x1x1x8x128xf32, #tpu.memory_space<hbm>> -> memref<8x128xf32, #tpu.memory_space<hbm>>
        %dma_wait3A_972 = arith.constant 0 : i32
        %dma_wait3A_973 = arith.constant 0 : i32
        %dma_wait3A_974 = tpu.memref_slice %arg11[%dma_wait3A_972, %dma_wait3A_973] : memref<64x129xf32, #tpu.memory_space<vmem>> -> memref<8x128xf32, #tpu.memory_space<vmem>>
        tpu.wait_dma2 semaphore(%arg17 : memref<!tpu.dma_semaphore, #tpu.memory_space<semaphore_mem>>) src(%dma_wait3A_974 : memref<8x128xf32, #tpu.memory_space<vmem>>) dst(%dma_wait3A_971 : memref<8x128xf32, #tpu.memory_space<hbm>>)
        %dma_wait3A_975 = arith.constant 0 : i32
        %dma_wait3A_976 = arith.constant 0 : i32
        %dma_wait3A_977 = arith.constant 0 : i32
        %dma_wait3A_978 = arith.constant 0 : i32
        %dma_wait3A_979 = arith.constant 0 : i32
        %dma_wait3A_980 = tpu.memref_slice %arg11[%dma_wait3A_978, %dma_wait3A_979] : memref<64x129xf32, #tpu.memory_space<vmem>> -> memref<8x128xf32, #tpu.memory_space<vmem>>
        %dma_wait3A_981 = arith.constant 0 : i32
        %dma_wait3A_982 = arith.constant 0 : i32
        %dma_wait3A_983 = tpu.memref_slice %arg4[%dma_wait3A_975, %dma_wait3A_976, %dma_wait3A_977, %dma_wait3A_981, %dma_wait3A_982] : memref<50x8x128x8x128xf32, #tpu.memory_space<hbm>> -> memref<1x1x1x8x128xf32, #tpu.memory_space<hbm>>
        %dma_wait3A_984 = tpu.memref_squeeze %dma_wait3A_983 : memref<1x1x1x8x128xf32, #tpu.memory_space<hbm>> -> memref<8x128xf32, #tpu.memory_space<hbm>>
        %dma_wait3A_985 = arith.constant 0 : i32
        %dma_wait3A_986 = arith.constant 0 : i32
        %dma_wait3A_987 = tpu.memref_slice %arg4[%dma_wait3A_975, %dma_wait3A_976, %dma_wait3A_977, %dma_wait3A_985, %dma_wait3A_986] : memref<50x8x128x8x128xf32, #tpu.memory_space<hbm>> -> memref<1x1x1x8x128xf32, #tpu.memory_space<hbm>>
        %dma_wait3A_988 = tpu.memref_squeeze %dma_wait3A_987 : memref<1x1x1x8x128xf32, #tpu.memory_space<hbm>> -> memref<8x128xf32, #tpu.memory_space<hbm>>
        %dma_wait3A_989 = arith.constant 0 : i32
        %dma_wait3A_990 = arith.constant 0 : i32
        %dma_wait3A_991 = tpu.memref_slice %arg11[%dma_wait3A_989, %dma_wait3A_990] : memref<64x129xf32, #tpu.memory_space<vmem>> -> memref<8x128xf32, #tpu.memory_space<vmem>>
        tpu.wait_dma2 semaphore(%arg17 : memref<!tpu.dma_semaphore, #tpu.memory_space<semaphore_mem>>) src(%dma_wait3A_991 : memref<8x128xf32, #tpu.memory_space<vmem>>) dst(%dma_wait3A_988 : memref<8x128xf32, #tpu.memory_space<hbm>>)
        %dma_wait3A_992 = arith.constant 0 : i32
        %dma_wait3A_993 = arith.constant 0 : i32
        %dma_wait3A_994 = arith.constant 0 : i32
        %dma_wait3A_995 = arith.constant 0 : i32
        %dma_wait3A_996 = arith.constant 0 : i32
        %dma_wait3A_997 = tpu.memref_slice %arg11[%dma_wait3A_995, %dma_wait3A_996] : memref<64x129xf32, #tpu.memory_space<vmem>> -> memref<8x128xf32, #tpu.memory_space<vmem>>
        %dma_wait3A_998 = arith.constant 0 : i32
        %dma_wait3A_999 = arith.constant 0 : i32
        %dma_wait3A_1000 = tpu.memref_slice %arg4[%dma_wait3A_992, %dma_wait3A_993, %dma_wait3A_994, %dma_wait3A_998, %dma_wait3A_999] : memref<50x8x128x8x128xf32, #tpu.memory_space<hbm>> -> memref<1x1x1x8x128xf32, #tpu.memory_space<hbm>>
        %dma_wait3A_1001 = tpu.memref_squeeze %dma_wait3A_1000 : memref<1x1x1x8x128xf32, #tpu.memory_space<hbm>> -> memref<8x128xf32, #tpu.memory_space<hbm>>
        %dma_wait3A_1002 = arith.constant 0 : i32
        %dma_wait3A_1003 = arith.constant 0 : i32
        %dma_wait3A_1004 = tpu.memref_slice %arg4[%dma_wait3A_992, %dma_wait3A_993, %dma_wait3A_994, %dma_wait3A_1002, %dma_wait3A_1003] : memref<50x8x128x8x128xf32, #tpu.memory_space<hbm>> -> memref<1x1x1x8x128xf32, #tpu.memory_space<hbm>>
        %dma_wait3A_1005 = tpu.memref_squeeze %dma_wait3A_1004 : memref<1x1x1x8x128xf32, #tpu.memory_space<hbm>> -> memref<8x128xf32, #tpu.memory_space<hbm>>
        %dma_wait3A_1006 = arith.constant 0 : i32
        %dma_wait3A_1007 = arith.constant 0 : i32
        %dma_wait3A_1008 = tpu.memref_slice %arg11[%dma_wait3A_1006, %dma_wait3A_1007] : memref<64x129xf32, #tpu.memory_space<vmem>> -> memref<8x128xf32, #tpu.memory_space<vmem>>
        tpu.wait_dma2 semaphore(%arg17 : memref<!tpu.dma_semaphore, #tpu.memory_space<semaphore_mem>>) src(%dma_wait3A_1008 : memref<8x128xf32, #tpu.memory_space<vmem>>) dst(%dma_wait3A_1005 : memref<8x128xf32, #tpu.memory_space<hbm>>)
        %dma_wait3A_1009 = arith.constant 0 : i32
        %dma_wait3A_1010 = arith.constant 0 : i32
        %dma_wait3A_1011 = arith.constant 0 : i32
        %dma_wait3A_1012 = arith.constant 0 : i32
        %dma_wait3A_1013 = arith.constant 0 : i32
        %dma_wait3A_1014 = tpu.memref_slice %arg11[%dma_wait3A_1012, %dma_wait3A_1013] : memref<64x129xf32, #tpu.memory_space<vmem>> -> memref<8x128xf32, #tpu.memory_space<vmem>>
        %dma_wait3A_1015 = arith.constant 0 : i32
        %dma_wait3A_1016 = arith.constant 0 : i32
        %dma_wait3A_1017 = tpu.memref_slice %arg4[%dma_wait3A_1009, %dma_wait3A_1010, %dma_wait3A_1011, %dma_wait3A_1015, %dma_wait3A_1016] : memref<50x8x128x8x128xf32, #tpu.memory_space<hbm>> -> memref<1x1x1x8x128xf32, #tpu.memory_space<hbm>>
        %dma_wait3A_1018 = tpu.memref_squeeze %dma_wait3A_1017 : memref<1x1x1x8x128xf32, #tpu.memory_space<hbm>> -> memref<8x128xf32, #tpu.memory_space<hbm>>
        %dma_wait3A_1019 = arith.constant 0 : i32
        %dma_wait3A_1020 = arith.constant 0 : i32
        %dma_wait3A_1021 = tpu.memref_slice %arg4[%dma_wait3A_1009, %dma_wait3A_1010, %dma_wait3A_1011, %dma_wait3A_1019, %dma_wait3A_1020] : memref<50x8x128x8x128xf32, #tpu.memory_space<hbm>> -> memref<1x1x1x8x128xf32, #tpu.memory_space<hbm>>
        %dma_wait3A_1022 = tpu.memref_squeeze %dma_wait3A_1021 : memref<1x1x1x8x128xf32, #tpu.memory_space<hbm>> -> memref<8x128xf32, #tpu.memory_space<hbm>>
        %dma_wait3A_1023 = arith.constant 0 : i32
        %dma_wait3A_1024 = arith.constant 0 : i32
        %dma_wait3A_1025 = tpu.memref_slice %arg11[%dma_wait3A_1023, %dma_wait3A_1024] : memref<64x129xf32, #tpu.memory_space<vmem>> -> memref<8x128xf32, #tpu.memory_space<vmem>>
        tpu.wait_dma2 semaphore(%arg17 : memref<!tpu.dma_semaphore, #tpu.memory_space<semaphore_mem>>) src(%dma_wait3A_1025 : memref<8x128xf32, #tpu.memory_space<vmem>>) dst(%dma_wait3A_1022 : memref<8x128xf32, #tpu.memory_space<hbm>>)
        %dma_wait3A_1026 = arith.constant 0 : i32
        %dma_wait3A_1027 = arith.constant 0 : i32
        %dma_wait3A_1028 = arith.constant 0 : i32
        %dma_wait3A_1029 = arith.constant 0 : i32
        %dma_wait3A_1030 = arith.constant 0 : i32
        %dma_wait3A_1031 = tpu.memref_slice %arg11[%dma_wait3A_1029, %dma_wait3A_1030] : memref<64x129xf32, #tpu.memory_space<vmem>> -> memref<8x128xf32, #tpu.memory_space<vmem>>
        %dma_wait3A_1032 = arith.constant 0 : i32
        %dma_wait3A_1033 = arith.constant 0 : i32
        %dma_wait3A_1034 = tpu.memref_slice %arg4[%dma_wait3A_1026, %dma_wait3A_1027, %dma_wait3A_1028, %dma_wait3A_1032, %dma_wait3A_1033] : memref<50x8x128x8x128xf32, #tpu.memory_space<hbm>> -> memref<1x1x1x8x128xf32, #tpu.memory_space<hbm>>
        %dma_wait3A_1035 = tpu.memref_squeeze %dma_wait3A_1034 : memref<1x1x1x8x128xf32, #tpu.memory_space<hbm>> -> memref<8x128xf32, #tpu.memory_space<hbm>>
        %dma_wait3A_1036 = arith.constant 0 : i32
        %dma_wait3A_1037 = arith.constant 0 : i32
        %dma_wait3A_1038 = tpu.memref_slice %arg4[%dma_wait3A_1026, %dma_wait3A_1027, %dma_wait3A_1028, %dma_wait3A_1036, %dma_wait3A_1037] : memref<50x8x128x8x128xf32, #tpu.memory_space<hbm>> -> memref<1x1x1x8x128xf32, #tpu.memory_space<hbm>>
        %dma_wait3A_1039 = tpu.memref_squeeze %dma_wait3A_1038 : memref<1x1x1x8x128xf32, #tpu.memory_space<hbm>> -> memref<8x128xf32, #tpu.memory_space<hbm>>
        %dma_wait3A_1040 = arith.constant 0 : i32
        %dma_wait3A_1041 = arith.constant 0 : i32
        %dma_wait3A_1042 = tpu.memref_slice %arg11[%dma_wait3A_1040, %dma_wait3A_1041] : memref<64x129xf32, #tpu.memory_space<vmem>> -> memref<8x128xf32, #tpu.memory_space<vmem>>
        tpu.wait_dma2 semaphore(%arg17 : memref<!tpu.dma_semaphore, #tpu.memory_space<semaphore_mem>>) src(%dma_wait3A_1042 : memref<8x128xf32, #tpu.memory_space<vmem>>) dst(%dma_wait3A_1039 : memref<8x128xf32, #tpu.memory_space<hbm>>)
        %dma_wait3A_1043 = arith.constant 0 : i32
        %dma_wait3A_1044 = arith.constant 0 : i32
        %dma_wait3A_1045 = arith.constant 0 : i32
        %dma_wait3A_1046 = arith.constant 0 : i32
        %dma_wait3A_1047 = arith.constant 0 : i32
        %dma_wait3A_1048 = tpu.memref_slice %arg11[%dma_wait3A_1046, %dma_wait3A_1047] : memref<64x129xf32, #tpu.memory_space<vmem>> -> memref<8x128xf32, #tpu.memory_space<vmem>>
        %dma_wait3A_1049 = arith.constant 0 : i32
        %dma_wait3A_1050 = arith.constant 0 : i32
        %dma_wait3A_1051 = tpu.memref_slice %arg4[%dma_wait3A_1043, %dma_wait3A_1044, %dma_wait3A_1045, %dma_wait3A_1049, %dma_wait3A_1050] : memref<50x8x128x8x128xf32, #tpu.memory_space<hbm>> -> memref<1x1x1x8x128xf32, #tpu.memory_space<hbm>>
        %dma_wait3A_1052 = tpu.memref_squeeze %dma_wait3A_1051 : memref<1x1x1x8x128xf32, #tpu.memory_space<hbm>> -> memref<8x128xf32, #tpu.memory_space<hbm>>
        %dma_wait3A_1053 = arith.constant 0 : i32
        %dma_wait3A_1054 = arith.constant 0 : i32
        %dma_wait3A_1055 = tpu.memref_slice %arg4[%dma_wait3A_1043, %dma_wait3A_1044, %dma_wait3A_1045, %dma_wait3A_1053, %dma_wait3A_1054] : memref<50x8x128x8x128xf32, #tpu.memory_space<hbm>> -> memref<1x1x1x8x128xf32, #tpu.memory_space<hbm>>
        %dma_wait3A_1056 = tpu.memref_squeeze %dma_wait3A_1055 : memref<1x1x1x8x128xf32, #tpu.memory_space<hbm>> -> memref<8x128xf32, #tpu.memory_space<hbm>>
        %dma_wait3A_1057 = arith.constant 0 : i32
        %dma_wait3A_1058 = arith.constant 0 : i32
        %dma_wait3A_1059 = tpu.memref_slice %arg11[%dma_wait3A_1057, %dma_wait3A_1058] : memref<64x129xf32, #tpu.memory_space<vmem>> -> memref<8x128xf32, #tpu.memory_space<vmem>>
        tpu.wait_dma2 semaphore(%arg17 : memref<!tpu.dma_semaphore, #tpu.memory_space<semaphore_mem>>) src(%dma_wait3A_1059 : memref<8x128xf32, #tpu.memory_space<vmem>>) dst(%dma_wait3A_1056 : memref<8x128xf32, #tpu.memory_space<hbm>>)
        %dma_wait3A_1060 = arith.constant 0 : i32
        %dma_wait3A_1061 = arith.constant 0 : i32
        %dma_wait3A_1062 = arith.constant 0 : i32
        %dma_wait3A_1063 = arith.constant 0 : i32
        %dma_wait3A_1064 = arith.constant 0 : i32
        %dma_wait3A_1065 = tpu.memref_slice %arg11[%dma_wait3A_1063, %dma_wait3A_1064] : memref<64x129xf32, #tpu.memory_space<vmem>> -> memref<8x128xf32, #tpu.memory_space<vmem>>
        %dma_wait3A_1066 = arith.constant 0 : i32
        %dma_wait3A_1067 = arith.constant 0 : i32
        %dma_wait3A_1068 = tpu.memref_slice %arg4[%dma_wait3A_1060, %dma_wait3A_1061, %dma_wait3A_1062, %dma_wait3A_1066, %dma_wait3A_1067] : memref<50x8x128x8x128xf32, #tpu.memory_space<hbm>> -> memref<1x1x1x8x128xf32, #tpu.memory_space<hbm>>
        %dma_wait3A_1069 = tpu.memref_squeeze %dma_wait3A_1068 : memref<1x1x1x8x128xf32, #tpu.memory_space<hbm>> -> memref<8x128xf32, #tpu.memory_space<hbm>>
        %dma_wait3A_1070 = arith.constant 0 : i32
        %dma_wait3A_1071 = arith.constant 0 : i32
        %dma_wait3A_1072 = tpu.memref_slice %arg4[%dma_wait3A_1060, %dma_wait3A_1061, %dma_wait3A_1062, %dma_wait3A_1070, %dma_wait3A_1071] : memref<50x8x128x8x128xf32, #tpu.memory_space<hbm>> -> memref<1x1x1x8x128xf32, #tpu.memory_space<hbm>>
        %dma_wait3A_1073 = tpu.memref_squeeze %dma_wait3A_1072 : memref<1x1x1x8x128xf32, #tpu.memory_space<hbm>> -> memref<8x128xf32, #tpu.memory_space<hbm>>
        %dma_wait3A_1074 = arith.constant 0 : i32
        %dma_wait3A_1075 = arith.constant 0 : i32
        %dma_wait3A_1076 = tpu.memref_slice %arg11[%dma_wait3A_1074, %dma_wait3A_1075] : memref<64x129xf32, #tpu.memory_space<vmem>> -> memref<8x128xf32, #tpu.memory_space<vmem>>
        tpu.wait_dma2 semaphore(%arg17 : memref<!tpu.dma_semaphore, #tpu.memory_space<semaphore_mem>>) src(%dma_wait3A_1076 : memref<8x128xf32, #tpu.memory_space<vmem>>) dst(%dma_wait3A_1073 : memref<8x128xf32, #tpu.memory_space<hbm>>)
      } else {
      }
      %scan3A_500 = arith.constant 0 : i32
      %scan3A_501 = arith.constant 0 : i32
      %scan3A_502 = arith.constant 32 : i32
      %scan3A_503 = arith.addi %scan3A_501, %scan3A_502 : i32
      %scan3A_504 = arith.constant 1 : i32
      scf.for %scan3A_941 = %scan3A_501 to %scan3A_503 step %scan3A_504  : i32 {
        %mul3A_942 = arith.constant 4 : i32
        %mul3A_943 = arith.muli %scan3A_941, %mul3A_942 : i32
        %broadcast_in_dim3A = arith.constant 0 : i32
        %broadcast_in_dim3A_944 = vector.broadcast %broadcast_in_dim3A : i32 to vector<16xi32>
        %add3A_945 = arith.constant 0 : i32
        %add3A_946 = arith.addi %mul3A_943, %add3A_945 : i32
        %add3A_947 = vector.broadcast %add3A_946 : i32 to vector<16xi32>
        %add3A_948 = arith.addi %broadcast_in_dim3A_944, %add3A_947 : vector<16xi32>
        %add3A_949 = arith.constant 0 : i32
        %add3A_950 = arith.addi %mul3A_943, %add3A_949 : i32
        %get3A = arith.index_cast %add3A_950 : i32 to index
        %get3A_951 = arith.constant 0 : index
        %get3A_952 = tpu.vector_load %arg7[%get3A, %get3A_951] {strides = array<i32>} : memref<128x64xf32, #tpu.memory_space<vmem>>, vector<16xf32>,
        tpu.vector_store_idx %arg11[%add3A_5, %add3A_948], %get3A_952 : memref<64x129xf32, #tpu.memory_space<vmem>>[vector<16xi32>, vector<16xi32>], vector<16xf32>,
        %add3A_953 = arith.constant 0 : i32
        %add3A_954 = arith.addi %mul3A_943, %add3A_953 : i32
        %get3A_955 = arith.index_cast %add3A_954 : i32 to index
        %get3A_956 = arith.constant 16 : index
        %get3A_957 = tpu.vector_load %arg7[%get3A_955, %get3A_956] {strides = array<i32>} : memref<128x64xf32, #tpu.memory_space<vmem>>, vector<16xf32>,
        tpu.vector_store_idx %arg11[%add3A_8, %add3A_948], %get3A_957 : memref<64x129xf32, #tpu.memory_space<vmem>>[vector<16xi32>, vector<16xi32>], vector<16xf32>,
        %add3A_958 = arith.constant 0 : i32
        %add3A_959 = arith.addi %mul3A_943, %add3A_958 : i32
        %get3A_960 = arith.index_cast %add3A_959 : i32 to index
        %get3A_961 = arith.constant 32 : index
        %get3A_962 = tpu.vector_load %arg7[%get3A_960, %get3A_961] {strides = array<i32>} : memref<128x64xf32, #tpu.memory_space<vmem>>, vector<16xf32>,
        tpu.vector_store_idx %arg11[%add3A_11, %add3A_948], %get3A_962 : memref<64x129xf32, #tpu.memory_space<vmem>>[vector<16xi32>, vector<16xi32>], vector<16xf32>,
        %add3A_963 = arith.constant 0 : i32
        %add3A_964 = arith.addi %mul3A_943, %add3A_963 : i32
        %get3A_965 = arith.index_cast %add3A_964 : i32 to index
        %get3A_966 = arith.constant 48 : index
        %get3A_967 = tpu.vector_load %arg7[%get3A_965, %get3A_966] {strides = array<i32>} : memref<128x64xf32, #tpu.memory_space<vmem>>, vector<16xf32>,
        tpu.vector_store_idx %arg11[%add3A_14, %add3A_948], %get3A_967 : memref<64x129xf32, #tpu.memory_space<vmem>>[vector<16xi32>, vector<16xi32>], vector<16xf32>,
        %broadcast_in_dim3A_968 = arith.constant 0 : i32
        %broadcast_in_dim3A_969 = vector.broadcast %broadcast_in_dim3A_968 : i32 to vector<16xi32>
        %add3A_970 = arith.constant 1 : i32
        %add3A_971 = arith.addi %mul3A_943, %add3A_970 : i32
        %add3A_972 = vector.broadcast %add3A_971 : i32 to vector<16xi32>
        %add3A_973 = arith.addi %broadcast_in_dim3A_969, %add3A_972 : vector<16xi32>
        %add3A_974 = arith.constant 1 : i32
        %add3A_975 = arith.addi %mul3A_943, %add3A_974 : i32
        %get3A_976 = arith.index_cast %add3A_975 : i32 to index
        %get3A_977 = arith.constant 0 : index
        %get3A_978 = tpu.vector_load %arg7[%get3A_976, %get3A_977] {strides = array<i32>} : memref<128x64xf32, #tpu.memory_space<vmem>>, vector<16xf32>,
        tpu.vector_store_idx %arg11[%add3A_5, %add3A_973], %get3A_978 : memref<64x129xf32, #tpu.memory_space<vmem>>[vector<16xi32>, vector<16xi32>], vector<16xf32>,
        %add3A_979 = arith.constant 1 : i32
        %add3A_980 = arith.addi %mul3A_943, %add3A_979 : i32
        %get3A_981 = arith.index_cast %add3A_980 : i32 to index
        %get3A_982 = arith.constant 16 : index
        %get3A_983 = tpu.vector_load %arg7[%get3A_981, %get3A_982] {strides = array<i32>} : memref<128x64xf32, #tpu.memory_space<vmem>>, vector<16xf32>,
        tpu.vector_store_idx %arg11[%add3A_8, %add3A_973], %get3A_983 : memref<64x129xf32, #tpu.memory_space<vmem>>[vector<16xi32>, vector<16xi32>], vector<16xf32>,
        %add3A_984 = arith.constant 1 : i32
        %add3A_985 = arith.addi %mul3A_943, %add3A_984 : i32
        %get3A_986 = arith.index_cast %add3A_985 : i32 to index
        %get3A_987 = arith.constant 32 : index
        %get3A_988 = tpu.vector_load %arg7[%get3A_986, %get3A_987] {strides = array<i32>} : memref<128x64xf32, #tpu.memory_space<vmem>>, vector<16xf32>,
        tpu.vector_store_idx %arg11[%add3A_11, %add3A_973], %get3A_988 : memref<64x129xf32, #tpu.memory_space<vmem>>[vector<16xi32>, vector<16xi32>], vector<16xf32>,
        %add3A_989 = arith.constant 1 : i32
        %add3A_990 = arith.addi %mul3A_943, %add3A_989 : i32
        %get3A_991 = arith.index_cast %add3A_990 : i32 to index
        %get3A_992 = arith.constant 48 : index
        %get3A_993 = tpu.vector_load %arg7[%get3A_991, %get3A_992] {strides = array<i32>} : memref<128x64xf32, #tpu.memory_space<vmem>>, vector<16xf32>,
        tpu.vector_store_idx %arg11[%add3A_14, %add3A_973], %get3A_993 : memref<64x129xf32, #tpu.memory_space<vmem>>[vector<16xi32>, vector<16xi32>], vector<16xf32>,
        %broadcast_in_dim3A_994 = arith.constant 0 : i32
        %broadcast_in_dim3A_995 = vector.broadcast %broadcast_in_dim3A_994 : i32 to vector<16xi32>
        %add3A_996 = arith.constant 2 : i32
        %add3A_997 = arith.addi %mul3A_943, %add3A_996 : i32
        %add3A_998 = vector.broadcast %add3A_997 : i32 to vector<16xi32>
        %add3A_999 = arith.addi %broadcast_in_dim3A_995, %add3A_998 : vector<16xi32>
        %add3A_1000 = arith.constant 2 : i32
        %add3A_1001 = arith.addi %mul3A_943, %add3A_1000 : i32
        %get3A_1002 = arith.index_cast %add3A_1001 : i32 to index
        %get3A_1003 = arith.constant 0 : index
        %get3A_1004 = tpu.vector_load %arg7[%get3A_1002, %get3A_1003] {strides = array<i32>} : memref<128x64xf32, #tpu.memory_space<vmem>>, vector<16xf32>,
        tpu.vector_store_idx %arg11[%add3A_5, %add3A_999], %get3A_1004 : memref<64x129xf32, #tpu.memory_space<vmem>>[vector<16xi32>, vector<16xi32>], vector<16xf32>,
        %add3A_1005 = arith.constant 2 : i32
        %add3A_1006 = arith.addi %mul3A_943, %add3A_1005 : i32
        %get3A_1007 = arith.index_cast %add3A_1006 : i32 to index
        %get3A_1008 = arith.constant 16 : index
        %get3A_1009 = tpu.vector_load %arg7[%get3A_1007, %get3A_1008] {strides = array<i32>} : memref<128x64xf32, #tpu.memory_space<vmem>>, vector<16xf32>,
        tpu.vector_store_idx %arg11[%add3A_8, %add3A_999], %get3A_1009 : memref<64x129xf32, #tpu.memory_space<vmem>>[vector<16xi32>, vector<16xi32>], vector<16xf32>,
        %add3A_1010 = arith.constant 2 : i32
        %add3A_1011 = arith.addi %mul3A_943, %add3A_1010 : i32
        %get3A_1012 = arith.index_cast %add3A_1011 : i32 to index
        %get3A_1013 = arith.constant 32 : index
        %get3A_1014 = tpu.vector_load %arg7[%get3A_1012, %get3A_1013] {strides = array<i32>} : memref<128x64xf32, #tpu.memory_space<vmem>>, vector<16xf32>,
        tpu.vector_store_idx %arg11[%add3A_11, %add3A_999], %get3A_1014 : memref<64x129xf32, #tpu.memory_space<vmem>>[vector<16xi32>, vector<16xi32>], vector<16xf32>,
        %add3A_1015 = arith.constant 2 : i32
        %add3A_1016 = arith.addi %mul3A_943, %add3A_1015 : i32
        %get3A_1017 = arith.index_cast %add3A_1016 : i32 to index
        %get3A_1018 = arith.constant 48 : index
        %get3A_1019 = tpu.vector_load %arg7[%get3A_1017, %get3A_1018] {strides = array<i32>} : memref<128x64xf32, #tpu.memory_space<vmem>>, vector<16xf32>,
        tpu.vector_store_idx %arg11[%add3A_14, %add3A_999], %get3A_1019 : memref<64x129xf32, #tpu.memory_space<vmem>>[vector<16xi32>, vector<16xi32>], vector<16xf32>,
        %broadcast_in_dim3A_1020 = arith.constant 0 : i32
        %broadcast_in_dim3A_1021 = vector.broadcast %broadcast_in_dim3A_1020 : i32 to vector<16xi32>
        %add3A_1022 = arith.constant 3 : i32
        %add3A_1023 = arith.addi %mul3A_943, %add3A_1022 : i32
        %add3A_1024 = vector.broadcast %add3A_1023 : i32 to vector<16xi32>
        %add3A_1025 = arith.addi %broadcast_in_dim3A_1021, %add3A_1024 : vector<16xi32>
        %add3A_1026 = arith.constant 3 : i32
        %add3A_1027 = arith.addi %mul3A_943, %add3A_1026 : i32
        %get3A_1028 = arith.index_cast %add3A_1027 : i32 to index
        %get3A_1029 = arith.constant 0 : index
        %get3A_1030 = tpu.vector_load %arg7[%get3A_1028, %get3A_1029] {strides = array<i32>} : memref<128x64xf32, #tpu.memory_space<vmem>>, vector<16xf32>,
        tpu.vector_store_idx %arg11[%add3A_5, %add3A_1025], %get3A_1030 : memref<64x129xf32, #tpu.memory_space<vmem>>[vector<16xi32>, vector<16xi32>], vector<16xf32>,
        %add3A_1031 = arith.constant 3 : i32
        %add3A_1032 = arith.addi %mul3A_943, %add3A_1031 : i32
        %get3A_1033 = arith.index_cast %add3A_1032 : i32 to index
        %get3A_1034 = arith.constant 16 : index
        %get3A_1035 = tpu.vector_load %arg7[%get3A_1033, %get3A_1034] {strides = array<i32>} : memref<128x64xf32, #tpu.memory_space<vmem>>, vector<16xf32>,
        tpu.vector_store_idx %arg11[%add3A_8, %add3A_1025], %get3A_1035 : memref<64x129xf32, #tpu.memory_space<vmem>>[vector<16xi32>, vector<16xi32>], vector<16xf32>,
        %add3A_1036 = arith.constant 3 : i32
        %add3A_1037 = arith.addi %mul3A_943, %add3A_1036 : i32
        %get3A_1038 = arith.index_cast %add3A_1037 : i32 to index
        %get3A_1039 = arith.constant 32 : index
        %get3A_1040 = tpu.vector_load %arg7[%get3A_1038, %get3A_1039] {strides = array<i32>} : memref<128x64xf32, #tpu.memory_space<vmem>>, vector<16xf32>,
        tpu.vector_store_idx %arg11[%add3A_11, %add3A_1025], %get3A_1040 : memref<64x129xf32, #tpu.memory_space<vmem>>[vector<16xi32>, vector<16xi32>], vector<16xf32>,
        %add3A_1041 = arith.constant 3 : i32
        %add3A_1042 = arith.addi %mul3A_943, %add3A_1041 : i32
        %get3A_1043 = arith.index_cast %add3A_1042 : i32 to index
        %get3A_1044 = arith.constant 48 : index
        %get3A_1045 = tpu.vector_load %arg7[%get3A_1043, %get3A_1044] {strides = array<i32>} : memref<128x64xf32, #tpu.memory_space<vmem>>, vector<16xf32>,
        tpu.vector_store_idx %arg11[%add3A_14, %add3A_1025], %get3A_1045 : memref<64x129xf32, #tpu.memory_space<vmem>>[vector<16xi32>, vector<16xi32>], vector<16xf32>,
      }
      %scan3A_505 = arith.constant 32 : i32
      %add3A_506 = arith.constant 4 : i32
      %add3A_507 = arith.addi %add3A_482, %add3A_506 : i32
      %lt3A_508 = arith.constant 200 : i32
      %lt3A_509 = arith.cmpi slt, %add3A_507, %lt3A_508 : i32
      %convert_element_type3A_510 = arith.extui %lt3A_509 : i1 to i32
      %cond3A_511 = arith.constant 0 : i32
      %cond3A_512 = arith.cmpi ne, %convert_element_type3A_510, %cond3A_511 : i32
      scf.if %cond3A_512 {
        %add3A_941 = arith.constant 4 : i32
        %add3A_942 = arith.addi %add3A_482, %add3A_941 : i32
        %dma_start3A_943 = arith.constant 0 : i32
        %dma_start3A_944 = tpu.memref_slice %arg5[%add3A_942, %dma_start3A_943] : memref<200x128xi32, #tpu.memory_space<vmem>> -> memref<1x128xi32, #tpu.memory_space<vmem>>
        %dma_start3A_945 = tpu.memref_squeeze %dma_start3A_944 : memref<1x128xi32, #tpu.memory_space<vmem>> -> memref<128xi32, #tpu.memory_space<vmem>>
        %dma_start3A_946 = arith.constant 0 : i32
        %dma_start3A_947 = arith.constant 0 : i32
        %dma_start3A_948 = tpu.memref_slice %arg3[%dma_start3A_946, %dma_start3A_947] : memref<2000000x64xf32, #tpu.memory_space<hbm>> -> memref<2000000x64xf32, #tpu.memory_space<hbm>>
        tpu.enqueue_indirect_dma source(%dma_start3A_948 : memref<2000000x64xf32, #tpu.memory_space<hbm>>) target(%arg7 : memref<128x64xf32, #tpu.memory_space<vmem>>) offsets(%dma_start3A_945 : memref<128xi32, #tpu.memory_space<vmem>>) semaphore(%arg13 : memref<!tpu.dma_semaphore, #tpu.memory_space<semaphore_mem>>)
      } else {
      }
      %dma_start3A_513 = arith.constant 0 : i32
      %dma_start3A_514 = arith.constant 0 : i32
      %dma_start3A_515 = arith.constant 0 : i32
      %dma_start3A_516 = tpu.memref_slice %arg11[%dma_start3A_514, %dma_start3A_515] : memref<64x129xf32, #tpu.memory_space<vmem>> -> memref<8x128xf32, #tpu.memory_space<vmem>>
      %dma_start3A_517 = arith.constant 0 : i32
      %dma_start3A_518 = arith.constant 0 : i32
      %dma_start3A_519 = tpu.memref_slice %arg4[%shift_right_logical3A_485, %dma_start3A_513, %and3A_487, %dma_start3A_517, %dma_start3A_518] : memref<50x8x128x8x128xf32, #tpu.memory_space<hbm>> -> memref<1x1x1x8x128xf32, #tpu.memory_space<hbm>>
      %dma_start3A_520 = tpu.memref_squeeze %dma_start3A_519 : memref<1x1x1x8x128xf32, #tpu.memory_space<hbm>> -> memref<8x128xf32, #tpu.memory_space<hbm>>
      %dma_start3A_521 = arith.constant 0 : i32
      %dma_start3A_522 = arith.constant 0 : i32
      %dma_start3A_523 = tpu.memref_slice %arg4[%shift_right_logical3A_485, %dma_start3A_513, %and3A_487, %dma_start3A_521, %dma_start3A_522] : memref<50x8x128x8x128xf32, #tpu.memory_space<hbm>> -> memref<1x1x1x8x128xf32, #tpu.memory_space<hbm>>
      %dma_start3A_524 = tpu.memref_squeeze %dma_start3A_523 : memref<1x1x1x8x128xf32, #tpu.memory_space<hbm>> -> memref<8x128xf32, #tpu.memory_space<hbm>>
      %dma_start3A_525 = arith.constant 0 : i32
      %dma_start3A_526 = arith.constant 0 : i32
      %dma_start3A_527 = tpu.memref_slice %arg11[%dma_start3A_525, %dma_start3A_526] : memref<64x129xf32, #tpu.memory_space<vmem>> -> memref<8x128xf32, #tpu.memory_space<vmem>>
      tpu.enqueue_dma source(%dma_start3A_527 : memref<8x128xf32, #tpu.memory_space<vmem>>) target(%dma_start3A_524 : memref<8x128xf32, #tpu.memory_space<hbm>>) target_semaphore(%arg17 : memref<!tpu.dma_semaphore, #tpu.memory_space<semaphore_mem>>)
      %dma_start3A_528 = arith.constant 1 : i32
      %dma_start3A_529 = arith.constant 8 : i32
      %dma_start3A_530 = arith.constant 0 : i32
      %dma_start3A_531 = tpu.memref_slice %arg11[%dma_start3A_529, %dma_start3A_530] : memref<64x129xf32, #tpu.memory_space<vmem>> -> memref<8x128xf32, #tpu.memory_space<vmem>>
      %dma_start3A_532 = arith.constant 0 : i32
      %dma_start3A_533 = arith.constant 0 : i32
      %dma_start3A_534 = tpu.memref_slice %arg4[%shift_right_logical3A_485, %dma_start3A_528, %and3A_487, %dma_start3A_532, %dma_start3A_533] : memref<50x8x128x8x128xf32, #tpu.memory_space<hbm>> -> memref<1x1x1x8x128xf32, #tpu.memory_space<hbm>>
      %dma_start3A_535 = tpu.memref_squeeze %dma_start3A_534 : memref<1x1x1x8x128xf32, #tpu.memory_space<hbm>> -> memref<8x128xf32, #tpu.memory_space<hbm>>
      %dma_start3A_536 = arith.constant 0 : i32
      %dma_start3A_537 = arith.constant 0 : i32
      %dma_start3A_538 = tpu.memref_slice %arg4[%shift_right_logical3A_485, %dma_start3A_528, %and3A_487, %dma_start3A_536, %dma_start3A_537] : memref<50x8x128x8x128xf32, #tpu.memory_space<hbm>> -> memref<1x1x1x8x128xf32, #tpu.memory_space<hbm>>
      %dma_start3A_539 = tpu.memref_squeeze %dma_start3A_538 : memref<1x1x1x8x128xf32, #tpu.memory_space<hbm>> -> memref<8x128xf32, #tpu.memory_space<hbm>>
      %dma_start3A_540 = arith.constant 8 : i32
      %dma_start3A_541 = arith.constant 0 : i32
      %dma_start3A_542 = tpu.memref_slice %arg11[%dma_start3A_540, %dma_start3A_541] : memref<64x129xf32, #tpu.memory_space<vmem>> -> memref<8x128xf32, #tpu.memory_space<vmem>>
      tpu.enqueue_dma source(%dma_start3A_542 : memref<8x128xf32, #tpu.memory_space<vmem>>) target(%dma_start3A_539 : memref<8x128xf32, #tpu.memory_space<hbm>>) target_semaphore(%arg17 : memref<!tpu.dma_semaphore, #tpu.memory_space<semaphore_mem>>)
      %dma_start3A_543 = arith.constant 2 : i32
      %dma_start3A_544 = arith.constant 16 : i32
      %dma_start3A_545 = arith.constant 0 : i32
      %dma_start3A_546 = tpu.memref_slice %arg11[%dma_start3A_544, %dma_start3A_545] : memref<64x129xf32, #tpu.memory_space<vmem>> -> memref<8x128xf32, #tpu.memory_space<vmem>>
      %dma_start3A_547 = arith.constant 0 : i32
      %dma_start3A_548 = arith.constant 0 : i32
      %dma_start3A_549 = tpu.memref_slice %arg4[%shift_right_logical3A_485, %dma_start3A_543, %and3A_487, %dma_start3A_547, %dma_start3A_548] : memref<50x8x128x8x128xf32, #tpu.memory_space<hbm>> -> memref<1x1x1x8x128xf32, #tpu.memory_space<hbm>>
      %dma_start3A_550 = tpu.memref_squeeze %dma_start3A_549 : memref<1x1x1x8x128xf32, #tpu.memory_space<hbm>> -> memref<8x128xf32, #tpu.memory_space<hbm>>
      %dma_start3A_551 = arith.constant 0 : i32
      %dma_start3A_552 = arith.constant 0 : i32
      %dma_start3A_553 = tpu.memref_slice %arg4[%shift_right_logical3A_485, %dma_start3A_543, %and3A_487, %dma_start3A_551, %dma_start3A_552] : memref<50x8x128x8x128xf32, #tpu.memory_space<hbm>> -> memref<1x1x1x8x128xf32, #tpu.memory_space<hbm>>
      %dma_start3A_554 = tpu.memref_squeeze %dma_start3A_553 : memref<1x1x1x8x128xf32, #tpu.memory_space<hbm>> -> memref<8x128xf32, #tpu.memory_space<hbm>>
      %dma_start3A_555 = arith.constant 16 : i32
      %dma_start3A_556 = arith.constant 0 : i32
      %dma_start3A_557 = tpu.memref_slice %arg11[%dma_start3A_555, %dma_start3A_556] : memref<64x129xf32, #tpu.memory_space<vmem>> -> memref<8x128xf32, #tpu.memory_space<vmem>>
      tpu.enqueue_dma source(%dma_start3A_557 : memref<8x128xf32, #tpu.memory_space<vmem>>) target(%dma_start3A_554 : memref<8x128xf32, #tpu.memory_space<hbm>>) target_semaphore(%arg17 : memref<!tpu.dma_semaphore, #tpu.memory_space<semaphore_mem>>)
      %dma_start3A_558 = arith.constant 3 : i32
      %dma_start3A_559 = arith.constant 24 : i32
      %dma_start3A_560 = arith.constant 0 : i32
      %dma_start3A_561 = tpu.memref_slice %arg11[%dma_start3A_559, %dma_start3A_560] : memref<64x129xf32, #tpu.memory_space<vmem>> -> memref<8x128xf32, #tpu.memory_space<vmem>>
      %dma_start3A_562 = arith.constant 0 : i32
      %dma_start3A_563 = arith.constant 0 : i32
      %dma_start3A_564 = tpu.memref_slice %arg4[%shift_right_logical3A_485, %dma_start3A_558, %and3A_487, %dma_start3A_562, %dma_start3A_563] : memref<50x8x128x8x128xf32, #tpu.memory_space<hbm>> -> memref<1x1x1x8x128xf32, #tpu.memory_space<hbm>>
      %dma_start3A_565 = tpu.memref_squeeze %dma_start3A_564 : memref<1x1x1x8x128xf32, #tpu.memory_space<hbm>> -> memref<8x128xf32, #tpu.memory_space<hbm>>
      %dma_start3A_566 = arith.constant 0 : i32
      %dma_start3A_567 = arith.constant 0 : i32
      %dma_start3A_568 = tpu.memref_slice %arg4[%shift_right_logical3A_485, %dma_start3A_558, %and3A_487, %dma_start3A_566, %dma_start3A_567] : memref<50x8x128x8x128xf32, #tpu.memory_space<hbm>> -> memref<1x1x1x8x128xf32, #tpu.memory_space<hbm>>
      %dma_start3A_569 = tpu.memref_squeeze %dma_start3A_568 : memref<1x1x1x8x128xf32, #tpu.memory_space<hbm>> -> memref<8x128xf32, #tpu.memory_space<hbm>>
      %dma_start3A_570 = arith.constant 24 : i32
      %dma_start3A_571 = arith.constant 0 : i32
      %dma_start3A_572 = tpu.memref_slice %arg11[%dma_start3A_570, %dma_start3A_571] : memref<64x129xf32, #tpu.memory_space<vmem>> -> memref<8x128xf32, #tpu.memory_space<vmem>>
      tpu.enqueue_dma source(%dma_start3A_572 : memref<8x128xf32, #tpu.memory_space<vmem>>) target(%dma_start3A_569 : memref<8x128xf32, #tpu.memory_space<hbm>>) target_semaphore(%arg17 : memref<!tpu.dma_semaphore, #tpu.memory_space<semaphore_mem>>)
      %dma_start3A_573 = arith.constant 4 : i32
      %dma_start3A_574 = arith.constant 32 : i32
      %dma_start3A_575 = arith.constant 0 : i32
      %dma_start3A_576 = tpu.memref_slice %arg11[%dma_start3A_574, %dma_start3A_575] : memref<64x129xf32, #tpu.memory_space<vmem>> -> memref<8x128xf32, #tpu.memory_space<vmem>>
      %dma_start3A_577 = arith.constant 0 : i32
      %dma_start3A_578 = arith.constant 0 : i32
      %dma_start3A_579 = tpu.memref_slice %arg4[%shift_right_logical3A_485, %dma_start3A_573, %and3A_487, %dma_start3A_577, %dma_start3A_578] : memref<50x8x128x8x128xf32, #tpu.memory_space<hbm>> -> memref<1x1x1x8x128xf32, #tpu.memory_space<hbm>>
      %dma_start3A_580 = tpu.memref_squeeze %dma_start3A_579 : memref<1x1x1x8x128xf32, #tpu.memory_space<hbm>> -> memref<8x128xf32, #tpu.memory_space<hbm>>
      %dma_start3A_581 = arith.constant 0 : i32
      %dma_start3A_582 = arith.constant 0 : i32
      %dma_start3A_583 = tpu.memref_slice %arg4[%shift_right_logical3A_485, %dma_start3A_573, %and3A_487, %dma_start3A_581, %dma_start3A_582] : memref<50x8x128x8x128xf32, #tpu.memory_space<hbm>> -> memref<1x1x1x8x128xf32, #tpu.memory_space<hbm>>
      %dma_start3A_584 = tpu.memref_squeeze %dma_start3A_583 : memref<1x1x1x8x128xf32, #tpu.memory_space<hbm>> -> memref<8x128xf32, #tpu.memory_space<hbm>>
      %dma_start3A_585 = arith.constant 32 : i32
      %dma_start3A_586 = arith.constant 0 : i32
      %dma_start3A_587 = tpu.memref_slice %arg11[%dma_start3A_585, %dma_start3A_586] : memref<64x129xf32, #tpu.memory_space<vmem>> -> memref<8x128xf32, #tpu.memory_space<vmem>>
      tpu.enqueue_dma source(%dma_start3A_587 : memref<8x128xf32, #tpu.memory_space<vmem>>) target(%dma_start3A_584 : memref<8x128xf32, #tpu.memory_space<hbm>>) target_semaphore(%arg17 : memref<!tpu.dma_semaphore, #tpu.memory_space<semaphore_mem>>)
      %dma_start3A_588 = arith.constant 5 : i32
      %dma_start3A_589 = arith.constant 40 : i32
      %dma_start3A_590 = arith.constant 0 : i32
      %dma_start3A_591 = tpu.memref_slice %arg11[%dma_start3A_589, %dma_start3A_590] : memref<64x129xf32, #tpu.memory_space<vmem>> -> memref<8x128xf32, #tpu.memory_space<vmem>>
      %dma_start3A_592 = arith.constant 0 : i32
      %dma_start3A_593 = arith.constant 0 : i32
      %dma_start3A_594 = tpu.memref_slice %arg4[%shift_right_logical3A_485, %dma_start3A_588, %and3A_487, %dma_start3A_592, %dma_start3A_593] : memref<50x8x128x8x128xf32, #tpu.memory_space<hbm>> -> memref<1x1x1x8x128xf32, #tpu.memory_space<hbm>>
      %dma_start3A_595 = tpu.memref_squeeze %dma_start3A_594 : memref<1x1x1x8x128xf32, #tpu.memory_space<hbm>> -> memref<8x128xf32, #tpu.memory_space<hbm>>
      %dma_start3A_596 = arith.constant 0 : i32
      %dma_start3A_597 = arith.constant 0 : i32
      %dma_start3A_598 = tpu.memref_slice %arg4[%shift_right_logical3A_485, %dma_start3A_588, %and3A_487, %dma_start3A_596, %dma_start3A_597] : memref<50x8x128x8x128xf32, #tpu.memory_space<hbm>> -> memref<1x1x1x8x128xf32, #tpu.memory_space<hbm>>
      %dma_start3A_599 = tpu.memref_squeeze %dma_start3A_598 : memref<1x1x1x8x128xf32, #tpu.memory_space<hbm>> -> memref<8x128xf32, #tpu.memory_space<hbm>>
      %dma_start3A_600 = arith.constant 40 : i32
      %dma_start3A_601 = arith.constant 0 : i32
      %dma_start3A_602 = tpu.memref_slice %arg11[%dma_start3A_600, %dma_start3A_601] : memref<64x129xf32, #tpu.memory_space<vmem>> -> memref<8x128xf32, #tpu.memory_space<vmem>>
      tpu.enqueue_dma source(%dma_start3A_602 : memref<8x128xf32, #tpu.memory_space<vmem>>) target(%dma_start3A_599 : memref<8x128xf32, #tpu.memory_space<hbm>>) target_semaphore(%arg17 : memref<!tpu.dma_semaphore, #tpu.memory_space<semaphore_mem>>)
      %dma_start3A_603 = arith.constant 6 : i32
      %dma_start3A_604 = arith.constant 48 : i32
      %dma_start3A_605 = arith.constant 0 : i32
      %dma_start3A_606 = tpu.memref_slice %arg11[%dma_start3A_604, %dma_start3A_605] : memref<64x129xf32, #tpu.memory_space<vmem>> -> memref<8x128xf32, #tpu.memory_space<vmem>>
      %dma_start3A_607 = arith.constant 0 : i32
      %dma_start3A_608 = arith.constant 0 : i32
      %dma_start3A_609 = tpu.memref_slice %arg4[%shift_right_logical3A_485, %dma_start3A_603, %and3A_487, %dma_start3A_607, %dma_start3A_608] : memref<50x8x128x8x128xf32, #tpu.memory_space<hbm>> -> memref<1x1x1x8x128xf32, #tpu.memory_space<hbm>>
      %dma_start3A_610 = tpu.memref_squeeze %dma_start3A_609 : memref<1x1x1x8x128xf32, #tpu.memory_space<hbm>> -> memref<8x128xf32, #tpu.memory_space<hbm>>
      %dma_start3A_611 = arith.constant 0 : i32
      %dma_start3A_612 = arith.constant 0 : i32
      %dma_start3A_613 = tpu.memref_slice %arg4[%shift_right_logical3A_485, %dma_start3A_603, %and3A_487, %dma_start3A_611, %dma_start3A_612] : memref<50x8x128x8x128xf32, #tpu.memory_space<hbm>> -> memref<1x1x1x8x128xf32, #tpu.memory_space<hbm>>
      %dma_start3A_614 = tpu.memref_squeeze %dma_start3A_613 : memref<1x1x1x8x128xf32, #tpu.memory_space<hbm>> -> memref<8x128xf32, #tpu.memory_space<hbm>>
      %dma_start3A_615 = arith.constant 48 : i32
      %dma_start3A_616 = arith.constant 0 : i32
      %dma_start3A_617 = tpu.memref_slice %arg11[%dma_start3A_615, %dma_start3A_616] : memref<64x129xf32, #tpu.memory_space<vmem>> -> memref<8x128xf32, #tpu.memory_space<vmem>>
      tpu.enqueue_dma source(%dma_start3A_617 : memref<8x128xf32, #tpu.memory_space<vmem>>) target(%dma_start3A_614 : memref<8x128xf32, #tpu.memory_space<hbm>>) target_semaphore(%arg17 : memref<!tpu.dma_semaphore, #tpu.memory_space<semaphore_mem>>)
      %dma_start3A_618 = arith.constant 7 : i32
      %dma_start3A_619 = arith.constant 56 : i32
      %dma_start3A_620 = arith.constant 0 : i32
      %dma_start3A_621 = tpu.memref_slice %arg11[%dma_start3A_619, %dma_start3A_620] : memref<64x129xf32, #tpu.memory_space<vmem>> -> memref<8x128xf32, #tpu.memory_space<vmem>>
      %dma_start3A_622 = arith.constant 0 : i32
      %dma_start3A_623 = arith.constant 0 : i32
      %dma_start3A_624 = tpu.memref_slice %arg4[%shift_right_logical3A_485, %dma_start3A_618, %and3A_487, %dma_start3A_622, %dma_start3A_623] : memref<50x8x128x8x128xf32, #tpu.memory_space<hbm>> -> memref<1x1x1x8x128xf32, #tpu.memory_space<hbm>>
      %dma_start3A_625 = tpu.memref_squeeze %dma_start3A_624 : memref<1x1x1x8x128xf32, #tpu.memory_space<hbm>> -> memref<8x128xf32, #tpu.memory_space<hbm>>
      %dma_start3A_626 = arith.constant 0 : i32
      %dma_start3A_627 = arith.constant 0 : i32
      %dma_start3A_628 = tpu.memref_slice %arg4[%shift_right_logical3A_485, %dma_start3A_618, %and3A_487, %dma_start3A_626, %dma_start3A_627] : memref<50x8x128x8x128xf32, #tpu.memory_space<hbm>> -> memref<1x1x1x8x128xf32, #tpu.memory_space<hbm>>
      %dma_start3A_629 = tpu.memref_squeeze %dma_start3A_628 : memref<1x1x1x8x128xf32, #tpu.memory_space<hbm>> -> memref<8x128xf32, #tpu.memory_space<hbm>>
      %dma_start3A_630 = arith.constant 56 : i32
      %dma_start3A_631 = arith.constant 0 : i32
      %dma_start3A_632 = tpu.memref_slice %arg11[%dma_start3A_630, %dma_start3A_631] : memref<64x129xf32, #tpu.memory_space<vmem>> -> memref<8x128xf32, #tpu.memory_space<vmem>>
      tpu.enqueue_dma source(%dma_start3A_632 : memref<8x128xf32, #tpu.memory_space<vmem>>) target(%dma_start3A_629 : memref<8x128xf32, #tpu.memory_space<hbm>>) target_semaphore(%arg17 : memref<!tpu.dma_semaphore, #tpu.memory_space<semaphore_mem>>)
      %mul3A_633 = arith.constant 4 : i32
      %mul3A_634 = arith.muli %scan3A_330, %mul3A_633 : i32
      %add3A_635 = arith.constant 2 : i32
      %add3A_636 = arith.addi %mul3A_634, %add3A_635 : i32
      %add3A_637 = arith.addi %mul3A_2, %add3A_636 : i32
      %shift_right_logical3A_638 = arith.constant 7 : i32
      %shift_right_logical3A_639 = arith.shrui %add3A_637, %shift_right_logical3A_638 : i32
      %and3A_640 = arith.constant 127 : i32
      %and3A_641 = arith.andi %add3A_637, %and3A_640 : i32
      %dma_wait3A_642 = arith.constant 0 : i32
      %dma_wait3A_643 = arith.constant 0 : i32
      %dma_wait3A_644 = tpu.memref_slice %arg5[%dma_wait3A_642, %dma_wait3A_643] : memref<200x128xi32, #tpu.memory_space<vmem>> -> memref<1x128xi32, #tpu.memory_space<vmem>>
      %dma_wait3A_645 = tpu.memref_squeeze %dma_wait3A_644 : memref<1x128xi32, #tpu.memory_space<vmem>> -> memref<128xi32, #tpu.memory_space<vmem>>
      %dma_wait3A_646 = arith.constant 0 : i32
      %dma_wait3A_647 = arith.constant 0 : i32
      %dma_wait3A_648 = tpu.memref_slice %arg3[%dma_wait3A_646, %dma_wait3A_647] : memref<2000000x64xf32, #tpu.memory_space<hbm>> -> memref<2000000x64xf32, #tpu.memory_space<hbm>>
      tpu.wait_indirect_dma semaphore(%arg14 : memref<!tpu.dma_semaphore, #tpu.memory_space<semaphore_mem>>) src(%dma_wait3A_648 : memref<2000000x64xf32, #tpu.memory_space<hbm>>) dst(%arg8 : memref<128x64xf32, #tpu.memory_space<vmem>>)
      %ge3A_649 = arith.constant 2 : i32
      %ge3A_650 = arith.cmpi sge, %add3A_636, %ge3A_649 : i32
      %convert_element_type3A_651 = arith.extui %ge3A_650 : i1 to i32
      %cond3A_652 = arith.constant 0 : i32
      %cond3A_653 = arith.cmpi ne, %convert_element_type3A_651, %cond3A_652 : i32
      scf.if %cond3A_653 {
        %dma_wait3A_941 = arith.constant 0 : i32
        %dma_wait3A_942 = arith.constant 0 : i32
        %dma_wait3A_943 = arith.constant 0 : i32
        %dma_wait3A_944 = arith.constant 0 : i32
        %dma_wait3A_945 = arith.constant 0 : i32
        %dma_wait3A_946 = tpu.memref_slice %arg10[%dma_wait3A_944, %dma_wait3A_945] : memref<64x129xf32, #tpu.memory_space<vmem>> -> memref<8x128xf32, #tpu.memory_space<vmem>>
        %dma_wait3A_947 = arith.constant 0 : i32
        %dma_wait3A_948 = arith.constant 0 : i32
        %dma_wait3A_949 = tpu.memref_slice %arg4[%dma_wait3A_941, %dma_wait3A_942, %dma_wait3A_943, %dma_wait3A_947, %dma_wait3A_948] : memref<50x8x128x8x128xf32, #tpu.memory_space<hbm>> -> memref<1x1x1x8x128xf32, #tpu.memory_space<hbm>>
        %dma_wait3A_950 = tpu.memref_squeeze %dma_wait3A_949 : memref<1x1x1x8x128xf32, #tpu.memory_space<hbm>> -> memref<8x128xf32, #tpu.memory_space<hbm>>
        %dma_wait3A_951 = arith.constant 0 : i32
        %dma_wait3A_952 = arith.constant 0 : i32
        %dma_wait3A_953 = tpu.memref_slice %arg4[%dma_wait3A_941, %dma_wait3A_942, %dma_wait3A_943, %dma_wait3A_951, %dma_wait3A_952] : memref<50x8x128x8x128xf32, #tpu.memory_space<hbm>> -> memref<1x1x1x8x128xf32, #tpu.memory_space<hbm>>
        %dma_wait3A_954 = tpu.memref_squeeze %dma_wait3A_953 : memref<1x1x1x8x128xf32, #tpu.memory_space<hbm>> -> memref<8x128xf32, #tpu.memory_space<hbm>>
        %dma_wait3A_955 = arith.constant 0 : i32
        %dma_wait3A_956 = arith.constant 0 : i32
        %dma_wait3A_957 = tpu.memref_slice %arg10[%dma_wait3A_955, %dma_wait3A_956] : memref<64x129xf32, #tpu.memory_space<vmem>> -> memref<8x128xf32, #tpu.memory_space<vmem>>
        tpu.wait_dma2 semaphore(%arg16 : memref<!tpu.dma_semaphore, #tpu.memory_space<semaphore_mem>>) src(%dma_wait3A_957 : memref<8x128xf32, #tpu.memory_space<vmem>>) dst(%dma_wait3A_954 : memref<8x128xf32, #tpu.memory_space<hbm>>)
        %dma_wait3A_958 = arith.constant 0 : i32
        %dma_wait3A_959 = arith.constant 0 : i32
        %dma_wait3A_960 = arith.constant 0 : i32
        %dma_wait3A_961 = arith.constant 0 : i32
        %dma_wait3A_962 = arith.constant 0 : i32
        %dma_wait3A_963 = tpu.memref_slice %arg10[%dma_wait3A_961, %dma_wait3A_962] : memref<64x129xf32, #tpu.memory_space<vmem>> -> memref<8x128xf32, #tpu.memory_space<vmem>>
        %dma_wait3A_964 = arith.constant 0 : i32
        %dma_wait3A_965 = arith.constant 0 : i32
        %dma_wait3A_966 = tpu.memref_slice %arg4[%dma_wait3A_958, %dma_wait3A_959, %dma_wait3A_960, %dma_wait3A_964, %dma_wait3A_965] : memref<50x8x128x8x128xf32, #tpu.memory_space<hbm>> -> memref<1x1x1x8x128xf32, #tpu.memory_space<hbm>>
        %dma_wait3A_967 = tpu.memref_squeeze %dma_wait3A_966 : memref<1x1x1x8x128xf32, #tpu.memory_space<hbm>> -> memref<8x128xf32, #tpu.memory_space<hbm>>
        %dma_wait3A_968 = arith.constant 0 : i32
        %dma_wait3A_969 = arith.constant 0 : i32
        %dma_wait3A_970 = tpu.memref_slice %arg4[%dma_wait3A_958, %dma_wait3A_959, %dma_wait3A_960, %dma_wait3A_968, %dma_wait3A_969] : memref<50x8x128x8x128xf32, #tpu.memory_space<hbm>> -> memref<1x1x1x8x128xf32, #tpu.memory_space<hbm>>
        %dma_wait3A_971 = tpu.memref_squeeze %dma_wait3A_970 : memref<1x1x1x8x128xf32, #tpu.memory_space<hbm>> -> memref<8x128xf32, #tpu.memory_space<hbm>>
        %dma_wait3A_972 = arith.constant 0 : i32
        %dma_wait3A_973 = arith.constant 0 : i32
        %dma_wait3A_974 = tpu.memref_slice %arg10[%dma_wait3A_972, %dma_wait3A_973] : memref<64x129xf32, #tpu.memory_space<vmem>> -> memref<8x128xf32, #tpu.memory_space<vmem>>
        tpu.wait_dma2 semaphore(%arg16 : memref<!tpu.dma_semaphore, #tpu.memory_space<semaphore_mem>>) src(%dma_wait3A_974 : memref<8x128xf32, #tpu.memory_space<vmem>>) dst(%dma_wait3A_971 : memref<8x128xf32, #tpu.memory_space<hbm>>)
        %dma_wait3A_975 = arith.constant 0 : i32
        %dma_wait3A_976 = arith.constant 0 : i32
        %dma_wait3A_977 = arith.constant 0 : i32
        %dma_wait3A_978 = arith.constant 0 : i32
        %dma_wait3A_979 = arith.constant 0 : i32
        %dma_wait3A_980 = tpu.memref_slice %arg10[%dma_wait3A_978, %dma_wait3A_979] : memref<64x129xf32, #tpu.memory_space<vmem>> -> memref<8x128xf32, #tpu.memory_space<vmem>>
        %dma_wait3A_981 = arith.constant 0 : i32
        %dma_wait3A_982 = arith.constant 0 : i32
        %dma_wait3A_983 = tpu.memref_slice %arg4[%dma_wait3A_975, %dma_wait3A_976, %dma_wait3A_977, %dma_wait3A_981, %dma_wait3A_982] : memref<50x8x128x8x128xf32, #tpu.memory_space<hbm>> -> memref<1x1x1x8x128xf32, #tpu.memory_space<hbm>>
        %dma_wait3A_984 = tpu.memref_squeeze %dma_wait3A_983 : memref<1x1x1x8x128xf32, #tpu.memory_space<hbm>> -> memref<8x128xf32, #tpu.memory_space<hbm>>
        %dma_wait3A_985 = arith.constant 0 : i32
        %dma_wait3A_986 = arith.constant 0 : i32
        %dma_wait3A_987 = tpu.memref_slice %arg4[%dma_wait3A_975, %dma_wait3A_976, %dma_wait3A_977, %dma_wait3A_985, %dma_wait3A_986] : memref<50x8x128x8x128xf32, #tpu.memory_space<hbm>> -> memref<1x1x1x8x128xf32, #tpu.memory_space<hbm>>
        %dma_wait3A_988 = tpu.memref_squeeze %dma_wait3A_987 : memref<1x1x1x8x128xf32, #tpu.memory_space<hbm>> -> memref<8x128xf32, #tpu.memory_space<hbm>>
        %dma_wait3A_989 = arith.constant 0 : i32
        %dma_wait3A_990 = arith.constant 0 : i32
        %dma_wait3A_991 = tpu.memref_slice %arg10[%dma_wait3A_989, %dma_wait3A_990] : memref<64x129xf32, #tpu.memory_space<vmem>> -> memref<8x128xf32, #tpu.memory_space<vmem>>
        tpu.wait_dma2 semaphore(%arg16 : memref<!tpu.dma_semaphore, #tpu.memory_space<semaphore_mem>>) src(%dma_wait3A_991 : memref<8x128xf32, #tpu.memory_space<vmem>>) dst(%dma_wait3A_988 : memref<8x128xf32, #tpu.memory_space<hbm>>)
        %dma_wait3A_992 = arith.constant 0 : i32
        %dma_wait3A_993 = arith.constant 0 : i32
        %dma_wait3A_994 = arith.constant 0 : i32
        %dma_wait3A_995 = arith.constant 0 : i32
        %dma_wait3A_996 = arith.constant 0 : i32
        %dma_wait3A_997 = tpu.memref_slice %arg10[%dma_wait3A_995, %dma_wait3A_996] : memref<64x129xf32, #tpu.memory_space<vmem>> -> memref<8x128xf32, #tpu.memory_space<vmem>>
        %dma_wait3A_998 = arith.constant 0 : i32
        %dma_wait3A_999 = arith.constant 0 : i32
        %dma_wait3A_1000 = tpu.memref_slice %arg4[%dma_wait3A_992, %dma_wait3A_993, %dma_wait3A_994, %dma_wait3A_998, %dma_wait3A_999] : memref<50x8x128x8x128xf32, #tpu.memory_space<hbm>> -> memref<1x1x1x8x128xf32, #tpu.memory_space<hbm>>
        %dma_wait3A_1001 = tpu.memref_squeeze %dma_wait3A_1000 : memref<1x1x1x8x128xf32, #tpu.memory_space<hbm>> -> memref<8x128xf32, #tpu.memory_space<hbm>>
        %dma_wait3A_1002 = arith.constant 0 : i32
        %dma_wait3A_1003 = arith.constant 0 : i32
        %dma_wait3A_1004 = tpu.memref_slice %arg4[%dma_wait3A_992, %dma_wait3A_993, %dma_wait3A_994, %dma_wait3A_1002, %dma_wait3A_1003] : memref<50x8x128x8x128xf32, #tpu.memory_space<hbm>> -> memref<1x1x1x8x128xf32, #tpu.memory_space<hbm>>
        %dma_wait3A_1005 = tpu.memref_squeeze %dma_wait3A_1004 : memref<1x1x1x8x128xf32, #tpu.memory_space<hbm>> -> memref<8x128xf32, #tpu.memory_space<hbm>>
        %dma_wait3A_1006 = arith.constant 0 : i32
        %dma_wait3A_1007 = arith.constant 0 : i32
        %dma_wait3A_1008 = tpu.memref_slice %arg10[%dma_wait3A_1006, %dma_wait3A_1007] : memref<64x129xf32, #tpu.memory_space<vmem>> -> memref<8x128xf32, #tpu.memory_space<vmem>>
        tpu.wait_dma2 semaphore(%arg16 : memref<!tpu.dma_semaphore, #tpu.memory_space<semaphore_mem>>) src(%dma_wait3A_1008 : memref<8x128xf32, #tpu.memory_space<vmem>>) dst(%dma_wait3A_1005 : memref<8x128xf32, #tpu.memory_space<hbm>>)
        %dma_wait3A_1009 = arith.constant 0 : i32
        %dma_wait3A_1010 = arith.constant 0 : i32
        %dma_wait3A_1011 = arith.constant 0 : i32
        %dma_wait3A_1012 = arith.constant 0 : i32
        %dma_wait3A_1013 = arith.constant 0 : i32
        %dma_wait3A_1014 = tpu.memref_slice %arg10[%dma_wait3A_1012, %dma_wait3A_1013] : memref<64x129xf32, #tpu.memory_space<vmem>> -> memref<8x128xf32, #tpu.memory_space<vmem>>
        %dma_wait3A_1015 = arith.constant 0 : i32
        %dma_wait3A_1016 = arith.constant 0 : i32
        %dma_wait3A_1017 = tpu.memref_slice %arg4[%dma_wait3A_1009, %dma_wait3A_1010, %dma_wait3A_1011, %dma_wait3A_1015, %dma_wait3A_1016] : memref<50x8x128x8x128xf32, #tpu.memory_space<hbm>> -> memref<1x1x1x8x128xf32, #tpu.memory_space<hbm>>
        %dma_wait3A_1018 = tpu.memref_squeeze %dma_wait3A_1017 : memref<1x1x1x8x128xf32, #tpu.memory_space<hbm>> -> memref<8x128xf32, #tpu.memory_space<hbm>>
        %dma_wait3A_1019 = arith.constant 0 : i32
        %dma_wait3A_1020 = arith.constant 0 : i32
        %dma_wait3A_1021 = tpu.memref_slice %arg4[%dma_wait3A_1009, %dma_wait3A_1010, %dma_wait3A_1011, %dma_wait3A_1019, %dma_wait3A_1020] : memref<50x8x128x8x128xf32, #tpu.memory_space<hbm>> -> memref<1x1x1x8x128xf32, #tpu.memory_space<hbm>>
        %dma_wait3A_1022 = tpu.memref_squeeze %dma_wait3A_1021 : memref<1x1x1x8x128xf32, #tpu.memory_space<hbm>> -> memref<8x128xf32, #tpu.memory_space<hbm>>
        %dma_wait3A_1023 = arith.constant 0 : i32
        %dma_wait3A_1024 = arith.constant 0 : i32
        %dma_wait3A_1025 = tpu.memref_slice %arg10[%dma_wait3A_1023, %dma_wait3A_1024] : memref<64x129xf32, #tpu.memory_space<vmem>> -> memref<8x128xf32, #tpu.memory_space<vmem>>
        tpu.wait_dma2 semaphore(%arg16 : memref<!tpu.dma_semaphore, #tpu.memory_space<semaphore_mem>>) src(%dma_wait3A_1025 : memref<8x128xf32, #tpu.memory_space<vmem>>) dst(%dma_wait3A_1022 : memref<8x128xf32, #tpu.memory_space<hbm>>)
        %dma_wait3A_1026 = arith.constant 0 : i32
        %dma_wait3A_1027 = arith.constant 0 : i32
        %dma_wait3A_1028 = arith.constant 0 : i32
        %dma_wait3A_1029 = arith.constant 0 : i32
        %dma_wait3A_1030 = arith.constant 0 : i32
        %dma_wait3A_1031 = tpu.memref_slice %arg10[%dma_wait3A_1029, %dma_wait3A_1030] : memref<64x129xf32, #tpu.memory_space<vmem>> -> memref<8x128xf32, #tpu.memory_space<vmem>>
        %dma_wait3A_1032 = arith.constant 0 : i32
        %dma_wait3A_1033 = arith.constant 0 : i32
        %dma_wait3A_1034 = tpu.memref_slice %arg4[%dma_wait3A_1026, %dma_wait3A_1027, %dma_wait3A_1028, %dma_wait3A_1032, %dma_wait3A_1033] : memref<50x8x128x8x128xf32, #tpu.memory_space<hbm>> -> memref<1x1x1x8x128xf32, #tpu.memory_space<hbm>>
        %dma_wait3A_1035 = tpu.memref_squeeze %dma_wait3A_1034 : memref<1x1x1x8x128xf32, #tpu.memory_space<hbm>> -> memref<8x128xf32, #tpu.memory_space<hbm>>
        %dma_wait3A_1036 = arith.constant 0 : i32
        %dma_wait3A_1037 = arith.constant 0 : i32
        %dma_wait3A_1038 = tpu.memref_slice %arg4[%dma_wait3A_1026, %dma_wait3A_1027, %dma_wait3A_1028, %dma_wait3A_1036, %dma_wait3A_1037] : memref<50x8x128x8x128xf32, #tpu.memory_space<hbm>> -> memref<1x1x1x8x128xf32, #tpu.memory_space<hbm>>
        %dma_wait3A_1039 = tpu.memref_squeeze %dma_wait3A_1038 : memref<1x1x1x8x128xf32, #tpu.memory_space<hbm>> -> memref<8x128xf32, #tpu.memory_space<hbm>>
        %dma_wait3A_1040 = arith.constant 0 : i32
        %dma_wait3A_1041 = arith.constant 0 : i32
        %dma_wait3A_1042 = tpu.memref_slice %arg10[%dma_wait3A_1040, %dma_wait3A_1041] : memref<64x129xf32, #tpu.memory_space<vmem>> -> memref<8x128xf32, #tpu.memory_space<vmem>>
        tpu.wait_dma2 semaphore(%arg16 : memref<!tpu.dma_semaphore, #tpu.memory_space<semaphore_mem>>) src(%dma_wait3A_1042 : memref<8x128xf32, #tpu.memory_space<vmem>>) dst(%dma_wait3A_1039 : memref<8x128xf32, #tpu.memory_space<hbm>>)
        %dma_wait3A_1043 = arith.constant 0 : i32
        %dma_wait3A_1044 = arith.constant 0 : i32
        %dma_wait3A_1045 = arith.constant 0 : i32
        %dma_wait3A_1046 = arith.constant 0 : i32
        %dma_wait3A_1047 = arith.constant 0 : i32
        %dma_wait3A_1048 = tpu.memref_slice %arg10[%dma_wait3A_1046, %dma_wait3A_1047] : memref<64x129xf32, #tpu.memory_space<vmem>> -> memref<8x128xf32, #tpu.memory_space<vmem>>
        %dma_wait3A_1049 = arith.constant 0 : i32
        %dma_wait3A_1050 = arith.constant 0 : i32
        %dma_wait3A_1051 = tpu.memref_slice %arg4[%dma_wait3A_1043, %dma_wait3A_1044, %dma_wait3A_1045, %dma_wait3A_1049, %dma_wait3A_1050] : memref<50x8x128x8x128xf32, #tpu.memory_space<hbm>> -> memref<1x1x1x8x128xf32, #tpu.memory_space<hbm>>
        %dma_wait3A_1052 = tpu.memref_squeeze %dma_wait3A_1051 : memref<1x1x1x8x128xf32, #tpu.memory_space<hbm>> -> memref<8x128xf32, #tpu.memory_space<hbm>>
        %dma_wait3A_1053 = arith.constant 0 : i32
        %dma_wait3A_1054 = arith.constant 0 : i32
        %dma_wait3A_1055 = tpu.memref_slice %arg4[%dma_wait3A_1043, %dma_wait3A_1044, %dma_wait3A_1045, %dma_wait3A_1053, %dma_wait3A_1054] : memref<50x8x128x8x128xf32, #tpu.memory_space<hbm>> -> memref<1x1x1x8x128xf32, #tpu.memory_space<hbm>>
        %dma_wait3A_1056 = tpu.memref_squeeze %dma_wait3A_1055 : memref<1x1x1x8x128xf32, #tpu.memory_space<hbm>> -> memref<8x128xf32, #tpu.memory_space<hbm>>
        %dma_wait3A_1057 = arith.constant 0 : i32
        %dma_wait3A_1058 = arith.constant 0 : i32
        %dma_wait3A_1059 = tpu.memref_slice %arg10[%dma_wait3A_1057, %dma_wait3A_1058] : memref<64x129xf32, #tpu.memory_space<vmem>> -> memref<8x128xf32, #tpu.memory_space<vmem>>
        tpu.wait_dma2 semaphore(%arg16 : memref<!tpu.dma_semaphore, #tpu.memory_space<semaphore_mem>>) src(%dma_wait3A_1059 : memref<8x128xf32, #tpu.memory_space<vmem>>) dst(%dma_wait3A_1056 : memref<8x128xf32, #tpu.memory_space<hbm>>)
        %dma_wait3A_1060 = arith.constant 0 : i32
        %dma_wait3A_1061 = arith.constant 0 : i32
        %dma_wait3A_1062 = arith.constant 0 : i32
        %dma_wait3A_1063 = arith.constant 0 : i32
        %dma_wait3A_1064 = arith.constant 0 : i32
        %dma_wait3A_1065 = tpu.memref_slice %arg10[%dma_wait3A_1063, %dma_wait3A_1064] : memref<64x129xf32, #tpu.memory_space<vmem>> -> memref<8x128xf32, #tpu.memory_space<vmem>>
        %dma_wait3A_1066 = arith.constant 0 : i32
        %dma_wait3A_1067 = arith.constant 0 : i32
        %dma_wait3A_1068 = tpu.memref_slice %arg4[%dma_wait3A_1060, %dma_wait3A_1061, %dma_wait3A_1062, %dma_wait3A_1066, %dma_wait3A_1067] : memref<50x8x128x8x128xf32, #tpu.memory_space<hbm>> -> memref<1x1x1x8x128xf32, #tpu.memory_space<hbm>>
        %dma_wait3A_1069 = tpu.memref_squeeze %dma_wait3A_1068 : memref<1x1x1x8x128xf32, #tpu.memory_space<hbm>> -> memref<8x128xf32, #tpu.memory_space<hbm>>
        %dma_wait3A_1070 = arith.constant 0 : i32
        %dma_wait3A_1071 = arith.constant 0 : i32
        %dma_wait3A_1072 = tpu.memref_slice %arg4[%dma_wait3A_1060, %dma_wait3A_1061, %dma_wait3A_1062, %dma_wait3A_1070, %dma_wait3A_1071] : memref<50x8x128x8x128xf32, #tpu.memory_space<hbm>> -> memref<1x1x1x8x128xf32, #tpu.memory_space<hbm>>
        %dma_wait3A_1073 = tpu.memref_squeeze %dma_wait3A_1072 : memref<1x1x1x8x128xf32, #tpu.memory_space<hbm>> -> memref<8x128xf32, #tpu.memory_space<hbm>>
        %dma_wait3A_1074 = arith.constant 0 : i32
        %dma_wait3A_1075 = arith.constant 0 : i32
        %dma_wait3A_1076 = tpu.memref_slice %arg10[%dma_wait3A_1074, %dma_wait3A_1075] : memref<64x129xf32, #tpu.memory_space<vmem>> -> memref<8x128xf32, #tpu.memory_space<vmem>>
        tpu.wait_dma2 semaphore(%arg16 : memref<!tpu.dma_semaphore, #tpu.memory_space<semaphore_mem>>) src(%dma_wait3A_1076 : memref<8x128xf32, #tpu.memory_space<vmem>>) dst(%dma_wait3A_1073 : memref<8x128xf32, #tpu.memory_space<hbm>>)
      } else {
      }
      %scan3A_654 = arith.constant 0 : i32
      %scan3A_655 = arith.constant 0 : i32
      %scan3A_656 = arith.constant 32 : i32
      %scan3A_657 = arith.addi %scan3A_655, %scan3A_656 : i32
      %scan3A_658 = arith.constant 1 : i32
      scf.for %scan3A_941 = %scan3A_655 to %scan3A_657 step %scan3A_658  : i32 {
        %mul3A_942 = arith.constant 4 : i32
        %mul3A_943 = arith.muli %scan3A_941, %mul3A_942 : i32
        %broadcast_in_dim3A = arith.constant 0 : i32
        %broadcast_in_dim3A_944 = vector.broadcast %broadcast_in_dim3A : i32 to vector<16xi32>
        %add3A_945 = arith.constant 0 : i32
        %add3A_946 = arith.addi %mul3A_943, %add3A_945 : i32
        %add3A_947 = vector.broadcast %add3A_946 : i32 to vector<16xi32>
        %add3A_948 = arith.addi %broadcast_in_dim3A_944, %add3A_947 : vector<16xi32>
        %add3A_949 = arith.constant 0 : i32
        %add3A_950 = arith.addi %mul3A_943, %add3A_949 : i32
        %get3A = arith.index_cast %add3A_950 : i32 to index
        %get3A_951 = arith.constant 0 : index
        %get3A_952 = tpu.vector_load %arg8[%get3A, %get3A_951] {strides = array<i32>} : memref<128x64xf32, #tpu.memory_space<vmem>>, vector<16xf32>,
        tpu.vector_store_idx %arg10[%add3A_5, %add3A_948], %get3A_952 : memref<64x129xf32, #tpu.memory_space<vmem>>[vector<16xi32>, vector<16xi32>], vector<16xf32>,
        %add3A_953 = arith.constant 0 : i32
        %add3A_954 = arith.addi %mul3A_943, %add3A_953 : i32
        %get3A_955 = arith.index_cast %add3A_954 : i32 to index
        %get3A_956 = arith.constant 16 : index
        %get3A_957 = tpu.vector_load %arg8[%get3A_955, %get3A_956] {strides = array<i32>} : memref<128x64xf32, #tpu.memory_space<vmem>>, vector<16xf32>,
        tpu.vector_store_idx %arg10[%add3A_8, %add3A_948], %get3A_957 : memref<64x129xf32, #tpu.memory_space<vmem>>[vector<16xi32>, vector<16xi32>], vector<16xf32>,
        %add3A_958 = arith.constant 0 : i32
        %add3A_959 = arith.addi %mul3A_943, %add3A_958 : i32
        %get3A_960 = arith.index_cast %add3A_959 : i32 to index
        %get3A_961 = arith.constant 32 : index
        %get3A_962 = tpu.vector_load %arg8[%get3A_960, %get3A_961] {strides = array<i32>} : memref<128x64xf32, #tpu.memory_space<vmem>>, vector<16xf32>,
        tpu.vector_store_idx %arg10[%add3A_11, %add3A_948], %get3A_962 : memref<64x129xf32, #tpu.memory_space<vmem>>[vector<16xi32>, vector<16xi32>], vector<16xf32>,
        %add3A_963 = arith.constant 0 : i32
        %add3A_964 = arith.addi %mul3A_943, %add3A_963 : i32
        %get3A_965 = arith.index_cast %add3A_964 : i32 to index
        %get3A_966 = arith.constant 48 : index
        %get3A_967 = tpu.vector_load %arg8[%get3A_965, %get3A_966] {strides = array<i32>} : memref<128x64xf32, #tpu.memory_space<vmem>>, vector<16xf32>,
        tpu.vector_store_idx %arg10[%add3A_14, %add3A_948], %get3A_967 : memref<64x129xf32, #tpu.memory_space<vmem>>[vector<16xi32>, vector<16xi32>], vector<16xf32>,
        %broadcast_in_dim3A_968 = arith.constant 0 : i32
        %broadcast_in_dim3A_969 = vector.broadcast %broadcast_in_dim3A_968 : i32 to vector<16xi32>
        %add3A_970 = arith.constant 1 : i32
        %add3A_971 = arith.addi %mul3A_943, %add3A_970 : i32
        %add3A_972 = vector.broadcast %add3A_971 : i32 to vector<16xi32>
        %add3A_973 = arith.addi %broadcast_in_dim3A_969, %add3A_972 : vector<16xi32>
        %add3A_974 = arith.constant 1 : i32
        %add3A_975 = arith.addi %mul3A_943, %add3A_974 : i32
        %get3A_976 = arith.index_cast %add3A_975 : i32 to index
        %get3A_977 = arith.constant 0 : index
        %get3A_978 = tpu.vector_load %arg8[%get3A_976, %get3A_977] {strides = array<i32>} : memref<128x64xf32, #tpu.memory_space<vmem>>, vector<16xf32>,
        tpu.vector_store_idx %arg10[%add3A_5, %add3A_973], %get3A_978 : memref<64x129xf32, #tpu.memory_space<vmem>>[vector<16xi32>, vector<16xi32>], vector<16xf32>,
        %add3A_979 = arith.constant 1 : i32
        %add3A_980 = arith.addi %mul3A_943, %add3A_979 : i32
        %get3A_981 = arith.index_cast %add3A_980 : i32 to index
        %get3A_982 = arith.constant 16 : index
        %get3A_983 = tpu.vector_load %arg8[%get3A_981, %get3A_982] {strides = array<i32>} : memref<128x64xf32, #tpu.memory_space<vmem>>, vector<16xf32>,
        tpu.vector_store_idx %arg10[%add3A_8, %add3A_973], %get3A_983 : memref<64x129xf32, #tpu.memory_space<vmem>>[vector<16xi32>, vector<16xi32>], vector<16xf32>,
        %add3A_984 = arith.constant 1 : i32
        %add3A_985 = arith.addi %mul3A_943, %add3A_984 : i32
        %get3A_986 = arith.index_cast %add3A_985 : i32 to index
        %get3A_987 = arith.constant 32 : index
        %get3A_988 = tpu.vector_load %arg8[%get3A_986, %get3A_987] {strides = array<i32>} : memref<128x64xf32, #tpu.memory_space<vmem>>, vector<16xf32>,
        tpu.vector_store_idx %arg10[%add3A_11, %add3A_973], %get3A_988 : memref<64x129xf32, #tpu.memory_space<vmem>>[vector<16xi32>, vector<16xi32>], vector<16xf32>,
        %add3A_989 = arith.constant 1 : i32
        %add3A_990 = arith.addi %mul3A_943, %add3A_989 : i32
        %get3A_991 = arith.index_cast %add3A_990 : i32 to index
        %get3A_992 = arith.constant 48 : index
        %get3A_993 = tpu.vector_load %arg8[%get3A_991, %get3A_992] {strides = array<i32>} : memref<128x64xf32, #tpu.memory_space<vmem>>, vector<16xf32>,
        tpu.vector_store_idx %arg10[%add3A_14, %add3A_973], %get3A_993 : memref<64x129xf32, #tpu.memory_space<vmem>>[vector<16xi32>, vector<16xi32>], vector<16xf32>,
        %broadcast_in_dim3A_994 = arith.constant 0 : i32
        %broadcast_in_dim3A_995 = vector.broadcast %broadcast_in_dim3A_994 : i32 to vector<16xi32>
        %add3A_996 = arith.constant 2 : i32
        %add3A_997 = arith.addi %mul3A_943, %add3A_996 : i32
        %add3A_998 = vector.broadcast %add3A_997 : i32 to vector<16xi32>
        %add3A_999 = arith.addi %broadcast_in_dim3A_995, %add3A_998 : vector<16xi32>
        %add3A_1000 = arith.constant 2 : i32
        %add3A_1001 = arith.addi %mul3A_943, %add3A_1000 : i32
        %get3A_1002 = arith.index_cast %add3A_1001 : i32 to index
        %get3A_1003 = arith.constant 0 : index
        %get3A_1004 = tpu.vector_load %arg8[%get3A_1002, %get3A_1003] {strides = array<i32>} : memref<128x64xf32, #tpu.memory_space<vmem>>, vector<16xf32>,
        tpu.vector_store_idx %arg10[%add3A_5, %add3A_999], %get3A_1004 : memref<64x129xf32, #tpu.memory_space<vmem>>[vector<16xi32>, vector<16xi32>], vector<16xf32>,
        %add3A_1005 = arith.constant 2 : i32
        %add3A_1006 = arith.addi %mul3A_943, %add3A_1005 : i32
        %get3A_1007 = arith.index_cast %add3A_1006 : i32 to index
        %get3A_1008 = arith.constant 16 : index
        %get3A_1009 = tpu.vector_load %arg8[%get3A_1007, %get3A_1008] {strides = array<i32>} : memref<128x64xf32, #tpu.memory_space<vmem>>, vector<16xf32>,
        tpu.vector_store_idx %arg10[%add3A_8, %add3A_999], %get3A_1009 : memref<64x129xf32, #tpu.memory_space<vmem>>[vector<16xi32>, vector<16xi32>], vector<16xf32>,
        %add3A_1010 = arith.constant 2 : i32
        %add3A_1011 = arith.addi %mul3A_943, %add3A_1010 : i32
        %get3A_1012 = arith.index_cast %add3A_1011 : i32 to index
        %get3A_1013 = arith.constant 32 : index
        %get3A_1014 = tpu.vector_load %arg8[%get3A_1012, %get3A_1013] {strides = array<i32>} : memref<128x64xf32, #tpu.memory_space<vmem>>, vector<16xf32>,
        tpu.vector_store_idx %arg10[%add3A_11, %add3A_999], %get3A_1014 : memref<64x129xf32, #tpu.memory_space<vmem>>[vector<16xi32>, vector<16xi32>], vector<16xf32>,
        %add3A_1015 = arith.constant 2 : i32
        %add3A_1016 = arith.addi %mul3A_943, %add3A_1015 : i32
        %get3A_1017 = arith.index_cast %add3A_1016 : i32 to index
        %get3A_1018 = arith.constant 48 : index
        %get3A_1019 = tpu.vector_load %arg8[%get3A_1017, %get3A_1018] {strides = array<i32>} : memref<128x64xf32, #tpu.memory_space<vmem>>, vector<16xf32>,
        tpu.vector_store_idx %arg10[%add3A_14, %add3A_999], %get3A_1019 : memref<64x129xf32, #tpu.memory_space<vmem>>[vector<16xi32>, vector<16xi32>], vector<16xf32>,
        %broadcast_in_dim3A_1020 = arith.constant 0 : i32
        %broadcast_in_dim3A_1021 = vector.broadcast %broadcast_in_dim3A_1020 : i32 to vector<16xi32>
        %add3A_1022 = arith.constant 3 : i32
        %add3A_1023 = arith.addi %mul3A_943, %add3A_1022 : i32
        %add3A_1024 = vector.broadcast %add3A_1023 : i32 to vector<16xi32>
        %add3A_1025 = arith.addi %broadcast_in_dim3A_1021, %add3A_1024 : vector<16xi32>
        %add3A_1026 = arith.constant 3 : i32
        %add3A_1027 = arith.addi %mul3A_943, %add3A_1026 : i32
        %get3A_1028 = arith.index_cast %add3A_1027 : i32 to index
        %get3A_1029 = arith.constant 0 : index
        %get3A_1030 = tpu.vector_load %arg8[%get3A_1028, %get3A_1029] {strides = array<i32>} : memref<128x64xf32, #tpu.memory_space<vmem>>, vector<16xf32>,
        tpu.vector_store_idx %arg10[%add3A_5, %add3A_1025], %get3A_1030 : memref<64x129xf32, #tpu.memory_space<vmem>>[vector<16xi32>, vector<16xi32>], vector<16xf32>,
        %add3A_1031 = arith.constant 3 : i32
        %add3A_1032 = arith.addi %mul3A_943, %add3A_1031 : i32
        %get3A_1033 = arith.index_cast %add3A_1032 : i32 to index
        %get3A_1034 = arith.constant 16 : index
        %get3A_1035 = tpu.vector_load %arg8[%get3A_1033, %get3A_1034] {strides = array<i32>} : memref<128x64xf32, #tpu.memory_space<vmem>>, vector<16xf32>,
        tpu.vector_store_idx %arg10[%add3A_8, %add3A_1025], %get3A_1035 : memref<64x129xf32, #tpu.memory_space<vmem>>[vector<16xi32>, vector<16xi32>], vector<16xf32>,
        %add3A_1036 = arith.constant 3 : i32
        %add3A_1037 = arith.addi %mul3A_943, %add3A_1036 : i32
        %get3A_1038 = arith.index_cast %add3A_1037 : i32 to index
        %get3A_1039 = arith.constant 32 : index
        %get3A_1040 = tpu.vector_load %arg8[%get3A_1038, %get3A_1039] {strides = array<i32>} : memref<128x64xf32, #tpu.memory_space<vmem>>, vector<16xf32>,
        tpu.vector_store_idx %arg10[%add3A_11, %add3A_1025], %get3A_1040 : memref<64x129xf32, #tpu.memory_space<vmem>>[vector<16xi32>, vector<16xi32>], vector<16xf32>,
        %add3A_1041 = arith.constant 3 : i32
        %add3A_1042 = arith.addi %mul3A_943, %add3A_1041 : i32
        %get3A_1043 = arith.index_cast %add3A_1042 : i32 to index
        %get3A_1044 = arith.constant 48 : index
        %get3A_1045 = tpu.vector_load %arg8[%get3A_1043, %get3A_1044] {strides = array<i32>} : memref<128x64xf32, #tpu.memory_space<vmem>>, vector<16xf32>,
        tpu.vector_store_idx %arg10[%add3A_14, %add3A_1025], %get3A_1045 : memref<64x129xf32, #tpu.memory_space<vmem>>[vector<16xi32>, vector<16xi32>], vector<16xf32>,
      }
      %scan3A_659 = arith.constant 32 : i32
      %add3A_660 = arith.constant 4 : i32
      %add3A_661 = arith.addi %add3A_636, %add3A_660 : i32
      %lt3A_662 = arith.constant 200 : i32
      %lt3A_663 = arith.cmpi slt, %add3A_661, %lt3A_662 : i32
      %convert_element_type3A_664 = arith.extui %lt3A_663 : i1 to i32
      %cond3A_665 = arith.constant 0 : i32
      %cond3A_666 = arith.cmpi ne, %convert_element_type3A_664, %cond3A_665 : i32
      scf.if %cond3A_666 {
        %add3A_941 = arith.constant 4 : i32
        %add3A_942 = arith.addi %add3A_636, %add3A_941 : i32
        %dma_start3A_943 = arith.constant 0 : i32
        %dma_start3A_944 = tpu.memref_slice %arg5[%add3A_942, %dma_start3A_943] : memref<200x128xi32, #tpu.memory_space<vmem>> -> memref<1x128xi32, #tpu.memory_space<vmem>>
        %dma_start3A_945 = tpu.memref_squeeze %dma_start3A_944 : memref<1x128xi32, #tpu.memory_space<vmem>> -> memref<128xi32, #tpu.memory_space<vmem>>
        %dma_start3A_946 = arith.constant 0 : i32
        %dma_start3A_947 = arith.constant 0 : i32
        %dma_start3A_948 = tpu.memref_slice %arg3[%dma_start3A_946, %dma_start3A_947] : memref<2000000x64xf32, #tpu.memory_space<hbm>> -> memref<2000000x64xf32, #tpu.memory_space<hbm>>
        tpu.enqueue_indirect_dma source(%dma_start3A_948 : memref<2000000x64xf32, #tpu.memory_space<hbm>>) target(%arg8 : memref<128x64xf32, #tpu.memory_space<vmem>>) offsets(%dma_start3A_945 : memref<128xi32, #tpu.memory_space<vmem>>) semaphore(%arg14 : memref<!tpu.dma_semaphore, #tpu.memory_space<semaphore_mem>>)
      } else {
      }
      %dma_start3A_667 = arith.constant 0 : i32
      %dma_start3A_668 = arith.constant 0 : i32
      %dma_start3A_669 = arith.constant 0 : i32
      %dma_start3A_670 = tpu.memref_slice %arg10[%dma_start3A_668, %dma_start3A_669] : memref<64x129xf32, #tpu.memory_space<vmem>> -> memref<8x128xf32, #tpu.memory_space<vmem>>
      %dma_start3A_671 = arith.constant 0 : i32
      %dma_start3A_672 = arith.constant 0 : i32
      %dma_start3A_673 = tpu.memref_slice %arg4[%shift_right_logical3A_639, %dma_start3A_667, %and3A_641, %dma_start3A_671, %dma_start3A_672] : memref<50x8x128x8x128xf32, #tpu.memory_space<hbm>> -> memref<1x1x1x8x128xf32, #tpu.memory_space<hbm>>
      %dma_start3A_674 = tpu.memref_squeeze %dma_start3A_673 : memref<1x1x1x8x128xf32, #tpu.memory_space<hbm>> -> memref<8x128xf32, #tpu.memory_space<hbm>>
      %dma_start3A_675 = arith.constant 0 : i32
      %dma_start3A_676 = arith.constant 0 : i32
      %dma_start3A_677 = tpu.memref_slice %arg4[%shift_right_logical3A_639, %dma_start3A_667, %and3A_641, %dma_start3A_675, %dma_start3A_676] : memref<50x8x128x8x128xf32, #tpu.memory_space<hbm>> -> memref<1x1x1x8x128xf32, #tpu.memory_space<hbm>>
      %dma_start3A_678 = tpu.memref_squeeze %dma_start3A_677 : memref<1x1x1x8x128xf32, #tpu.memory_space<hbm>> -> memref<8x128xf32, #tpu.memory_space<hbm>>
      %dma_start3A_679 = arith.constant 0 : i32
      %dma_start3A_680 = arith.constant 0 : i32
      %dma_start3A_681 = tpu.memref_slice %arg10[%dma_start3A_679, %dma_start3A_680] : memref<64x129xf32, #tpu.memory_space<vmem>> -> memref<8x128xf32, #tpu.memory_space<vmem>>
      tpu.enqueue_dma source(%dma_start3A_681 : memref<8x128xf32, #tpu.memory_space<vmem>>) target(%dma_start3A_678 : memref<8x128xf32, #tpu.memory_space<hbm>>) target_semaphore(%arg16 : memref<!tpu.dma_semaphore, #tpu.memory_space<semaphore_mem>>)
      %dma_start3A_682 = arith.constant 1 : i32
      %dma_start3A_683 = arith.constant 8 : i32
      %dma_start3A_684 = arith.constant 0 : i32
      %dma_start3A_685 = tpu.memref_slice %arg10[%dma_start3A_683, %dma_start3A_684] : memref<64x129xf32, #tpu.memory_space<vmem>> -> memref<8x128xf32, #tpu.memory_space<vmem>>
      %dma_start3A_686 = arith.constant 0 : i32
      %dma_start3A_687 = arith.constant 0 : i32
      %dma_start3A_688 = tpu.memref_slice %arg4[%shift_right_logical3A_639, %dma_start3A_682, %and3A_641, %dma_start3A_686, %dma_start3A_687] : memref<50x8x128x8x128xf32, #tpu.memory_space<hbm>> -> memref<1x1x1x8x128xf32, #tpu.memory_space<hbm>>
      %dma_start3A_689 = tpu.memref_squeeze %dma_start3A_688 : memref<1x1x1x8x128xf32, #tpu.memory_space<hbm>> -> memref<8x128xf32, #tpu.memory_space<hbm>>
      %dma_start3A_690 = arith.constant 0 : i32
      %dma_start3A_691 = arith.constant 0 : i32
      %dma_start3A_692 = tpu.memref_slice %arg4[%shift_right_logical3A_639, %dma_start3A_682, %and3A_641, %dma_start3A_690, %dma_start3A_691] : memref<50x8x128x8x128xf32, #tpu.memory_space<hbm>> -> memref<1x1x1x8x128xf32, #tpu.memory_space<hbm>>
      %dma_start3A_693 = tpu.memref_squeeze %dma_start3A_692 : memref<1x1x1x8x128xf32, #tpu.memory_space<hbm>> -> memref<8x128xf32, #tpu.memory_space<hbm>>
      %dma_start3A_694 = arith.constant 8 : i32
      %dma_start3A_695 = arith.constant 0 : i32
      %dma_start3A_696 = tpu.memref_slice %arg10[%dma_start3A_694, %dma_start3A_695] : memref<64x129xf32, #tpu.memory_space<vmem>> -> memref<8x128xf32, #tpu.memory_space<vmem>>
      tpu.enqueue_dma source(%dma_start3A_696 : memref<8x128xf32, #tpu.memory_space<vmem>>) target(%dma_start3A_693 : memref<8x128xf32, #tpu.memory_space<hbm>>) target_semaphore(%arg16 : memref<!tpu.dma_semaphore, #tpu.memory_space<semaphore_mem>>)
      %dma_start3A_697 = arith.constant 2 : i32
      %dma_start3A_698 = arith.constant 16 : i32
      %dma_start3A_699 = arith.constant 0 : i32
      %dma_start3A_700 = tpu.memref_slice %arg10[%dma_start3A_698, %dma_start3A_699] : memref<64x129xf32, #tpu.memory_space<vmem>> -> memref<8x128xf32, #tpu.memory_space<vmem>>
      %dma_start3A_701 = arith.constant 0 : i32
      %dma_start3A_702 = arith.constant 0 : i32
      %dma_start3A_703 = tpu.memref_slice %arg4[%shift_right_logical3A_639, %dma_start3A_697, %and3A_641, %dma_start3A_701, %dma_start3A_702] : memref<50x8x128x8x128xf32, #tpu.memory_space<hbm>> -> memref<1x1x1x8x128xf32, #tpu.memory_space<hbm>>
      %dma_start3A_704 = tpu.memref_squeeze %dma_start3A_703 : memref<1x1x1x8x128xf32, #tpu.memory_space<hbm>> -> memref<8x128xf32, #tpu.memory_space<hbm>>
      %dma_start3A_705 = arith.constant 0 : i32
      %dma_start3A_706 = arith.constant 0 : i32
      %dma_start3A_707 = tpu.memref_slice %arg4[%shift_right_logical3A_639, %dma_start3A_697, %and3A_641, %dma_start3A_705, %dma_start3A_706] : memref<50x8x128x8x128xf32, #tpu.memory_space<hbm>> -> memref<1x1x1x8x128xf32, #tpu.memory_space<hbm>>
      %dma_start3A_708 = tpu.memref_squeeze %dma_start3A_707 : memref<1x1x1x8x128xf32, #tpu.memory_space<hbm>> -> memref<8x128xf32, #tpu.memory_space<hbm>>
      %dma_start3A_709 = arith.constant 16 : i32
      %dma_start3A_710 = arith.constant 0 : i32
      %dma_start3A_711 = tpu.memref_slice %arg10[%dma_start3A_709, %dma_start3A_710] : memref<64x129xf32, #tpu.memory_space<vmem>> -> memref<8x128xf32, #tpu.memory_space<vmem>>
      tpu.enqueue_dma source(%dma_start3A_711 : memref<8x128xf32, #tpu.memory_space<vmem>>) target(%dma_start3A_708 : memref<8x128xf32, #tpu.memory_space<hbm>>) target_semaphore(%arg16 : memref<!tpu.dma_semaphore, #tpu.memory_space<semaphore_mem>>)
      %dma_start3A_712 = arith.constant 3 : i32
      %dma_start3A_713 = arith.constant 24 : i32
      %dma_start3A_714 = arith.constant 0 : i32
      %dma_start3A_715 = tpu.memref_slice %arg10[%dma_start3A_713, %dma_start3A_714] : memref<64x129xf32, #tpu.memory_space<vmem>> -> memref<8x128xf32, #tpu.memory_space<vmem>>
      %dma_start3A_716 = arith.constant 0 : i32
      %dma_start3A_717 = arith.constant 0 : i32
      %dma_start3A_718 = tpu.memref_slice %arg4[%shift_right_logical3A_639, %dma_start3A_712, %and3A_641, %dma_start3A_716, %dma_start3A_717] : memref<50x8x128x8x128xf32, #tpu.memory_space<hbm>> -> memref<1x1x1x8x128xf32, #tpu.memory_space<hbm>>
      %dma_start3A_719 = tpu.memref_squeeze %dma_start3A_718 : memref<1x1x1x8x128xf32, #tpu.memory_space<hbm>> -> memref<8x128xf32, #tpu.memory_space<hbm>>
      %dma_start3A_720 = arith.constant 0 : i32
      %dma_start3A_721 = arith.constant 0 : i32
      %dma_start3A_722 = tpu.memref_slice %arg4[%shift_right_logical3A_639, %dma_start3A_712, %and3A_641, %dma_start3A_720, %dma_start3A_721] : memref<50x8x128x8x128xf32, #tpu.memory_space<hbm>> -> memref<1x1x1x8x128xf32, #tpu.memory_space<hbm>>
      %dma_start3A_723 = tpu.memref_squeeze %dma_start3A_722 : memref<1x1x1x8x128xf32, #tpu.memory_space<hbm>> -> memref<8x128xf32, #tpu.memory_space<hbm>>
      %dma_start3A_724 = arith.constant 24 : i32
      %dma_start3A_725 = arith.constant 0 : i32
      %dma_start3A_726 = tpu.memref_slice %arg10[%dma_start3A_724, %dma_start3A_725] : memref<64x129xf32, #tpu.memory_space<vmem>> -> memref<8x128xf32, #tpu.memory_space<vmem>>
      tpu.enqueue_dma source(%dma_start3A_726 : memref<8x128xf32, #tpu.memory_space<vmem>>) target(%dma_start3A_723 : memref<8x128xf32, #tpu.memory_space<hbm>>) target_semaphore(%arg16 : memref<!tpu.dma_semaphore, #tpu.memory_space<semaphore_mem>>)
      %dma_start3A_727 = arith.constant 4 : i32
      %dma_start3A_728 = arith.constant 32 : i32
      %dma_start3A_729 = arith.constant 0 : i32
      %dma_start3A_730 = tpu.memref_slice %arg10[%dma_start3A_728, %dma_start3A_729] : memref<64x129xf32, #tpu.memory_space<vmem>> -> memref<8x128xf32, #tpu.memory_space<vmem>>
      %dma_start3A_731 = arith.constant 0 : i32
      %dma_start3A_732 = arith.constant 0 : i32
      %dma_start3A_733 = tpu.memref_slice %arg4[%shift_right_logical3A_639, %dma_start3A_727, %and3A_641, %dma_start3A_731, %dma_start3A_732] : memref<50x8x128x8x128xf32, #tpu.memory_space<hbm>> -> memref<1x1x1x8x128xf32, #tpu.memory_space<hbm>>
      %dma_start3A_734 = tpu.memref_squeeze %dma_start3A_733 : memref<1x1x1x8x128xf32, #tpu.memory_space<hbm>> -> memref<8x128xf32, #tpu.memory_space<hbm>>
      %dma_start3A_735 = arith.constant 0 : i32
      %dma_start3A_736 = arith.constant 0 : i32
      %dma_start3A_737 = tpu.memref_slice %arg4[%shift_right_logical3A_639, %dma_start3A_727, %and3A_641, %dma_start3A_735, %dma_start3A_736] : memref<50x8x128x8x128xf32, #tpu.memory_space<hbm>> -> memref<1x1x1x8x128xf32, #tpu.memory_space<hbm>>
      %dma_start3A_738 = tpu.memref_squeeze %dma_start3A_737 : memref<1x1x1x8x128xf32, #tpu.memory_space<hbm>> -> memref<8x128xf32, #tpu.memory_space<hbm>>
      %dma_start3A_739 = arith.constant 32 : i32
      %dma_start3A_740 = arith.constant 0 : i32
      %dma_start3A_741 = tpu.memref_slice %arg10[%dma_start3A_739, %dma_start3A_740] : memref<64x129xf32, #tpu.memory_space<vmem>> -> memref<8x128xf32, #tpu.memory_space<vmem>>
      tpu.enqueue_dma source(%dma_start3A_741 : memref<8x128xf32, #tpu.memory_space<vmem>>) target(%dma_start3A_738 : memref<8x128xf32, #tpu.memory_space<hbm>>) target_semaphore(%arg16 : memref<!tpu.dma_semaphore, #tpu.memory_space<semaphore_mem>>)
      %dma_start3A_742 = arith.constant 5 : i32
      %dma_start3A_743 = arith.constant 40 : i32
      %dma_start3A_744 = arith.constant 0 : i32
      %dma_start3A_745 = tpu.memref_slice %arg10[%dma_start3A_743, %dma_start3A_744] : memref<64x129xf32, #tpu.memory_space<vmem>> -> memref<8x128xf32, #tpu.memory_space<vmem>>
      %dma_start3A_746 = arith.constant 0 : i32
      %dma_start3A_747 = arith.constant 0 : i32
      %dma_start3A_748 = tpu.memref_slice %arg4[%shift_right_logical3A_639, %dma_start3A_742, %and3A_641, %dma_start3A_746, %dma_start3A_747] : memref<50x8x128x8x128xf32, #tpu.memory_space<hbm>> -> memref<1x1x1x8x128xf32, #tpu.memory_space<hbm>>
      %dma_start3A_749 = tpu.memref_squeeze %dma_start3A_748 : memref<1x1x1x8x128xf32, #tpu.memory_space<hbm>> -> memref<8x128xf32, #tpu.memory_space<hbm>>
      %dma_start3A_750 = arith.constant 0 : i32
      %dma_start3A_751 = arith.constant 0 : i32
      %dma_start3A_752 = tpu.memref_slice %arg4[%shift_right_logical3A_639, %dma_start3A_742, %and3A_641, %dma_start3A_750, %dma_start3A_751] : memref<50x8x128x8x128xf32, #tpu.memory_space<hbm>> -> memref<1x1x1x8x128xf32, #tpu.memory_space<hbm>>
      %dma_start3A_753 = tpu.memref_squeeze %dma_start3A_752 : memref<1x1x1x8x128xf32, #tpu.memory_space<hbm>> -> memref<8x128xf32, #tpu.memory_space<hbm>>
      %dma_start3A_754 = arith.constant 40 : i32
      %dma_start3A_755 = arith.constant 0 : i32
      %dma_start3A_756 = tpu.memref_slice %arg10[%dma_start3A_754, %dma_start3A_755] : memref<64x129xf32, #tpu.memory_space<vmem>> -> memref<8x128xf32, #tpu.memory_space<vmem>>
      tpu.enqueue_dma source(%dma_start3A_756 : memref<8x128xf32, #tpu.memory_space<vmem>>) target(%dma_start3A_753 : memref<8x128xf32, #tpu.memory_space<hbm>>) target_semaphore(%arg16 : memref<!tpu.dma_semaphore, #tpu.memory_space<semaphore_mem>>)
      %dma_start3A_757 = arith.constant 6 : i32
      %dma_start3A_758 = arith.constant 48 : i32
      %dma_start3A_759 = arith.constant 0 : i32
      %dma_start3A_760 = tpu.memref_slice %arg10[%dma_start3A_758, %dma_start3A_759] : memref<64x129xf32, #tpu.memory_space<vmem>> -> memref<8x128xf32, #tpu.memory_space<vmem>>
      %dma_start3A_761 = arith.constant 0 : i32
      %dma_start3A_762 = arith.constant 0 : i32
      %dma_start3A_763 = tpu.memref_slice %arg4[%shift_right_logical3A_639, %dma_start3A_757, %and3A_641, %dma_start3A_761, %dma_start3A_762] : memref<50x8x128x8x128xf32, #tpu.memory_space<hbm>> -> memref<1x1x1x8x128xf32, #tpu.memory_space<hbm>>
      %dma_start3A_764 = tpu.memref_squeeze %dma_start3A_763 : memref<1x1x1x8x128xf32, #tpu.memory_space<hbm>> -> memref<8x128xf32, #tpu.memory_space<hbm>>
      %dma_start3A_765 = arith.constant 0 : i32
      %dma_start3A_766 = arith.constant 0 : i32
      %dma_start3A_767 = tpu.memref_slice %arg4[%shift_right_logical3A_639, %dma_start3A_757, %and3A_641, %dma_start3A_765, %dma_start3A_766] : memref<50x8x128x8x128xf32, #tpu.memory_space<hbm>> -> memref<1x1x1x8x128xf32, #tpu.memory_space<hbm>>
      %dma_start3A_768 = tpu.memref_squeeze %dma_start3A_767 : memref<1x1x1x8x128xf32, #tpu.memory_space<hbm>> -> memref<8x128xf32, #tpu.memory_space<hbm>>
      %dma_start3A_769 = arith.constant 48 : i32
      %dma_start3A_770 = arith.constant 0 : i32
      %dma_start3A_771 = tpu.memref_slice %arg10[%dma_start3A_769, %dma_start3A_770] : memref<64x129xf32, #tpu.memory_space<vmem>> -> memref<8x128xf32, #tpu.memory_space<vmem>>
      tpu.enqueue_dma source(%dma_start3A_771 : memref<8x128xf32, #tpu.memory_space<vmem>>) target(%dma_start3A_768 : memref<8x128xf32, #tpu.memory_space<hbm>>) target_semaphore(%arg16 : memref<!tpu.dma_semaphore, #tpu.memory_space<semaphore_mem>>)
      %dma_start3A_772 = arith.constant 7 : i32
      %dma_start3A_773 = arith.constant 56 : i32
      %dma_start3A_774 = arith.constant 0 : i32
      %dma_start3A_775 = tpu.memref_slice %arg10[%dma_start3A_773, %dma_start3A_774] : memref<64x129xf32, #tpu.memory_space<vmem>> -> memref<8x128xf32, #tpu.memory_space<vmem>>
      %dma_start3A_776 = arith.constant 0 : i32
      %dma_start3A_777 = arith.constant 0 : i32
      %dma_start3A_778 = tpu.memref_slice %arg4[%shift_right_logical3A_639, %dma_start3A_772, %and3A_641, %dma_start3A_776, %dma_start3A_777] : memref<50x8x128x8x128xf32, #tpu.memory_space<hbm>> -> memref<1x1x1x8x128xf32, #tpu.memory_space<hbm>>
      %dma_start3A_779 = tpu.memref_squeeze %dma_start3A_778 : memref<1x1x1x8x128xf32, #tpu.memory_space<hbm>> -> memref<8x128xf32, #tpu.memory_space<hbm>>
      %dma_start3A_780 = arith.constant 0 : i32
      %dma_start3A_781 = arith.constant 0 : i32
      %dma_start3A_782 = tpu.memref_slice %arg4[%shift_right_logical3A_639, %dma_start3A_772, %and3A_641, %dma_start3A_780, %dma_start3A_781] : memref<50x8x128x8x128xf32, #tpu.memory_space<hbm>> -> memref<1x1x1x8x128xf32, #tpu.memory_space<hbm>>
      %dma_start3A_783 = tpu.memref_squeeze %dma_start3A_782 : memref<1x1x1x8x128xf32, #tpu.memory_space<hbm>> -> memref<8x128xf32, #tpu.memory_space<hbm>>
      %dma_start3A_784 = arith.constant 56 : i32
      %dma_start3A_785 = arith.constant 0 : i32
      %dma_start3A_786 = tpu.memref_slice %arg10[%dma_start3A_784, %dma_start3A_785] : memref<64x129xf32, #tpu.memory_space<vmem>> -> memref<8x128xf32, #tpu.memory_space<vmem>>
      tpu.enqueue_dma source(%dma_start3A_786 : memref<8x128xf32, #tpu.memory_space<vmem>>) target(%dma_start3A_783 : memref<8x128xf32, #tpu.memory_space<hbm>>) target_semaphore(%arg16 : memref<!tpu.dma_semaphore, #tpu.memory_space<semaphore_mem>>)
      %mul3A_787 = arith.constant 4 : i32
      %mul3A_788 = arith.muli %scan3A_330, %mul3A_787 : i32
      %add3A_789 = arith.constant 3 : i32
      %add3A_790 = arith.addi %mul3A_788, %add3A_789 : i32
      %add3A_791 = arith.addi %mul3A_2, %add3A_790 : i32
      %shift_right_logical3A_792 = arith.constant 7 : i32
      %shift_right_logical3A_793 = arith.shrui %add3A_791, %shift_right_logical3A_792 : i32
      %and3A_794 = arith.constant 127 : i32
      %and3A_795 = arith.andi %add3A_791, %and3A_794 : i32
      %dma_wait3A_796 = arith.constant 0 : i32
      %dma_wait3A_797 = arith.constant 0 : i32
      %dma_wait3A_798 = tpu.memref_slice %arg5[%dma_wait3A_796, %dma_wait3A_797] : memref<200x128xi32, #tpu.memory_space<vmem>> -> memref<1x128xi32, #tpu.memory_space<vmem>>
      %dma_wait3A_799 = tpu.memref_squeeze %dma_wait3A_798 : memref<1x128xi32, #tpu.memory_space<vmem>> -> memref<128xi32, #tpu.memory_space<vmem>>
      %dma_wait3A_800 = arith.constant 0 : i32
      %dma_wait3A_801 = arith.constant 0 : i32
      %dma_wait3A_802 = tpu.memref_slice %arg3[%dma_wait3A_800, %dma_wait3A_801] : memref<2000000x64xf32, #tpu.memory_space<hbm>> -> memref<2000000x64xf32, #tpu.memory_space<hbm>>
      tpu.wait_indirect_dma semaphore(%arg15 : memref<!tpu.dma_semaphore, #tpu.memory_space<semaphore_mem>>) src(%dma_wait3A_802 : memref<2000000x64xf32, #tpu.memory_space<hbm>>) dst(%arg9 : memref<128x64xf32, #tpu.memory_space<vmem>>)
      %ge3A_803 = arith.constant 2 : i32
      %ge3A_804 = arith.cmpi sge, %add3A_790, %ge3A_803 : i32
      %convert_element_type3A_805 = arith.extui %ge3A_804 : i1 to i32
      %cond3A_806 = arith.constant 0 : i32
      %cond3A_807 = arith.cmpi ne, %convert_element_type3A_805, %cond3A_806 : i32
      scf.if %cond3A_807 {
        %dma_wait3A_941 = arith.constant 0 : i32
        %dma_wait3A_942 = arith.constant 0 : i32
        %dma_wait3A_943 = arith.constant 0 : i32
        %dma_wait3A_944 = arith.constant 0 : i32
        %dma_wait3A_945 = arith.constant 0 : i32
        %dma_wait3A_946 = tpu.memref_slice %arg11[%dma_wait3A_944, %dma_wait3A_945] : memref<64x129xf32, #tpu.memory_space<vmem>> -> memref<8x128xf32, #tpu.memory_space<vmem>>
        %dma_wait3A_947 = arith.constant 0 : i32
        %dma_wait3A_948 = arith.constant 0 : i32
        %dma_wait3A_949 = tpu.memref_slice %arg4[%dma_wait3A_941, %dma_wait3A_942, %dma_wait3A_943, %dma_wait3A_947, %dma_wait3A_948] : memref<50x8x128x8x128xf32, #tpu.memory_space<hbm>> -> memref<1x1x1x8x128xf32, #tpu.memory_space<hbm>>
        %dma_wait3A_950 = tpu.memref_squeeze %dma_wait3A_949 : memref<1x1x1x8x128xf32, #tpu.memory_space<hbm>> -> memref<8x128xf32, #tpu.memory_space<hbm>>
        %dma_wait3A_951 = arith.constant 0 : i32
        %dma_wait3A_952 = arith.constant 0 : i32
        %dma_wait3A_953 = tpu.memref_slice %arg4[%dma_wait3A_941, %dma_wait3A_942, %dma_wait3A_943, %dma_wait3A_951, %dma_wait3A_952] : memref<50x8x128x8x128xf32, #tpu.memory_space<hbm>> -> memref<1x1x1x8x128xf32, #tpu.memory_space<hbm>>
        %dma_wait3A_954 = tpu.memref_squeeze %dma_wait3A_953 : memref<1x1x1x8x128xf32, #tpu.memory_space<hbm>> -> memref<8x128xf32, #tpu.memory_space<hbm>>
        %dma_wait3A_955 = arith.constant 0 : i32
        %dma_wait3A_956 = arith.constant 0 : i32
        %dma_wait3A_957 = tpu.memref_slice %arg11[%dma_wait3A_955, %dma_wait3A_956] : memref<64x129xf32, #tpu.memory_space<vmem>> -> memref<8x128xf32, #tpu.memory_space<vmem>>
        tpu.wait_dma2 semaphore(%arg17 : memref<!tpu.dma_semaphore, #tpu.memory_space<semaphore_mem>>) src(%dma_wait3A_957 : memref<8x128xf32, #tpu.memory_space<vmem>>) dst(%dma_wait3A_954 : memref<8x128xf32, #tpu.memory_space<hbm>>)
        %dma_wait3A_958 = arith.constant 0 : i32
        %dma_wait3A_959 = arith.constant 0 : i32
        %dma_wait3A_960 = arith.constant 0 : i32
        %dma_wait3A_961 = arith.constant 0 : i32
        %dma_wait3A_962 = arith.constant 0 : i32
        %dma_wait3A_963 = tpu.memref_slice %arg11[%dma_wait3A_961, %dma_wait3A_962] : memref<64x129xf32, #tpu.memory_space<vmem>> -> memref<8x128xf32, #tpu.memory_space<vmem>>
        %dma_wait3A_964 = arith.constant 0 : i32
        %dma_wait3A_965 = arith.constant 0 : i32
        %dma_wait3A_966 = tpu.memref_slice %arg4[%dma_wait3A_958, %dma_wait3A_959, %dma_wait3A_960, %dma_wait3A_964, %dma_wait3A_965] : memref<50x8x128x8x128xf32, #tpu.memory_space<hbm>> -> memref<1x1x1x8x128xf32, #tpu.memory_space<hbm>>
        %dma_wait3A_967 = tpu.memref_squeeze %dma_wait3A_966 : memref<1x1x1x8x128xf32, #tpu.memory_space<hbm>> -> memref<8x128xf32, #tpu.memory_space<hbm>>
        %dma_wait3A_968 = arith.constant 0 : i32
        %dma_wait3A_969 = arith.constant 0 : i32
        %dma_wait3A_970 = tpu.memref_slice %arg4[%dma_wait3A_958, %dma_wait3A_959, %dma_wait3A_960, %dma_wait3A_968, %dma_wait3A_969] : memref<50x8x128x8x128xf32, #tpu.memory_space<hbm>> -> memref<1x1x1x8x128xf32, #tpu.memory_space<hbm>>
        %dma_wait3A_971 = tpu.memref_squeeze %dma_wait3A_970 : memref<1x1x1x8x128xf32, #tpu.memory_space<hbm>> -> memref<8x128xf32, #tpu.memory_space<hbm>>
        %dma_wait3A_972 = arith.constant 0 : i32
        %dma_wait3A_973 = arith.constant 0 : i32
        %dma_wait3A_974 = tpu.memref_slice %arg11[%dma_wait3A_972, %dma_wait3A_973] : memref<64x129xf32, #tpu.memory_space<vmem>> -> memref<8x128xf32, #tpu.memory_space<vmem>>
        tpu.wait_dma2 semaphore(%arg17 : memref<!tpu.dma_semaphore, #tpu.memory_space<semaphore_mem>>) src(%dma_wait3A_974 : memref<8x128xf32, #tpu.memory_space<vmem>>) dst(%dma_wait3A_971 : memref<8x128xf32, #tpu.memory_space<hbm>>)
        %dma_wait3A_975 = arith.constant 0 : i32
        %dma_wait3A_976 = arith.constant 0 : i32
        %dma_wait3A_977 = arith.constant 0 : i32
        %dma_wait3A_978 = arith.constant 0 : i32
        %dma_wait3A_979 = arith.constant 0 : i32
        %dma_wait3A_980 = tpu.memref_slice %arg11[%dma_wait3A_978, %dma_wait3A_979] : memref<64x129xf32, #tpu.memory_space<vmem>> -> memref<8x128xf32, #tpu.memory_space<vmem>>
        %dma_wait3A_981 = arith.constant 0 : i32
        %dma_wait3A_982 = arith.constant 0 : i32
        %dma_wait3A_983 = tpu.memref_slice %arg4[%dma_wait3A_975, %dma_wait3A_976, %dma_wait3A_977, %dma_wait3A_981, %dma_wait3A_982] : memref<50x8x128x8x128xf32, #tpu.memory_space<hbm>> -> memref<1x1x1x8x128xf32, #tpu.memory_space<hbm>>
        %dma_wait3A_984 = tpu.memref_squeeze %dma_wait3A_983 : memref<1x1x1x8x128xf32, #tpu.memory_space<hbm>> -> memref<8x128xf32, #tpu.memory_space<hbm>>
        %dma_wait3A_985 = arith.constant 0 : i32
        %dma_wait3A_986 = arith.constant 0 : i32
        %dma_wait3A_987 = tpu.memref_slice %arg4[%dma_wait3A_975, %dma_wait3A_976, %dma_wait3A_977, %dma_wait3A_985, %dma_wait3A_986] : memref<50x8x128x8x128xf32, #tpu.memory_space<hbm>> -> memref<1x1x1x8x128xf32, #tpu.memory_space<hbm>>
        %dma_wait3A_988 = tpu.memref_squeeze %dma_wait3A_987 : memref<1x1x1x8x128xf32, #tpu.memory_space<hbm>> -> memref<8x128xf32, #tpu.memory_space<hbm>>
        %dma_wait3A_989 = arith.constant 0 : i32
        %dma_wait3A_990 = arith.constant 0 : i32
        %dma_wait3A_991 = tpu.memref_slice %arg11[%dma_wait3A_989, %dma_wait3A_990] : memref<64x129xf32, #tpu.memory_space<vmem>> -> memref<8x128xf32, #tpu.memory_space<vmem>>
        tpu.wait_dma2 semaphore(%arg17 : memref<!tpu.dma_semaphore, #tpu.memory_space<semaphore_mem>>) src(%dma_wait3A_991 : memref<8x128xf32, #tpu.memory_space<vmem>>) dst(%dma_wait3A_988 : memref<8x128xf32, #tpu.memory_space<hbm>>)
        %dma_wait3A_992 = arith.constant 0 : i32
        %dma_wait3A_993 = arith.constant 0 : i32
        %dma_wait3A_994 = arith.constant 0 : i32
        %dma_wait3A_995 = arith.constant 0 : i32
        %dma_wait3A_996 = arith.constant 0 : i32
        %dma_wait3A_997 = tpu.memref_slice %arg11[%dma_wait3A_995, %dma_wait3A_996] : memref<64x129xf32, #tpu.memory_space<vmem>> -> memref<8x128xf32, #tpu.memory_space<vmem>>
        %dma_wait3A_998 = arith.constant 0 : i32
        %dma_wait3A_999 = arith.constant 0 : i32
        %dma_wait3A_1000 = tpu.memref_slice %arg4[%dma_wait3A_992, %dma_wait3A_993, %dma_wait3A_994, %dma_wait3A_998, %dma_wait3A_999] : memref<50x8x128x8x128xf32, #tpu.memory_space<hbm>> -> memref<1x1x1x8x128xf32, #tpu.memory_space<hbm>>
        %dma_wait3A_1001 = tpu.memref_squeeze %dma_wait3A_1000 : memref<1x1x1x8x128xf32, #tpu.memory_space<hbm>> -> memref<8x128xf32, #tpu.memory_space<hbm>>
        %dma_wait3A_1002 = arith.constant 0 : i32
        %dma_wait3A_1003 = arith.constant 0 : i32
        %dma_wait3A_1004 = tpu.memref_slice %arg4[%dma_wait3A_992, %dma_wait3A_993, %dma_wait3A_994, %dma_wait3A_1002, %dma_wait3A_1003] : memref<50x8x128x8x128xf32, #tpu.memory_space<hbm>> -> memref<1x1x1x8x128xf32, #tpu.memory_space<hbm>>
        %dma_wait3A_1005 = tpu.memref_squeeze %dma_wait3A_1004 : memref<1x1x1x8x128xf32, #tpu.memory_space<hbm>> -> memref<8x128xf32, #tpu.memory_space<hbm>>
        %dma_wait3A_1006 = arith.constant 0 : i32
        %dma_wait3A_1007 = arith.constant 0 : i32
        %dma_wait3A_1008 = tpu.memref_slice %arg11[%dma_wait3A_1006, %dma_wait3A_1007] : memref<64x129xf32, #tpu.memory_space<vmem>> -> memref<8x128xf32, #tpu.memory_space<vmem>>
        tpu.wait_dma2 semaphore(%arg17 : memref<!tpu.dma_semaphore, #tpu.memory_space<semaphore_mem>>) src(%dma_wait3A_1008 : memref<8x128xf32, #tpu.memory_space<vmem>>) dst(%dma_wait3A_1005 : memref<8x128xf32, #tpu.memory_space<hbm>>)
        %dma_wait3A_1009 = arith.constant 0 : i32
        %dma_wait3A_1010 = arith.constant 0 : i32
        %dma_wait3A_1011 = arith.constant 0 : i32
        %dma_wait3A_1012 = arith.constant 0 : i32
        %dma_wait3A_1013 = arith.constant 0 : i32
        %dma_wait3A_1014 = tpu.memref_slice %arg11[%dma_wait3A_1012, %dma_wait3A_1013] : memref<64x129xf32, #tpu.memory_space<vmem>> -> memref<8x128xf32, #tpu.memory_space<vmem>>
        %dma_wait3A_1015 = arith.constant 0 : i32
        %dma_wait3A_1016 = arith.constant 0 : i32
        %dma_wait3A_1017 = tpu.memref_slice %arg4[%dma_wait3A_1009, %dma_wait3A_1010, %dma_wait3A_1011, %dma_wait3A_1015, %dma_wait3A_1016] : memref<50x8x128x8x128xf32, #tpu.memory_space<hbm>> -> memref<1x1x1x8x128xf32, #tpu.memory_space<hbm>>
        %dma_wait3A_1018 = tpu.memref_squeeze %dma_wait3A_1017 : memref<1x1x1x8x128xf32, #tpu.memory_space<hbm>> -> memref<8x128xf32, #tpu.memory_space<hbm>>
        %dma_wait3A_1019 = arith.constant 0 : i32
        %dma_wait3A_1020 = arith.constant 0 : i32
        %dma_wait3A_1021 = tpu.memref_slice %arg4[%dma_wait3A_1009, %dma_wait3A_1010, %dma_wait3A_1011, %dma_wait3A_1019, %dma_wait3A_1020] : memref<50x8x128x8x128xf32, #tpu.memory_space<hbm>> -> memref<1x1x1x8x128xf32, #tpu.memory_space<hbm>>
        %dma_wait3A_1022 = tpu.memref_squeeze %dma_wait3A_1021 : memref<1x1x1x8x128xf32, #tpu.memory_space<hbm>> -> memref<8x128xf32, #tpu.memory_space<hbm>>
        %dma_wait3A_1023 = arith.constant 0 : i32
        %dma_wait3A_1024 = arith.constant 0 : i32
        %dma_wait3A_1025 = tpu.memref_slice %arg11[%dma_wait3A_1023, %dma_wait3A_1024] : memref<64x129xf32, #tpu.memory_space<vmem>> -> memref<8x128xf32, #tpu.memory_space<vmem>>
        tpu.wait_dma2 semaphore(%arg17 : memref<!tpu.dma_semaphore, #tpu.memory_space<semaphore_mem>>) src(%dma_wait3A_1025 : memref<8x128xf32, #tpu.memory_space<vmem>>) dst(%dma_wait3A_1022 : memref<8x128xf32, #tpu.memory_space<hbm>>)
        %dma_wait3A_1026 = arith.constant 0 : i32
        %dma_wait3A_1027 = arith.constant 0 : i32
        %dma_wait3A_1028 = arith.constant 0 : i32
        %dma_wait3A_1029 = arith.constant 0 : i32
        %dma_wait3A_1030 = arith.constant 0 : i32
        %dma_wait3A_1031 = tpu.memref_slice %arg11[%dma_wait3A_1029, %dma_wait3A_1030] : memref<64x129xf32, #tpu.memory_space<vmem>> -> memref<8x128xf32, #tpu.memory_space<vmem>>
        %dma_wait3A_1032 = arith.constant 0 : i32
        %dma_wait3A_1033 = arith.constant 0 : i32
        %dma_wait3A_1034 = tpu.memref_slice %arg4[%dma_wait3A_1026, %dma_wait3A_1027, %dma_wait3A_1028, %dma_wait3A_1032, %dma_wait3A_1033] : memref<50x8x128x8x128xf32, #tpu.memory_space<hbm>> -> memref<1x1x1x8x128xf32, #tpu.memory_space<hbm>>
        %dma_wait3A_1035 = tpu.memref_squeeze %dma_wait3A_1034 : memref<1x1x1x8x128xf32, #tpu.memory_space<hbm>> -> memref<8x128xf32, #tpu.memory_space<hbm>>
        %dma_wait3A_1036 = arith.constant 0 : i32
        %dma_wait3A_1037 = arith.constant 0 : i32
        %dma_wait3A_1038 = tpu.memref_slice %arg4[%dma_wait3A_1026, %dma_wait3A_1027, %dma_wait3A_1028, %dma_wait3A_1036, %dma_wait3A_1037] : memref<50x8x128x8x128xf32, #tpu.memory_space<hbm>> -> memref<1x1x1x8x128xf32, #tpu.memory_space<hbm>>
        %dma_wait3A_1039 = tpu.memref_squeeze %dma_wait3A_1038 : memref<1x1x1x8x128xf32, #tpu.memory_space<hbm>> -> memref<8x128xf32, #tpu.memory_space<hbm>>
        %dma_wait3A_1040 = arith.constant 0 : i32
        %dma_wait3A_1041 = arith.constant 0 : i32
        %dma_wait3A_1042 = tpu.memref_slice %arg11[%dma_wait3A_1040, %dma_wait3A_1041] : memref<64x129xf32, #tpu.memory_space<vmem>> -> memref<8x128xf32, #tpu.memory_space<vmem>>
        tpu.wait_dma2 semaphore(%arg17 : memref<!tpu.dma_semaphore, #tpu.memory_space<semaphore_mem>>) src(%dma_wait3A_1042 : memref<8x128xf32, #tpu.memory_space<vmem>>) dst(%dma_wait3A_1039 : memref<8x128xf32, #tpu.memory_space<hbm>>)
        %dma_wait3A_1043 = arith.constant 0 : i32
        %dma_wait3A_1044 = arith.constant 0 : i32
        %dma_wait3A_1045 = arith.constant 0 : i32
        %dma_wait3A_1046 = arith.constant 0 : i32
        %dma_wait3A_1047 = arith.constant 0 : i32
        %dma_wait3A_1048 = tpu.memref_slice %arg11[%dma_wait3A_1046, %dma_wait3A_1047] : memref<64x129xf32, #tpu.memory_space<vmem>> -> memref<8x128xf32, #tpu.memory_space<vmem>>
        %dma_wait3A_1049 = arith.constant 0 : i32
        %dma_wait3A_1050 = arith.constant 0 : i32
        %dma_wait3A_1051 = tpu.memref_slice %arg4[%dma_wait3A_1043, %dma_wait3A_1044, %dma_wait3A_1045, %dma_wait3A_1049, %dma_wait3A_1050] : memref<50x8x128x8x128xf32, #tpu.memory_space<hbm>> -> memref<1x1x1x8x128xf32, #tpu.memory_space<hbm>>
        %dma_wait3A_1052 = tpu.memref_squeeze %dma_wait3A_1051 : memref<1x1x1x8x128xf32, #tpu.memory_space<hbm>> -> memref<8x128xf32, #tpu.memory_space<hbm>>
        %dma_wait3A_1053 = arith.constant 0 : i32
        %dma_wait3A_1054 = arith.constant 0 : i32
        %dma_wait3A_1055 = tpu.memref_slice %arg4[%dma_wait3A_1043, %dma_wait3A_1044, %dma_wait3A_1045, %dma_wait3A_1053, %dma_wait3A_1054] : memref<50x8x128x8x128xf32, #tpu.memory_space<hbm>> -> memref<1x1x1x8x128xf32, #tpu.memory_space<hbm>>
        %dma_wait3A_1056 = tpu.memref_squeeze %dma_wait3A_1055 : memref<1x1x1x8x128xf32, #tpu.memory_space<hbm>> -> memref<8x128xf32, #tpu.memory_space<hbm>>
        %dma_wait3A_1057 = arith.constant 0 : i32
        %dma_wait3A_1058 = arith.constant 0 : i32
        %dma_wait3A_1059 = tpu.memref_slice %arg11[%dma_wait3A_1057, %dma_wait3A_1058] : memref<64x129xf32, #tpu.memory_space<vmem>> -> memref<8x128xf32, #tpu.memory_space<vmem>>
        tpu.wait_dma2 semaphore(%arg17 : memref<!tpu.dma_semaphore, #tpu.memory_space<semaphore_mem>>) src(%dma_wait3A_1059 : memref<8x128xf32, #tpu.memory_space<vmem>>) dst(%dma_wait3A_1056 : memref<8x128xf32, #tpu.memory_space<hbm>>)
        %dma_wait3A_1060 = arith.constant 0 : i32
        %dma_wait3A_1061 = arith.constant 0 : i32
        %dma_wait3A_1062 = arith.constant 0 : i32
        %dma_wait3A_1063 = arith.constant 0 : i32
        %dma_wait3A_1064 = arith.constant 0 : i32
        %dma_wait3A_1065 = tpu.memref_slice %arg11[%dma_wait3A_1063, %dma_wait3A_1064] : memref<64x129xf32, #tpu.memory_space<vmem>> -> memref<8x128xf32, #tpu.memory_space<vmem>>
        %dma_wait3A_1066 = arith.constant 0 : i32
        %dma_wait3A_1067 = arith.constant 0 : i32
        %dma_wait3A_1068 = tpu.memref_slice %arg4[%dma_wait3A_1060, %dma_wait3A_1061, %dma_wait3A_1062, %dma_wait3A_1066, %dma_wait3A_1067] : memref<50x8x128x8x128xf32, #tpu.memory_space<hbm>> -> memref<1x1x1x8x128xf32, #tpu.memory_space<hbm>>
        %dma_wait3A_1069 = tpu.memref_squeeze %dma_wait3A_1068 : memref<1x1x1x8x128xf32, #tpu.memory_space<hbm>> -> memref<8x128xf32, #tpu.memory_space<hbm>>
        %dma_wait3A_1070 = arith.constant 0 : i32
        %dma_wait3A_1071 = arith.constant 0 : i32
        %dma_wait3A_1072 = tpu.memref_slice %arg4[%dma_wait3A_1060, %dma_wait3A_1061, %dma_wait3A_1062, %dma_wait3A_1070, %dma_wait3A_1071] : memref<50x8x128x8x128xf32, #tpu.memory_space<hbm>> -> memref<1x1x1x8x128xf32, #tpu.memory_space<hbm>>
        %dma_wait3A_1073 = tpu.memref_squeeze %dma_wait3A_1072 : memref<1x1x1x8x128xf32, #tpu.memory_space<hbm>> -> memref<8x128xf32, #tpu.memory_space<hbm>>
        %dma_wait3A_1074 = arith.constant 0 : i32
        %dma_wait3A_1075 = arith.constant 0 : i32
        %dma_wait3A_1076 = tpu.memref_slice %arg11[%dma_wait3A_1074, %dma_wait3A_1075] : memref<64x129xf32, #tpu.memory_space<vmem>> -> memref<8x128xf32, #tpu.memory_space<vmem>>
        tpu.wait_dma2 semaphore(%arg17 : memref<!tpu.dma_semaphore, #tpu.memory_space<semaphore_mem>>) src(%dma_wait3A_1076 : memref<8x128xf32, #tpu.memory_space<vmem>>) dst(%dma_wait3A_1073 : memref<8x128xf32, #tpu.memory_space<hbm>>)
      } else {
      }
      %scan3A_808 = arith.constant 0 : i32
      %scan3A_809 = arith.constant 0 : i32
      %scan3A_810 = arith.constant 32 : i32
      %scan3A_811 = arith.addi %scan3A_809, %scan3A_810 : i32
      %scan3A_812 = arith.constant 1 : i32
      scf.for %scan3A_941 = %scan3A_809 to %scan3A_811 step %scan3A_812  : i32 {
        %mul3A_942 = arith.constant 4 : i32
        %mul3A_943 = arith.muli %scan3A_941, %mul3A_942 : i32
        %broadcast_in_dim3A = arith.constant 0 : i32
        %broadcast_in_dim3A_944 = vector.broadcast %broadcast_in_dim3A : i32 to vector<16xi32>
        %add3A_945 = arith.constant 0 : i32
        %add3A_946 = arith.addi %mul3A_943, %add3A_945 : i32
        %add3A_947 = vector.broadcast %add3A_946 : i32 to vector<16xi32>
        %add3A_948 = arith.addi %broadcast_in_dim3A_944, %add3A_947 : vector<16xi32>
        %add3A_949 = arith.constant 0 : i32
        %add3A_950 = arith.addi %mul3A_943, %add3A_949 : i32
        %get3A = arith.index_cast %add3A_950 : i32 to index
        %get3A_951 = arith.constant 0 : index
        %get3A_952 = tpu.vector_load %arg9[%get3A, %get3A_951] {strides = array<i32>} : memref<128x64xf32, #tpu.memory_space<vmem>>, vector<16xf32>,
        tpu.vector_store_idx %arg11[%add3A_5, %add3A_948], %get3A_952 : memref<64x129xf32, #tpu.memory_space<vmem>>[vector<16xi32>, vector<16xi32>], vector<16xf32>,
        %add3A_953 = arith.constant 0 : i32
        %add3A_954 = arith.addi %mul3A_943, %add3A_953 : i32
        %get3A_955 = arith.index_cast %add3A_954 : i32 to index
        %get3A_956 = arith.constant 16 : index
        %get3A_957 = tpu.vector_load %arg9[%get3A_955, %get3A_956] {strides = array<i32>} : memref<128x64xf32, #tpu.memory_space<vmem>>, vector<16xf32>,
        tpu.vector_store_idx %arg11[%add3A_8, %add3A_948], %get3A_957 : memref<64x129xf32, #tpu.memory_space<vmem>>[vector<16xi32>, vector<16xi32>], vector<16xf32>,
        %add3A_958 = arith.constant 0 : i32
        %add3A_959 = arith.addi %mul3A_943, %add3A_958 : i32
        %get3A_960 = arith.index_cast %add3A_959 : i32 to index
        %get3A_961 = arith.constant 32 : index
        %get3A_962 = tpu.vector_load %arg9[%get3A_960, %get3A_961] {strides = array<i32>} : memref<128x64xf32, #tpu.memory_space<vmem>>, vector<16xf32>,
        tpu.vector_store_idx %arg11[%add3A_11, %add3A_948], %get3A_962 : memref<64x129xf32, #tpu.memory_space<vmem>>[vector<16xi32>, vector<16xi32>], vector<16xf32>,
        %add3A_963 = arith.constant 0 : i32
        %add3A_964 = arith.addi %mul3A_943, %add3A_963 : i32
        %get3A_965 = arith.index_cast %add3A_964 : i32 to index
        %get3A_966 = arith.constant 48 : index
        %get3A_967 = tpu.vector_load %arg9[%get3A_965, %get3A_966] {strides = array<i32>} : memref<128x64xf32, #tpu.memory_space<vmem>>, vector<16xf32>,
        tpu.vector_store_idx %arg11[%add3A_14, %add3A_948], %get3A_967 : memref<64x129xf32, #tpu.memory_space<vmem>>[vector<16xi32>, vector<16xi32>], vector<16xf32>,
        %broadcast_in_dim3A_968 = arith.constant 0 : i32
        %broadcast_in_dim3A_969 = vector.broadcast %broadcast_in_dim3A_968 : i32 to vector<16xi32>
        %add3A_970 = arith.constant 1 : i32
        %add3A_971 = arith.addi %mul3A_943, %add3A_970 : i32
        %add3A_972 = vector.broadcast %add3A_971 : i32 to vector<16xi32>
        %add3A_973 = arith.addi %broadcast_in_dim3A_969, %add3A_972 : vector<16xi32>
        %add3A_974 = arith.constant 1 : i32
        %add3A_975 = arith.addi %mul3A_943, %add3A_974 : i32
        %get3A_976 = arith.index_cast %add3A_975 : i32 to index
        %get3A_977 = arith.constant 0 : index
        %get3A_978 = tpu.vector_load %arg9[%get3A_976, %get3A_977] {strides = array<i32>} : memref<128x64xf32, #tpu.memory_space<vmem>>, vector<16xf32>,
        tpu.vector_store_idx %arg11[%add3A_5, %add3A_973], %get3A_978 : memref<64x129xf32, #tpu.memory_space<vmem>>[vector<16xi32>, vector<16xi32>], vector<16xf32>,
        %add3A_979 = arith.constant 1 : i32
        %add3A_980 = arith.addi %mul3A_943, %add3A_979 : i32
        %get3A_981 = arith.index_cast %add3A_980 : i32 to index
        %get3A_982 = arith.constant 16 : index
        %get3A_983 = tpu.vector_load %arg9[%get3A_981, %get3A_982] {strides = array<i32>} : memref<128x64xf32, #tpu.memory_space<vmem>>, vector<16xf32>,
        tpu.vector_store_idx %arg11[%add3A_8, %add3A_973], %get3A_983 : memref<64x129xf32, #tpu.memory_space<vmem>>[vector<16xi32>, vector<16xi32>], vector<16xf32>,
        %add3A_984 = arith.constant 1 : i32
        %add3A_985 = arith.addi %mul3A_943, %add3A_984 : i32
        %get3A_986 = arith.index_cast %add3A_985 : i32 to index
        %get3A_987 = arith.constant 32 : index
        %get3A_988 = tpu.vector_load %arg9[%get3A_986, %get3A_987] {strides = array<i32>} : memref<128x64xf32, #tpu.memory_space<vmem>>, vector<16xf32>,
        tpu.vector_store_idx %arg11[%add3A_11, %add3A_973], %get3A_988 : memref<64x129xf32, #tpu.memory_space<vmem>>[vector<16xi32>, vector<16xi32>], vector<16xf32>,
        %add3A_989 = arith.constant 1 : i32
        %add3A_990 = arith.addi %mul3A_943, %add3A_989 : i32
        %get3A_991 = arith.index_cast %add3A_990 : i32 to index
        %get3A_992 = arith.constant 48 : index
        %get3A_993 = tpu.vector_load %arg9[%get3A_991, %get3A_992] {strides = array<i32>} : memref<128x64xf32, #tpu.memory_space<vmem>>, vector<16xf32>,
        tpu.vector_store_idx %arg11[%add3A_14, %add3A_973], %get3A_993 : memref<64x129xf32, #tpu.memory_space<vmem>>[vector<16xi32>, vector<16xi32>], vector<16xf32>,
        %broadcast_in_dim3A_994 = arith.constant 0 : i32
        %broadcast_in_dim3A_995 = vector.broadcast %broadcast_in_dim3A_994 : i32 to vector<16xi32>
        %add3A_996 = arith.constant 2 : i32
        %add3A_997 = arith.addi %mul3A_943, %add3A_996 : i32
        %add3A_998 = vector.broadcast %add3A_997 : i32 to vector<16xi32>
        %add3A_999 = arith.addi %broadcast_in_dim3A_995, %add3A_998 : vector<16xi32>
        %add3A_1000 = arith.constant 2 : i32
        %add3A_1001 = arith.addi %mul3A_943, %add3A_1000 : i32
        %get3A_1002 = arith.index_cast %add3A_1001 : i32 to index
        %get3A_1003 = arith.constant 0 : index
        %get3A_1004 = tpu.vector_load %arg9[%get3A_1002, %get3A_1003] {strides = array<i32>} : memref<128x64xf32, #tpu.memory_space<vmem>>, vector<16xf32>,
        tpu.vector_store_idx %arg11[%add3A_5, %add3A_999], %get3A_1004 : memref<64x129xf32, #tpu.memory_space<vmem>>[vector<16xi32>, vector<16xi32>], vector<16xf32>,
        %add3A_1005 = arith.constant 2 : i32
        %add3A_1006 = arith.addi %mul3A_943, %add3A_1005 : i32
        %get3A_1007 = arith.index_cast %add3A_1006 : i32 to index
        %get3A_1008 = arith.constant 16 : index
        %get3A_1009 = tpu.vector_load %arg9[%get3A_1007, %get3A_1008] {strides = array<i32>} : memref<128x64xf32, #tpu.memory_space<vmem>>, vector<16xf32>,
        tpu.vector_store_idx %arg11[%add3A_8, %add3A_999], %get3A_1009 : memref<64x129xf32, #tpu.memory_space<vmem>>[vector<16xi32>, vector<16xi32>], vector<16xf32>,
        %add3A_1010 = arith.constant 2 : i32
        %add3A_1011 = arith.addi %mul3A_943, %add3A_1010 : i32
        %get3A_1012 = arith.index_cast %add3A_1011 : i32 to index
        %get3A_1013 = arith.constant 32 : index
        %get3A_1014 = tpu.vector_load %arg9[%get3A_1012, %get3A_1013] {strides = array<i32>} : memref<128x64xf32, #tpu.memory_space<vmem>>, vector<16xf32>,
        tpu.vector_store_idx %arg11[%add3A_11, %add3A_999], %get3A_1014 : memref<64x129xf32, #tpu.memory_space<vmem>>[vector<16xi32>, vector<16xi32>], vector<16xf32>,
        %add3A_1015 = arith.constant 2 : i32
        %add3A_1016 = arith.addi %mul3A_943, %add3A_1015 : i32
        %get3A_1017 = arith.index_cast %add3A_1016 : i32 to index
        %get3A_1018 = arith.constant 48 : index
        %get3A_1019 = tpu.vector_load %arg9[%get3A_1017, %get3A_1018] {strides = array<i32>} : memref<128x64xf32, #tpu.memory_space<vmem>>, vector<16xf32>,
        tpu.vector_store_idx %arg11[%add3A_14, %add3A_999], %get3A_1019 : memref<64x129xf32, #tpu.memory_space<vmem>>[vector<16xi32>, vector<16xi32>], vector<16xf32>,
        %broadcast_in_dim3A_1020 = arith.constant 0 : i32
        %broadcast_in_dim3A_1021 = vector.broadcast %broadcast_in_dim3A_1020 : i32 to vector<16xi32>
        %add3A_1022 = arith.constant 3 : i32
        %add3A_1023 = arith.addi %mul3A_943, %add3A_1022 : i32
        %add3A_1024 = vector.broadcast %add3A_1023 : i32 to vector<16xi32>
        %add3A_1025 = arith.addi %broadcast_in_dim3A_1021, %add3A_1024 : vector<16xi32>
        %add3A_1026 = arith.constant 3 : i32
        %add3A_1027 = arith.addi %mul3A_943, %add3A_1026 : i32
        %get3A_1028 = arith.index_cast %add3A_1027 : i32 to index
        %get3A_1029 = arith.constant 0 : index
        %get3A_1030 = tpu.vector_load %arg9[%get3A_1028, %get3A_1029] {strides = array<i32>} : memref<128x64xf32, #tpu.memory_space<vmem>>, vector<16xf32>,
        tpu.vector_store_idx %arg11[%add3A_5, %add3A_1025], %get3A_1030 : memref<64x129xf32, #tpu.memory_space<vmem>>[vector<16xi32>, vector<16xi32>], vector<16xf32>,
        %add3A_1031 = arith.constant 3 : i32
        %add3A_1032 = arith.addi %mul3A_943, %add3A_1031 : i32
        %get3A_1033 = arith.index_cast %add3A_1032 : i32 to index
        %get3A_1034 = arith.constant 16 : index
        %get3A_1035 = tpu.vector_load %arg9[%get3A_1033, %get3A_1034] {strides = array<i32>} : memref<128x64xf32, #tpu.memory_space<vmem>>, vector<16xf32>,
        tpu.vector_store_idx %arg11[%add3A_8, %add3A_1025], %get3A_1035 : memref<64x129xf32, #tpu.memory_space<vmem>>[vector<16xi32>, vector<16xi32>], vector<16xf32>,
        %add3A_1036 = arith.constant 3 : i32
        %add3A_1037 = arith.addi %mul3A_943, %add3A_1036 : i32
        %get3A_1038 = arith.index_cast %add3A_1037 : i32 to index
        %get3A_1039 = arith.constant 32 : index
        %get3A_1040 = tpu.vector_load %arg9[%get3A_1038, %get3A_1039] {strides = array<i32>} : memref<128x64xf32, #tpu.memory_space<vmem>>, vector<16xf32>,
        tpu.vector_store_idx %arg11[%add3A_11, %add3A_1025], %get3A_1040 : memref<64x129xf32, #tpu.memory_space<vmem>>[vector<16xi32>, vector<16xi32>], vector<16xf32>,
        %add3A_1041 = arith.constant 3 : i32
        %add3A_1042 = arith.addi %mul3A_943, %add3A_1041 : i32
        %get3A_1043 = arith.index_cast %add3A_1042 : i32 to index
        %get3A_1044 = arith.constant 48 : index
        %get3A_1045 = tpu.vector_load %arg9[%get3A_1043, %get3A_1044] {strides = array<i32>} : memref<128x64xf32, #tpu.memory_space<vmem>>, vector<16xf32>,
        tpu.vector_store_idx %arg11[%add3A_14, %add3A_1025], %get3A_1045 : memref<64x129xf32, #tpu.memory_space<vmem>>[vector<16xi32>, vector<16xi32>], vector<16xf32>,
      }
      %scan3A_813 = arith.constant 32 : i32
      %add3A_814 = arith.constant 4 : i32
      %add3A_815 = arith.addi %add3A_790, %add3A_814 : i32
      %lt3A_816 = arith.constant 200 : i32
      %lt3A_817 = arith.cmpi slt, %add3A_815, %lt3A_816 : i32
      %convert_element_type3A_818 = arith.extui %lt3A_817 : i1 to i32
      %cond3A_819 = arith.constant 0 : i32
      %cond3A_820 = arith.cmpi ne, %convert_element_type3A_818, %cond3A_819 : i32
      scf.if %cond3A_820 {
        %add3A_941 = arith.constant 4 : i32
        %add3A_942 = arith.addi %add3A_790, %add3A_941 : i32
        %dma_start3A_943 = arith.constant 0 : i32
        %dma_start3A_944 = tpu.memref_slice %arg5[%add3A_942, %dma_start3A_943] : memref<200x128xi32, #tpu.memory_space<vmem>> -> memref<1x128xi32, #tpu.memory_space<vmem>>
        %dma_start3A_945 = tpu.memref_squeeze %dma_start3A_944 : memref<1x128xi32, #tpu.memory_space<vmem>> -> memref<128xi32, #tpu.memory_space<vmem>>
        %dma_start3A_946 = arith.constant 0 : i32
        %dma_start3A_947 = arith.constant 0 : i32
        %dma_start3A_948 = tpu.memref_slice %arg3[%dma_start3A_946, %dma_start3A_947] : memref<2000000x64xf32, #tpu.memory_space<hbm>> -> memref<2000000x64xf32, #tpu.memory_space<hbm>>
        tpu.enqueue_indirect_dma source(%dma_start3A_948 : memref<2000000x64xf32, #tpu.memory_space<hbm>>) target(%arg9 : memref<128x64xf32, #tpu.memory_space<vmem>>) offsets(%dma_start3A_945 : memref<128xi32, #tpu.memory_space<vmem>>) semaphore(%arg15 : memref<!tpu.dma_semaphore, #tpu.memory_space<semaphore_mem>>)
      } else {
      }
      %dma_start3A_821 = arith.constant 0 : i32
      %dma_start3A_822 = arith.constant 0 : i32
      %dma_start3A_823 = arith.constant 0 : i32
      %dma_start3A_824 = tpu.memref_slice %arg11[%dma_start3A_822, %dma_start3A_823] : memref<64x129xf32, #tpu.memory_space<vmem>> -> memref<8x128xf32, #tpu.memory_space<vmem>>
      %dma_start3A_825 = arith.constant 0 : i32
      %dma_start3A_826 = arith.constant 0 : i32
      %dma_start3A_827 = tpu.memref_slice %arg4[%shift_right_logical3A_793, %dma_start3A_821, %and3A_795, %dma_start3A_825, %dma_start3A_826] : memref<50x8x128x8x128xf32, #tpu.memory_space<hbm>> -> memref<1x1x1x8x128xf32, #tpu.memory_space<hbm>>
      %dma_start3A_828 = tpu.memref_squeeze %dma_start3A_827 : memref<1x1x1x8x128xf32, #tpu.memory_space<hbm>> -> memref<8x128xf32, #tpu.memory_space<hbm>>
      %dma_start3A_829 = arith.constant 0 : i32
      %dma_start3A_830 = arith.constant 0 : i32
      %dma_start3A_831 = tpu.memref_slice %arg4[%shift_right_logical3A_793, %dma_start3A_821, %and3A_795, %dma_start3A_829, %dma_start3A_830] : memref<50x8x128x8x128xf32, #tpu.memory_space<hbm>> -> memref<1x1x1x8x128xf32, #tpu.memory_space<hbm>>
      %dma_start3A_832 = tpu.memref_squeeze %dma_start3A_831 : memref<1x1x1x8x128xf32, #tpu.memory_space<hbm>> -> memref<8x128xf32, #tpu.memory_space<hbm>>
      %dma_start3A_833 = arith.constant 0 : i32
      %dma_start3A_834 = arith.constant 0 : i32
      %dma_start3A_835 = tpu.memref_slice %arg11[%dma_start3A_833, %dma_start3A_834] : memref<64x129xf32, #tpu.memory_space<vmem>> -> memref<8x128xf32, #tpu.memory_space<vmem>>
      tpu.enqueue_dma source(%dma_start3A_835 : memref<8x128xf32, #tpu.memory_space<vmem>>) target(%dma_start3A_832 : memref<8x128xf32, #tpu.memory_space<hbm>>) target_semaphore(%arg17 : memref<!tpu.dma_semaphore, #tpu.memory_space<semaphore_mem>>)
      %dma_start3A_836 = arith.constant 1 : i32
      %dma_start3A_837 = arith.constant 8 : i32
      %dma_start3A_838 = arith.constant 0 : i32
      %dma_start3A_839 = tpu.memref_slice %arg11[%dma_start3A_837, %dma_start3A_838] : memref<64x129xf32, #tpu.memory_space<vmem>> -> memref<8x128xf32, #tpu.memory_space<vmem>>
      %dma_start3A_840 = arith.constant 0 : i32
      %dma_start3A_841 = arith.constant 0 : i32
      %dma_start3A_842 = tpu.memref_slice %arg4[%shift_right_logical3A_793, %dma_start3A_836, %and3A_795, %dma_start3A_840, %dma_start3A_841] : memref<50x8x128x8x128xf32, #tpu.memory_space<hbm>> -> memref<1x1x1x8x128xf32, #tpu.memory_space<hbm>>
      %dma_start3A_843 = tpu.memref_squeeze %dma_start3A_842 : memref<1x1x1x8x128xf32, #tpu.memory_space<hbm>> -> memref<8x128xf32, #tpu.memory_space<hbm>>
      %dma_start3A_844 = arith.constant 0 : i32
      %dma_start3A_845 = arith.constant 0 : i32
      %dma_start3A_846 = tpu.memref_slice %arg4[%shift_right_logical3A_793, %dma_start3A_836, %and3A_795, %dma_start3A_844, %dma_start3A_845] : memref<50x8x128x8x128xf32, #tpu.memory_space<hbm>> -> memref<1x1x1x8x128xf32, #tpu.memory_space<hbm>>
      %dma_start3A_847 = tpu.memref_squeeze %dma_start3A_846 : memref<1x1x1x8x128xf32, #tpu.memory_space<hbm>> -> memref<8x128xf32, #tpu.memory_space<hbm>>
      %dma_start3A_848 = arith.constant 8 : i32
      %dma_start3A_849 = arith.constant 0 : i32
      %dma_start3A_850 = tpu.memref_slice %arg11[%dma_start3A_848, %dma_start3A_849] : memref<64x129xf32, #tpu.memory_space<vmem>> -> memref<8x128xf32, #tpu.memory_space<vmem>>
      tpu.enqueue_dma source(%dma_start3A_850 : memref<8x128xf32, #tpu.memory_space<vmem>>) target(%dma_start3A_847 : memref<8x128xf32, #tpu.memory_space<hbm>>) target_semaphore(%arg17 : memref<!tpu.dma_semaphore, #tpu.memory_space<semaphore_mem>>)
      %dma_start3A_851 = arith.constant 2 : i32
      %dma_start3A_852 = arith.constant 16 : i32
      %dma_start3A_853 = arith.constant 0 : i32
      %dma_start3A_854 = tpu.memref_slice %arg11[%dma_start3A_852, %dma_start3A_853] : memref<64x129xf32, #tpu.memory_space<vmem>> -> memref<8x128xf32, #tpu.memory_space<vmem>>
      %dma_start3A_855 = arith.constant 0 : i32
      %dma_start3A_856 = arith.constant 0 : i32
      %dma_start3A_857 = tpu.memref_slice %arg4[%shift_right_logical3A_793, %dma_start3A_851, %and3A_795, %dma_start3A_855, %dma_start3A_856] : memref<50x8x128x8x128xf32, #tpu.memory_space<hbm>> -> memref<1x1x1x8x128xf32, #tpu.memory_space<hbm>>
      %dma_start3A_858 = tpu.memref_squeeze %dma_start3A_857 : memref<1x1x1x8x128xf32, #tpu.memory_space<hbm>> -> memref<8x128xf32, #tpu.memory_space<hbm>>
      %dma_start3A_859 = arith.constant 0 : i32
      %dma_start3A_860 = arith.constant 0 : i32
      %dma_start3A_861 = tpu.memref_slice %arg4[%shift_right_logical3A_793, %dma_start3A_851, %and3A_795, %dma_start3A_859, %dma_start3A_860] : memref<50x8x128x8x128xf32, #tpu.memory_space<hbm>> -> memref<1x1x1x8x128xf32, #tpu.memory_space<hbm>>
      %dma_start3A_862 = tpu.memref_squeeze %dma_start3A_861 : memref<1x1x1x8x128xf32, #tpu.memory_space<hbm>> -> memref<8x128xf32, #tpu.memory_space<hbm>>
      %dma_start3A_863 = arith.constant 16 : i32
      %dma_start3A_864 = arith.constant 0 : i32
      %dma_start3A_865 = tpu.memref_slice %arg11[%dma_start3A_863, %dma_start3A_864] : memref<64x129xf32, #tpu.memory_space<vmem>> -> memref<8x128xf32, #tpu.memory_space<vmem>>
      tpu.enqueue_dma source(%dma_start3A_865 : memref<8x128xf32, #tpu.memory_space<vmem>>) target(%dma_start3A_862 : memref<8x128xf32, #tpu.memory_space<hbm>>) target_semaphore(%arg17 : memref<!tpu.dma_semaphore, #tpu.memory_space<semaphore_mem>>)
      %dma_start3A_866 = arith.constant 3 : i32
      %dma_start3A_867 = arith.constant 24 : i32
      %dma_start3A_868 = arith.constant 0 : i32
      %dma_start3A_869 = tpu.memref_slice %arg11[%dma_start3A_867, %dma_start3A_868] : memref<64x129xf32, #tpu.memory_space<vmem>> -> memref<8x128xf32, #tpu.memory_space<vmem>>
      %dma_start3A_870 = arith.constant 0 : i32
      %dma_start3A_871 = arith.constant 0 : i32
      %dma_start3A_872 = tpu.memref_slice %arg4[%shift_right_logical3A_793, %dma_start3A_866, %and3A_795, %dma_start3A_870, %dma_start3A_871] : memref<50x8x128x8x128xf32, #tpu.memory_space<hbm>> -> memref<1x1x1x8x128xf32, #tpu.memory_space<hbm>>
      %dma_start3A_873 = tpu.memref_squeeze %dma_start3A_872 : memref<1x1x1x8x128xf32, #tpu.memory_space<hbm>> -> memref<8x128xf32, #tpu.memory_space<hbm>>
      %dma_start3A_874 = arith.constant 0 : i32
      %dma_start3A_875 = arith.constant 0 : i32
      %dma_start3A_876 = tpu.memref_slice %arg4[%shift_right_logical3A_793, %dma_start3A_866, %and3A_795, %dma_start3A_874, %dma_start3A_875] : memref<50x8x128x8x128xf32, #tpu.memory_space<hbm>> -> memref<1x1x1x8x128xf32, #tpu.memory_space<hbm>>
      %dma_start3A_877 = tpu.memref_squeeze %dma_start3A_876 : memref<1x1x1x8x128xf32, #tpu.memory_space<hbm>> -> memref<8x128xf32, #tpu.memory_space<hbm>>
      %dma_start3A_878 = arith.constant 24 : i32
      %dma_start3A_879 = arith.constant 0 : i32
      %dma_start3A_880 = tpu.memref_slice %arg11[%dma_start3A_878, %dma_start3A_879] : memref<64x129xf32, #tpu.memory_space<vmem>> -> memref<8x128xf32, #tpu.memory_space<vmem>>
      tpu.enqueue_dma source(%dma_start3A_880 : memref<8x128xf32, #tpu.memory_space<vmem>>) target(%dma_start3A_877 : memref<8x128xf32, #tpu.memory_space<hbm>>) target_semaphore(%arg17 : memref<!tpu.dma_semaphore, #tpu.memory_space<semaphore_mem>>)
      %dma_start3A_881 = arith.constant 4 : i32
      %dma_start3A_882 = arith.constant 32 : i32
      %dma_start3A_883 = arith.constant 0 : i32
      %dma_start3A_884 = tpu.memref_slice %arg11[%dma_start3A_882, %dma_start3A_883] : memref<64x129xf32, #tpu.memory_space<vmem>> -> memref<8x128xf32, #tpu.memory_space<vmem>>
      %dma_start3A_885 = arith.constant 0 : i32
      %dma_start3A_886 = arith.constant 0 : i32
      %dma_start3A_887 = tpu.memref_slice %arg4[%shift_right_logical3A_793, %dma_start3A_881, %and3A_795, %dma_start3A_885, %dma_start3A_886] : memref<50x8x128x8x128xf32, #tpu.memory_space<hbm>> -> memref<1x1x1x8x128xf32, #tpu.memory_space<hbm>>
      %dma_start3A_888 = tpu.memref_squeeze %dma_start3A_887 : memref<1x1x1x8x128xf32, #tpu.memory_space<hbm>> -> memref<8x128xf32, #tpu.memory_space<hbm>>
      %dma_start3A_889 = arith.constant 0 : i32
      %dma_start3A_890 = arith.constant 0 : i32
      %dma_start3A_891 = tpu.memref_slice %arg4[%shift_right_logical3A_793, %dma_start3A_881, %and3A_795, %dma_start3A_889, %dma_start3A_890] : memref<50x8x128x8x128xf32, #tpu.memory_space<hbm>> -> memref<1x1x1x8x128xf32, #tpu.memory_space<hbm>>
      %dma_start3A_892 = tpu.memref_squeeze %dma_start3A_891 : memref<1x1x1x8x128xf32, #tpu.memory_space<hbm>> -> memref<8x128xf32, #tpu.memory_space<hbm>>
      %dma_start3A_893 = arith.constant 32 : i32
      %dma_start3A_894 = arith.constant 0 : i32
      %dma_start3A_895 = tpu.memref_slice %arg11[%dma_start3A_893, %dma_start3A_894] : memref<64x129xf32, #tpu.memory_space<vmem>> -> memref<8x128xf32, #tpu.memory_space<vmem>>
      tpu.enqueue_dma source(%dma_start3A_895 : memref<8x128xf32, #tpu.memory_space<vmem>>) target(%dma_start3A_892 : memref<8x128xf32, #tpu.memory_space<hbm>>) target_semaphore(%arg17 : memref<!tpu.dma_semaphore, #tpu.memory_space<semaphore_mem>>)
      %dma_start3A_896 = arith.constant 5 : i32
      %dma_start3A_897 = arith.constant 40 : i32
      %dma_start3A_898 = arith.constant 0 : i32
      %dma_start3A_899 = tpu.memref_slice %arg11[%dma_start3A_897, %dma_start3A_898] : memref<64x129xf32, #tpu.memory_space<vmem>> -> memref<8x128xf32, #tpu.memory_space<vmem>>
      %dma_start3A_900 = arith.constant 0 : i32
      %dma_start3A_901 = arith.constant 0 : i32
      %dma_start3A_902 = tpu.memref_slice %arg4[%shift_right_logical3A_793, %dma_start3A_896, %and3A_795, %dma_start3A_900, %dma_start3A_901] : memref<50x8x128x8x128xf32, #tpu.memory_space<hbm>> -> memref<1x1x1x8x128xf32, #tpu.memory_space<hbm>>
      %dma_start3A_903 = tpu.memref_squeeze %dma_start3A_902 : memref<1x1x1x8x128xf32, #tpu.memory_space<hbm>> -> memref<8x128xf32, #tpu.memory_space<hbm>>
      %dma_start3A_904 = arith.constant 0 : i32
      %dma_start3A_905 = arith.constant 0 : i32
      %dma_start3A_906 = tpu.memref_slice %arg4[%shift_right_logical3A_793, %dma_start3A_896, %and3A_795, %dma_start3A_904, %dma_start3A_905] : memref<50x8x128x8x128xf32, #tpu.memory_space<hbm>> -> memref<1x1x1x8x128xf32, #tpu.memory_space<hbm>>
      %dma_start3A_907 = tpu.memref_squeeze %dma_start3A_906 : memref<1x1x1x8x128xf32, #tpu.memory_space<hbm>> -> memref<8x128xf32, #tpu.memory_space<hbm>>
      %dma_start3A_908 = arith.constant 40 : i32
      %dma_start3A_909 = arith.constant 0 : i32
      %dma_start3A_910 = tpu.memref_slice %arg11[%dma_start3A_908, %dma_start3A_909] : memref<64x129xf32, #tpu.memory_space<vmem>> -> memref<8x128xf32, #tpu.memory_space<vmem>>
      tpu.enqueue_dma source(%dma_start3A_910 : memref<8x128xf32, #tpu.memory_space<vmem>>) target(%dma_start3A_907 : memref<8x128xf32, #tpu.memory_space<hbm>>) target_semaphore(%arg17 : memref<!tpu.dma_semaphore, #tpu.memory_space<semaphore_mem>>)
      %dma_start3A_911 = arith.constant 6 : i32
      %dma_start3A_912 = arith.constant 48 : i32
      %dma_start3A_913 = arith.constant 0 : i32
      %dma_start3A_914 = tpu.memref_slice %arg11[%dma_start3A_912, %dma_start3A_913] : memref<64x129xf32, #tpu.memory_space<vmem>> -> memref<8x128xf32, #tpu.memory_space<vmem>>
      %dma_start3A_915 = arith.constant 0 : i32
      %dma_start3A_916 = arith.constant 0 : i32
      %dma_start3A_917 = tpu.memref_slice %arg4[%shift_right_logical3A_793, %dma_start3A_911, %and3A_795, %dma_start3A_915, %dma_start3A_916] : memref<50x8x128x8x128xf32, #tpu.memory_space<hbm>> -> memref<1x1x1x8x128xf32, #tpu.memory_space<hbm>>
      %dma_start3A_918 = tpu.memref_squeeze %dma_start3A_917 : memref<1x1x1x8x128xf32, #tpu.memory_space<hbm>> -> memref<8x128xf32, #tpu.memory_space<hbm>>
      %dma_start3A_919 = arith.constant 0 : i32
      %dma_start3A_920 = arith.constant 0 : i32
      %dma_start3A_921 = tpu.memref_slice %arg4[%shift_right_logical3A_793, %dma_start3A_911, %and3A_795, %dma_start3A_919, %dma_start3A_920] : memref<50x8x128x8x128xf32, #tpu.memory_space<hbm>> -> memref<1x1x1x8x128xf32, #tpu.memory_space<hbm>>
      %dma_start3A_922 = tpu.memref_squeeze %dma_start3A_921 : memref<1x1x1x8x128xf32, #tpu.memory_space<hbm>> -> memref<8x128xf32, #tpu.memory_space<hbm>>
      %dma_start3A_923 = arith.constant 48 : i32
      %dma_start3A_924 = arith.constant 0 : i32
      %dma_start3A_925 = tpu.memref_slice %arg11[%dma_start3A_923, %dma_start3A_924] : memref<64x129xf32, #tpu.memory_space<vmem>> -> memref<8x128xf32, #tpu.memory_space<vmem>>
      tpu.enqueue_dma source(%dma_start3A_925 : memref<8x128xf32, #tpu.memory_space<vmem>>) target(%dma_start3A_922 : memref<8x128xf32, #tpu.memory_space<hbm>>) target_semaphore(%arg17 : memref<!tpu.dma_semaphore, #tpu.memory_space<semaphore_mem>>)
      %dma_start3A_926 = arith.constant 7 : i32
      %dma_start3A_927 = arith.constant 56 : i32
      %dma_start3A_928 = arith.constant 0 : i32
      %dma_start3A_929 = tpu.memref_slice %arg11[%dma_start3A_927, %dma_start3A_928] : memref<64x129xf32, #tpu.memory_space<vmem>> -> memref<8x128xf32, #tpu.memory_space<vmem>>
      %dma_start3A_930 = arith.constant 0 : i32
      %dma_start3A_931 = arith.constant 0 : i32
      %dma_start3A_932 = tpu.memref_slice %arg4[%shift_right_logical3A_793, %dma_start3A_926, %and3A_795, %dma_start3A_930, %dma_start3A_931] : memref<50x8x128x8x128xf32, #tpu.memory_space<hbm>> -> memref<1x1x1x8x128xf32, #tpu.memory_space<hbm>>
      %dma_start3A_933 = tpu.memref_squeeze %dma_start3A_932 : memref<1x1x1x8x128xf32, #tpu.memory_space<hbm>> -> memref<8x128xf32, #tpu.memory_space<hbm>>
      %dma_start3A_934 = arith.constant 0 : i32
      %dma_start3A_935 = arith.constant 0 : i32
      %dma_start3A_936 = tpu.memref_slice %arg4[%shift_right_logical3A_793, %dma_start3A_926, %and3A_795, %dma_start3A_934, %dma_start3A_935] : memref<50x8x128x8x128xf32, #tpu.memory_space<hbm>> -> memref<1x1x1x8x128xf32, #tpu.memory_space<hbm>>
      %dma_start3A_937 = tpu.memref_squeeze %dma_start3A_936 : memref<1x1x1x8x128xf32, #tpu.memory_space<hbm>> -> memref<8x128xf32, #tpu.memory_space<hbm>>
      %dma_start3A_938 = arith.constant 56 : i32
      %dma_start3A_939 = arith.constant 0 : i32
      %dma_start3A_940 = tpu.memref_slice %arg11[%dma_start3A_938, %dma_start3A_939] : memref<64x129xf32, #tpu.memory_space<vmem>> -> memref<8x128xf32, #tpu.memory_space<vmem>>
      tpu.enqueue_dma source(%dma_start3A_940 : memref<8x128xf32, #tpu.memory_space<vmem>>) target(%dma_start3A_937 : memref<8x128xf32, #tpu.memory_space<hbm>>) target_semaphore(%arg17 : memref<!tpu.dma_semaphore, #tpu.memory_space<semaphore_mem>>)
    }
    %scan3A_58 = arith.constant 50 : i32
    %dma_wait3A = arith.constant 0 : i32
    %dma_wait3A_59 = arith.constant 0 : i32
    %dma_wait3A_60 = arith.constant 0 : i32
    %dma_wait3A_61 = arith.constant 0 : i32
    %dma_wait3A_62 = arith.constant 0 : i32
    %dma_wait3A_63 = tpu.memref_slice %arg10[%dma_wait3A_61, %dma_wait3A_62] : memref<64x129xf32, #tpu.memory_space<vmem>> -> memref<8x128xf32, #tpu.memory_space<vmem>>
    %dma_wait3A_64 = arith.constant 0 : i32
    %dma_wait3A_65 = arith.constant 0 : i32
    %dma_wait3A_66 = tpu.memref_slice %arg4[%dma_wait3A, %dma_wait3A_59, %dma_wait3A_60, %dma_wait3A_64, %dma_wait3A_65] : memref<50x8x128x8x128xf32, #tpu.memory_space<hbm>> -> memref<1x1x1x8x128xf32, #tpu.memory_space<hbm>>
    %dma_wait3A_67 = tpu.memref_squeeze %dma_wait3A_66 : memref<1x1x1x8x128xf32, #tpu.memory_space<hbm>> -> memref<8x128xf32, #tpu.memory_space<hbm>>
    %dma_wait3A_68 = arith.constant 0 : i32
    %dma_wait3A_69 = arith.constant 0 : i32
    %dma_wait3A_70 = tpu.memref_slice %arg4[%dma_wait3A, %dma_wait3A_59, %dma_wait3A_60, %dma_wait3A_68, %dma_wait3A_69] : memref<50x8x128x8x128xf32, #tpu.memory_space<hbm>> -> memref<1x1x1x8x128xf32, #tpu.memory_space<hbm>>
    %dma_wait3A_71 = tpu.memref_squeeze %dma_wait3A_70 : memref<1x1x1x8x128xf32, #tpu.memory_space<hbm>> -> memref<8x128xf32, #tpu.memory_space<hbm>>
    %dma_wait3A_72 = arith.constant 0 : i32
    %dma_wait3A_73 = arith.constant 0 : i32
    %dma_wait3A_74 = tpu.memref_slice %arg10[%dma_wait3A_72, %dma_wait3A_73] : memref<64x129xf32, #tpu.memory_space<vmem>> -> memref<8x128xf32, #tpu.memory_space<vmem>>
    tpu.wait_dma2 semaphore(%arg16 : memref<!tpu.dma_semaphore, #tpu.memory_space<semaphore_mem>>) src(%dma_wait3A_74 : memref<8x128xf32, #tpu.memory_space<vmem>>) dst(%dma_wait3A_71 : memref<8x128xf32, #tpu.memory_space<hbm>>)
    %dma_wait3A_75 = arith.constant 0 : i32
    %dma_wait3A_76 = arith.constant 0 : i32
    %dma_wait3A_77 = arith.constant 0 : i32
    %dma_wait3A_78 = arith.constant 0 : i32
    %dma_wait3A_79 = arith.constant 0 : i32
    %dma_wait3A_80 = tpu.memref_slice %arg10[%dma_wait3A_78, %dma_wait3A_79] : memref<64x129xf32, #tpu.memory_space<vmem>> -> memref<8x128xf32, #tpu.memory_space<vmem>>
    %dma_wait3A_81 = arith.constant 0 : i32
    %dma_wait3A_82 = arith.constant 0 : i32
    %dma_wait3A_83 = tpu.memref_slice %arg4[%dma_wait3A_75, %dma_wait3A_76, %dma_wait3A_77, %dma_wait3A_81, %dma_wait3A_82] : memref<50x8x128x8x128xf32, #tpu.memory_space<hbm>> -> memref<1x1x1x8x128xf32, #tpu.memory_space<hbm>>
    %dma_wait3A_84 = tpu.memref_squeeze %dma_wait3A_83 : memref<1x1x1x8x128xf32, #tpu.memory_space<hbm>> -> memref<8x128xf32, #tpu.memory_space<hbm>>
    %dma_wait3A_85 = arith.constant 0 : i32
    %dma_wait3A_86 = arith.constant 0 : i32
    %dma_wait3A_87 = tpu.memref_slice %arg4[%dma_wait3A_75, %dma_wait3A_76, %dma_wait3A_77, %dma_wait3A_85, %dma_wait3A_86] : memref<50x8x128x8x128xf32, #tpu.memory_space<hbm>> -> memref<1x1x1x8x128xf32, #tpu.memory_space<hbm>>
    %dma_wait3A_88 = tpu.memref_squeeze %dma_wait3A_87 : memref<1x1x1x8x128xf32, #tpu.memory_space<hbm>> -> memref<8x128xf32, #tpu.memory_space<hbm>>
    %dma_wait3A_89 = arith.constant 0 : i32
    %dma_wait3A_90 = arith.constant 0 : i32
    %dma_wait3A_91 = tpu.memref_slice %arg10[%dma_wait3A_89, %dma_wait3A_90] : memref<64x129xf32, #tpu.memory_space<vmem>> -> memref<8x128xf32, #tpu.memory_space<vmem>>
    tpu.wait_dma2 semaphore(%arg16 : memref<!tpu.dma_semaphore, #tpu.memory_space<semaphore_mem>>) src(%dma_wait3A_91 : memref<8x128xf32, #tpu.memory_space<vmem>>) dst(%dma_wait3A_88 : memref<8x128xf32, #tpu.memory_space<hbm>>)
    %dma_wait3A_92 = arith.constant 0 : i32
    %dma_wait3A_93 = arith.constant 0 : i32
    %dma_wait3A_94 = arith.constant 0 : i32
    %dma_wait3A_95 = arith.constant 0 : i32
    %dma_wait3A_96 = arith.constant 0 : i32
    %dma_wait3A_97 = tpu.memref_slice %arg10[%dma_wait3A_95, %dma_wait3A_96] : memref<64x129xf32, #tpu.memory_space<vmem>> -> memref<8x128xf32, #tpu.memory_space<vmem>>
    %dma_wait3A_98 = arith.constant 0 : i32
    %dma_wait3A_99 = arith.constant 0 : i32
    %dma_wait3A_100 = tpu.memref_slice %arg4[%dma_wait3A_92, %dma_wait3A_93, %dma_wait3A_94, %dma_wait3A_98, %dma_wait3A_99] : memref<50x8x128x8x128xf32, #tpu.memory_space<hbm>> -> memref<1x1x1x8x128xf32, #tpu.memory_space<hbm>>
    %dma_wait3A_101 = tpu.memref_squeeze %dma_wait3A_100 : memref<1x1x1x8x128xf32, #tpu.memory_space<hbm>> -> memref<8x128xf32, #tpu.memory_space<hbm>>
    %dma_wait3A_102 = arith.constant 0 : i32
    %dma_wait3A_103 = arith.constant 0 : i32
    %dma_wait3A_104 = tpu.memref_slice %arg4[%dma_wait3A_92, %dma_wait3A_93, %dma_wait3A_94, %dma_wait3A_102, %dma_wait3A_103] : memref<50x8x128x8x128xf32, #tpu.memory_space<hbm>> -> memref<1x1x1x8x128xf32, #tpu.memory_space<hbm>>
    %dma_wait3A_105 = tpu.memref_squeeze %dma_wait3A_104 : memref<1x1x1x8x128xf32, #tpu.memory_space<hbm>> -> memref<8x128xf32, #tpu.memory_space<hbm>>
    %dma_wait3A_106 = arith.constant 0 : i32
    %dma_wait3A_107 = arith.constant 0 : i32
    %dma_wait3A_108 = tpu.memref_slice %arg10[%dma_wait3A_106, %dma_wait3A_107] : memref<64x129xf32, #tpu.memory_space<vmem>> -> memref<8x128xf32, #tpu.memory_space<vmem>>
    tpu.wait_dma2 semaphore(%arg16 : memref<!tpu.dma_semaphore, #tpu.memory_space<semaphore_mem>>) src(%dma_wait3A_108 : memref<8x128xf32, #tpu.memory_space<vmem>>) dst(%dma_wait3A_105 : memref<8x128xf32, #tpu.memory_space<hbm>>)
    %dma_wait3A_109 = arith.constant 0 : i32
    %dma_wait3A_110 = arith.constant 0 : i32
    %dma_wait3A_111 = arith.constant 0 : i32
    %dma_wait3A_112 = arith.constant 0 : i32
    %dma_wait3A_113 = arith.constant 0 : i32
    %dma_wait3A_114 = tpu.memref_slice %arg10[%dma_wait3A_112, %dma_wait3A_113] : memref<64x129xf32, #tpu.memory_space<vmem>> -> memref<8x128xf32, #tpu.memory_space<vmem>>
    %dma_wait3A_115 = arith.constant 0 : i32
    %dma_wait3A_116 = arith.constant 0 : i32
    %dma_wait3A_117 = tpu.memref_slice %arg4[%dma_wait3A_109, %dma_wait3A_110, %dma_wait3A_111, %dma_wait3A_115, %dma_wait3A_116] : memref<50x8x128x8x128xf32, #tpu.memory_space<hbm>> -> memref<1x1x1x8x128xf32, #tpu.memory_space<hbm>>
    %dma_wait3A_118 = tpu.memref_squeeze %dma_wait3A_117 : memref<1x1x1x8x128xf32, #tpu.memory_space<hbm>> -> memref<8x128xf32, #tpu.memory_space<hbm>>
    %dma_wait3A_119 = arith.constant 0 : i32
    %dma_wait3A_120 = arith.constant 0 : i32
    %dma_wait3A_121 = tpu.memref_slice %arg4[%dma_wait3A_109, %dma_wait3A_110, %dma_wait3A_111, %dma_wait3A_119, %dma_wait3A_120] : memref<50x8x128x8x128xf32, #tpu.memory_space<hbm>> -> memref<1x1x1x8x128xf32, #tpu.memory_space<hbm>>
    %dma_wait3A_122 = tpu.memref_squeeze %dma_wait3A_121 : memref<1x1x1x8x128xf32, #tpu.memory_space<hbm>> -> memref<8x128xf32, #tpu.memory_space<hbm>>
    %dma_wait3A_123 = arith.constant 0 : i32
    %dma_wait3A_124 = arith.constant 0 : i32
    %dma_wait3A_125 = tpu.memref_slice %arg10[%dma_wait3A_123, %dma_wait3A_124] : memref<64x129xf32, #tpu.memory_space<vmem>> -> memref<8x128xf32, #tpu.memory_space<vmem>>
    tpu.wait_dma2 semaphore(%arg16 : memref<!tpu.dma_semaphore, #tpu.memory_space<semaphore_mem>>) src(%dma_wait3A_125 : memref<8x128xf32, #tpu.memory_space<vmem>>) dst(%dma_wait3A_122 : memref<8x128xf32, #tpu.memory_space<hbm>>)
    %dma_wait3A_126 = arith.constant 0 : i32
    %dma_wait3A_127 = arith.constant 0 : i32
    %dma_wait3A_128 = arith.constant 0 : i32
    %dma_wait3A_129 = arith.constant 0 : i32
    %dma_wait3A_130 = arith.constant 0 : i32
    %dma_wait3A_131 = tpu.memref_slice %arg10[%dma_wait3A_129, %dma_wait3A_130] : memref<64x129xf32, #tpu.memory_space<vmem>> -> memref<8x128xf32, #tpu.memory_space<vmem>>
    %dma_wait3A_132 = arith.constant 0 : i32
    %dma_wait3A_133 = arith.constant 0 : i32
    %dma_wait3A_134 = tpu.memref_slice %arg4[%dma_wait3A_126, %dma_wait3A_127, %dma_wait3A_128, %dma_wait3A_132, %dma_wait3A_133] : memref<50x8x128x8x128xf32, #tpu.memory_space<hbm>> -> memref<1x1x1x8x128xf32, #tpu.memory_space<hbm>>
    %dma_wait3A_135 = tpu.memref_squeeze %dma_wait3A_134 : memref<1x1x1x8x128xf32, #tpu.memory_space<hbm>> -> memref<8x128xf32, #tpu.memory_space<hbm>>
    %dma_wait3A_136 = arith.constant 0 : i32
    %dma_wait3A_137 = arith.constant 0 : i32
    %dma_wait3A_138 = tpu.memref_slice %arg4[%dma_wait3A_126, %dma_wait3A_127, %dma_wait3A_128, %dma_wait3A_136, %dma_wait3A_137] : memref<50x8x128x8x128xf32, #tpu.memory_space<hbm>> -> memref<1x1x1x8x128xf32, #tpu.memory_space<hbm>>
    %dma_wait3A_139 = tpu.memref_squeeze %dma_wait3A_138 : memref<1x1x1x8x128xf32, #tpu.memory_space<hbm>> -> memref<8x128xf32, #tpu.memory_space<hbm>>
    %dma_wait3A_140 = arith.constant 0 : i32
    %dma_wait3A_141 = arith.constant 0 : i32
    %dma_wait3A_142 = tpu.memref_slice %arg10[%dma_wait3A_140, %dma_wait3A_141] : memref<64x129xf32, #tpu.memory_space<vmem>> -> memref<8x128xf32, #tpu.memory_space<vmem>>
    tpu.wait_dma2 semaphore(%arg16 : memref<!tpu.dma_semaphore, #tpu.memory_space<semaphore_mem>>) src(%dma_wait3A_142 : memref<8x128xf32, #tpu.memory_space<vmem>>) dst(%dma_wait3A_139 : memref<8x128xf32, #tpu.memory_space<hbm>>)
    %dma_wait3A_143 = arith.constant 0 : i32
    %dma_wait3A_144 = arith.constant 0 : i32
    %dma_wait3A_145 = arith.constant 0 : i32
    %dma_wait3A_146 = arith.constant 0 : i32
    %dma_wait3A_147 = arith.constant 0 : i32
    %dma_wait3A_148 = tpu.memref_slice %arg10[%dma_wait3A_146, %dma_wait3A_147] : memref<64x129xf32, #tpu.memory_space<vmem>> -> memref<8x128xf32, #tpu.memory_space<vmem>>
    %dma_wait3A_149 = arith.constant 0 : i32
    %dma_wait3A_150 = arith.constant 0 : i32
    %dma_wait3A_151 = tpu.memref_slice %arg4[%dma_wait3A_143, %dma_wait3A_144, %dma_wait3A_145, %dma_wait3A_149, %dma_wait3A_150] : memref<50x8x128x8x128xf32, #tpu.memory_space<hbm>> -> memref<1x1x1x8x128xf32, #tpu.memory_space<hbm>>
    %dma_wait3A_152 = tpu.memref_squeeze %dma_wait3A_151 : memref<1x1x1x8x128xf32, #tpu.memory_space<hbm>> -> memref<8x128xf32, #tpu.memory_space<hbm>>
    %dma_wait3A_153 = arith.constant 0 : i32
    %dma_wait3A_154 = arith.constant 0 : i32
    %dma_wait3A_155 = tpu.memref_slice %arg4[%dma_wait3A_143, %dma_wait3A_144, %dma_wait3A_145, %dma_wait3A_153, %dma_wait3A_154] : memref<50x8x128x8x128xf32, #tpu.memory_space<hbm>> -> memref<1x1x1x8x128xf32, #tpu.memory_space<hbm>>
    %dma_wait3A_156 = tpu.memref_squeeze %dma_wait3A_155 : memref<1x1x1x8x128xf32, #tpu.memory_space<hbm>> -> memref<8x128xf32, #tpu.memory_space<hbm>>
    %dma_wait3A_157 = arith.constant 0 : i32
    %dma_wait3A_158 = arith.constant 0 : i32
    %dma_wait3A_159 = tpu.memref_slice %arg10[%dma_wait3A_157, %dma_wait3A_158] : memref<64x129xf32, #tpu.memory_space<vmem>> -> memref<8x128xf32, #tpu.memory_space<vmem>>
    tpu.wait_dma2 semaphore(%arg16 : memref<!tpu.dma_semaphore, #tpu.memory_space<semaphore_mem>>) src(%dma_wait3A_159 : memref<8x128xf32, #tpu.memory_space<vmem>>) dst(%dma_wait3A_156 : memref<8x128xf32, #tpu.memory_space<hbm>>)
    %dma_wait3A_160 = arith.constant 0 : i32
    %dma_wait3A_161 = arith.constant 0 : i32
    %dma_wait3A_162 = arith.constant 0 : i32
    %dma_wait3A_163 = arith.constant 0 : i32
    %dma_wait3A_164 = arith.constant 0 : i32
    %dma_wait3A_165 = tpu.memref_slice %arg10[%dma_wait3A_163, %dma_wait3A_164] : memref<64x129xf32, #tpu.memory_space<vmem>> -> memref<8x128xf32, #tpu.memory_space<vmem>>
    %dma_wait3A_166 = arith.constant 0 : i32
    %dma_wait3A_167 = arith.constant 0 : i32
    %dma_wait3A_168 = tpu.memref_slice %arg4[%dma_wait3A_160, %dma_wait3A_161, %dma_wait3A_162, %dma_wait3A_166, %dma_wait3A_167] : memref<50x8x128x8x128xf32, #tpu.memory_space<hbm>> -> memref<1x1x1x8x128xf32, #tpu.memory_space<hbm>>
    %dma_wait3A_169 = tpu.memref_squeeze %dma_wait3A_168 : memref<1x1x1x8x128xf32, #tpu.memory_space<hbm>> -> memref<8x128xf32, #tpu.memory_space<hbm>>
    %dma_wait3A_170 = arith.constant 0 : i32
    %dma_wait3A_171 = arith.constant 0 : i32
    %dma_wait3A_172 = tpu.memref_slice %arg4[%dma_wait3A_160, %dma_wait3A_161, %dma_wait3A_162, %dma_wait3A_170, %dma_wait3A_171] : memref<50x8x128x8x128xf32, #tpu.memory_space<hbm>> -> memref<1x1x1x8x128xf32, #tpu.memory_space<hbm>>
    %dma_wait3A_173 = tpu.memref_squeeze %dma_wait3A_172 : memref<1x1x1x8x128xf32, #tpu.memory_space<hbm>> -> memref<8x128xf32, #tpu.memory_space<hbm>>
    %dma_wait3A_174 = arith.constant 0 : i32
    %dma_wait3A_175 = arith.constant 0 : i32
    %dma_wait3A_176 = tpu.memref_slice %arg10[%dma_wait3A_174, %dma_wait3A_175] : memref<64x129xf32, #tpu.memory_space<vmem>> -> memref<8x128xf32, #tpu.memory_space<vmem>>
    tpu.wait_dma2 semaphore(%arg16 : memref<!tpu.dma_semaphore, #tpu.memory_space<semaphore_mem>>) src(%dma_wait3A_176 : memref<8x128xf32, #tpu.memory_space<vmem>>) dst(%dma_wait3A_173 : memref<8x128xf32, #tpu.memory_space<hbm>>)
    %dma_wait3A_177 = arith.constant 0 : i32
    %dma_wait3A_178 = arith.constant 0 : i32
    %dma_wait3A_179 = arith.constant 0 : i32
    %dma_wait3A_180 = arith.constant 0 : i32
    %dma_wait3A_181 = arith.constant 0 : i32
    %dma_wait3A_182 = tpu.memref_slice %arg10[%dma_wait3A_180, %dma_wait3A_181] : memref<64x129xf32, #tpu.memory_space<vmem>> -> memref<8x128xf32, #tpu.memory_space<vmem>>
    %dma_wait3A_183 = arith.constant 0 : i32
    %dma_wait3A_184 = arith.constant 0 : i32
    %dma_wait3A_185 = tpu.memref_slice %arg4[%dma_wait3A_177, %dma_wait3A_178, %dma_wait3A_179, %dma_wait3A_183, %dma_wait3A_184] : memref<50x8x128x8x128xf32, #tpu.memory_space<hbm>> -> memref<1x1x1x8x128xf32, #tpu.memory_space<hbm>>
    %dma_wait3A_186 = tpu.memref_squeeze %dma_wait3A_185 : memref<1x1x1x8x128xf32, #tpu.memory_space<hbm>> -> memref<8x128xf32, #tpu.memory_space<hbm>>
    %dma_wait3A_187 = arith.constant 0 : i32
    %dma_wait3A_188 = arith.constant 0 : i32
    %dma_wait3A_189 = tpu.memref_slice %arg4[%dma_wait3A_177, %dma_wait3A_178, %dma_wait3A_179, %dma_wait3A_187, %dma_wait3A_188] : memref<50x8x128x8x128xf32, #tpu.memory_space<hbm>> -> memref<1x1x1x8x128xf32, #tpu.memory_space<hbm>>
    %dma_wait3A_190 = tpu.memref_squeeze %dma_wait3A_189 : memref<1x1x1x8x128xf32, #tpu.memory_space<hbm>> -> memref<8x128xf32, #tpu.memory_space<hbm>>
    %dma_wait3A_191 = arith.constant 0 : i32
    %dma_wait3A_192 = arith.constant 0 : i32
    %dma_wait3A_193 = tpu.memref_slice %arg10[%dma_wait3A_191, %dma_wait3A_192] : memref<64x129xf32, #tpu.memory_space<vmem>> -> memref<8x128xf32, #tpu.memory_space<vmem>>
    tpu.wait_dma2 semaphore(%arg16 : memref<!tpu.dma_semaphore, #tpu.memory_space<semaphore_mem>>) src(%dma_wait3A_193 : memref<8x128xf32, #tpu.memory_space<vmem>>) dst(%dma_wait3A_190 : memref<8x128xf32, #tpu.memory_space<hbm>>)
    %dma_wait3A_194 = arith.constant 0 : i32
    %dma_wait3A_195 = arith.constant 0 : i32
    %dma_wait3A_196 = arith.constant 0 : i32
    %dma_wait3A_197 = arith.constant 0 : i32
    %dma_wait3A_198 = arith.constant 0 : i32
    %dma_wait3A_199 = tpu.memref_slice %arg10[%dma_wait3A_197, %dma_wait3A_198] : memref<64x129xf32, #tpu.memory_space<vmem>> -> memref<8x128xf32, #tpu.memory_space<vmem>>
    %dma_wait3A_200 = arith.constant 0 : i32
    %dma_wait3A_201 = arith.constant 0 : i32
    %dma_wait3A_202 = tpu.memref_slice %arg4[%dma_wait3A_194, %dma_wait3A_195, %dma_wait3A_196, %dma_wait3A_200, %dma_wait3A_201] : memref<50x8x128x8x128xf32, #tpu.memory_space<hbm>> -> memref<1x1x1x8x128xf32, #tpu.memory_space<hbm>>
    %dma_wait3A_203 = tpu.memref_squeeze %dma_wait3A_202 : memref<1x1x1x8x128xf32, #tpu.memory_space<hbm>> -> memref<8x128xf32, #tpu.memory_space<hbm>>
    %dma_wait3A_204 = arith.constant 0 : i32
    %dma_wait3A_205 = arith.constant 0 : i32
    %dma_wait3A_206 = tpu.memref_slice %arg4[%dma_wait3A_194, %dma_wait3A_195, %dma_wait3A_196, %dma_wait3A_204, %dma_wait3A_205] : memref<50x8x128x8x128xf32, #tpu.memory_space<hbm>> -> memref<1x1x1x8x128xf32, #tpu.memory_space<hbm>>
    %dma_wait3A_207 = tpu.memref_squeeze %dma_wait3A_206 : memref<1x1x1x8x128xf32, #tpu.memory_space<hbm>> -> memref<8x128xf32, #tpu.memory_space<hbm>>
    %dma_wait3A_208 = arith.constant 0 : i32
    %dma_wait3A_209 = arith.constant 0 : i32
    %dma_wait3A_210 = tpu.memref_slice %arg10[%dma_wait3A_208, %dma_wait3A_209] : memref<64x129xf32, #tpu.memory_space<vmem>> -> memref<8x128xf32, #tpu.memory_space<vmem>>
    tpu.wait_dma2 semaphore(%arg17 : memref<!tpu.dma_semaphore, #tpu.memory_space<semaphore_mem>>) src(%dma_wait3A_210 : memref<8x128xf32, #tpu.memory_space<vmem>>) dst(%dma_wait3A_207 : memref<8x128xf32, #tpu.memory_space<hbm>>)
    %dma_wait3A_211 = arith.constant 0 : i32
    %dma_wait3A_212 = arith.constant 0 : i32
    %dma_wait3A_213 = arith.constant 0 : i32
    %dma_wait3A_214 = arith.constant 0 : i32
    %dma_wait3A_215 = arith.constant 0 : i32
    %dma_wait3A_216 = tpu.memref_slice %arg10[%dma_wait3A_214, %dma_wait3A_215] : memref<64x129xf32, #tpu.memory_space<vmem>> -> memref<8x128xf32, #tpu.memory_space<vmem>>
    %dma_wait3A_217 = arith.constant 0 : i32
    %dma_wait3A_218 = arith.constant 0 : i32
    %dma_wait3A_219 = tpu.memref_slice %arg4[%dma_wait3A_211, %dma_wait3A_212, %dma_wait3A_213, %dma_wait3A_217, %dma_wait3A_218] : memref<50x8x128x8x128xf32, #tpu.memory_space<hbm>> -> memref<1x1x1x8x128xf32, #tpu.memory_space<hbm>>
    %dma_wait3A_220 = tpu.memref_squeeze %dma_wait3A_219 : memref<1x1x1x8x128xf32, #tpu.memory_space<hbm>> -> memref<8x128xf32, #tpu.memory_space<hbm>>
    %dma_wait3A_221 = arith.constant 0 : i32
    %dma_wait3A_222 = arith.constant 0 : i32
    %dma_wait3A_223 = tpu.memref_slice %arg4[%dma_wait3A_211, %dma_wait3A_212, %dma_wait3A_213, %dma_wait3A_221, %dma_wait3A_222] : memref<50x8x128x8x128xf32, #tpu.memory_space<hbm>> -> memref<1x1x1x8x128xf32, #tpu.memory_space<hbm>>
    %dma_wait3A_224 = tpu.memref_squeeze %dma_wait3A_223 : memref<1x1x1x8x128xf32, #tpu.memory_space<hbm>> -> memref<8x128xf32, #tpu.memory_space<hbm>>
    %dma_wait3A_225 = arith.constant 0 : i32
    %dma_wait3A_226 = arith.constant 0 : i32
    %dma_wait3A_227 = tpu.memref_slice %arg10[%dma_wait3A_225, %dma_wait3A_226] : memref<64x129xf32, #tpu.memory_space<vmem>> -> memref<8x128xf32, #tpu.memory_space<vmem>>
    tpu.wait_dma2 semaphore(%arg17 : memref<!tpu.dma_semaphore, #tpu.memory_space<semaphore_mem>>) src(%dma_wait3A_227 : memref<8x128xf32, #tpu.memory_space<vmem>>) dst(%dma_wait3A_224 : memref<8x128xf32, #tpu.memory_space<hbm>>)
    %dma_wait3A_228 = arith.constant 0 : i32
    %dma_wait3A_229 = arith.constant 0 : i32
    %dma_wait3A_230 = arith.constant 0 : i32
    %dma_wait3A_231 = arith.constant 0 : i32
    %dma_wait3A_232 = arith.constant 0 : i32
    %dma_wait3A_233 = tpu.memref_slice %arg10[%dma_wait3A_231, %dma_wait3A_232] : memref<64x129xf32, #tpu.memory_space<vmem>> -> memref<8x128xf32, #tpu.memory_space<vmem>>
    %dma_wait3A_234 = arith.constant 0 : i32
    %dma_wait3A_235 = arith.constant 0 : i32
    %dma_wait3A_236 = tpu.memref_slice %arg4[%dma_wait3A_228, %dma_wait3A_229, %dma_wait3A_230, %dma_wait3A_234, %dma_wait3A_235] : memref<50x8x128x8x128xf32, #tpu.memory_space<hbm>> -> memref<1x1x1x8x128xf32, #tpu.memory_space<hbm>>
    %dma_wait3A_237 = tpu.memref_squeeze %dma_wait3A_236 : memref<1x1x1x8x128xf32, #tpu.memory_space<hbm>> -> memref<8x128xf32, #tpu.memory_space<hbm>>
    %dma_wait3A_238 = arith.constant 0 : i32
    %dma_wait3A_239 = arith.constant 0 : i32
    %dma_wait3A_240 = tpu.memref_slice %arg4[%dma_wait3A_228, %dma_wait3A_229, %dma_wait3A_230, %dma_wait3A_238, %dma_wait3A_239] : memref<50x8x128x8x128xf32, #tpu.memory_space<hbm>> -> memref<1x1x1x8x128xf32, #tpu.memory_space<hbm>>
    %dma_wait3A_241 = tpu.memref_squeeze %dma_wait3A_240 : memref<1x1x1x8x128xf32, #tpu.memory_space<hbm>> -> memref<8x128xf32, #tpu.memory_space<hbm>>
    %dma_wait3A_242 = arith.constant 0 : i32
    %dma_wait3A_243 = arith.constant 0 : i32
    %dma_wait3A_244 = tpu.memref_slice %arg10[%dma_wait3A_242, %dma_wait3A_243] : memref<64x129xf32, #tpu.memory_space<vmem>> -> memref<8x128xf32, #tpu.memory_space<vmem>>
    tpu.wait_dma2 semaphore(%arg17 : memref<!tpu.dma_semaphore, #tpu.memory_space<semaphore_mem>>) src(%dma_wait3A_244 : memref<8x128xf32, #tpu.memory_space<vmem>>) dst(%dma_wait3A_241 : memref<8x128xf32, #tpu.memory_space<hbm>>)
    %dma_wait3A_245 = arith.constant 0 : i32
    %dma_wait3A_246 = arith.constant 0 : i32
    %dma_wait3A_247 = arith.constant 0 : i32
    %dma_wait3A_248 = arith.constant 0 : i32
    %dma_wait3A_249 = arith.constant 0 : i32
    %dma_wait3A_250 = tpu.memref_slice %arg10[%dma_wait3A_248, %dma_wait3A_249] : memref<64x129xf32, #tpu.memory_space<vmem>> -> memref<8x128xf32, #tpu.memory_space<vmem>>
    %dma_wait3A_251 = arith.constant 0 : i32
    %dma_wait3A_252 = arith.constant 0 : i32
    %dma_wait3A_253 = tpu.memref_slice %arg4[%dma_wait3A_245, %dma_wait3A_246, %dma_wait3A_247, %dma_wait3A_251, %dma_wait3A_252] : memref<50x8x128x8x128xf32, #tpu.memory_space<hbm>> -> memref<1x1x1x8x128xf32, #tpu.memory_space<hbm>>
    %dma_wait3A_254 = tpu.memref_squeeze %dma_wait3A_253 : memref<1x1x1x8x128xf32, #tpu.memory_space<hbm>> -> memref<8x128xf32, #tpu.memory_space<hbm>>
    %dma_wait3A_255 = arith.constant 0 : i32
    %dma_wait3A_256 = arith.constant 0 : i32
    %dma_wait3A_257 = tpu.memref_slice %arg4[%dma_wait3A_245, %dma_wait3A_246, %dma_wait3A_247, %dma_wait3A_255, %dma_wait3A_256] : memref<50x8x128x8x128xf32, #tpu.memory_space<hbm>> -> memref<1x1x1x8x128xf32, #tpu.memory_space<hbm>>
    %dma_wait3A_258 = tpu.memref_squeeze %dma_wait3A_257 : memref<1x1x1x8x128xf32, #tpu.memory_space<hbm>> -> memref<8x128xf32, #tpu.memory_space<hbm>>
    %dma_wait3A_259 = arith.constant 0 : i32
    %dma_wait3A_260 = arith.constant 0 : i32
    %dma_wait3A_261 = tpu.memref_slice %arg10[%dma_wait3A_259, %dma_wait3A_260] : memref<64x129xf32, #tpu.memory_space<vmem>> -> memref<8x128xf32, #tpu.memory_space<vmem>>
    tpu.wait_dma2 semaphore(%arg17 : memref<!tpu.dma_semaphore, #tpu.memory_space<semaphore_mem>>) src(%dma_wait3A_261 : memref<8x128xf32, #tpu.memory_space<vmem>>) dst(%dma_wait3A_258 : memref<8x128xf32, #tpu.memory_space<hbm>>)
    %dma_wait3A_262 = arith.constant 0 : i32
    %dma_wait3A_263 = arith.constant 0 : i32
    %dma_wait3A_264 = arith.constant 0 : i32
    %dma_wait3A_265 = arith.constant 0 : i32
    %dma_wait3A_266 = arith.constant 0 : i32
    %dma_wait3A_267 = tpu.memref_slice %arg10[%dma_wait3A_265, %dma_wait3A_266] : memref<64x129xf32, #tpu.memory_space<vmem>> -> memref<8x128xf32, #tpu.memory_space<vmem>>
    %dma_wait3A_268 = arith.constant 0 : i32
    %dma_wait3A_269 = arith.constant 0 : i32
    %dma_wait3A_270 = tpu.memref_slice %arg4[%dma_wait3A_262, %dma_wait3A_263, %dma_wait3A_264, %dma_wait3A_268, %dma_wait3A_269] : memref<50x8x128x8x128xf32, #tpu.memory_space<hbm>> -> memref<1x1x1x8x128xf32, #tpu.memory_space<hbm>>
    %dma_wait3A_271 = tpu.memref_squeeze %dma_wait3A_270 : memref<1x1x1x8x128xf32, #tpu.memory_space<hbm>> -> memref<8x128xf32, #tpu.memory_space<hbm>>
    %dma_wait3A_272 = arith.constant 0 : i32
    %dma_wait3A_273 = arith.constant 0 : i32
    %dma_wait3A_274 = tpu.memref_slice %arg4[%dma_wait3A_262, %dma_wait3A_263, %dma_wait3A_264, %dma_wait3A_272, %dma_wait3A_273] : memref<50x8x128x8x128xf32, #tpu.memory_space<hbm>> -> memref<1x1x1x8x128xf32, #tpu.memory_space<hbm>>
    %dma_wait3A_275 = tpu.memref_squeeze %dma_wait3A_274 : memref<1x1x1x8x128xf32, #tpu.memory_space<hbm>> -> memref<8x128xf32, #tpu.memory_space<hbm>>
    %dma_wait3A_276 = arith.constant 0 : i32
    %dma_wait3A_277 = arith.constant 0 : i32
    %dma_wait3A_278 = tpu.memref_slice %arg10[%dma_wait3A_276, %dma_wait3A_277] : memref<64x129xf32, #tpu.memory_space<vmem>> -> memref<8x128xf32, #tpu.memory_space<vmem>>
    tpu.wait_dma2 semaphore(%arg17 : memref<!tpu.dma_semaphore, #tpu.memory_space<semaphore_mem>>) src(%dma_wait3A_278 : memref<8x128xf32, #tpu.memory_space<vmem>>) dst(%dma_wait3A_275 : memref<8x128xf32, #tpu.memory_space<hbm>>)
    %dma_wait3A_279 = arith.constant 0 : i32
    %dma_wait3A_280 = arith.constant 0 : i32
    %dma_wait3A_281 = arith.constant 0 : i32
    %dma_wait3A_282 = arith.constant 0 : i32
    %dma_wait3A_283 = arith.constant 0 : i32
    %dma_wait3A_284 = tpu.memref_slice %arg10[%dma_wait3A_282, %dma_wait3A_283] : memref<64x129xf32, #tpu.memory_space<vmem>> -> memref<8x128xf32, #tpu.memory_space<vmem>>
    %dma_wait3A_285 = arith.constant 0 : i32
    %dma_wait3A_286 = arith.constant 0 : i32
    %dma_wait3A_287 = tpu.memref_slice %arg4[%dma_wait3A_279, %dma_wait3A_280, %dma_wait3A_281, %dma_wait3A_285, %dma_wait3A_286] : memref<50x8x128x8x128xf32, #tpu.memory_space<hbm>> -> memref<1x1x1x8x128xf32, #tpu.memory_space<hbm>>
    %dma_wait3A_288 = tpu.memref_squeeze %dma_wait3A_287 : memref<1x1x1x8x128xf32, #tpu.memory_space<hbm>> -> memref<8x128xf32, #tpu.memory_space<hbm>>
    %dma_wait3A_289 = arith.constant 0 : i32
    %dma_wait3A_290 = arith.constant 0 : i32
    %dma_wait3A_291 = tpu.memref_slice %arg4[%dma_wait3A_279, %dma_wait3A_280, %dma_wait3A_281, %dma_wait3A_289, %dma_wait3A_290] : memref<50x8x128x8x128xf32, #tpu.memory_space<hbm>> -> memref<1x1x1x8x128xf32, #tpu.memory_space<hbm>>
    %dma_wait3A_292 = tpu.memref_squeeze %dma_wait3A_291 : memref<1x1x1x8x128xf32, #tpu.memory_space<hbm>> -> memref<8x128xf32, #tpu.memory_space<hbm>>
    %dma_wait3A_293 = arith.constant 0 : i32
    %dma_wait3A_294 = arith.constant 0 : i32
    %dma_wait3A_295 = tpu.memref_slice %arg10[%dma_wait3A_293, %dma_wait3A_294] : memref<64x129xf32, #tpu.memory_space<vmem>> -> memref<8x128xf32, #tpu.memory_space<vmem>>
    tpu.wait_dma2 semaphore(%arg17 : memref<!tpu.dma_semaphore, #tpu.memory_space<semaphore_mem>>) src(%dma_wait3A_295 : memref<8x128xf32, #tpu.memory_space<vmem>>) dst(%dma_wait3A_292 : memref<8x128xf32, #tpu.memory_space<hbm>>)
    %dma_wait3A_296 = arith.constant 0 : i32
    %dma_wait3A_297 = arith.constant 0 : i32
    %dma_wait3A_298 = arith.constant 0 : i32
    %dma_wait3A_299 = arith.constant 0 : i32
    %dma_wait3A_300 = arith.constant 0 : i32
    %dma_wait3A_301 = tpu.memref_slice %arg10[%dma_wait3A_299, %dma_wait3A_300] : memref<64x129xf32, #tpu.memory_space<vmem>> -> memref<8x128xf32, #tpu.memory_space<vmem>>
    %dma_wait3A_302 = arith.constant 0 : i32
    %dma_wait3A_303 = arith.constant 0 : i32
    %dma_wait3A_304 = tpu.memref_slice %arg4[%dma_wait3A_296, %dma_wait3A_297, %dma_wait3A_298, %dma_wait3A_302, %dma_wait3A_303] : memref<50x8x128x8x128xf32, #tpu.memory_space<hbm>> -> memref<1x1x1x8x128xf32, #tpu.memory_space<hbm>>
    %dma_wait3A_305 = tpu.memref_squeeze %dma_wait3A_304 : memref<1x1x1x8x128xf32, #tpu.memory_space<hbm>> -> memref<8x128xf32, #tpu.memory_space<hbm>>
    %dma_wait3A_306 = arith.constant 0 : i32
    %dma_wait3A_307 = arith.constant 0 : i32
    %dma_wait3A_308 = tpu.memref_slice %arg4[%dma_wait3A_296, %dma_wait3A_297, %dma_wait3A_298, %dma_wait3A_306, %dma_wait3A_307] : memref<50x8x128x8x128xf32, #tpu.memory_space<hbm>> -> memref<1x1x1x8x128xf32, #tpu.memory_space<hbm>>
    %dma_wait3A_309 = tpu.memref_squeeze %dma_wait3A_308 : memref<1x1x1x8x128xf32, #tpu.memory_space<hbm>> -> memref<8x128xf32, #tpu.memory_space<hbm>>
    %dma_wait3A_310 = arith.constant 0 : i32
    %dma_wait3A_311 = arith.constant 0 : i32
    %dma_wait3A_312 = tpu.memref_slice %arg10[%dma_wait3A_310, %dma_wait3A_311] : memref<64x129xf32, #tpu.memory_space<vmem>> -> memref<8x128xf32, #tpu.memory_space<vmem>>
    tpu.wait_dma2 semaphore(%arg17 : memref<!tpu.dma_semaphore, #tpu.memory_space<semaphore_mem>>) src(%dma_wait3A_312 : memref<8x128xf32, #tpu.memory_space<vmem>>) dst(%dma_wait3A_309 : memref<8x128xf32, #tpu.memory_space<hbm>>)
    %dma_wait3A_313 = arith.constant 0 : i32
    %dma_wait3A_314 = arith.constant 0 : i32
    %dma_wait3A_315 = arith.constant 0 : i32
    %dma_wait3A_316 = arith.constant 0 : i32
    %dma_wait3A_317 = arith.constant 0 : i32
    %dma_wait3A_318 = tpu.memref_slice %arg10[%dma_wait3A_316, %dma_wait3A_317] : memref<64x129xf32, #tpu.memory_space<vmem>> -> memref<8x128xf32, #tpu.memory_space<vmem>>
    %dma_wait3A_319 = arith.constant 0 : i32
    %dma_wait3A_320 = arith.constant 0 : i32
    %dma_wait3A_321 = tpu.memref_slice %arg4[%dma_wait3A_313, %dma_wait3A_314, %dma_wait3A_315, %dma_wait3A_319, %dma_wait3A_320] : memref<50x8x128x8x128xf32, #tpu.memory_space<hbm>> -> memref<1x1x1x8x128xf32, #tpu.memory_space<hbm>>
    %dma_wait3A_322 = tpu.memref_squeeze %dma_wait3A_321 : memref<1x1x1x8x128xf32, #tpu.memory_space<hbm>> -> memref<8x128xf32, #tpu.memory_space<hbm>>
    %dma_wait3A_323 = arith.constant 0 : i32
    %dma_wait3A_324 = arith.constant 0 : i32
    %dma_wait3A_325 = tpu.memref_slice %arg4[%dma_wait3A_313, %dma_wait3A_314, %dma_wait3A_315, %dma_wait3A_323, %dma_wait3A_324] : memref<50x8x128x8x128xf32, #tpu.memory_space<hbm>> -> memref<1x1x1x8x128xf32, #tpu.memory_space<hbm>>
    %dma_wait3A_326 = tpu.memref_squeeze %dma_wait3A_325 : memref<1x1x1x8x128xf32, #tpu.memory_space<hbm>> -> memref<8x128xf32, #tpu.memory_space<hbm>>
    %dma_wait3A_327 = arith.constant 0 : i32
    %dma_wait3A_328 = arith.constant 0 : i32
    %dma_wait3A_329 = tpu.memref_slice %arg10[%dma_wait3A_327, %dma_wait3A_328] : memref<64x129xf32, #tpu.memory_space<vmem>> -> memref<8x128xf32, #tpu.memory_space<vmem>>
    tpu.wait_dma2 semaphore(%arg17 : memref<!tpu.dma_semaphore, #tpu.memory_space<semaphore_mem>>) src(%dma_wait3A_329 : memref<8x128xf32, #tpu.memory_space<vmem>>) dst(%dma_wait3A_326 : memref<8x128xf32, #tpu.memory_space<hbm>>)
    return
  }
}

</mosaic_0001>

<sc_bundles>
// kernel: kernel.3.cloned.1.call-start
scs
__scs_entry_jumppad:
0x0: {  	(pc) =	sbr.rel $0x88, $3  }
0x1: {  	(tag) =	ssettag $0x0;
	lr =	simm.s32 $0x1  }
0x2: {  	[smem:$0x3F9F] =	sst lr;
	_ =	strace $0xD0000000  }
0x3: {  	_ = 	snop  }
0x4: {  	_ = 	snop  }
0x5: {  	_ = 	snop  }
0x6: {  	_ = 	snop  }
0x7: {  	_ = 	snop  }
__scs_overlays_trampoline_lowered:
0x8: {  	[smem:$0x3FAE] =	sst s0  }
0x9: {  	[smem:$0x3FAF] =	sst s1  }
0xa: {  	[smem:$0x3FB0] =	sst s2  }
0xb: {  	[smem:$0x3FB1] =	sst s3  }
0xc: {  	[smem:$0x3FB2] =	sst s4  }
0xd: {  	[smem:$0x3FB3] =	sst s5  }
0xe: {  	[smem:$0x3FB4] =	sst s6  }
0xf: {  	[smem:$0x3FB5] =	sst s7  }
0x10: {  	[smem:$0x3FB6] =	sst s8  }
0x11: {  	[smem:$0x3FB7] =	sst s9;
	s0 =	simm.s32 @!p0 $0x0  }
0x12: {  	s1 =	sld [smem:$0x3F9D];
	s0 =	simm.s32 @p0 $0x1  }
0x13: {  	[smem:$0x3FB8] =	sst s0;
	s0 =	simm.s32 @!p1 $0x0  }
0x14: {  	s2 =	sld [smem:$0x3F9C];
	s0 =	simm.s32 @p1 $0x1  }
0x15: {  	[smem:$0x3FB9] =	sst s0;
	s0 =	simm.s32 @!p2 $0x0  }
0x16: {  	s3 =	sld [smem:$0x3FDB];
	s0 =	simm.s32 @p2 $0x1  }
0x17: {  	s4 =	simm.s32 $0x1BF5;
	[smem:$0x3FBB] =	sst s0  }
0x18: {  	s0 =	sld [smem:$0x3F9E];
	_ =	swait.ge [sflag:s4], $0x0  }
0x19: {  	s7 =	sld [smem:$0x3F9F]  }
0x1a: {  	s8 =	sadd.s32 $0xFFFFE003, lr  }
0x1b: {  	s9 =	sadd.s32 $0xFFFFFEF7, lr;
	s5 =	simm.s32 $0xFFFFFFFF;
	p2 =	slt.u32 s8, $0xFFFFF086  }
0x1c: {  	p1 =	slt.u32 s9, $0xF7A;
	s5 =	simm.s32 @!p2 $0x0  }
0x1d: {  	s5 =	simm.s32 @p1 $0x1;
	p0 =	seq.s32 s7, s2  }
0x1e: {  	s7 =	smul.u32 @!p0 $0xF7A, s2;
	p2 =	seq.s32 @!p0 s5, $0x0  }
0x1f: {  	s9 =	smul.u32 $0xF7A, s1;
	s8 =	simm.s32 @!p0 $0x1BF5;
	p2 =	por !p2, p0  }
0x20: {  	[sflag:s8] =	ssyncset.s32 @!p0 $0xFFFFF086;
	s6 =	sadd.s32 @!p0 s3, s7;
	s7 =	simm.s32 @!p0 $0x108  }
0x21: {  	s3 =	sadd.s32 s3, s9;
	s6 =	sadd.s32 @!p0 $0x88, s6;
	s7 =	simm.s32 @p2 $0x1082  }
0x22: {  	[simem:s7], [sflag:s8] =	dma.local @!p0 [hbm:s6], $0xF7A  }
0x23: {  	s9 =	sor.u32 $0xD0000000, s2;
	s6 =	simm.s32 $0x108;
	_ =	swait.ge @!p0 [sflag:s8], $0x0  }
0x24: {  	s3 =	sadd.s32 $0x88, s3;
	s6 =	simm.s32 @!p1 $0x1082;
	[sflag:s4] =	ssyncset.s32 $0xFFFFF086  }
0x25: {  	[simem:s6], [sflag:s4] =	dma.local [hbm:s3], $0xF7A  }
0x26: {  	[smem:$0x3F9F] =	sst s1;
	(tag) =	ssettag s2;
	_ =	strace s9  }
0x27: {  	s1 =	sld [smem:$0x3FAF]  }
0x28: {  	s2 =	sld [smem:$0x3FB0]  }
0x29: {  	s4 =	sld [smem:$0x3FB2]  }
0x2a: {  	p0 =	seq.s32 s5, $0x0;
	s5 =	sld [smem:$0x3FB3]  }
0x2b: {  	s6 =	sld [smem:$0x3FB4]  }
0x2c: {  	s7 =	sld [smem:$0x3FB5]  }
0x2d: {  	s3 =	simm.s32 $0x108;
	s8 =	sld [smem:$0x3FB6]  }
0x2e: {  	s3 =	simm.s32 @!p0 $0x1082;
	s9 =	sld [smem:$0x3FB7]  }
0x2f: {  	lr =	sadd.s32 s0, s3;
	s0 =	sld [smem:$0x3FAE]  }
0x30: {  	s3 =	sld [smem:$0x3FB1]  }
0x31: {  	[smem:$0x3FBA] =	sst s10  }
0x32: {  	s10 =	sld [smem:$0x3FB8];
	_ =	sdelay $0x3  }
0x33: {  	p0 =	seq.s32 s10, $0x1;
	s10 =	sld [smem:$0x3FBA];
	_ =	sdelay $0x3  }
0x34: {  	[smem:$0x3FBA] =	sst s10  }
0x35: {  	s10 =	sld [smem:$0x3FB9];
	_ =	sdelay $0x3  }
0x36: {  	p1 =	seq.s32 s10, $0x1;
	s10 =	sld [smem:$0x3FBA];
	_ =	sdelay $0x3  }
0x37: {  	[smem:$0x3FBA] =	sst s10  }
0x38: {  	s10 =	sld [smem:$0x3FBB]  }
0x39: {  	_ = 	snop;
	(pc) =	sbr.ind lr, $3  }
0x3a: {  	_ = 	snop  }
0x3b: {  	_ = 	snop  }
0x3c: {  	p2 =	seq.s32 s10, $0x1;
	s10 =	sld [smem:$0x3FBA]  }
0x3d: {  	_ =	shalt  }
0x3e: {  	_ =	shalt  }
0x3f: {  	_ =	shalt  }
0x40: {  	_ =	shalt  }
0x41: {  	_ =	shalt  }
0x42: {  	_ =	shalt  }
0x43: {  	_ =	shalt  }
0x44: {  	_ =	shalt  }
0x45: {  	_ =	shalt  }
0x46: {  	_ =	shalt  }
0x47: {  	_ =	shalt  }
0x48: {  	_ =	shalt  }
0x49: {  	_ =	shalt  }
0x4a: {  	_ =	shalt  }
0x4b: {  	_ =	shalt  }
0x4c: {  	_ =	shalt  }
0x4d: {  	_ =	shalt  }
0x4e: {  	_ =	shalt  }
0x4f: {  	_ =	shalt  }
0x50: {  	_ =	shalt  }
0x51: {  	_ =	shalt  }
0x52: {  	_ =	shalt  }
0x53: {  	_ =	shalt  }
0x54: {  	_ =	shalt  }
0x55: {  	_ =	shalt  }
0x56: {  	_ =	shalt  }
0x57: {  	_ =	shalt  }
0x58: {  	_ =	shalt  }
0x59: {  	_ =	shalt  }
0x5a: {  	_ =	shalt  }
0x5b: {  	_ =	shalt  }
0x5c: {  	_ =	shalt  }
0x5d: {  	_ =	shalt  }
0x5e: {  	_ =	shalt  }
0x5f: {  	_ =	shalt  }
0x60: {  	_ =	shalt  }
0x61: {  	_ =	shalt  }
0x62: {  	_ =	shalt  }
0x63: {  	_ =	shalt  }
0x64: {  	_ =	shalt  }
0x65: {  	_ =	shalt  }
0x66: {  	_ =	shalt  }
0x67: {  	_ =	shalt  }
0x68: {  	_ =	shalt  }
0x69: {  	_ =	shalt  }
0x6a: {  	_ =	shalt  }
0x6b: {  	_ =	shalt  }
0x6c: {  	_ =	shalt  }
0x6d: {  	_ =	shalt  }
0x6e: {  	_ =	shalt  }
0x6f: {  	_ =	shalt  }
0x70: {  	_ =	shalt  }
0x71: {  	_ =	shalt  }
0x72: {  	_ =	shalt  }
0x73: {  	_ =	shalt  }
0x74: {  	_ =	shalt  }
0x75: {  	_ =	shalt  }
0x76: {  	_ =	shalt  }
0x77: {  	_ =	shalt  }
0x78: {  	_ =	shalt  }
0x79: {  	_ =	shalt  }
0x7a: {  	_ =	shalt  }
0x7b: {  	_ =	shalt  }
0x7c: {  	_ =	shalt  }
0x7d: {  	_ =	shalt  }
0x7e: {  	_ =	shalt  }
0x7f: {  	_ =	shalt  }
0x80: {  	_ =	shalt  }
0x81: {  	_ =	shalt  }
0x82: {  	_ =	shalt  }
0x83: {  	_ =	shalt  }
0x84: {  	_ =	shalt  }
0x85: {  	_ =	shalt  }
0x86: {  	_ =	shalt  }
0x87: {  	_ =	shalt  }
.Lfunc_end0:
.L_simem_size_0:
called_computation.1_lowered:
.L_overlay_start_0:
0x88: {  	s2 =	sld [smem:$0x3FD9]  }
0x89: {  	s3 =	sld [smem:$0x3FFE];
	_ =	sdelay $0x1  }
0x8a: {  	s1 =	srdreg.scid  }
0x8b: {  	s0 =	sand.u32 $0x1, s1  }
0x8c: {  	s17 =	sshll.u32 s0, $0xA;
	s2 =	sadd.s32 s3, s2  }
0x8d: {  	s2 =	sadd.s32 s2, s17  }
0x8e: {  	[smem:$0x3FC6] =	sst s2  }
0x8f: {  	_ = 	snop  }
0x90: {  	s2 =	sld [smem:$0x3FD0];
	(tm) =	ssettm $0x1  }
0x91: {  	s18 =	sld [smem:$0x3FFB];
	_ =	sdelay $0x3  }
0x92: {  	_ =	strace s18  }
0x93: {  	s3 =	sld [smem:$0x3FFC];
	_ =	sdelay $0x3  }
0x94: {  	_ =	strace s3  }
0x95: {  	s3 =	sld [smem:$0x3FFD];
	_ =	sdelay $0x3  }
0x96: {  	_ =	strace s3  }
0x97: {  	_ =	strace $0x8FFFFFFF  }
0x98: {  	s19 =	sld [smem:$0x3FDB];
	_ =	sdelay $0x1  }
0x99: {  	s4 =	simm.s32 $_scs_section_size  }
0x9a: {  	s5 =	simm.s32 $_size__tile_overlayer_lowered;
	s6 =	simm.s32 $_tile_overlayer_lowered  }
0x9b: {  	s22 =	simm.s32 $0x1BFF;
	s21 =	sshll.u32 s6, $0x1;
	s3 =	sadd.s32 s4, s19  }
0x9c: {  	s7 =	simm.s32 $0x0;
	s20 =	sshll.u32 s5, $0x1;
	s5 =	sadd.s32 s21, s3  }
0x9d: {  	[timem:s7], [sflag:s22] =	dma.local [hbm:s5], s20  }
0x9e: {  	_ =	swait.ge [sflag:s22], s20  }
0x9f: {  	s4 =	ssub.s32 $0x0, s20;
	[sflag:s22] =	ssyncset.done $0x0  }
0xa0: {  	[sflag:s22] =	ssyncadd.s32 s4;
	_ =	sdelay $0x1  }
0xa1: {  	s23 =	simm.s32 $0x1B8B  }
0xa2: {  	_ =	swait.ge [sflag:s23], $0x1  }
0xa3: {  	[sflag:s23] =	ssyncset.done $0x0  }
0xa4: {  	s25 =	simm.s32 $0x1B8E;
	s24 =	sld [smem:$0x3FFE];
	[sflag:s23] =	ssyncadd.s32 $0xFFFFFFFF  }
0xa5: {  	s26 =	simm.s32 $execute0_lowered;
	[smem:$0x3FD2] =	sst s25  }
0xa6: {  	s5 =	sshll.u32 s26, $0x1;
	_ =	strace $0x80000049;
	[dreg:$0x1] =	wrdreg $0xFFFFFFFF  }
0xa7: {  	s28 =	simm.s32 $_size_execute0_lowered;
	s3 =	sadd.s32 s3, s5;
	[dreg:$0x0] =	wrdreg $0x0  }
0xa8: {  	s5 =	sshll.u32 s28, $0x1;
	[dreg:$0x2] =	wrdreg s3  }
0xa9: {  	[dreg:$0x3] =	wrdreg s5  }
0xaa: {  	[dreg:$0x4] =	wrdreg $0xC0  }
0xab: {  	_ =	task [dreg:s7], $0x5FFFF  }
0xac: {  	[dreg:$0x1] =	wrdreg $0xFFFFFFFF  }
0xad: {  	[dreg:$0x0] =	wrdreg $0x60  }
0xae: {  	[dreg:$0x2] =	wrdreg s24  }
0xaf: {  	[dreg:$0x3] =	wrdreg s2  }
0xb0: {  	[dreg:$0x4] =	wrdreg $0x9  }
0xb1: {  	_ =	task.clear_ibuf [dreg:s7], $0x5FFFF;
	_ =	strace $0x90000049  }
0xb2: {  	s29 =	simm.s32 $0x9;
	_ =	strace $0x8000004B  }
0xb3: {  	_ =	swait.ge [sflag:s29], $0x1  }
0xb4: {  	[sflag:s29] =	ssyncadd.s32 $0xFFFFFFFF  }
0xb5: {  	_ =	strace $0x9000004B  }
0xb6: {  	_ =	sfence  }
0xb7: {  	s30 =	sld [smem:$0x0];
	_ =	sdelay $0x2  }
0xb8: {  	s31 =	sshll.u32 s1, $0xD;
	s1 =	sshrl.u32 s1, $0x2  }
0xb9: {  	s3 =	sand.u32 $0x4000, s31;
	s1 =	sadd.s32 s1, s30  }
0xba: {  	s0 =	sor.u32 s3, s0;
	s1 =	sshll.u32 s1, $0x11  }
0xbb: {  	s0 =	sor.u32 s1, s0  }
0xbc: {  	s0 =	sadd.s32 $0x8F2B, s0  }
0xbd: {  	[sflag:s0] =	ssyncadd.remote.s32 $0x1  }
0xbe: {  	_ =	sfence.sel $0xFFFF  }
0xbf: {  	[dreg:$0x0] =	wrdreg $0xFFFFFFFF;
	(pc) =	sbr.abs _section_cstart, $3  }
0xc0: {  	[dreg:$0x1] =	wrdreg $0xFFFFFFFF  }
0xc1: {  	_ =	task.clear_ibuf [dreg:s7], $0x2FFFF;
	_ =	strace $0x9FFFFFFF  }
0xc2: {  	(tm) =	ssettm $0x7FFFFFFF  }
0xc3: {  	_ =	shalt  }
tec
execute0_lowered:
.L_overlay_start_1:
0x0: {  	(tag) =	ssettag $0x1  }
0x1: {  	s0 =	rddreg [dreg:$0x0];
	s1 =	srdreg.scid  }
0x2: {  	s3 =	stileid.u32;
	s2 =	rddreg [dreg:$0x1]  }
0x3: {  	s24 =	simm.s32 $0xE400;
	s29 =	simm.s32 $0xE488;
	s30 =	simm.s32 $0xE598  }
0x4: {  	s31 =	simm.s32 $0xE6A8;
	s23 =	simm.s32 $0xEA60;
	s18 =	simm.s32 $0xEB70  }
0x5: {  	s17 =	simm.s32 $0xED90;
	s21 =	simm.s32 $0xEEA0;
	s19 =	simm.s32 $0x10600  }
0x6: {  	s20 =	simm.s32 $0x5;
	s22 =	simm.s32 $0x6;
	s14 =	simm.s32 $0x0  }
0x7: {  	s1 =	sand.u32 $0x1, s1;
	s4 =	sshll.u32 s3, $0x1;
	s3 =	simm.s32 $0x0  }
0x8: {  	s8 =	sadd.s32 $0x8000, s2;
	s9 =	sadd.s32 $0xC000, s2;
	s10 =	sadd.s32 $0x10000, s2  }
0x9: {  	s11 =	sadd.s32 $0x14000, s2;
	s12 =	sadd.s32 $0x18000, s2;
	s5 =	sor.u32 s1, s4  }
0xa: {  	s13 =	sadd.s32 $0x1C000, s2;
	s1 =	ssub.s32 $0x2, s1;
	s4 =	smul.u32 $0xC80, s5  }
0xb: {  	[smem:$0x7FF] =	sst s3;
	s6 =	sshrl.u32 s1, $0x1;
	s5 =	smul.u32 $0xC8, s5  }
0xc: {  	v0 =	vlaneseq.u32;
	_ =	strace $0x8000004A;
	s26 =	ssub.s32 s1, s6;
	s7 =	sadd.s32 s4, s0  }
0xd: {  	v0 =	vmul.u32 $0x88, v0;
	s4 =	sadd.s32 $0xF5BE00, s0;
	s0 =	smax.u32 s26, $0x1;
	[dreg:$0x5] =	wrdreg s5  }
0xe: {  	s1 =	simm.s32 $0xE7B8;
	s28 =	sadd.s32 $0xF42E00, s7;
	[dreg:$0x4] =	wrdreg s0  }
0xf: {  	v1 =	vadd.s32 $0x880, v0;
	v2 =	vadd.s32 $0x1100, v0;
	v3 =	vadd.s32 $0x1980, v0;
	s7 =	sadd.s32 $0x4000, s2;
	s0 =	simm.s32 $0xE950;
	[dreg:$0x3] =	wrdreg s28  }
.LBB2_1:
0x10: {  	[dreg:$0x6] =	wrdreg s14  }
0x11: {  	s6 =	rddreg [dreg:$0x3];
	s14 =	simm.s32 $0x7  }
0x12: {  	[tilespmem:s3], [sflag:$0x7] =	stream.linear.gather [hbm4b:s6+s3], $0x6400, $0x38;
	[tilespmem:$0x12800] =	vst v63  }
0x13: {  	_ =	swait.ge [sflag:s14], $0x6400  }
0x14: {  	[sflag:s14] =	ssyncset.done $0x0  }
0x15: {  	s15 =	simm.s32 $0x6400;
	s6 =	simm.s32 $0x80;
	[sflag:s14] =	ssyncadd.s32 $0xFFFF9C00  }
0x16: {  	[tilespmem:s15], [sflag:$0x1] =	stream.indirect.gather [hbm4b:s4+s6], $0x40, s3, s6, $0xb8;
	[tilespmem:$0x12800] =	vst v63  }
0x17: {  	s16 =	simm.s32 $0x8400  }
0x18: {  	[tilespmem:s16], [sflag:$0x2] =	stream.indirect.gather [hbm4b:s4+s6], $0x40, s6, s6, $0xb8;
	[tilespmem:$0x12800] =	vst v63  }
0x19: {  	s25 =	simm.s32 $0x100;
	s15 =	simm.s32 $0xA400  }
0x1a: {  	[tilespmem:s15], [sflag:$0x3] =	stream.indirect.gather [hbm4b:s4+s6], $0x40, s25, s6, $0xb8;
	[tilespmem:$0x12800] =	vst v63  }
0x1b: {  	s26 =	simm.s32 $0x180;
	s28 =	simm.s32 $0xC400  }
0x1c: {  	[tilespmem:s28], [sflag:$0x4] =	stream.indirect.gather [hbm4b:s4+s6], $0x40, s26, s6, $0xb8;
	[tilespmem:$0x12800] =	vst v63  }
0x1d: {  	s6 =	simm.s32 $0x0  }
.LBB2_2:
0x1e: {  	s14 =	simm.s32 $0x1  }
0x1f: {  	_ =	swait.ge [sflag:s14], $0x2000  }
0x20: {  	p1 =	seq.s32 s6, $0x0;
	[sflag:s14] =	ssyncset.done $0x0  }
0x21: {  	[sflag:s14] =	ssyncadd.s32 $0xFFFFE000;
	s14 =	simm.s32 @!p1 $0x5  }
0x22: {  	_ =	swait.ge @!p1 [sflag:s14], $0x400  }
0x23: {  	[sflag:s14] =	ssyncset.done @!p1 $0x0  }
0x24: {  	[sflag:s14] =	ssyncadd.s32 @!p1 $0xFFFFFC00  }
0x25: {  	_ =	swait.ge @!p1 [sflag:s14], $0x400  }
0x26: {  	[sflag:s14] =	ssyncset.done @!p1 $0x0  }
0x27: {  	[sflag:s14] =	ssyncadd.s32 @!p1 $0xFFFFFC00  }
0x28: {  	_ =	swait.ge @!p1 [sflag:s14], $0x400  }
0x29: {  	[sflag:s14] =	ssyncset.done @!p1 $0x0  }
0x2a: {  	[sflag:s14] =	ssyncadd.s32 @!p1 $0xFFFFFC00  }
0x2b: {  	_ =	swait.ge @!p1 [sflag:s14], $0x400  }
0x2c: {  	[sflag:s14] =	ssyncset.done @!p1 $0x0  }
0x2d: {  	[sflag:s14] =	ssyncadd.s32 @!p1 $0xFFFFFC00  }
0x2e: {  	_ =	swait.ge @!p1 [sflag:s14], $0x400  }
0x2f: {  	[sflag:s14] =	ssyncset.done @!p1 $0x0  }
0x30: {  	[sflag:s14] =	ssyncadd.s32 @!p1 $0xFFFFFC00  }
0x31: {  	_ =	swait.ge @!p1 [sflag:s14], $0x400  }
0x32: {  	[sflag:s14] =	ssyncset.done @!p1 $0x0  }
0x33: {  	[sflag:s14] =	ssyncadd.s32 @!p1 $0xFFFFFC00  }
0x34: {  	_ =	swait.ge @!p1 [sflag:s14], $0x400  }
0x35: {  	[sflag:s14] =	ssyncset.done @!p1 $0x0  }
0x36: {  	[sflag:s14] =	ssyncadd.s32 @!p1 $0xFFFFFC00  }
0x37: {  	s15 =	simm.s32 $0x0;
	_ =	swait.ge @!p1 [sflag:s14], $0x400  }
0x38: {  	v4 =	vmov s15;
	[sflag:s14] =	ssyncset.done @!p1 $0x0  }
0x39: {  	v4 =	vand.u32 $0x7C, v4;
	[sflag:s14] =	ssyncadd.s32 @!p1 $0xFFFFFC00;
	s14 =	simm.s32 $0x6480  }
0x3a: {  	v6 =	vadd.s32 v0, v4;
	v5 =	vld [tilespmem:s14+$0xFFFFFF80];
	_ =	sdelay $0x4  }
0x3b: {  	[tilespmem:v6+s24+$0x0] =	vst.idx.msk $0xffff, v5  }
0x3c: {  	v6 =	vadd.s32 v1, v4;
	v5 =	vld [tilespmem:s14+$0xFFFFFF90];
	_ =	sdelay $0x4  }
0x3d: {  	[tilespmem:v6+s24+$0x0] =	vst.idx.msk $0xffff, v5  }
0x3e: {  	v6 =	vadd.s32 v2, v4;
	v5 =	vld [tilespmem:s14+$0xFFFFFFA0];
	_ =	sdelay $0x4  }
0x3f: {  	[tilespmem:v6+s24+$0x0] =	vst.idx.msk $0xffff, v5  }
0x40: {  	v4 =	vadd.s32 v3, v4;
	v5 =	vld [tilespmem:s14+$0xFFFFFFB0];
	_ =	sdelay $0x2  }
0x41: {  	s25 =	simm.s32 $0x1  }
0x42: {  	v6 =	vmov s25  }
0x43: {  	[tilespmem:v4+s24+$0x0] =	vst.idx.msk $0xffff, v5;
	v4 =	vand.u32 $0x7D, v6  }
0x44: {  	v5 =	vld [tilespmem:s14+$0xFFFFFFC0];
	v6 =	vadd.s32 v0, v4;
	_ =	sdelay $0x4  }
0x45: {  	[tilespmem:v6+s24+$0x0] =	vst.idx.msk $0xffff, v5  }
0x46: {  	v6 =	vadd.s32 v1, v4;
	v5 =	vld [tilespmem:s14+$0xFFFFFFD0];
	_ =	sdelay $0x4  }
0x47: {  	[tilespmem:v6+s24+$0x0] =	vst.idx.msk $0xffff, v5  }
0x48: {  	v6 =	vadd.s32 v2, v4;
	v5 =	vld [tilespmem:s14+$0xFFFFFFE0];
	_ =	sdelay $0x4  }
0x49: {  	[tilespmem:v6+s24+$0x0] =	vst.idx.msk $0xffff, v5  }
0x4a: {  	v4 =	vadd.s32 v3, v4;
	v5 =	vld [tilespmem:s14+$0xFFFFFFF0];
	_ =	sdelay $0x2  }
0x4b: {  	s26 =	simm.s32 $0x2  }
0x4c: {  	v6 =	vmov s26  }
0x4d: {  	[tilespmem:v4+s24+$0x0] =	vst.idx.msk $0xffff, v5;
	v4 =	vand.u32 $0x7E, v6  }
0x4e: {  	v5 =	vld [tilespmem:s14+$0x0];
	v6 =	vadd.s32 v0, v4;
	_ =	sdelay $0x4  }
0x4f: {  	[tilespmem:v6+s24+$0x0] =	vst.idx.msk $0xffff, v5  }
0x50: {  	v6 =	vadd.s32 v1, v4;
	v5 =	vld [tilespmem:s14+$0x10];
	_ =	sdelay $0x4  }
0x51: {  	[tilespmem:v6+s24+$0x0] =	vst.idx.msk $0xffff, v5  }
0x52: {  	v6 =	vadd.s32 v2, v4;
	v5 =	vld [tilespmem:s14+$0x20];
	_ =	sdelay $0x4  }
0x53: {  	[tilespmem:v6+s24+$0x0] =	vst.idx.msk $0xffff, v5  }
0x54: {  	v4 =	vadd.s32 v3, v4;
	v5 =	vld [tilespmem:s14+$0x30];
	_ =	sdelay $0x2  }
0x55: {  	s28 =	simm.s32 $0x3  }
0x56: {  	v6 =	vmov s28  }
0x57: {  	[tilespmem:v4+s24+$0x0] =	vst.idx.msk $0xffff, v5;
	v5 =	vand.u32 $0x7F, v6  }
0x58: {  	v4 =	vld [tilespmem:s14+$0x40];
	v6 =	vadd.s32 v0, v5;
	_ =	sdelay $0x4  }
0x59: {  	[tilespmem:v6+s24+$0x0] =	vst.idx.msk $0xffff, v4  }
0x5a: {  	v6 =	vadd.s32 v1, v5;
	v4 =	vld [tilespmem:s14+$0x50];
	_ =	sdelay $0x4  }
0x5b: {  	[tilespmem:v6+s24+$0x0] =	vst.idx.msk $0xffff, v4  }
0x5c: {  	v6 =	vadd.s32 v2, v5;
	v4 =	vld [tilespmem:s14+$0x60];
	_ =	sdelay $0x4  }
0x5d: {  	[tilespmem:v6+s24+$0x0] =	vst.idx.msk $0xffff, v4  }
0x5e: {  	v5 =	vadd.s32 v3, v5;
	v4 =	vld [tilespmem:s14+$0x70];
	_ =	sdelay $0x2  }
0x5f: {  	s15 =	sshll.u32 s6, $0x2;
	s25 =	simm.s32 $0x4  }
0x60: {  	s16 =	sadd.s32 s5, s15;
	s26 =	simm.s32 $0x8;
	v6 =	vmov s25  }
.LBB2_3:
0x61: {  	p0 =	sne.s32 s26, $0x7C;
	v6 =	vand.u32 $0x7C, v6;
	[tilespmem:v5+s24+$0x0] =	vst.idx.msk $0xffff, v4;
	s14 =	sadd.s32 $0x100, s14  }
0x62: {  	v4 =	vld [tilespmem:s14+$0xFFFFFF80];
	v5 =	vadd.s32 v0, v6;
	_ =	sdelay $0x4  }
0x63: {  	[tilespmem:v5+s24+$0x0] =	vst.idx.msk $0xffff, v4  }
0x64: {  	v5 =	vadd.s32 v1, v6;
	v4 =	vld [tilespmem:s14+$0xFFFFFF90];
	_ =	sdelay $0x4  }
0x65: {  	[tilespmem:v5+s24+$0x0] =	vst.idx.msk $0xffff, v4  }
0x66: {  	v5 =	vadd.s32 v2, v6;
	v4 =	vld [tilespmem:s14+$0xFFFFFFA0];
	_ =	sdelay $0x4  }
0x67: {  	[tilespmem:v5+s24+$0x0] =	vst.idx.msk $0xffff, v4  }
0x68: {  	v5 =	vadd.s32 v3, v6;
	v4 =	vld [tilespmem:s14+$0xFFFFFFB0];
	_ =	sdelay $0x2  }
0x69: {  	s28 =	sadd.s32 $0x1, s25  }
0x6a: {  	v6 =	vmov s28  }
0x6b: {  	[tilespmem:v5+s24+$0x0] =	vst.idx.msk $0xffff, v4;
	v4 =	vand.u32 $0x7D, v6  }
0x6c: {  	v5 =	vld [tilespmem:s14+$0xFFFFFFC0];
	v6 =	vadd.s32 v0, v4;
	_ =	sdelay $0x4  }
0x6d: {  	[tilespmem:v6+s24+$0x0] =	vst.idx.msk $0xffff, v5  }
0x6e: {  	v6 =	vadd.s32 v1, v4;
	v5 =	vld [tilespmem:s14+$0xFFFFFFD0];
	_ =	sdelay $0x4  }
0x6f: {  	[tilespmem:v6+s24+$0x0] =	vst.idx.msk $0xffff, v5  }
0x70: {  	v6 =	vadd.s32 v2, v4;
	v5 =	vld [tilespmem:s14+$0xFFFFFFE0];
	_ =	sdelay $0x4  }
0x71: {  	[tilespmem:v6+s24+$0x0] =	vst.idx.msk $0xffff, v5  }
0x72: {  	v4 =	vadd.s32 v3, v4;
	v5 =	vld [tilespmem:s14+$0xFFFFFFF0];
	_ =	sdelay $0x2  }
0x73: {  	s28 =	sadd.s32 $0x2, s25  }
0x74: {  	v6 =	vmov s28  }
0x75: {  	[tilespmem:v4+s24+$0x0] =	vst.idx.msk $0xffff, v5;
	v4 =	vand.u32 $0x7E, v6  }
0x76: {  	v5 =	vld [tilespmem:s14+$0x0];
	v6 =	vadd.s32 v0, v4;
	_ =	sdelay $0x4  }
0x77: {  	[tilespmem:v6+s24+$0x0] =	vst.idx.msk $0xffff, v5  }
0x78: {  	v6 =	vadd.s32 v1, v4;
	v5 =	vld [tilespmem:s14+$0x10];
	_ =	sdelay $0x4  }
0x79: {  	[tilespmem:v6+s24+$0x0] =	vst.idx.msk $0xffff, v5  }
0x7a: {  	v6 =	vadd.s32 v2, v4;
	v5 =	vld [tilespmem:s14+$0x20];
	_ =	sdelay $0x4  }
0x7b: {  	[tilespmem:v6+s24+$0x0] =	vst.idx.msk $0xffff, v5  }
0x7c: {  	v4 =	vadd.s32 v3, v4;
	v5 =	vld [tilespmem:s14+$0x30];
	_ =	sdelay $0x2  }
0x7d: {  	s28 =	sadd.s32 $0x3, s25;
	s25 =	smov.u32 s26  }
0x7e: {  	v6 =	vmov s28  }
0x7f: {  	[tilespmem:v4+s24+$0x0] =	vst.idx.msk $0xffff, v5;
	v5 =	vand.u32 $0x7F, v6  }
0x80: {  	v4 =	vld [tilespmem:s14+$0x40];
	v6 =	vadd.s32 v0, v5;
	_ =	sdelay $0x4  }
0x81: {  	[tilespmem:v6+s24+$0x0] =	vst.idx.msk $0xffff, v4  }
0x82: {  	v6 =	vadd.s32 v1, v5;
	v4 =	vld [tilespmem:s14+$0x50];
	_ =	sdelay $0x4  }
0x83: {  	[tilespmem:v6+s24+$0x0] =	vst.idx.msk $0xffff, v4  }
0x84: {  	v6 =	vadd.s32 v2, v5;
	v4 =	vld [tilespmem:s14+$0x60];
	_ =	sdelay $0x4  }
0x85: {  	[tilespmem:v6+s24+$0x0] =	vst.idx.msk $0xffff, v4  }
.Ltmp0:
0x86: {  	v5 =	vadd.s32 v3, v5;
	v4 =	vld [tilespmem:s14+$0x70];
	(pc) =	sbr.rel @p0 .LBB2_3-.Ltmp0, $2  }
0x87: {  	_ =	sdelay $0x2  }
0x88: {  	s26 =	sadd.s32 $0x4, s26;
	v6 =	vmov s25  }
0x89: {  	_ =	sdelay $0x3  }
0x8a: {  	v6 =	vand.u32 $0x7C, v6;
	[tilespmem:v5+s24+$0x0] =	vst.idx.msk $0xffff, v4;
	s14 =	sadd.s32 $0x100, s14  }
0x8b: {  	v4 =	vld [tilespmem:s14+$0xFFFFFF80];
	v5 =	vadd.s32 v0, v6;
	_ =	sdelay $0x4  }
0x8c: {  	[tilespmem:v5+s24+$0x0] =	vst.idx.msk $0xffff, v4  }
0x8d: {  	v5 =	vadd.s32 v1, v6;
	v4 =	vld [tilespmem:s14+$0xFFFFFF90];
	_ =	sdelay $0x4  }
0x8e: {  	[tilespmem:v5+s24+$0x0] =	vst.idx.msk $0xffff, v4  }
0x8f: {  	v5 =	vadd.s32 v2, v6;
	v4 =	vld [tilespmem:s14+$0xFFFFFFA0];
	_ =	sdelay $0x4  }
0x90: {  	[tilespmem:v5+s24+$0x0] =	vst.idx.msk $0xffff, v4  }
0x91: {  	v5 =	vadd.s32 v3, v6;
	v4 =	vld [tilespmem:s14+$0xFFFFFFB0];
	_ =	sdelay $0x2  }
0x92: {  	s26 =	sadd.s32 $0x1, s25  }
0x93: {  	v6 =	vmov s26  }
0x94: {  	[tilespmem:v5+s24+$0x0] =	vst.idx.msk $0xffff, v4;
	v4 =	vand.u32 $0x7D, v6  }
0x95: {  	v5 =	vld [tilespmem:s14+$0xFFFFFFC0];
	v6 =	vadd.s32 v0, v4;
	_ =	sdelay $0x4  }
0x96: {  	[tilespmem:v6+s24+$0x0] =	vst.idx.msk $0xffff, v5  }
0x97: {  	v6 =	vadd.s32 v1, v4;
	v5 =	vld [tilespmem:s14+$0xFFFFFFD0];
	_ =	sdelay $0x4  }
0x98: {  	[tilespmem:v6+s24+$0x0] =	vst.idx.msk $0xffff, v5  }
0x99: {  	v6 =	vadd.s32 v2, v4;
	v5 =	vld [tilespmem:s14+$0xFFFFFFE0];
	_ =	sdelay $0x4  }
0x9a: {  	[tilespmem:v6+s24+$0x0] =	vst.idx.msk $0xffff, v5  }
0x9b: {  	v4 =	vadd.s32 v3, v4;
	v5 =	vld [tilespmem:s14+$0xFFFFFFF0];
	_ =	sdelay $0x2  }
0x9c: {  	s26 =	sadd.s32 $0x2, s25  }
0x9d: {  	v6 =	vmov s26  }
0x9e: {  	[tilespmem:v4+s24+$0x0] =	vst.idx.msk $0xffff, v5;
	v4 =	vand.u32 $0x7E, v6  }
0x9f: {  	v5 =	vld [tilespmem:s14+$0x0];
	v6 =	vadd.s32 v0, v4;
	_ =	sdelay $0x4  }
0xa0: {  	[tilespmem:v6+s24+$0x0] =	vst.idx.msk $0xffff, v5  }
0xa1: {  	v6 =	vadd.s32 v1, v4;
	v5 =	vld [tilespmem:s14+$0x10];
	_ =	sdelay $0x4  }
0xa2: {  	[tilespmem:v6+s24+$0x0] =	vst.idx.msk $0xffff, v5  }
0xa3: {  	v6 =	vadd.s32 v2, v4;
	v5 =	vld [tilespmem:s14+$0x20];
	_ =	sdelay $0x4  }
0xa4: {  	[tilespmem:v6+s24+$0x0] =	vst.idx.msk $0xffff, v5  }
0xa5: {  	v4 =	vadd.s32 v3, v4;
	v5 =	vld [tilespmem:s14+$0x30];
	_ =	sdelay $0x2  }
0xa6: {  	s26 =	sadd.s32 $0x3, s25  }
0xa7: {  	v6 =	vmov s26  }
0xa8: {  	[tilespmem:v4+s24+$0x0] =	vst.idx.msk $0xffff, v5;
	v4 =	vand.u32 $0x7F, v6  }
0xa9: {  	v5 =	vld [tilespmem:s14+$0x40];
	v6 =	vadd.s32 v0, v4;
	_ =	sdelay $0x4  }
0xaa: {  	[tilespmem:v6+s24+$0x0] =	vst.idx.msk $0xffff, v5  }
0xab: {  	v6 =	vadd.s32 v1, v4;
	v5 =	vld [tilespmem:s14+$0x50];
	_ =	sdelay $0x4  }
0xac: {  	[tilespmem:v6+s24+$0x0] =	vst.idx.msk $0xffff, v5  }
0xad: {  	v6 =	vadd.s32 v2, v4;
	v5 =	vld [tilespmem:s14+$0x60];
	_ =	sdelay $0x4  }
0xae: {  	[tilespmem:v6+s24+$0x0] =	vst.idx.msk $0xffff, v5  }
0xaf: {  	v4 =	vadd.s32 v3, v4;
	v5 =	vld [tilespmem:s14+$0x70];
	_ =	sdelay $0x1  }
0xb0: {  	p0 =	seq.s32 s6, $0x31  }
0xb1: {  	s14 =	sshll.u32 @!p0 s6, $0x9  }
0xb2: {  	s14 =	sand.u32 @!p0 $0x3FFFFE00, s14  }
0xb3: {  	s28 =	simm.s32 @!p0 $0x6400;
	s26 =	simm.s32 @!p0 $0x80;
	s25 =	sadd.s32 @!p0 $0x200, s14;
	[tilespmem:v4+s24+$0x0] =	vst.idx.msk $0xffff, v5  }
0xb4: {  	[tilespmem:s28], [sflag:$0x1] =	stream.indirect.gather @!p0 [hbm4b:s4+s26], $0x40, s25, s26, $0xb8;
	[tilespmem:$0x12800] =	vst v63  }
0xb5: {  	s25 =	sshll.u32 s16, $0xA;
	s26 =	sshll.u32 s16, $0x7  }
0xb6: {  	s25 =	sand.u32 $0xFFE0000, s25;
	s16 =	sand.u32 $0x3E00, s26  }
0xb7: {  	s16 =	sor.u32 s16, s25  }
0xb8: {  	s25 =	sadd.s32 s2, s16  }
0xb9: {  	[hbm4b:s25+s3] =	stream.linear.scatter [tilespmem:s24], [sflag:$0x5], $0x80, $0x38;
	[tilespmem:$0x12800] =	vst v63  }
0xba: {  	s26 =	sadd.s32 $0x10, s25  }
0xbb: {  	[hbm4b:s26+s3] =	stream.linear.scatter [tilespmem:s29], [sflag:$0x5], $0x80, $0x38;
	[tilespmem:$0x12800] =	vst v63  }
0xbc: {  	s28 =	simm.s32 $0xE510;
	s29 =	sadd.s32 $0x20, s25  }
0xbd: {  	[hbm4b:s29+s3] =	stream.linear.scatter [tilespmem:s28], [sflag:$0x5], $0x80, $0x38;
	[tilespmem:$0x12800] =	vst v63  }
0xbe: {  	s29 =	sadd.s32 $0x30, s25  }
0xbf: {  	[hbm4b:s29+s3] =	stream.linear.scatter [tilespmem:s30], [sflag:$0x5], $0x80, $0x38;
	[tilespmem:$0x12800] =	vst v63  }
0xc0: {  	s28 =	simm.s32 $0xE620;
	s29 =	sadd.s32 $0x40, s25  }
0xc1: {  	[hbm4b:s29+s3] =	stream.linear.scatter [tilespmem:s28], [sflag:$0x5], $0x80, $0x38;
	[tilespmem:$0x12800] =	vst v63  }
0xc2: {  	s30 =	sadd.s32 $0x50, s25  }
0xc3: {  	[hbm4b:s30+s3] =	stream.linear.scatter [tilespmem:s31], [sflag:$0x5], $0x80, $0x38;
	[tilespmem:$0x12800] =	vst v63  }
0xc4: {  	s28 =	simm.s32 $0xE730;
	s31 =	sadd.s32 $0x60, s25  }
0xc5: {  	[hbm4b:s31+s3] =	stream.linear.scatter [tilespmem:s28], [sflag:$0x5], $0x80, $0x38;
	[tilespmem:$0x12800] =	vst v63  }
0xc6: {  	s25 =	sadd.s32 $0x70, s25  }
0xc7: {  	[hbm4b:s25+s3] =	stream.linear.scatter [tilespmem:s1], [sflag:$0x5], $0x80, $0x38;
	[tilespmem:$0x12800] =	vst v63  }
0xc8: {  	s29 =	simm.s32 $0xE840;
	s25 =	sadd.s32 s16, s7  }
0xc9: {  	[hbm4b:s25+s3] =	stream.linear.scatter [tilespmem:s29], [sflag:$0x5], $0x80, $0x38;
	[tilespmem:$0x12800] =	vst v63  }
0xca: {  	s31 =	simm.s32 $0xE8C8;
	s30 =	sadd.s32 $0x10, s25  }
0xcb: {  	[hbm4b:s30+s3] =	stream.linear.scatter [tilespmem:s31], [sflag:$0x5], $0x80, $0x38;
	[tilespmem:$0x12800] =	vst v63  }
0xcc: {  	s1 =	sadd.s32 $0x20, s25  }
0xcd: {  	[hbm4b:s1+s3] =	stream.linear.scatter [tilespmem:s0], [sflag:$0x5], $0x80, $0x38;
	[tilespmem:$0x12800] =	vst v63  }
0xce: {  	s29 =	sadd.s32 $0x30, s25;
	s30 =	simm.s32 $0xE9D8  }
0xcf: {  	[hbm4b:s29+s3] =	stream.linear.scatter [tilespmem:s30], [sflag:$0x5], $0x80, $0x38;
	[tilespmem:$0x12800] =	vst v63  }
0xd0: {  	s31 =	sadd.s32 $0x40, s25  }
0xd1: {  	[hbm4b:s31+s3] =	stream.linear.scatter [tilespmem:s23], [sflag:$0x5], $0x80, $0x38;
	[tilespmem:$0x12800] =	vst v63  }
0xd2: {  	s0 =	sadd.s32 $0x50, s25;
	s1 =	simm.s32 $0xEAE8  }
0xd3: {  	[hbm4b:s0+s3] =	stream.linear.scatter [tilespmem:s1], [sflag:$0x5], $0x80, $0x38;
	[tilespmem:$0x12800] =	vst v63  }
0xd4: {  	s23 =	sadd.s32 $0x60, s25  }
0xd5: {  	[hbm4b:s23+s3] =	stream.linear.scatter [tilespmem:s18], [sflag:$0x5], $0x80, $0x38;
	[tilespmem:$0x12800] =	vst v63  }
0xd6: {  	s26 =	simm.s32 $0xEBF8;
	s25 =	sadd.s32 $0x70, s25  }
0xd7: {  	[hbm4b:s25+s3] =	stream.linear.scatter [tilespmem:s26], [sflag:$0x5], $0x80, $0x38;
	[tilespmem:$0x12800] =	vst v63  }
0xd8: {  	s29 =	simm.s32 $0xEC80;
	s25 =	sadd.s32 s16, s8  }
0xd9: {  	[hbm4b:s25+s3] =	stream.linear.scatter [tilespmem:s29], [sflag:$0x5], $0x80, $0x38;
	[tilespmem:$0x12800] =	vst v63  }
0xda: {  	s31 =	simm.s32 $0xED08;
	s30 =	sadd.s32 $0x10, s25  }
0xdb: {  	[hbm4b:s30+s3] =	stream.linear.scatter [tilespmem:s31], [sflag:$0x5], $0x80, $0x38;
	[tilespmem:$0x12800] =	vst v63  }
0xdc: {  	s1 =	sadd.s32 $0x20, s25  }
0xdd: {  	[hbm4b:s1+s3] =	stream.linear.scatter [tilespmem:s17], [sflag:$0x5], $0x80, $0x38;
	[tilespmem:$0x12800] =	vst v63  }
0xde: {  	s23 =	simm.s32 $0xEE18;
	s18 =	sadd.s32 $0x30, s25  }
0xdf: {  	[hbm4b:s18+s3] =	stream.linear.scatter [tilespmem:s23], [sflag:$0x5], $0x80, $0x38;
	[tilespmem:$0x12800] =	vst v63  }
0xe0: {  	s29 =	sadd.s32 $0x40, s25  }
0xe1: {  	[hbm4b:s29+s3] =	stream.linear.scatter [tilespmem:s21], [sflag:$0x5], $0x80, $0x38;
	[tilespmem:$0x12800] =	vst v63  }
0xe2: {  	s30 =	sadd.s32 $0x50, s25;
	s31 =	simm.s32 $0xEF28  }
0xe3: {  	[hbm4b:s30+s3] =	stream.linear.scatter [tilespmem:s31], [sflag:$0x5], $0x80, $0x38;
	[tilespmem:$0x12800] =	vst v63  }
0xe4: {  	s1 =	sadd.s32 $0x60, s25;
	s17 =	simm.s32 $0xEFB0  }
0xe5: {  	[hbm4b:s1+s3] =	stream.linear.scatter [tilespmem:s17], [sflag:$0x5], $0x80, $0x38;
	[tilespmem:$0x12800] =	vst v63  }
0xe6: {  	s25 =	sadd.s32 $0x70, s25;
	s18 =	simm.s32 $0xF038  }
0xe7: {  	[hbm4b:s25+s3] =	stream.linear.scatter [tilespmem:s18], [sflag:$0x5], $0x80, $0x38;
	[tilespmem:$0x12800] =	vst v63  }
0xe8: {  	s21 =	simm.s32 $0xF0C0;
	s25 =	sadd.s32 s16, s9  }
0xe9: {  	[hbm4b:s25+s3] =	stream.linear.scatter [tilespmem:s21], [sflag:$0x5], $0x80, $0x38;
	[tilespmem:$0x12800] =	vst v63  }
0xea: {  	s29 =	simm.s32 $0xF148;
	s23 =	sadd.s32 $0x10, s25  }
0xeb: {  	[hbm4b:s23+s3] =	stream.linear.scatter [tilespmem:s29], [sflag:$0x5], $0x80, $0x38;
	[tilespmem:$0x12800] =	vst v63  }
0xec: {  	s31 =	simm.s32 $0xF1D0;
	s30 =	sadd.s32 $0x20, s25  }
0xed: {  	[hbm4b:s30+s3] =	stream.linear.scatter [tilespmem:s31], [sflag:$0x5], $0x80, $0x38;
	[tilespmem:$0x12800] =	vst v63  }
0xee: {  	s17 =	simm.s32 $0xF258;
	s1 =	sadd.s32 $0x30, s25  }
0xef: {  	[hbm4b:s1+s3] =	stream.linear.scatter [tilespmem:s17], [sflag:$0x5], $0x80, $0x38;
	[tilespmem:$0x12800] =	vst v63  }
0xf0: {  	s18 =	sadd.s32 $0x40, s25;
	s21 =	simm.s32 $0xF2E0  }
0xf1: {  	[hbm4b:s18+s3] =	stream.linear.scatter [tilespmem:s21], [sflag:$0x5], $0x80, $0x38;
	[tilespmem:$0x12800] =	vst v63  }
0xf2: {  	s23 =	sadd.s32 $0x50, s25;
	s29 =	simm.s32 $0xF368  }
0xf3: {  	[hbm4b:s23+s3] =	stream.linear.scatter [tilespmem:s29], [sflag:$0x5], $0x80, $0x38;
	[tilespmem:$0x12800] =	vst v63  }
0xf4: {  	s30 =	sadd.s32 $0x60, s25;
	s31 =	simm.s32 $0xF3F0  }
0xf5: {  	[hbm4b:s30+s3] =	stream.linear.scatter [tilespmem:s31], [sflag:$0x5], $0x80, $0x38;
	[tilespmem:$0x12800] =	vst v63  }
0xf6: {  	s25 =	sadd.s32 $0x70, s25;
	s1 =	simm.s32 $0xF478  }
0xf7: {  	[hbm4b:s25+s3] =	stream.linear.scatter [tilespmem:s1], [sflag:$0x5], $0x80, $0x38;
	[tilespmem:$0x12800] =	vst v63  }
0xf8: {  	s17 =	simm.s32 $0xF500;
	s25 =	sadd.s32 s16, s10  }
0xf9: {  	[hbm4b:s25+s3] =	stream.linear.scatter [tilespmem:s17], [sflag:$0x5], $0x80, $0x38;
	[tilespmem:$0x12800] =	vst v63  }
0xfa: {  	s21 =	simm.s32 $0xF588;
	s18 =	sadd.s32 $0x10, s25  }
0xfb: {  	[hbm4b:s18+s3] =	stream.linear.scatter [tilespmem:s21], [sflag:$0x5], $0x80, $0x38;
	[tilespmem:$0x12800] =	vst v63  }
0xfc: {  	s29 =	simm.s32 $0xF610;
	s23 =	sadd.s32 $0x20, s25  }
0xfd: {  	[hbm4b:s23+s3] =	stream.linear.scatter [tilespmem:s29], [sflag:$0x5], $0x80, $0x38;
	[tilespmem:$0x12800] =	vst v63  }
0xfe: {  	s31 =	simm.s32 $0xF698;
	s30 =	sadd.s32 $0x30, s25  }
0xff: {  	[hbm4b:s30+s3] =	stream.linear.scatter [tilespmem:s31], [sflag:$0x5], $0x80, $0x38;
	[tilespmem:$0x12800] =	vst v63  }
0x100: {  	s1 =	simm.s32 $0xF720;
	s0 =	sadd.s32 $0x40, s25  }
0x101: {  	[hbm4b:s0+s3] =	stream.linear.scatter [tilespmem:s1], [sflag:$0x5], $0x80, $0x38;
	[tilespmem:$0x12800] =	vst v63  }
0x102: {  	s17 =	sadd.s32 $0x50, s25;
	s18 =	simm.s32 $0xF7A8  }
0x103: {  	[hbm4b:s17+s3] =	stream.linear.scatter [tilespmem:s18], [sflag:$0x5], $0x80, $0x38;
	[tilespmem:$0x12800] =	vst v63  }
0x104: {  	s21 =	sadd.s32 $0x60, s25;
	s23 =	simm.s32 $0xF830  }
0x105: {  	[hbm4b:s21+s3] =	stream.linear.scatter [tilespmem:s23], [sflag:$0x5], $0x80, $0x38;
	[tilespmem:$0x12800] =	vst v63  }
0x106: {  	s26 =	simm.s32 $0xF8B8;
	s25 =	sadd.s32 $0x70, s25  }
0x107: {  	[hbm4b:s25+s3] =	stream.linear.scatter [tilespmem:s26], [sflag:$0x5], $0x80, $0x38;
	[tilespmem:$0x12800] =	vst v63  }
0x108: {  	s29 =	simm.s32 $0xF940;
	s25 =	sadd.s32 s16, s11  }
0x109: {  	[hbm4b:s25+s3] =	stream.linear.scatter [tilespmem:s29], [sflag:$0x5], $0x80, $0x38;
	[tilespmem:$0x12800] =	vst v63  }
0x10a: {  	s31 =	simm.s32 $0xF9C8;
	s30 =	sadd.s32 $0x10, s25  }
0x10b: {  	[hbm4b:s30+s3] =	stream.linear.scatter [tilespmem:s31], [sflag:$0x5], $0x80, $0x38;
	[tilespmem:$0x12800] =	vst v63  }
0x10c: {  	s17 =	simm.s32 $0xFA50;
	s1 =	sadd.s32 $0x20, s25  }
0x10d: {  	[hbm4b:s1+s3] =	stream.linear.scatter [tilespmem:s17], [sflag:$0x5], $0x80, $0x38;
	[tilespmem:$0x12800] =	vst v63  }
0x10e: {  	s21 =	simm.s32 $0xFAD8;
	s18 =	sadd.s32 $0x30, s25  }
0x10f: {  	[hbm4b:s18+s3] =	stream.linear.scatter [tilespmem:s21], [sflag:$0x5], $0x80, $0x38;
	[tilespmem:$0x12800] =	vst v63  }
0x110: {  	s23 =	sadd.s32 $0x40, s25;
	s29 =	simm.s32 $0xFB60  }
0x111: {  	[hbm4b:s23+s3] =	stream.linear.scatter [tilespmem:s29], [sflag:$0x5], $0x80, $0x38;
	[tilespmem:$0x12800] =	vst v63  }
0x112: {  	s30 =	sadd.s32 $0x50, s25;
	s31 =	simm.s32 $0xFBE8  }
0x113: {  	[hbm4b:s30+s3] =	stream.linear.scatter [tilespmem:s31], [sflag:$0x5], $0x80, $0x38;
	[tilespmem:$0x12800] =	vst v63  }
0x114: {  	s1 =	sadd.s32 $0x60, s25;
	s17 =	simm.s32 $0xFC70  }
0x115: {  	[hbm4b:s1+s3] =	stream.linear.scatter [tilespmem:s17], [sflag:$0x5], $0x80, $0x38;
	[tilespmem:$0x12800] =	vst v63  }
0x116: {  	s25 =	sadd.s32 $0x70, s25;
	s18 =	simm.s32 $0xFCF8  }
0x117: {  	[hbm4b:s25+s3] =	stream.linear.scatter [tilespmem:s18], [sflag:$0x5], $0x80, $0x38;
	[tilespmem:$0x12800] =	vst v63  }
0x118: {  	s21 =	simm.s32 $0xFD80;
	s25 =	sadd.s32 s16, s12  }
0x119: {  	[hbm4b:s25+s3] =	stream.linear.scatter [tilespmem:s21], [sflag:$0x5], $0x80, $0x38;
	[tilespmem:$0x12800] =	vst v63  }
0x11a: {  	s29 =	simm.s32 $0xFE08;
	s23 =	sadd.s32 $0x10, s25  }
0x11b: {  	[hbm4b:s23+s3] =	stream.linear.scatter [tilespmem:s29], [sflag:$0x5], $0x80, $0x38;
	[tilespmem:$0x12800] =	vst v63  }
0x11c: {  	s31 =	simm.s32 $0xFE90;
	s30 =	sadd.s32 $0x20, s25  }
0x11d: {  	[hbm4b:s30+s3] =	stream.linear.scatter [tilespmem:s31], [sflag:$0x5], $0x80, $0x38;
	[tilespmem:$0x12800] =	vst v63  }
0x11e: {  	s1 =	simm.s32 $0xFF18;
	s0 =	sadd.s32 $0x30, s25  }
0x11f: {  	[hbm4b:s0+s3] =	stream.linear.scatter [tilespmem:s1], [sflag:$0x5], $0x80, $0x38;
	[tilespmem:$0x12800] =	vst v63  }
0x120: {  	s18 =	simm.s32 $0xFFA0;
	s17 =	sadd.s32 $0x40, s25  }
0x121: {  	[hbm4b:s17+s3] =	stream.linear.scatter [tilespmem:s18], [sflag:$0x5], $0x80, $0x38;
	[tilespmem:$0x12800] =	vst v63  }
0x122: {  	s21 =	sadd.s32 $0x50, s25;
	s23 =	simm.s32 $0x10028  }
0x123: {  	[hbm4b:s21+s3] =	stream.linear.scatter [tilespmem:s23], [sflag:$0x5], $0x80, $0x38;
	[tilespmem:$0x12800] =	vst v63  }
0x124: {  	s29 =	sadd.s32 $0x60, s25;
	s30 =	simm.s32 $0x100B0  }
0x125: {  	[hbm4b:s29+s3] =	stream.linear.scatter [tilespmem:s30], [sflag:$0x5], $0x80, $0x38;
	[tilespmem:$0x12800] =	vst v63  }
0x126: {  	s25 =	sadd.s32 $0x70, s25;
	s31 =	simm.s32 $0x10138  }
0x127: {  	[hbm4b:s25+s3] =	stream.linear.scatter [tilespmem:s31], [sflag:$0x5], $0x80, $0x38;
	[tilespmem:$0x12800] =	vst v63  }
0x128: {  	s16 =	sadd.s32 s16, s13;
	s1 =	simm.s32 $0x101C0  }
0x129: {  	[hbm4b:s16+s3] =	stream.linear.scatter [tilespmem:s1], [sflag:$0x5], $0x80, $0x38;
	[tilespmem:$0x12800] =	vst v63  }
0x12a: {  	s17 =	sadd.s32 $0x10, s16;
	s18 =	simm.s32 $0x10248  }
0x12b: {  	[hbm4b:s17+s3] =	stream.linear.scatter [tilespmem:s18], [sflag:$0x5], $0x80, $0x38;
	[tilespmem:$0x12800] =	vst v63  }
0x12c: {  	s21 =	sadd.s32 $0x20, s16;
	s23 =	simm.s32 $0x102D0  }
0x12d: {  	[hbm4b:s21+s3] =	stream.linear.scatter [tilespmem:s23], [sflag:$0x5], $0x80, $0x38;
	[tilespmem:$0x12800] =	vst v63  }
0x12e: {  	s26 =	sadd.s32 $0x30, s16;
	s29 =	simm.s32 $0x10358  }
0x12f: {  	[hbm4b:s26+s3] =	stream.linear.scatter [tilespmem:s29], [sflag:$0x5], $0x80, $0x38;
	[tilespmem:$0x12800] =	vst v63  }
0x130: {  	s30 =	sadd.s32 $0x40, s16;
	s31 =	simm.s32 $0x103E0  }
0x131: {  	[hbm4b:s30+s3] =	stream.linear.scatter [tilespmem:s31], [sflag:$0x5], $0x80, $0x38;
	[tilespmem:$0x12800] =	vst v63  }
0x132: {  	s1 =	sadd.s32 $0x50, s16;
	s17 =	simm.s32 $0x10468  }
0x133: {  	[hbm4b:s1+s3] =	stream.linear.scatter [tilespmem:s17], [sflag:$0x5], $0x80, $0x38;
	[tilespmem:$0x12800] =	vst v63  }
0x134: {  	s18 =	sadd.s32 $0x60, s16;
	s21 =	simm.s32 $0x104F0  }
0x135: {  	[hbm4b:s18+s3] =	stream.linear.scatter [tilespmem:s21], [sflag:$0x5], $0x80, $0x38;
	[tilespmem:$0x12800] =	vst v63  }
0x136: {  	s25 =	simm.s32 $0x2;
	s16 =	sadd.s32 $0x70, s16;
	s23 =	simm.s32 $0x10578  }
0x137: {  	[hbm4b:s16+s3] =	stream.linear.scatter [tilespmem:s23], [sflag:$0x5], $0x80, $0x38;
	[tilespmem:$0x12800] =	vst v63  }
0x138: {  	_ =	swait.ge [sflag:s25], $0x2000  }
0x139: {  	[sflag:s25] =	ssyncset.done $0x0  }
0x13a: {  	s16 =	simm.s32 @!p1 $0x6;
	[sflag:s25] =	ssyncadd.s32 $0xFFFFE000  }
0x13b: {  	_ =	swait.ge @!p1 [sflag:s16], $0x400  }
0x13c: {  	[sflag:s16] =	ssyncset.done @!p1 $0x0  }
0x13d: {  	[sflag:s16] =	ssyncadd.s32 @!p1 $0xFFFFFC00  }
0x13e: {  	_ =	swait.ge @!p1 [sflag:s16], $0x400  }
0x13f: {  	[sflag:s16] =	ssyncset.done @!p1 $0x0  }
0x140: {  	[sflag:s16] =	ssyncadd.s32 @!p1 $0xFFFFFC00  }
0x141: {  	_ =	swait.ge @!p1 [sflag:s16], $0x400  }
0x142: {  	[sflag:s16] =	ssyncset.done @!p1 $0x0  }
0x143: {  	[sflag:s16] =	ssyncadd.s32 @!p1 $0xFFFFFC00  }
0x144: {  	_ =	swait.ge @!p1 [sflag:s16], $0x400  }
0x145: {  	[sflag:s16] =	ssyncset.done @!p1 $0x0  }
0x146: {  	[sflag:s16] =	ssyncadd.s32 @!p1 $0xFFFFFC00  }
0x147: {  	_ =	swait.ge @!p1 [sflag:s16], $0x400  }
0x148: {  	[sflag:s16] =	ssyncset.done @!p1 $0x0  }
0x149: {  	[sflag:s16] =	ssyncadd.s32 @!p1 $0xFFFFFC00  }
0x14a: {  	_ =	swait.ge @!p1 [sflag:s16], $0x400  }
0x14b: {  	[sflag:s16] =	ssyncset.done @!p1 $0x0  }
0x14c: {  	[sflag:s16] =	ssyncadd.s32 @!p1 $0xFFFFFC00  }
0x14d: {  	_ =	swait.ge @!p1 [sflag:s16], $0x400  }
0x14e: {  	[sflag:s16] =	ssyncset.done @!p1 $0x0  }
0x14f: {  	[sflag:s16] =	ssyncadd.s32 @!p1 $0xFFFFFC00  }
0x150: {  	s26 =	simm.s32 $0x0;
	_ =	swait.ge @!p1 [sflag:s16], $0x400  }
0x151: {  	v4 =	vmov s26;
	[sflag:s16] =	ssyncset.done @!p1 $0x0  }
0x152: {  	v4 =	vand.u32 $0x7C, v4;
	s25 =	simm.s32 $0x8480;
	[sflag:s16] =	ssyncadd.s32 @!p1 $0xFFFFFC00  }
0x153: {  	v6 =	vadd.s32 v0, v4;
	v5 =	vld [tilespmem:s25+$0xFFFFFF80];
	_ =	sdelay $0x4  }
0x154: {  	[tilespmem:v6+s19+$0x0] =	vst.idx.msk $0xffff, v5  }
0x155: {  	v6 =	vadd.s32 v1, v4;
	v5 =	vld [tilespmem:s25+$0xFFFFFF90];
	_ =	sdelay $0x4  }
0x156: {  	[tilespmem:v6+s19+$0x0] =	vst.idx.msk $0xffff, v5  }
0x157: {  	v6 =	vadd.s32 v2, v4;
	v5 =	vld [tilespmem:s25+$0xFFFFFFA0];
	_ =	sdelay $0x4  }
0x158: {  	[tilespmem:v6+s19+$0x0] =	vst.idx.msk $0xffff, v5  }
0x159: {  	v4 =	vadd.s32 v3, v4;
	v5 =	vld [tilespmem:s25+$0xFFFFFFB0];
	_ =	sdelay $0x2  }
0x15a: {  	s29 =	simm.s32 $0x1  }
0x15b: {  	v6 =	vmov s29  }
0x15c: {  	[tilespmem:v4+s19+$0x0] =	vst.idx.msk $0xffff, v5;
	v4 =	vand.u32 $0x7D, v6  }
0x15d: {  	v5 =	vld [tilespmem:s25+$0xFFFFFFC0];
	v6 =	vadd.s32 v0, v4;
	_ =	sdelay $0x4  }
0x15e: {  	[tilespmem:v6+s19+$0x0] =	vst.idx.msk $0xffff, v5  }
0x15f: {  	v6 =	vadd.s32 v1, v4;
	v5 =	vld [tilespmem:s25+$0xFFFFFFD0];
	_ =	sdelay $0x4  }
0x160: {  	[tilespmem:v6+s19+$0x0] =	vst.idx.msk $0xffff, v5  }
0x161: {  	v6 =	vadd.s32 v2, v4;
	v5 =	vld [tilespmem:s25+$0xFFFFFFE0];
	_ =	sdelay $0x4  }
0x162: {  	[tilespmem:v6+s19+$0x0] =	vst.idx.msk $0xffff, v5  }
0x163: {  	v4 =	vadd.s32 v3, v4;
	v5 =	vld [tilespmem:s25+$0xFFFFFFF0];
	_ =	sdelay $0x2  }
0x164: {  	s30 =	simm.s32 $0x2  }
0x165: {  	v6 =	vmov s30  }
0x166: {  	[tilespmem:v4+s19+$0x0] =	vst.idx.msk $0xffff, v5;
	v4 =	vand.u32 $0x7E, v6  }
0x167: {  	v5 =	vld [tilespmem:s25+$0x0];
	v6 =	vadd.s32 v0, v4;
	_ =	sdelay $0x4  }
0x168: {  	[tilespmem:v6+s19+$0x0] =	vst.idx.msk $0xffff, v5  }
0x169: {  	v6 =	vadd.s32 v1, v4;
	v5 =	vld [tilespmem:s25+$0x10];
	_ =	sdelay $0x4  }
0x16a: {  	[tilespmem:v6+s19+$0x0] =	vst.idx.msk $0xffff, v5  }
0x16b: {  	v6 =	vadd.s32 v2, v4;
	v5 =	vld [tilespmem:s25+$0x20];
	_ =	sdelay $0x4  }
0x16c: {  	[tilespmem:v6+s19+$0x0] =	vst.idx.msk $0xffff, v5  }
0x16d: {  	v4 =	vadd.s32 v3, v4;
	v5 =	vld [tilespmem:s25+$0x30];
	_ =	sdelay $0x2  }
0x16e: {  	s31 =	simm.s32 $0x3  }
0x16f: {  	v6 =	vmov s31  }
0x170: {  	[tilespmem:v4+s19+$0x0] =	vst.idx.msk $0xffff, v5;
	v5 =	vand.u32 $0x7F, v6  }
0x171: {  	v4 =	vld [tilespmem:s25+$0x40];
	v6 =	vadd.s32 v0, v5;
	_ =	sdelay $0x4  }
0x172: {  	[tilespmem:v6+s19+$0x0] =	vst.idx.msk $0xffff, v4  }
0x173: {  	v6 =	vadd.s32 v1, v5;
	v4 =	vld [tilespmem:s25+$0x50];
	_ =	sdelay $0x4  }
0x174: {  	[tilespmem:v6+s19+$0x0] =	vst.idx.msk $0xffff, v4  }
0x175: {  	v6 =	vadd.s32 v2, v5;
	v4 =	vld [tilespmem:s25+$0x60];
	_ =	sdelay $0x4  }
0x176: {  	[tilespmem:v6+s19+$0x0] =	vst.idx.msk $0xffff, v4  }
0x177: {  	v5 =	vadd.s32 v3, v5;
	v4 =	vld [tilespmem:s25+$0x70];
	_ =	sdelay $0x2  }
0x178: {  	s15 =	sadd.s32 s15, s5;
	s26 =	simm.s32 $0x4  }
0x179: {  	s28 =	simm.s32 $0x8;
	s16 =	sadd.s32 $0x1, s15;
	v6 =	vmov s26  }
.LBB2_5:
0x17a: {  	p1 =	sne.s32 s28, $0x7C;
	v6 =	vand.u32 $0x7C, v6;
	[tilespmem:v5+s19+$0x0] =	vst.idx.msk $0xffff, v4;
	s25 =	sadd.s32 $0x100, s25  }
0x17b: {  	v4 =	vld [tilespmem:s25+$0xFFFFFF80];
	v5 =	vadd.s32 v0, v6;
	_ =	sdelay $0x4  }
0x17c: {  	[tilespmem:v5+s19+$0x0] =	vst.idx.msk $0xffff, v4  }
0x17d: {  	v5 =	vadd.s32 v1, v6;
	v4 =	vld [tilespmem:s25+$0xFFFFFF90];
	_ =	sdelay $0x4  }
0x17e: {  	[tilespmem:v5+s19+$0x0] =	vst.idx.msk $0xffff, v4  }
0x17f: {  	v5 =	vadd.s32 v2, v6;
	v4 =	vld [tilespmem:s25+$0xFFFFFFA0];
	_ =	sdelay $0x4  }
0x180: {  	[tilespmem:v5+s19+$0x0] =	vst.idx.msk $0xffff, v4  }
0x181: {  	v5 =	vadd.s32 v3, v6;
	v4 =	vld [tilespmem:s25+$0xFFFFFFB0];
	_ =	sdelay $0x2  }
0x182: {  	s29 =	sadd.s32 $0x1, s26  }
0x183: {  	v6 =	vmov s29  }
0x184: {  	[tilespmem:v5+s19+$0x0] =	vst.idx.msk $0xffff, v4;
	v4 =	vand.u32 $0x7D, v6  }
0x185: {  	v5 =	vld [tilespmem:s25+$0xFFFFFFC0];
	v6 =	vadd.s32 v0, v4;
	_ =	sdelay $0x4  }
0x186: {  	[tilespmem:v6+s19+$0x0] =	vst.idx.msk $0xffff, v5  }
0x187: {  	v6 =	vadd.s32 v1, v4;
	v5 =	vld [tilespmem:s25+$0xFFFFFFD0];
	_ =	sdelay $0x4  }
0x188: {  	[tilespmem:v6+s19+$0x0] =	vst.idx.msk $0xffff, v5  }
0x189: {  	v6 =	vadd.s32 v2, v4;
	v5 =	vld [tilespmem:s25+$0xFFFFFFE0];
	_ =	sdelay $0x4  }
0x18a: {  	[tilespmem:v6+s19+$0x0] =	vst.idx.msk $0xffff, v5  }
0x18b: {  	v4 =	vadd.s32 v3, v4;
	v5 =	vld [tilespmem:s25+$0xFFFFFFF0];
	_ =	sdelay $0x2  }
0x18c: {  	s29 =	sadd.s32 $0x2, s26  }
0x18d: {  	v6 =	vmov s29  }
0x18e: {  	[tilespmem:v4+s19+$0x0] =	vst.idx.msk $0xffff, v5;
	v4 =	vand.u32 $0x7E, v6  }
0x18f: {  	v5 =	vld [tilespmem:s25+$0x0];
	v6 =	vadd.s32 v0, v4;
	_ =	sdelay $0x4  }
0x190: {  	[tilespmem:v6+s19+$0x0] =	vst.idx.msk $0xffff, v5  }
0x191: {  	v6 =	vadd.s32 v1, v4;
	v5 =	vld [tilespmem:s25+$0x10];
	_ =	sdelay $0x4  }
0x192: {  	[tilespmem:v6+s19+$0x0] =	vst.idx.msk $0xffff, v5  }
0x193: {  	v6 =	vadd.s32 v2, v4;
	v5 =	vld [tilespmem:s25+$0x20];
	_ =	sdelay $0x4  }
0x194: {  	[tilespmem:v6+s19+$0x0] =	vst.idx.msk $0xffff, v5  }
0x195: {  	v4 =	vadd.s32 v3, v4;
	v5 =	vld [tilespmem:s25+$0x30];
	_ =	sdelay $0x2  }
0x196: {  	s29 =	sadd.s32 $0x3, s26;
	s26 =	smov.u32 s28  }
0x197: {  	v6 =	vmov s29  }
0x198: {  	[tilespmem:v4+s19+$0x0] =	vst.idx.msk $0xffff, v5;
	v5 =	vand.u32 $0x7F, v6  }
0x199: {  	v4 =	vld [tilespmem:s25+$0x40];
	v6 =	vadd.s32 v0, v5;
	_ =	sdelay $0x4  }
0x19a: {  	[tilespmem:v6+s19+$0x0] =	vst.idx.msk $0xffff, v4  }
0x19b: {  	v6 =	vadd.s32 v1, v5;
	v4 =	vld [tilespmem:s25+$0x50];
	_ =	sdelay $0x4  }
0x19c: {  	[tilespmem:v6+s19+$0x0] =	vst.idx.msk $0xffff, v4  }
0x19d: {  	v6 =	vadd.s32 v2, v5;
	v4 =	vld [tilespmem:s25+$0x60];
	_ =	sdelay $0x4  }
0x19e: {  	[tilespmem:v6+s19+$0x0] =	vst.idx.msk $0xffff, v4  }
.Ltmp1:
0x19f: {  	v5 =	vadd.s32 v3, v5;
	v4 =	vld [tilespmem:s25+$0x70];
	(pc) =	sbr.rel @p1 .LBB2_5-.Ltmp1, $2  }
0x1a0: {  	_ =	sdelay $0x2  }
0x1a1: {  	s28 =	sadd.s32 $0x4, s28;
	v6 =	vmov s26  }
0x1a2: {  	_ =	sdelay $0x3  }
0x1a3: {  	v6 =	vand.u32 $0x7C, v6;
	[tilespmem:v5+s19+$0x0] =	vst.idx.msk $0xffff, v4;
	s25 =	sadd.s32 $0x100, s25  }
0x1a4: {  	v4 =	vld [tilespmem:s25+$0xFFFFFF80];
	v5 =	vadd.s32 v0, v6;
	_ =	sdelay $0x4  }
0x1a5: {  	[tilespmem:v5+s19+$0x0] =	vst.idx.msk $0xffff, v4  }
0x1a6: {  	v5 =	vadd.s32 v1, v6;
	v4 =	vld [tilespmem:s25+$0xFFFFFF90];
	_ =	sdelay $0x4  }
0x1a7: {  	[tilespmem:v5+s19+$0x0] =	vst.idx.msk $0xffff, v4  }
0x1a8: {  	v5 =	vadd.s32 v2, v6;
	v4 =	vld [tilespmem:s25+$0xFFFFFFA0];
	_ =	sdelay $0x4  }
0x1a9: {  	[tilespmem:v5+s19+$0x0] =	vst.idx.msk $0xffff, v4  }
0x1aa: {  	v5 =	vadd.s32 v3, v6;
	v4 =	vld [tilespmem:s25+$0xFFFFFFB0];
	_ =	sdelay $0x2  }
0x1ab: {  	s28 =	sadd.s32 $0x1, s26  }
0x1ac: {  	v6 =	vmov s28  }
0x1ad: {  	[tilespmem:v5+s19+$0x0] =	vst.idx.msk $0xffff, v4;
	v4 =	vand.u32 $0x7D, v6  }
0x1ae: {  	v5 =	vld [tilespmem:s25+$0xFFFFFFC0];
	v6 =	vadd.s32 v0, v4;
	_ =	sdelay $0x4  }
0x1af: {  	[tilespmem:v6+s19+$0x0] =	vst.idx.msk $0xffff, v5  }
0x1b0: {  	v6 =	vadd.s32 v1, v4;
	v5 =	vld [tilespmem:s25+$0xFFFFFFD0];
	_ =	sdelay $0x4  }
0x1b1: {  	[tilespmem:v6+s19+$0x0] =	vst.idx.msk $0xffff, v5  }
0x1b2: {  	v6 =	vadd.s32 v2, v4;
	v5 =	vld [tilespmem:s25+$0xFFFFFFE0];
	_ =	sdelay $0x4  }
0x1b3: {  	[tilespmem:v6+s19+$0x0] =	vst.idx.msk $0xffff, v5  }
0x1b4: {  	v4 =	vadd.s32 v3, v4;
	v5 =	vld [tilespmem:s25+$0xFFFFFFF0];
	_ =	sdelay $0x2  }
0x1b5: {  	s31 =	sadd.s32 $0x2, s26  }
0x1b6: {  	v6 =	vmov s31  }
0x1b7: {  	[tilespmem:v4+s19+$0x0] =	vst.idx.msk $0xffff, v5;
	v4 =	vand.u32 $0x7E, v6  }
0x1b8: {  	v5 =	vld [tilespmem:s25+$0x0];
	v6 =	vadd.s32 v0, v4;
	_ =	sdelay $0x4  }
0x1b9: {  	[tilespmem:v6+s19+$0x0] =	vst.idx.msk $0xffff, v5  }
0x1ba: {  	v6 =	vadd.s32 v1, v4;
	v5 =	vld [tilespmem:s25+$0x10];
	_ =	sdelay $0x4  }
0x1bb: {  	[tilespmem:v6+s19+$0x0] =	vst.idx.msk $0xffff, v5  }
0x1bc: {  	v6 =	vadd.s32 v2, v4;
	v5 =	vld [tilespmem:s25+$0x20];
	_ =	sdelay $0x4  }
0x1bd: {  	[tilespmem:v6+s19+$0x0] =	vst.idx.msk $0xffff, v5  }
0x1be: {  	v4 =	vadd.s32 v3, v4;
	v5 =	vld [tilespmem:s25+$0x30];
	_ =	sdelay $0x2  }
0x1bf: {  	s0 =	sadd.s32 $0x3, s26  }
0x1c0: {  	v6 =	vmov s0  }
0x1c1: {  	[tilespmem:v4+s19+$0x0] =	vst.idx.msk $0xffff, v5;
	v4 =	vand.u32 $0x7F, v6  }
0x1c2: {  	v5 =	vld [tilespmem:s25+$0x40];
	v6 =	vadd.s32 v0, v4;
	_ =	sdelay $0x4  }
0x1c3: {  	[tilespmem:v6+s19+$0x0] =	vst.idx.msk $0xffff, v5  }
0x1c4: {  	v6 =	vadd.s32 v1, v4;
	v5 =	vld [tilespmem:s25+$0x50];
	_ =	sdelay $0x4  }
0x1c5: {  	[tilespmem:v6+s19+$0x0] =	vst.idx.msk $0xffff, v5  }
0x1c6: {  	v6 =	vadd.s32 v2, v4;
	v5 =	vld [tilespmem:s25+$0x60];
	_ =	sdelay $0x4  }
0x1c7: {  	[tilespmem:v6+s19+$0x0] =	vst.idx.msk $0xffff, v5  }
0x1c8: {  	v4 =	vadd.s32 v3, v4;
	v5 =	vld [tilespmem:s25+$0x70];
	_ =	sdelay $0x3  }
0x1c9: {  	s26 =	simm.s32 @!p0 $0x80;
	s1 =	sshll.u32 s16, $0xA  }
0x1ca: {  	s5 =	sshll.u32 s16, $0x7;
	s28 =	simm.s32 @!p0 $0x8400;
	s25 =	sadd.s32 @!p0 $0x280, s14;
	[tilespmem:v4+s19+$0x0] =	vst.idx.msk $0xffff, v5  }
0x1cb: {  	[tilespmem:s28], [sflag:$0x2] =	stream.indirect.gather @!p0 [hbm4b:s4+s26], $0x40, s25, s26, $0xb8;
	[tilespmem:$0x12800] =	vst v63  }
0x1cc: {  	s16 =	sand.u32 $0x3E80, s5;
	s25 =	sand.u32 $0xFFE0000, s1  }
0x1cd: {  	s25 =	sor.u32 s16, s25  }
0x1ce: {  	s16 =	simm.s32 $0x0;
	s26 =	sadd.s32 s2, s25  }
0x1cf: {  	[hbm4b:s26+s16] =	stream.linear.scatter [tilespmem:s19], [sflag:$0x6], $0x80, $0x38;
	[tilespmem:$0x12800] =	vst v63  }
0x1d0: {  	s0 =	simm.s32 $0x10688;
	s17 =	sadd.s32 $0x10, s26  }
0x1d1: {  	[hbm4b:s17+s16] =	stream.linear.scatter [tilespmem:s0], [sflag:$0x6], $0x80, $0x38;
	[tilespmem:$0x12800] =	vst v63  }
0x1d2: {  	s21 =	simm.s32 $0x10710;
	s18 =	sadd.s32 $0x20, s26  }
0x1d3: {  	[hbm4b:s18+s16] =	stream.linear.scatter [tilespmem:s21], [sflag:$0x6], $0x80, $0x38;
	[tilespmem:$0x12800] =	vst v63  }
0x1d4: {  	s29 =	simm.s32 $0x10798;
	s23 =	sadd.s32 $0x30, s26  }
0x1d5: {  	[hbm4b:s23+s16] =	stream.linear.scatter [tilespmem:s29], [sflag:$0x6], $0x80, $0x38;
	[tilespmem:$0x12800] =	vst v63  }
0x1d6: {  	s31 =	simm.s32 $0x10820;
	s30 =	sadd.s32 $0x40, s26  }
0x1d7: {  	[hbm4b:s30+s16] =	stream.linear.scatter [tilespmem:s31], [sflag:$0x6], $0x80, $0x38;
	[tilespmem:$0x12800] =	vst v63  }
0x1d8: {  	s1 =	simm.s32 $0x108A8;
	s0 =	sadd.s32 $0x50, s26  }
0x1d9: {  	[hbm4b:s0+s16] =	stream.linear.scatter [tilespmem:s1], [sflag:$0x6], $0x80, $0x38;
	[tilespmem:$0x12800] =	vst v63  }
0x1da: {  	s5 =	sadd.s32 $0x60, s26;
	s17 =	simm.s32 $0x10930  }
0x1db: {  	[hbm4b:s5+s16] =	stream.linear.scatter [tilespmem:s17], [sflag:$0x6], $0x80, $0x38;
	[tilespmem:$0x12800] =	vst v63  }
0x1dc: {  	s26 =	sadd.s32 $0x70, s26;
	s18 =	simm.s32 $0x109B8  }
0x1dd: {  	[hbm4b:s26+s16] =	stream.linear.scatter [tilespmem:s18], [sflag:$0x6], $0x80, $0x38;
	[tilespmem:$0x12800] =	vst v63  }
0x1de: {  	s21 =	simm.s32 $0x10A40;
	s26 =	sadd.s32 s25, s7  }
0x1df: {  	[hbm4b:s26+s16] =	stream.linear.scatter [tilespmem:s21], [sflag:$0x6], $0x80, $0x38;
	[tilespmem:$0x12800] =	vst v63  }
0x1e0: {  	s29 =	simm.s32 $0x10AC8;
	s23 =	sadd.s32 $0x10, s26  }
0x1e1: {  	[hbm4b:s23+s16] =	stream.linear.scatter [tilespmem:s29], [sflag:$0x6], $0x80, $0x38;
	[tilespmem:$0x12800] =	vst v63  }
0x1e2: {  	s31 =	simm.s32 $0x10B50;
	s30 =	sadd.s32 $0x20, s26  }
0x1e3: {  	[hbm4b:s30+s16] =	stream.linear.scatter [tilespmem:s31], [sflag:$0x6], $0x80, $0x38;
	[tilespmem:$0x12800] =	vst v63  }
0x1e4: {  	s5 =	simm.s32 $0x10BD8;
	s1 =	sadd.s32 $0x30, s26  }
0x1e5: {  	[hbm4b:s1+s16] =	stream.linear.scatter [tilespmem:s5], [sflag:$0x6], $0x80, $0x38;
	[tilespmem:$0x12800] =	vst v63  }
0x1e6: {  	s18 =	simm.s32 $0x10C60;
	s17 =	sadd.s32 $0x40, s26  }
0x1e7: {  	[hbm4b:s17+s16] =	stream.linear.scatter [tilespmem:s18], [sflag:$0x6], $0x80, $0x38;
	[tilespmem:$0x12800] =	vst v63  }
0x1e8: {  	s21 =	sadd.s32 $0x50, s26;
	s23 =	simm.s32 $0x10CE8  }
0x1e9: {  	[hbm4b:s21+s16] =	stream.linear.scatter [tilespmem:s23], [sflag:$0x6], $0x80, $0x38;
	[tilespmem:$0x12800] =	vst v63  }
0x1ea: {  	s29 =	sadd.s32 $0x60, s26;
	s30 =	simm.s32 $0x10D70  }
0x1eb: {  	[hbm4b:s29+s16] =	stream.linear.scatter [tilespmem:s30], [sflag:$0x6], $0x80, $0x38;
	[tilespmem:$0x12800] =	vst v63  }
0x1ec: {  	s26 =	sadd.s32 $0x70, s26;
	s31 =	simm.s32 $0x10DF8  }
0x1ed: {  	[hbm4b:s26+s16] =	stream.linear.scatter [tilespmem:s31], [sflag:$0x6], $0x80, $0x38;
	[tilespmem:$0x12800] =	vst v63  }
0x1ee: {  	s1 =	simm.s32 $0x10E80;
	s26 =	sadd.s32 s25, s8  }
0x1ef: {  	[hbm4b:s26+s16] =	stream.linear.scatter [tilespmem:s1], [sflag:$0x6], $0x80, $0x38;
	[tilespmem:$0x12800] =	vst v63  }
0x1f0: {  	s17 =	simm.s32 $0x10F08;
	s5 =	sadd.s32 $0x10, s26  }
0x1f1: {  	[hbm4b:s5+s16] =	stream.linear.scatter [tilespmem:s17], [sflag:$0x6], $0x80, $0x38;
	[tilespmem:$0x12800] =	vst v63  }
0x1f2: {  	s21 =	simm.s32 $0x10F90;
	s18 =	sadd.s32 $0x20, s26  }
0x1f3: {  	[hbm4b:s18+s16] =	stream.linear.scatter [tilespmem:s21], [sflag:$0x6], $0x80, $0x38;
	[tilespmem:$0x12800] =	vst v63  }
0x1f4: {  	s29 =	simm.s32 $0x11018;
	s23 =	sadd.s32 $0x30, s26  }
0x1f5: {  	[hbm4b:s23+s16] =	stream.linear.scatter [tilespmem:s29], [sflag:$0x6], $0x80, $0x38;
	[tilespmem:$0x12800] =	vst v63  }
0x1f6: {  	s31 =	simm.s32 $0x110A0;
	s30 =	sadd.s32 $0x40, s26  }
0x1f7: {  	[hbm4b:s30+s16] =	stream.linear.scatter [tilespmem:s31], [sflag:$0x6], $0x80, $0x38;
	[tilespmem:$0x12800] =	vst v63  }
0x1f8: {  	s0 =	sadd.s32 $0x50, s26;
	s1 =	simm.s32 $0x11128  }
0x1f9: {  	[hbm4b:s0+s16] =	stream.linear.scatter [tilespmem:s1], [sflag:$0x6], $0x80, $0x38;
	[tilespmem:$0x12800] =	vst v63  }
0x1fa: {  	s5 =	sadd.s32 $0x60, s26;
	s17 =	simm.s32 $0x111B0  }
0x1fb: {  	[hbm4b:s5+s16] =	stream.linear.scatter [tilespmem:s17], [sflag:$0x6], $0x80, $0x38;
	[tilespmem:$0x12800] =	vst v63  }
0x1fc: {  	s26 =	sadd.s32 $0x70, s26;
	s18 =	simm.s32 $0x11238  }
0x1fd: {  	[hbm4b:s26+s16] =	stream.linear.scatter [tilespmem:s18], [sflag:$0x6], $0x80, $0x38;
	[tilespmem:$0x12800] =	vst v63  }
0x1fe: {  	s21 =	simm.s32 $0x112C0;
	s26 =	sadd.s32 s25, s9  }
0x1ff: {  	[hbm4b:s26+s16] =	stream.linear.scatter [tilespmem:s21], [sflag:$0x6], $0x80, $0x38;
	[tilespmem:$0x12800] =	vst v63  }
0x200: {  	s29 =	simm.s32 $0x11348;
	s23 =	sadd.s32 $0x10, s26  }
0x201: {  	[hbm4b:s23+s16] =	stream.linear.scatter [tilespmem:s29], [sflag:$0x6], $0x80, $0x38;
	[tilespmem:$0x12800] =	vst v63  }
0x202: {  	s31 =	simm.s32 $0x113D0;
	s30 =	sadd.s32 $0x20, s26  }
0x203: {  	[hbm4b:s30+s16] =	stream.linear.scatter [tilespmem:s31], [sflag:$0x6], $0x80, $0x38;
	[tilespmem:$0x12800] =	vst v63  }
0x204: {  	s5 =	simm.s32 $0x11458;
	s1 =	sadd.s32 $0x30, s26  }
0x205: {  	[hbm4b:s1+s16] =	stream.linear.scatter [tilespmem:s5], [sflag:$0x6], $0x80, $0x38;
	[tilespmem:$0x12800] =	vst v63  }
0x206: {  	s18 =	simm.s32 $0x114E0;
	s17 =	sadd.s32 $0x40, s26  }
0x207: {  	[hbm4b:s17+s16] =	stream.linear.scatter [tilespmem:s18], [sflag:$0x6], $0x80, $0x38;
	[tilespmem:$0x12800] =	vst v63  }
0x208: {  	s21 =	sadd.s32 $0x50, s26;
	s23 =	simm.s32 $0x11568  }
0x209: {  	[hbm4b:s21+s16] =	stream.linear.scatter [tilespmem:s23], [sflag:$0x6], $0x80, $0x38;
	[tilespmem:$0x12800] =	vst v63  }
0x20a: {  	s29 =	sadd.s32 $0x60, s26;
	s30 =	simm.s32 $0x115F0  }
0x20b: {  	[hbm4b:s29+s16] =	stream.linear.scatter [tilespmem:s30], [sflag:$0x6], $0x80, $0x38;
	[tilespmem:$0x12800] =	vst v63  }
0x20c: {  	s26 =	sadd.s32 $0x70, s26;
	s31 =	simm.s32 $0x11678  }
0x20d: {  	[hbm4b:s26+s16] =	stream.linear.scatter [tilespmem:s31], [sflag:$0x6], $0x80, $0x38;
	[tilespmem:$0x12800] =	vst v63  }
0x20e: {  	s1 =	simm.s32 $0x11700;
	s26 =	sadd.s32 s25, s10  }
0x20f: {  	[hbm4b:s26+s16] =	stream.linear.scatter [tilespmem:s1], [sflag:$0x6], $0x80, $0x38;
	[tilespmem:$0x12800] =	vst v63  }
0x210: {  	s17 =	simm.s32 $0x11788;
	s5 =	sadd.s32 $0x10, s26  }
0x211: {  	[hbm4b:s5+s16] =	stream.linear.scatter [tilespmem:s17], [sflag:$0x6], $0x80, $0x38;
	[tilespmem:$0x12800] =	vst v63  }
0x212: {  	s21 =	simm.s32 $0x11810;
	s18 =	sadd.s32 $0x20, s26  }
0x213: {  	[hbm4b:s18+s16] =	stream.linear.scatter [tilespmem:s21], [sflag:$0x6], $0x80, $0x38;
	[tilespmem:$0x12800] =	vst v63  }
0x214: {  	s29 =	simm.s32 $0x11898;
	s23 =	sadd.s32 $0x30, s26  }
0x215: {  	[hbm4b:s23+s16] =	stream.linear.scatter [tilespmem:s29], [sflag:$0x6], $0x80, $0x38;
	[tilespmem:$0x12800] =	vst v63  }
0x216: {  	s31 =	simm.s32 $0x11920;
	s30 =	sadd.s32 $0x40, s26  }
0x217: {  	[hbm4b:s30+s16] =	stream.linear.scatter [tilespmem:s31], [sflag:$0x6], $0x80, $0x38;
	[tilespmem:$0x12800] =	vst v63  }
0x218: {  	s0 =	sadd.s32 $0x50, s26;
	s1 =	simm.s32 $0x119A8  }
0x219: {  	[hbm4b:s0+s16] =	stream.linear.scatter [tilespmem:s1], [sflag:$0x6], $0x80, $0x38;
	[tilespmem:$0x12800] =	vst v63  }
0x21a: {  	s5 =	sadd.s32 $0x60, s26;
	s17 =	simm.s32 $0x11A30  }
0x21b: {  	[hbm4b:s5+s16] =	stream.linear.scatter [tilespmem:s17], [sflag:$0x6], $0x80, $0x38;
	[tilespmem:$0x12800] =	vst v63  }
0x21c: {  	s26 =	sadd.s32 $0x70, s26;
	s18 =	simm.s32 $0x11AB8  }
0x21d: {  	[hbm4b:s26+s16] =	stream.linear.scatter [tilespmem:s18], [sflag:$0x6], $0x80, $0x38;
	[tilespmem:$0x12800] =	vst v63  }
0x21e: {  	s21 =	simm.s32 $0x11B40;
	s26 =	sadd.s32 s25, s11  }
0x21f: {  	[hbm4b:s26+s16] =	stream.linear.scatter [tilespmem:s21], [sflag:$0x6], $0x80, $0x38;
	[tilespmem:$0x12800] =	vst v63  }
0x220: {  	s29 =	simm.s32 $0x11BC8;
	s23 =	sadd.s32 $0x10, s26  }
0x221: {  	[hbm4b:s23+s16] =	stream.linear.scatter [tilespmem:s29], [sflag:$0x6], $0x80, $0x38;
	[tilespmem:$0x12800] =	vst v63  }
0x222: {  	s31 =	simm.s32 $0x11C50;
	s30 =	sadd.s32 $0x20, s26  }
0x223: {  	[hbm4b:s30+s16] =	stream.linear.scatter [tilespmem:s31], [sflag:$0x6], $0x80, $0x38;
	[tilespmem:$0x12800] =	vst v63  }
0x224: {  	s1 =	simm.s32 $0x11CD8;
	s0 =	sadd.s32 $0x30, s26  }
0x225: {  	[hbm4b:s0+s16] =	stream.linear.scatter [tilespmem:s1], [sflag:$0x6], $0x80, $0x38;
	[tilespmem:$0x12800] =	vst v63  }
0x226: {  	s17 =	simm.s32 $0x11D60;
	s5 =	sadd.s32 $0x40, s26  }
0x227: {  	[hbm4b:s5+s16] =	stream.linear.scatter [tilespmem:s17], [sflag:$0x6], $0x80, $0x38;
	[tilespmem:$0x12800] =	vst v63  }
0x228: {  	s18 =	sadd.s32 $0x50, s26;
	s21 =	simm.s32 $0x11DE8  }
0x229: {  	[hbm4b:s18+s16] =	stream.linear.scatter [tilespmem:s21], [sflag:$0x6], $0x80, $0x38;
	[tilespmem:$0x12800] =	vst v63  }
0x22a: {  	s23 =	sadd.s32 $0x60, s26;
	s29 =	simm.s32 $0x11E70  }
0x22b: {  	[hbm4b:s23+s16] =	stream.linear.scatter [tilespmem:s29], [sflag:$0x6], $0x80, $0x38;
	[tilespmem:$0x12800] =	vst v63  }
0x22c: {  	s26 =	sadd.s32 $0x70, s26;
	s30 =	simm.s32 $0x11EF8  }
0x22d: {  	[hbm4b:s26+s16] =	stream.linear.scatter [tilespmem:s30], [sflag:$0x6], $0x80, $0x38;
	[tilespmem:$0x12800] =	vst v63  }
0x22e: {  	s31 =	simm.s32 $0x11F80;
	s26 =	sadd.s32 s25, s12  }
0x22f: {  	[hbm4b:s26+s16] =	stream.linear.scatter [tilespmem:s31], [sflag:$0x6], $0x80, $0x38;
	[tilespmem:$0x12800] =	vst v63  }
0x230: {  	s1 =	simm.s32 $0x12008;
	s0 =	sadd.s32 $0x10, s26  }
0x231: {  	[hbm4b:s0+s16] =	stream.linear.scatter [tilespmem:s1], [sflag:$0x6], $0x80, $0x38;
	[tilespmem:$0x12800] =	vst v63  }
0x232: {  	s17 =	simm.s32 $0x12090;
	s5 =	sadd.s32 $0x20, s26  }
0x233: {  	[hbm4b:s5+s16] =	stream.linear.scatter [tilespmem:s17], [sflag:$0x6], $0x80, $0x38;
	[tilespmem:$0x12800] =	vst v63  }
0x234: {  	s21 =	simm.s32 $0x12118;
	s18 =	sadd.s32 $0x30, s26  }
0x235: {  	[hbm4b:s18+s16] =	stream.linear.scatter [tilespmem:s21], [sflag:$0x6], $0x80, $0x38;
	[tilespmem:$0x12800] =	vst v63  }
0x236: {  	s29 =	simm.s32 $0x121A0;
	s23 =	sadd.s32 $0x40, s26  }
0x237: {  	[hbm4b:s23+s16] =	stream.linear.scatter [tilespmem:s29], [sflag:$0x6], $0x80, $0x38;
	[tilespmem:$0x12800] =	vst v63  }
0x238: {  	s30 =	sadd.s32 $0x50, s26;
	s31 =	simm.s32 $0x12228  }
0x239: {  	[hbm4b:s30+s16] =	stream.linear.scatter [tilespmem:s31], [sflag:$0x6], $0x80, $0x38;
	[tilespmem:$0x12800] =	vst v63  }
0x23a: {  	s1 =	sadd.s32 $0x60, s26;
	s5 =	simm.s32 $0x122B0  }
0x23b: {  	[hbm4b:s1+s16] =	stream.linear.scatter [tilespmem:s5], [sflag:$0x6], $0x80, $0x38;
	[tilespmem:$0x12800] =	vst v63  }
0x23c: {  	s26 =	sadd.s32 $0x70, s26;
	s17 =	simm.s32 $0x12338  }
0x23d: {  	[hbm4b:s26+s16] =	stream.linear.scatter [tilespmem:s17], [sflag:$0x6], $0x80, $0x38;
	[tilespmem:$0x12800] =	vst v63  }
0x23e: {  	s25 =	sadd.s32 s25, s13;
	s18 =	simm.s32 $0x123C0  }
0x23f: {  	[hbm4b:s25+s16] =	stream.linear.scatter [tilespmem:s18], [sflag:$0x6], $0x80, $0x38;
	[tilespmem:$0x12800] =	vst v63  }
0x240: {  	s21 =	sadd.s32 $0x10, s25;
	s23 =	simm.s32 $0x12448  }
0x241: {  	[hbm4b:s21+s16] =	stream.linear.scatter [tilespmem:s23], [sflag:$0x6], $0x80, $0x38;
	[tilespmem:$0x12800] =	vst v63  }
0x242: {  	s28 =	sadd.s32 $0x20, s25;
	s29 =	simm.s32 $0x124D0  }
0x243: {  	[hbm4b:s28+s16] =	stream.linear.scatter [tilespmem:s29], [sflag:$0x6], $0x80, $0x38;
	[tilespmem:$0x12800] =	vst v63  }
0x244: {  	s30 =	sadd.s32 $0x30, s25;
	s31 =	simm.s32 $0x12558  }
0x245: {  	[hbm4b:s30+s16] =	stream.linear.scatter [tilespmem:s31], [sflag:$0x6], $0x80, $0x38;
	[tilespmem:$0x12800] =	vst v63  }
0x246: {  	s1 =	sadd.s32 $0x40, s25;
	s5 =	simm.s32 $0x125E0  }
0x247: {  	[hbm4b:s1+s16] =	stream.linear.scatter [tilespmem:s5], [sflag:$0x6], $0x80, $0x38;
	[tilespmem:$0x12800] =	vst v63  }
0x248: {  	s17 =	sadd.s32 $0x50, s25;
	s18 =	simm.s32 $0x12668  }
0x249: {  	[hbm4b:s17+s16] =	stream.linear.scatter [tilespmem:s18], [sflag:$0x6], $0x80, $0x38;
	[tilespmem:$0x12800] =	vst v63  }
0x24a: {  	s21 =	sadd.s32 $0x60, s25;
	s23 =	simm.s32 $0x126F0  }
0x24b: {  	[hbm4b:s21+s16] =	stream.linear.scatter [tilespmem:s23], [sflag:$0x6], $0x80, $0x38;
	[tilespmem:$0x12800] =	vst v63  }
0x24c: {  	s26 =	simm.s32 $0x12778;
	s25 =	sadd.s32 $0x70, s25;
	s28 =	simm.s32 $0x3  }
0x24d: {  	[hbm4b:s25+s16] =	stream.linear.scatter [tilespmem:s26], [sflag:$0x6], $0x80, $0x38;
	[tilespmem:$0x12800] =	vst v63  }
0x24e: {  	_ =	swait.ge [sflag:s28], $0x2000  }
0x24f: {  	[sflag:s28] =	ssyncset.done $0x0  }
0x250: {  	[sflag:s28] =	ssyncadd.s32 $0xFFFFE000  }
0x251: {  	_ =	swait.ge [sflag:s20], $0x400  }
0x252: {  	[sflag:s20] =	ssyncset.done $0x0  }
0x253: {  	[sflag:s20] =	ssyncadd.s32 $0xFFFFFC00  }
0x254: {  	_ =	swait.ge [sflag:s20], $0x400  }
0x255: {  	[sflag:s20] =	ssyncset.done $0x0  }
0x256: {  	[sflag:s20] =	ssyncadd.s32 $0xFFFFFC00  }
0x257: {  	_ =	swait.ge [sflag:s20], $0x400  }
0x258: {  	[sflag:s20] =	ssyncset.done $0x0  }
0x259: {  	[sflag:s20] =	ssyncadd.s32 $0xFFFFFC00  }
0x25a: {  	_ =	swait.ge [sflag:s20], $0x400  }
0x25b: {  	[sflag:s20] =	ssyncset.done $0x0  }
0x25c: {  	[sflag:s20] =	ssyncadd.s32 $0xFFFFFC00  }
0x25d: {  	_ =	swait.ge [sflag:s20], $0x400  }
0x25e: {  	[sflag:s20] =	ssyncset.done $0x0  }
0x25f: {  	[sflag:s20] =	ssyncadd.s32 $0xFFFFFC00  }
0x260: {  	_ =	swait.ge [sflag:s20], $0x400  }
0x261: {  	[sflag:s20] =	ssyncset.done $0x0  }
0x262: {  	[sflag:s20] =	ssyncadd.s32 $0xFFFFFC00  }
0x263: {  	_ =	swait.ge [sflag:s20], $0x400  }
0x264: {  	[sflag:s20] =	ssyncset.done $0x0  }
0x265: {  	[sflag:s20] =	ssyncadd.s32 $0xFFFFFC00  }
0x266: {  	_ =	swait.ge [sflag:s20], $0x400  }
0x267: {  	v4 =	vmov s16;
	[sflag:s20] =	ssyncset.done $0x0  }
0x268: {  	v4 =	vand.u32 $0x7C, v4;
	s16 =	simm.s32 $0xA480;
	[sflag:s20] =	ssyncadd.s32 $0xFFFFFC00  }
0x269: {  	v6 =	vadd.s32 v0, v4;
	v5 =	vld [tilespmem:s16+$0xFFFFFF80];
	_ =	sdelay $0x4  }
0x26a: {  	[tilespmem:v6+s24+$0x0] =	vst.idx.msk $0xffff, v5  }
0x26b: {  	v6 =	vadd.s32 v1, v4;
	v5 =	vld [tilespmem:s16+$0xFFFFFF90];
	_ =	sdelay $0x4  }
0x26c: {  	[tilespmem:v6+s24+$0x0] =	vst.idx.msk $0xffff, v5  }
0x26d: {  	v6 =	vadd.s32 v2, v4;
	v5 =	vld [tilespmem:s16+$0xFFFFFFA0];
	_ =	sdelay $0x4  }
0x26e: {  	[tilespmem:v6+s24+$0x0] =	vst.idx.msk $0xffff, v5  }
0x26f: {  	v4 =	vadd.s32 v3, v4;
	v5 =	vld [tilespmem:s16+$0xFFFFFFB0];
	_ =	sdelay $0x2  }
0x270: {  	s29 =	simm.s32 $0x1  }
0x271: {  	v6 =	vmov s29  }
0x272: {  	[tilespmem:v4+s24+$0x0] =	vst.idx.msk $0xffff, v5;
	v4 =	vand.u32 $0x7D, v6  }
0x273: {  	v5 =	vld [tilespmem:s16+$0xFFFFFFC0];
	v6 =	vadd.s32 v0, v4;
	_ =	sdelay $0x4  }
0x274: {  	[tilespmem:v6+s24+$0x0] =	vst.idx.msk $0xffff, v5  }
0x275: {  	v6 =	vadd.s32 v1, v4;
	v5 =	vld [tilespmem:s16+$0xFFFFFFD0];
	_ =	sdelay $0x4  }
0x276: {  	[tilespmem:v6+s24+$0x0] =	vst.idx.msk $0xffff, v5  }
0x277: {  	v6 =	vadd.s32 v2, v4;
	v5 =	vld [tilespmem:s16+$0xFFFFFFE0];
	_ =	sdelay $0x4  }
0x278: {  	[tilespmem:v6+s24+$0x0] =	vst.idx.msk $0xffff, v5  }
0x279: {  	v4 =	vadd.s32 v3, v4;
	v5 =	vld [tilespmem:s16+$0xFFFFFFF0];
	_ =	sdelay $0x2  }
0x27a: {  	s30 =	simm.s32 $0x2  }
0x27b: {  	v6 =	vmov s30  }
0x27c: {  	[tilespmem:v4+s24+$0x0] =	vst.idx.msk $0xffff, v5;
	v4 =	vand.u32 $0x7E, v6  }
0x27d: {  	v5 =	vld [tilespmem:s16+$0x0];
	v6 =	vadd.s32 v0, v4;
	_ =	sdelay $0x4  }
0x27e: {  	[tilespmem:v6+s24+$0x0] =	vst.idx.msk $0xffff, v5  }
0x27f: {  	v6 =	vadd.s32 v1, v4;
	v5 =	vld [tilespmem:s16+$0x10];
	_ =	sdelay $0x4  }
0x280: {  	[tilespmem:v6+s24+$0x0] =	vst.idx.msk $0xffff, v5  }
0x281: {  	v6 =	vadd.s32 v2, v4;
	v5 =	vld [tilespmem:s16+$0x20];
	_ =	sdelay $0x4  }
0x282: {  	[tilespmem:v6+s24+$0x0] =	vst.idx.msk $0xffff, v5  }
0x283: {  	v4 =	vadd.s32 v3, v4;
	v5 =	vld [tilespmem:s16+$0x30];
	_ =	sdelay $0x2  }
0x284: {  	s31 =	simm.s32 $0x3  }
0x285: {  	v6 =	vmov s31  }
0x286: {  	[tilespmem:v4+s24+$0x0] =	vst.idx.msk $0xffff, v5;
	v5 =	vand.u32 $0x7F, v6  }
0x287: {  	v4 =	vld [tilespmem:s16+$0x40];
	v6 =	vadd.s32 v0, v5;
	_ =	sdelay $0x4  }
0x288: {  	[tilespmem:v6+s24+$0x0] =	vst.idx.msk $0xffff, v4  }
0x289: {  	v6 =	vadd.s32 v1, v5;
	v4 =	vld [tilespmem:s16+$0x50];
	_ =	sdelay $0x4  }
0x28a: {  	[tilespmem:v6+s24+$0x0] =	vst.idx.msk $0xffff, v4  }
0x28b: {  	v6 =	vadd.s32 v2, v5;
	v4 =	vld [tilespmem:s16+$0x60];
	_ =	sdelay $0x4  }
0x28c: {  	[tilespmem:v6+s24+$0x0] =	vst.idx.msk $0xffff, v4  }
0x28d: {  	v5 =	vadd.s32 v3, v5;
	v4 =	vld [tilespmem:s16+$0x70];
	_ =	sdelay $0x2  }
0x28e: {  	s25 =	simm.s32 $0x4  }
0x28f: {  	s26 =	simm.s32 $0x8;
	v6 =	vmov s25  }
.LBB2_7:
0x290: {  	p1 =	sne.s32 s26, $0x7C;
	v6 =	vand.u32 $0x7C, v6;
	[tilespmem:v5+s24+$0x0] =	vst.idx.msk $0xffff, v4;
	s16 =	sadd.s32 $0x100, s16  }
0x291: {  	v4 =	vld [tilespmem:s16+$0xFFFFFF80];
	v5 =	vadd.s32 v0, v6;
	_ =	sdelay $0x4  }
0x292: {  	[tilespmem:v5+s24+$0x0] =	vst.idx.msk $0xffff, v4  }
0x293: {  	v5 =	vadd.s32 v1, v6;
	v4 =	vld [tilespmem:s16+$0xFFFFFF90];
	_ =	sdelay $0x4  }
0x294: {  	[tilespmem:v5+s24+$0x0] =	vst.idx.msk $0xffff, v4  }
0x295: {  	v5 =	vadd.s32 v2, v6;
	v4 =	vld [tilespmem:s16+$0xFFFFFFA0];
	_ =	sdelay $0x4  }
0x296: {  	[tilespmem:v5+s24+$0x0] =	vst.idx.msk $0xffff, v4  }
0x297: {  	v5 =	vadd.s32 v3, v6;
	v4 =	vld [tilespmem:s16+$0xFFFFFFB0];
	_ =	sdelay $0x2  }
0x298: {  	s28 =	sadd.s32 $0x1, s25  }
0x299: {  	v6 =	vmov s28  }
0x29a: {  	[tilespmem:v5+s24+$0x0] =	vst.idx.msk $0xffff, v4;
	v4 =	vand.u32 $0x7D, v6  }
0x29b: {  	v5 =	vld [tilespmem:s16+$0xFFFFFFC0];
	v6 =	vadd.s32 v0, v4;
	_ =	sdelay $0x4  }
0x29c: {  	[tilespmem:v6+s24+$0x0] =	vst.idx.msk $0xffff, v5  }
0x29d: {  	v6 =	vadd.s32 v1, v4;
	v5 =	vld [tilespmem:s16+$0xFFFFFFD0];
	_ =	sdelay $0x4  }
0x29e: {  	[tilespmem:v6+s24+$0x0] =	vst.idx.msk $0xffff, v5  }
0x29f: {  	v6 =	vadd.s32 v2, v4;
	v5 =	vld [tilespmem:s16+$0xFFFFFFE0];
	_ =	sdelay $0x4  }
0x2a0: {  	[tilespmem:v6+s24+$0x0] =	vst.idx.msk $0xffff, v5  }
0x2a1: {  	v4 =	vadd.s32 v3, v4;
	v5 =	vld [tilespmem:s16+$0xFFFFFFF0];
	_ =	sdelay $0x2  }
0x2a2: {  	s28 =	sadd.s32 $0x2, s25  }
0x2a3: {  	v6 =	vmov s28  }
0x2a4: {  	[tilespmem:v4+s24+$0x0] =	vst.idx.msk $0xffff, v5;
	v4 =	vand.u32 $0x7E, v6  }
0x2a5: {  	v5 =	vld [tilespmem:s16+$0x0];
	v6 =	vadd.s32 v0, v4;
	_ =	sdelay $0x4  }
0x2a6: {  	[tilespmem:v6+s24+$0x0] =	vst.idx.msk $0xffff, v5  }
0x2a7: {  	v6 =	vadd.s32 v1, v4;
	v5 =	vld [tilespmem:s16+$0x10];
	_ =	sdelay $0x4  }
0x2a8: {  	[tilespmem:v6+s24+$0x0] =	vst.idx.msk $0xffff, v5  }
0x2a9: {  	v6 =	vadd.s32 v2, v4;
	v5 =	vld [tilespmem:s16+$0x20];
	_ =	sdelay $0x4  }
0x2aa: {  	[tilespmem:v6+s24+$0x0] =	vst.idx.msk $0xffff, v5  }
0x2ab: {  	v4 =	vadd.s32 v3, v4;
	v5 =	vld [tilespmem:s16+$0x30];
	_ =	sdelay $0x2  }
0x2ac: {  	s28 =	sadd.s32 $0x3, s25;
	s25 =	smov.u32 s26  }
0x2ad: {  	v6 =	vmov s28  }
0x2ae: {  	[tilespmem:v4+s24+$0x0] =	vst.idx.msk $0xffff, v5;
	v5 =	vand.u32 $0x7F, v6  }
0x2af: {  	v4 =	vld [tilespmem:s16+$0x40];
	v6 =	vadd.s32 v0, v5;
	_ =	sdelay $0x4  }
0x2b0: {  	[tilespmem:v6+s24+$0x0] =	vst.idx.msk $0xffff, v4  }
0x2b1: {  	v6 =	vadd.s32 v1, v5;
	v4 =	vld [tilespmem:s16+$0x50];
	_ =	sdelay $0x4  }
0x2b2: {  	[tilespmem:v6+s24+$0x0] =	vst.idx.msk $0xffff, v4  }
0x2b3: {  	v6 =	vadd.s32 v2, v5;
	v4 =	vld [tilespmem:s16+$0x60];
	_ =	sdelay $0x4  }
0x2b4: {  	[tilespmem:v6+s24+$0x0] =	vst.idx.msk $0xffff, v4  }
.Ltmp2:
0x2b5: {  	v5 =	vadd.s32 v3, v5;
	v4 =	vld [tilespmem:s16+$0x70];
	(pc) =	sbr.rel @p1 .LBB2_7-.Ltmp2, $2  }
0x2b6: {  	_ =	sdelay $0x2  }
0x2b7: {  	s26 =	sadd.s32 $0x4, s26;
	v6 =	vmov s25  }
0x2b8: {  	_ =	sdelay $0x3  }
0x2b9: {  	v6 =	vand.u32 $0x7C, v6;
	[tilespmem:v5+s24+$0x0] =	vst.idx.msk $0xffff, v4;
	s16 =	sadd.s32 $0x100, s16  }
0x2ba: {  	v4 =	vld [tilespmem:s16+$0xFFFFFF80];
	v5 =	vadd.s32 v0, v6;
	_ =	sdelay $0x4  }
0x2bb: {  	[tilespmem:v5+s24+$0x0] =	vst.idx.msk $0xffff, v4  }
0x2bc: {  	v5 =	vadd.s32 v1, v6;
	v4 =	vld [tilespmem:s16+$0xFFFFFF90];
	_ =	sdelay $0x4  }
0x2bd: {  	[tilespmem:v5+s24+$0x0] =	vst.idx.msk $0xffff, v4  }
0x2be: {  	v5 =	vadd.s32 v2, v6;
	v4 =	vld [tilespmem:s16+$0xFFFFFFA0];
	_ =	sdelay $0x4  }
0x2bf: {  	[tilespmem:v5+s24+$0x0] =	vst.idx.msk $0xffff, v4  }
0x2c0: {  	v5 =	vadd.s32 v3, v6;
	v4 =	vld [tilespmem:s16+$0xFFFFFFB0];
	_ =	sdelay $0x2  }
0x2c1: {  	s26 =	sadd.s32 $0x1, s25  }
0x2c2: {  	v6 =	vmov s26  }
0x2c3: {  	[tilespmem:v5+s24+$0x0] =	vst.idx.msk $0xffff, v4;
	v4 =	vand.u32 $0x7D, v6  }
0x2c4: {  	v5 =	vld [tilespmem:s16+$0xFFFFFFC0];
	v6 =	vadd.s32 v0, v4;
	_ =	sdelay $0x4  }
0x2c5: {  	[tilespmem:v6+s24+$0x0] =	vst.idx.msk $0xffff, v5  }
0x2c6: {  	v6 =	vadd.s32 v1, v4;
	v5 =	vld [tilespmem:s16+$0xFFFFFFD0];
	_ =	sdelay $0x4  }
0x2c7: {  	[tilespmem:v6+s24+$0x0] =	vst.idx.msk $0xffff, v5  }
0x2c8: {  	v6 =	vadd.s32 v2, v4;
	v5 =	vld [tilespmem:s16+$0xFFFFFFE0];
	_ =	sdelay $0x4  }
0x2c9: {  	[tilespmem:v6+s24+$0x0] =	vst.idx.msk $0xffff, v5  }
0x2ca: {  	v4 =	vadd.s32 v3, v4;
	v5 =	vld [tilespmem:s16+$0xFFFFFFF0];
	_ =	sdelay $0x2  }
0x2cb: {  	s1 =	sadd.s32 $0x2, s25  }
0x2cc: {  	v6 =	vmov s1  }
0x2cd: {  	[tilespmem:v4+s24+$0x0] =	vst.idx.msk $0xffff, v5;
	v4 =	vand.u32 $0x7E, v6  }
0x2ce: {  	v5 =	vld [tilespmem:s16+$0x0];
	v6 =	vadd.s32 v0, v4;
	_ =	sdelay $0x4  }
0x2cf: {  	[tilespmem:v6+s24+$0x0] =	vst.idx.msk $0xffff, v5  }
0x2d0: {  	v6 =	vadd.s32 v1, v4;
	v5 =	vld [tilespmem:s16+$0x10];
	_ =	sdelay $0x4  }
0x2d1: {  	[tilespmem:v6+s24+$0x0] =	vst.idx.msk $0xffff, v5  }
0x2d2: {  	v6 =	vadd.s32 v2, v4;
	v5 =	vld [tilespmem:s16+$0x20];
	_ =	sdelay $0x4  }
0x2d3: {  	[tilespmem:v6+s24+$0x0] =	vst.idx.msk $0xffff, v5  }
0x2d4: {  	v4 =	vadd.s32 v3, v4;
	v5 =	vld [tilespmem:s16+$0x30];
	_ =	sdelay $0x2  }
0x2d5: {  	s5 =	sadd.s32 $0x3, s25  }
0x2d6: {  	v6 =	vmov s5  }
0x2d7: {  	[tilespmem:v4+s24+$0x0] =	vst.idx.msk $0xffff, v5;
	v4 =	vand.u32 $0x7F, v6  }
0x2d8: {  	v5 =	vld [tilespmem:s16+$0x40];
	v6 =	vadd.s32 v0, v4;
	_ =	sdelay $0x4  }
0x2d9: {  	[tilespmem:v6+s24+$0x0] =	vst.idx.msk $0xffff, v5  }
0x2da: {  	v6 =	vadd.s32 v1, v4;
	v5 =	vld [tilespmem:s16+$0x50];
	_ =	sdelay $0x4  }
0x2db: {  	[tilespmem:v6+s24+$0x0] =	vst.idx.msk $0xffff, v5  }
0x2dc: {  	v6 =	vadd.s32 v2, v4;
	v5 =	vld [tilespmem:s16+$0x60];
	_ =	sdelay $0x4  }
0x2dd: {  	[tilespmem:v6+s24+$0x0] =	vst.idx.msk $0xffff, v5  }
0x2de: {  	v4 =	vadd.s32 v3, v4;
	v5 =	vld [tilespmem:s16+$0x70];
	_ =	sdelay $0x3  }
0x2df: {  	s17 =	sadd.s32 $0x2, s15;
	s25 =	sadd.s32 @!p0 $0x300, s14;
	s28 =	simm.s32 @!p0 $0xA400  }
0x2e0: {  	s18 =	sshll.u32 s17, $0xA;
	s26 =	simm.s32 @!p0 $0x80;
	s16 =	sshll.u32 s17, $0x7;
	[tilespmem:v4+s24+$0x0] =	vst.idx.msk $0xffff, v5  }
0x2e1: {  	[tilespmem:s28], [sflag:$0x3] =	stream.indirect.gather @!p0 [hbm4b:s4+s26], $0x40, s25, s26, $0xb8;
	[tilespmem:$0x12800] =	vst v63  }
0x2e2: {  	s16 =	sand.u32 $0x3F00, s16;
	s25 =	sand.u32 $0xFFE0000, s18  }
0x2e3: {  	s25 =	sor.u32 s16, s25  }
0x2e4: {  	s16 =	simm.s32 $0x0;
	s21 =	sadd.s32 s2, s25  }
0x2e5: {  	[hbm4b:s21+s16] =	stream.linear.scatter [tilespmem:s24], [sflag:$0x5], $0x80, $0x38;
	[tilespmem:$0x12800] =	vst v63  }
0x2e6: {  	s29 =	simm.s32 $0xE488;
	s23 =	sadd.s32 $0x10, s21  }
0x2e7: {  	[hbm4b:s23+s16] =	stream.linear.scatter [tilespmem:s29], [sflag:$0x5], $0x80, $0x38;
	[tilespmem:$0x12800] =	vst v63  }
0x2e8: {  	s30 =	simm.s32 $0xE510;
	s0 =	sadd.s32 $0x20, s21  }
0x2e9: {  	[hbm4b:s0+s16] =	stream.linear.scatter [tilespmem:s30], [sflag:$0x5], $0x80, $0x38;
	[tilespmem:$0x12800] =	vst v63  }
0x2ea: {  	s1 =	sadd.s32 $0x30, s21;
	s30 =	simm.s32 $0xE598  }
0x2eb: {  	[hbm4b:s1+s16] =	stream.linear.scatter [tilespmem:s30], [sflag:$0x5], $0x80, $0x38;
	[tilespmem:$0x12800] =	vst v63  }
0x2ec: {  	s31 =	simm.s32 $0xE620;
	s5 =	smov.u32 s2;
	s2 =	sadd.s32 $0x40, s21  }
0x2ed: {  	[hbm4b:s2+s16] =	stream.linear.scatter [tilespmem:s31], [sflag:$0x5], $0x80, $0x38;
	[tilespmem:$0x12800] =	vst v63  }
0x2ee: {  	s17 =	sadd.s32 $0x50, s21;
	s31 =	simm.s32 $0xE6A8  }
0x2ef: {  	[hbm4b:s17+s16] =	stream.linear.scatter [tilespmem:s31], [sflag:$0x5], $0x80, $0x38;
	[tilespmem:$0x12800] =	vst v63  }
0x2f0: {  	s18 =	sadd.s32 $0x60, s21;
	s1 =	simm.s32 $0xE730  }
0x2f1: {  	[hbm4b:s18+s16] =	stream.linear.scatter [tilespmem:s1], [sflag:$0x5], $0x80, $0x38;
	[tilespmem:$0x12800] =	vst v63  }
0x2f2: {  	s26 =	sadd.s32 $0x70, s21;
	s1 =	simm.s32 $0xE7B8  }
0x2f3: {  	[hbm4b:s26+s16] =	stream.linear.scatter [tilespmem:s1], [sflag:$0x5], $0x80, $0x38;
	[tilespmem:$0x12800] =	vst v63  }
0x2f4: {  	s21 =	simm.s32 $0xE840;
	s26 =	sadd.s32 s25, s7  }
0x2f5: {  	[hbm4b:s26+s16] =	stream.linear.scatter [tilespmem:s21], [sflag:$0x5], $0x80, $0x38;
	[tilespmem:$0x12800] =	vst v63  }
0x2f6: {  	s0 =	simm.s32 $0xE8C8;
	s23 =	sadd.s32 $0x10, s26  }
0x2f7: {  	[hbm4b:s23+s16] =	stream.linear.scatter [tilespmem:s0], [sflag:$0x5], $0x80, $0x38;
	[tilespmem:$0x12800] =	vst v63  }
0x2f8: {  	s2 =	sadd.s32 $0x20, s26;
	s0 =	simm.s32 $0xE950  }
0x2f9: {  	[hbm4b:s2+s16] =	stream.linear.scatter [tilespmem:s0], [sflag:$0x5], $0x80, $0x38;
	[tilespmem:$0x12800] =	vst v63  }
0x2fa: {  	s17 =	sadd.s32 $0x30, s26;
	s23 =	simm.s32 $0xE9D8  }
0x2fb: {  	[hbm4b:s17+s16] =	stream.linear.scatter [tilespmem:s23], [sflag:$0x5], $0x80, $0x38;
	[tilespmem:$0x12800] =	vst v63  }
0x2fc: {  	s18 =	sadd.s32 $0x40, s26;
	s23 =	simm.s32 $0xEA60  }
0x2fd: {  	[hbm4b:s18+s16] =	stream.linear.scatter [tilespmem:s23], [sflag:$0x5], $0x80, $0x38;
	[tilespmem:$0x12800] =	vst v63  }
0x2fe: {  	s21 =	sadd.s32 $0x50, s26;
	s18 =	simm.s32 $0xEAE8  }
0x2ff: {  	[hbm4b:s21+s16] =	stream.linear.scatter [tilespmem:s18], [sflag:$0x5], $0x80, $0x38;
	[tilespmem:$0x12800] =	vst v63  }
0x300: {  	s2 =	sadd.s32 $0x60, s26;
	s18 =	simm.s32 $0xEB70  }
0x301: {  	[hbm4b:s2+s16] =	stream.linear.scatter [tilespmem:s18], [sflag:$0x5], $0x80, $0x38;
	[tilespmem:$0x12800] =	vst v63  }
0x302: {  	s26 =	sadd.s32 $0x70, s26;
	s17 =	simm.s32 $0xEBF8  }
0x303: {  	[hbm4b:s26+s16] =	stream.linear.scatter [tilespmem:s17], [sflag:$0x5], $0x80, $0x38;
	[tilespmem:$0x12800] =	vst v63  }
0x304: {  	s21 =	simm.s32 $0xEC80;
	s26 =	sadd.s32 s25, s8  }
0x305: {  	[hbm4b:s26+s16] =	stream.linear.scatter [tilespmem:s21], [sflag:$0x5], $0x80, $0x38;
	[tilespmem:$0x12800] =	vst v63  }
0x306: {  	s17 =	simm.s32 $0xED08;
	s2 =	sadd.s32 $0x10, s26  }
0x307: {  	[hbm4b:s2+s16] =	stream.linear.scatter [tilespmem:s17], [sflag:$0x5], $0x80, $0x38;
	[tilespmem:$0x12800] =	vst v63  }
0x308: {  	s21 =	sadd.s32 $0x20, s26;
	s17 =	simm.s32 $0xED90  }
0x309: {  	[hbm4b:s21+s16] =	stream.linear.scatter [tilespmem:s17], [sflag:$0x5], $0x80, $0x38;
	[tilespmem:$0x12800] =	vst v63  }
0x30a: {  	s2 =	sadd.s32 $0x30, s26;
	s21 =	simm.s32 $0xEE18  }
0x30b: {  	[hbm4b:s2+s16] =	stream.linear.scatter [tilespmem:s21], [sflag:$0x5], $0x80, $0x38;
	[tilespmem:$0x12800] =	vst v63  }
0x30c: {  	s2 =	sadd.s32 $0x40, s26;
	s21 =	simm.s32 $0xEEA0  }
0x30d: {  	[hbm4b:s2+s16] =	stream.linear.scatter [tilespmem:s21], [sflag:$0x5], $0x80, $0x38;
	[tilespmem:$0x12800] =	vst v63  }
0x30e: {  	s28 =	sadd.s32 $0x50, s26;
	s2 =	simm.s32 $0xEF28  }
0x30f: {  	[hbm4b:s28+s16] =	stream.linear.scatter [tilespmem:s2], [sflag:$0x5], $0x80, $0x38;
	[tilespmem:$0x12800] =	vst v63  }
0x310: {  	s28 =	sadd.s32 $0x60, s26;
	s2 =	simm.s32 $0xEFB0  }
0x311: {  	[hbm4b:s28+s16] =	stream.linear.scatter [tilespmem:s2], [sflag:$0x5], $0x80, $0x38;
	[tilespmem:$0x12800] =	vst v63  }
0x312: {  	s26 =	sadd.s32 $0x70, s26;
	s28 =	simm.s32 $0xF038  }
0x313: {  	[hbm4b:s26+s16] =	stream.linear.scatter [tilespmem:s28], [sflag:$0x5], $0x80, $0x38;
	[tilespmem:$0x12800] =	vst v63  }
0x314: {  	s26 =	sadd.s32 s25, s9;
	s28 =	simm.s32 $0xF0C0  }
0x315: {  	[hbm4b:s26+s16] =	stream.linear.scatter [tilespmem:s28], [sflag:$0x5], $0x80, $0x38;
	[tilespmem:$0x12800] =	vst v63  }
0x316: {  	s2 =	simm.s32 $0xF148;
	s28 =	sadd.s32 $0x10, s26  }
0x317: {  	[hbm4b:s28+s16] =	stream.linear.scatter [tilespmem:s2], [sflag:$0x5], $0x80, $0x38;
	[tilespmem:$0x12800] =	vst v63  }
0x318: {  	s28 =	sadd.s32 $0x20, s26;
	s2 =	simm.s32 $0xF1D0  }
0x319: {  	[hbm4b:s28+s16] =	stream.linear.scatter [tilespmem:s2], [sflag:$0x5], $0x80, $0x38;
	[tilespmem:$0x12800] =	vst v63  }
0x31a: {  	s28 =	sadd.s32 $0x30, s26;
	s2 =	simm.s32 $0xF258  }
0x31b: {  	[hbm4b:s28+s16] =	stream.linear.scatter [tilespmem:s2], [sflag:$0x5], $0x80, $0x38;
	[tilespmem:$0x12800] =	vst v63  }
0x31c: {  	s28 =	sadd.s32 $0x40, s26;
	s2 =	simm.s32 $0xF2E0  }
0x31d: {  	[hbm4b:s28+s16] =	stream.linear.scatter [tilespmem:s2], [sflag:$0x5], $0x80, $0x38;
	[tilespmem:$0x12800] =	vst v63  }
0x31e: {  	s28 =	sadd.s32 $0x50, s26;
	s2 =	simm.s32 $0xF368  }
0x31f: {  	[hbm4b:s28+s16] =	stream.linear.scatter [tilespmem:s2], [sflag:$0x5], $0x80, $0x38;
	[tilespmem:$0x12800] =	vst v63  }
0x320: {  	s28 =	sadd.s32 $0x60, s26;
	s2 =	simm.s32 $0xF3F0  }
0x321: {  	[hbm4b:s28+s16] =	stream.linear.scatter [tilespmem:s2], [sflag:$0x5], $0x80, $0x38;
	[tilespmem:$0x12800] =	vst v63  }
0x322: {  	s26 =	sadd.s32 $0x70, s26;
	s28 =	simm.s32 $0xF478  }
0x323: {  	[hbm4b:s26+s16] =	stream.linear.scatter [tilespmem:s28], [sflag:$0x5], $0x80, $0x38;
	[tilespmem:$0x12800] =	vst v63  }
0x324: {  	s26 =	sadd.s32 s25, s10;
	s28 =	simm.s32 $0xF500  }
0x325: {  	[hbm4b:s26+s16] =	stream.linear.scatter [tilespmem:s28], [sflag:$0x5], $0x80, $0x38;
	[tilespmem:$0x12800] =	vst v63  }
0x326: {  	s2 =	simm.s32 $0xF588;
	s28 =	sadd.s32 $0x10, s26  }
0x327: {  	[hbm4b:s28+s16] =	stream.linear.scatter [tilespmem:s2], [sflag:$0x5], $0x80, $0x38;
	[tilespmem:$0x12800] =	vst v63  }
0x328: {  	s28 =	sadd.s32 $0x20, s26;
	s2 =	simm.s32 $0xF610  }
0x329: {  	[hbm4b:s28+s16] =	stream.linear.scatter [tilespmem:s2], [sflag:$0x5], $0x80, $0x38;
	[tilespmem:$0x12800] =	vst v63  }
0x32a: {  	s28 =	sadd.s32 $0x30, s26;
	s2 =	simm.s32 $0xF698  }
0x32b: {  	[hbm4b:s28+s16] =	stream.linear.scatter [tilespmem:s2], [sflag:$0x5], $0x80, $0x38;
	[tilespmem:$0x12800] =	vst v63  }
0x32c: {  	s28 =	sadd.s32 $0x40, s26;
	s2 =	simm.s32 $0xF720  }
0x32d: {  	[hbm4b:s28+s16] =	stream.linear.scatter [tilespmem:s2], [sflag:$0x5], $0x80, $0x38;
	[tilespmem:$0x12800] =	vst v63  }
0x32e: {  	s28 =	sadd.s32 $0x50, s26;
	s2 =	simm.s32 $0xF7A8  }
0x32f: {  	[hbm4b:s28+s16] =	stream.linear.scatter [tilespmem:s2], [sflag:$0x5], $0x80, $0x38;
	[tilespmem:$0x12800] =	vst v63  }
0x330: {  	s28 =	sadd.s32 $0x60, s26;
	s2 =	simm.s32 $0xF830  }
0x331: {  	[hbm4b:s28+s16] =	stream.linear.scatter [tilespmem:s2], [sflag:$0x5], $0x80, $0x38;
	[tilespmem:$0x12800] =	vst v63  }
0x332: {  	s26 =	sadd.s32 $0x70, s26;
	s28 =	simm.s32 $0xF8B8  }
0x333: {  	[hbm4b:s26+s16] =	stream.linear.scatter [tilespmem:s28], [sflag:$0x5], $0x80, $0x38;
	[tilespmem:$0x12800] =	vst v63  }
0x334: {  	s26 =	sadd.s32 s25, s11;
	s28 =	simm.s32 $0xF940  }
0x335: {  	[hbm4b:s26+s16] =	stream.linear.scatter [tilespmem:s28], [sflag:$0x5], $0x80, $0x38;
	[tilespmem:$0x12800] =	vst v63  }
0x336: {  	s2 =	simm.s32 $0xF9C8;
	s28 =	sadd.s32 $0x10, s26  }
0x337: {  	[hbm4b:s28+s16] =	stream.linear.scatter [tilespmem:s2], [sflag:$0x5], $0x80, $0x38;
	[tilespmem:$0x12800] =	vst v63  }
0x338: {  	s28 =	sadd.s32 $0x20, s26;
	s2 =	simm.s32 $0xFA50  }
0x339: {  	[hbm4b:s28+s16] =	stream.linear.scatter [tilespmem:s2], [sflag:$0x5], $0x80, $0x38;
	[tilespmem:$0x12800] =	vst v63  }
0x33a: {  	s28 =	sadd.s32 $0x30, s26;
	s2 =	simm.s32 $0xFAD8  }
0x33b: {  	[hbm4b:s28+s16] =	stream.linear.scatter [tilespmem:s2], [sflag:$0x5], $0x80, $0x38;
	[tilespmem:$0x12800] =	vst v63  }
0x33c: {  	s28 =	sadd.s32 $0x40, s26;
	s2 =	simm.s32 $0xFB60  }
0x33d: {  	[hbm4b:s28+s16] =	stream.linear.scatter [tilespmem:s2], [sflag:$0x5], $0x80, $0x38;
	[tilespmem:$0x12800] =	vst v63  }
0x33e: {  	s28 =	sadd.s32 $0x50, s26;
	s2 =	simm.s32 $0xFBE8  }
0x33f: {  	[hbm4b:s28+s16] =	stream.linear.scatter [tilespmem:s2], [sflag:$0x5], $0x80, $0x38;
	[tilespmem:$0x12800] =	vst v63  }
0x340: {  	s28 =	sadd.s32 $0x60, s26;
	s2 =	simm.s32 $0xFC70  }
0x341: {  	[hbm4b:s28+s16] =	stream.linear.scatter [tilespmem:s2], [sflag:$0x5], $0x80, $0x38;
	[tilespmem:$0x12800] =	vst v63  }
0x342: {  	s26 =	sadd.s32 $0x70, s26;
	s28 =	simm.s32 $0xFCF8  }
0x343: {  	[hbm4b:s26+s16] =	stream.linear.scatter [tilespmem:s28], [sflag:$0x5], $0x80, $0x38;
	[tilespmem:$0x12800] =	vst v63  }
0x344: {  	s26 =	sadd.s32 s25, s12;
	s28 =	simm.s32 $0xFD80  }
0x345: {  	[hbm4b:s26+s16] =	stream.linear.scatter [tilespmem:s28], [sflag:$0x5], $0x80, $0x38;
	[tilespmem:$0x12800] =	vst v63  }
0x346: {  	s2 =	simm.s32 $0xFE08;
	s28 =	sadd.s32 $0x10, s26  }
0x347: {  	[hbm4b:s28+s16] =	stream.linear.scatter [tilespmem:s2], [sflag:$0x5], $0x80, $0x38;
	[tilespmem:$0x12800] =	vst v63  }
0x348: {  	s28 =	sadd.s32 $0x20, s26;
	s2 =	simm.s32 $0xFE90  }
0x349: {  	[hbm4b:s28+s16] =	stream.linear.scatter [tilespmem:s2], [sflag:$0x5], $0x80, $0x38;
	[tilespmem:$0x12800] =	vst v63  }
0x34a: {  	s28 =	sadd.s32 $0x30, s26;
	s2 =	simm.s32 $0xFF18  }
0x34b: {  	[hbm4b:s28+s16] =	stream.linear.scatter [tilespmem:s2], [sflag:$0x5], $0x80, $0x38;
	[tilespmem:$0x12800] =	vst v63  }
0x34c: {  	s28 =	sadd.s32 $0x40, s26;
	s2 =	simm.s32 $0xFFA0  }
0x34d: {  	[hbm4b:s28+s16] =	stream.linear.scatter [tilespmem:s2], [sflag:$0x5], $0x80, $0x38;
	[tilespmem:$0x12800] =	vst v63  }
0x34e: {  	s28 =	sadd.s32 $0x50, s26;
	s2 =	simm.s32 $0x10028  }
0x34f: {  	[hbm4b:s28+s16] =	stream.linear.scatter [tilespmem:s2], [sflag:$0x5], $0x80, $0x38;
	[tilespmem:$0x12800] =	vst v63  }
0x350: {  	s28 =	sadd.s32 $0x60, s26;
	s2 =	simm.s32 $0x100B0  }
0x351: {  	[hbm4b:s28+s16] =	stream.linear.scatter [tilespmem:s2], [sflag:$0x5], $0x80, $0x38;
	[tilespmem:$0x12800] =	vst v63  }
0x352: {  	s26 =	sadd.s32 $0x70, s26;
	s28 =	simm.s32 $0x10138  }
0x353: {  	[hbm4b:s26+s16] =	stream.linear.scatter [tilespmem:s28], [sflag:$0x5], $0x80, $0x38;
	[tilespmem:$0x12800] =	vst v63  }
0x354: {  	s25 =	sadd.s32 s25, s13;
	s28 =	simm.s32 $0x101C0  }
0x355: {  	[hbm4b:s25+s16] =	stream.linear.scatter [tilespmem:s28], [sflag:$0x5], $0x80, $0x38;
	[tilespmem:$0x12800] =	vst v63  }
0x356: {  	s2 =	sadd.s32 $0x10, s25;
	s28 =	simm.s32 $0x10248  }
0x357: {  	[hbm4b:s2+s16] =	stream.linear.scatter [tilespmem:s28], [sflag:$0x5], $0x80, $0x38;
	[tilespmem:$0x12800] =	vst v63  }
0x358: {  	s2 =	sadd.s32 $0x20, s25;
	s28 =	simm.s32 $0x102D0  }
0x359: {  	[hbm4b:s2+s16] =	stream.linear.scatter [tilespmem:s28], [sflag:$0x5], $0x80, $0x38;
	[tilespmem:$0x12800] =	vst v63  }
0x35a: {  	s2 =	sadd.s32 $0x30, s25;
	s28 =	simm.s32 $0x10358  }
0x35b: {  	[hbm4b:s2+s16] =	stream.linear.scatter [tilespmem:s28], [sflag:$0x5], $0x80, $0x38;
	[tilespmem:$0x12800] =	vst v63  }
0x35c: {  	s2 =	sadd.s32 $0x40, s25;
	s28 =	simm.s32 $0x103E0  }
0x35d: {  	[hbm4b:s2+s16] =	stream.linear.scatter [tilespmem:s28], [sflag:$0x5], $0x80, $0x38;
	[tilespmem:$0x12800] =	vst v63  }
0x35e: {  	s2 =	sadd.s32 $0x50, s25;
	s28 =	simm.s32 $0x10468  }
0x35f: {  	[hbm4b:s2+s16] =	stream.linear.scatter [tilespmem:s28], [sflag:$0x5], $0x80, $0x38;
	[tilespmem:$0x12800] =	vst v63  }
0x360: {  	s2 =	sadd.s32 $0x60, s25;
	s28 =	simm.s32 $0x104F0  }
0x361: {  	[hbm4b:s2+s16] =	stream.linear.scatter [tilespmem:s28], [sflag:$0x5], $0x80, $0x38;
	[tilespmem:$0x12800] =	vst v63  }
0x362: {  	s26 =	simm.s32 $0x10578;
	s25 =	sadd.s32 $0x70, s25;
	s28 =	simm.s32 $0x4  }
0x363: {  	[hbm4b:s25+s16] =	stream.linear.scatter [tilespmem:s26], [sflag:$0x5], $0x80, $0x38;
	[tilespmem:$0x12800] =	vst v63  }
0x364: {  	_ =	swait.ge [sflag:s28], $0x2000  }
0x365: {  	[sflag:s28] =	ssyncset.done $0x0  }
0x366: {  	[sflag:s28] =	ssyncadd.s32 $0xFFFFE000  }
0x367: {  	_ =	swait.ge [sflag:s22], $0x400  }
0x368: {  	[sflag:s22] =	ssyncset.done $0x0  }
0x369: {  	[sflag:s22] =	ssyncadd.s32 $0xFFFFFC00  }
0x36a: {  	_ =	swait.ge [sflag:s22], $0x400  }
0x36b: {  	[sflag:s22] =	ssyncset.done $0x0  }
0x36c: {  	[sflag:s22] =	ssyncadd.s32 $0xFFFFFC00  }
0x36d: {  	_ =	swait.ge [sflag:s22], $0x400  }
0x36e: {  	[sflag:s22] =	ssyncset.done $0x0  }
0x36f: {  	[sflag:s22] =	ssyncadd.s32 $0xFFFFFC00  }
0x370: {  	_ =	swait.ge [sflag:s22], $0x400  }
0x371: {  	[sflag:s22] =	ssyncset.done $0x0  }
0x372: {  	[sflag:s22] =	ssyncadd.s32 $0xFFFFFC00  }
0x373: {  	_ =	swait.ge [sflag:s22], $0x400  }
0x374: {  	[sflag:s22] =	ssyncset.done $0x0  }
0x375: {  	[sflag:s22] =	ssyncadd.s32 $0xFFFFFC00  }
0x376: {  	_ =	swait.ge [sflag:s22], $0x400  }
0x377: {  	[sflag:s22] =	ssyncset.done $0x0  }
0x378: {  	[sflag:s22] =	ssyncadd.s32 $0xFFFFFC00  }
0x379: {  	_ =	swait.ge [sflag:s22], $0x400  }
0x37a: {  	[sflag:s22] =	ssyncset.done $0x0  }
0x37b: {  	[sflag:s22] =	ssyncadd.s32 $0xFFFFFC00  }
0x37c: {  	_ =	swait.ge [sflag:s22], $0x400  }
0x37d: {  	v4 =	vmov s16;
	[sflag:s22] =	ssyncset.done $0x0  }
0x37e: {  	v4 =	vand.u32 $0x7C, v4;
	s16 =	simm.s32 $0xC480;
	[sflag:s22] =	ssyncadd.s32 $0xFFFFFC00  }
0x37f: {  	v6 =	vadd.s32 v0, v4;
	v5 =	vld [tilespmem:s16+$0xFFFFFF80];
	_ =	sdelay $0x4  }
0x380: {  	[tilespmem:v6+s19+$0x0] =	vst.idx.msk $0xffff, v5  }
0x381: {  	v6 =	vadd.s32 v1, v4;
	v5 =	vld [tilespmem:s16+$0xFFFFFF90];
	_ =	sdelay $0x4  }
0x382: {  	[tilespmem:v6+s19+$0x0] =	vst.idx.msk $0xffff, v5  }
0x383: {  	v6 =	vadd.s32 v2, v4;
	v5 =	vld [tilespmem:s16+$0xFFFFFFA0];
	_ =	sdelay $0x4  }
0x384: {  	[tilespmem:v6+s19+$0x0] =	vst.idx.msk $0xffff, v5  }
0x385: {  	v4 =	vadd.s32 v3, v4;
	v5 =	vld [tilespmem:s16+$0xFFFFFFB0];
	_ =	sdelay $0x2  }
0x386: {  	s2 =	simm.s32 $0x1  }
0x387: {  	v6 =	vmov s2  }
0x388: {  	[tilespmem:v4+s19+$0x0] =	vst.idx.msk $0xffff, v5;
	v4 =	vand.u32 $0x7D, v6  }
0x389: {  	v5 =	vld [tilespmem:s16+$0xFFFFFFC0];
	v6 =	vadd.s32 v0, v4;
	_ =	sdelay $0x4  }
0x38a: {  	[tilespmem:v6+s19+$0x0] =	vst.idx.msk $0xffff, v5  }
0x38b: {  	v6 =	vadd.s32 v1, v4;
	v5 =	vld [tilespmem:s16+$0xFFFFFFD0];
	_ =	sdelay $0x4  }
0x38c: {  	[tilespmem:v6+s19+$0x0] =	vst.idx.msk $0xffff, v5  }
0x38d: {  	v6 =	vadd.s32 v2, v4;
	v5 =	vld [tilespmem:s16+$0xFFFFFFE0];
	_ =	sdelay $0x4  }
0x38e: {  	[tilespmem:v6+s19+$0x0] =	vst.idx.msk $0xffff, v5  }
0x38f: {  	v4 =	vadd.s32 v3, v4;
	v5 =	vld [tilespmem:s16+$0xFFFFFFF0];
	_ =	sdelay $0x2  }
0x390: {  	s26 =	simm.s32 $0x2  }
0x391: {  	v6 =	vmov s26  }
0x392: {  	[tilespmem:v4+s19+$0x0] =	vst.idx.msk $0xffff, v5;
	v4 =	vand.u32 $0x7E, v6  }
0x393: {  	v5 =	vld [tilespmem:s16+$0x0];
	v6 =	vadd.s32 v0, v4;
	_ =	sdelay $0x4  }
0x394: {  	[tilespmem:v6+s19+$0x0] =	vst.idx.msk $0xffff, v5  }
0x395: {  	v6 =	vadd.s32 v1, v4;
	v5 =	vld [tilespmem:s16+$0x10];
	_ =	sdelay $0x4  }
0x396: {  	[tilespmem:v6+s19+$0x0] =	vst.idx.msk $0xffff, v5  }
0x397: {  	v6 =	vadd.s32 v2, v4;
	v5 =	vld [tilespmem:s16+$0x20];
	_ =	sdelay $0x4  }
0x398: {  	[tilespmem:v6+s19+$0x0] =	vst.idx.msk $0xffff, v5  }
0x399: {  	v4 =	vadd.s32 v3, v4;
	v5 =	vld [tilespmem:s16+$0x30];
	_ =	sdelay $0x2  }
0x39a: {  	s28 =	simm.s32 $0x3  }
0x39b: {  	v6 =	vmov s28  }
0x39c: {  	[tilespmem:v4+s19+$0x0] =	vst.idx.msk $0xffff, v5;
	v5 =	vand.u32 $0x7F, v6  }
0x39d: {  	v4 =	vld [tilespmem:s16+$0x40];
	v6 =	vadd.s32 v0, v5;
	_ =	sdelay $0x4  }
0x39e: {  	[tilespmem:v6+s19+$0x0] =	vst.idx.msk $0xffff, v4  }
0x39f: {  	v6 =	vadd.s32 v1, v5;
	v4 =	vld [tilespmem:s16+$0x50];
	_ =	sdelay $0x4  }
0x3a0: {  	[tilespmem:v6+s19+$0x0] =	vst.idx.msk $0xffff, v4  }
0x3a1: {  	v6 =	vadd.s32 v2, v5;
	v4 =	vld [tilespmem:s16+$0x60];
	_ =	sdelay $0x4  }
0x3a2: {  	[tilespmem:v6+s19+$0x0] =	vst.idx.msk $0xffff, v4  }
0x3a3: {  	v5 =	vadd.s32 v3, v5;
	v4 =	vld [tilespmem:s16+$0x70];
	_ =	sdelay $0x2  }
0x3a4: {  	s25 =	simm.s32 $0x4  }
0x3a5: {  	s26 =	simm.s32 $0x8;
	v6 =	vmov s25  }
.LBB2_9:
0x3a6: {  	p1 =	sne.s32 s26, $0x7C;
	v6 =	vand.u32 $0x7C, v6;
	[tilespmem:v5+s19+$0x0] =	vst.idx.msk $0xffff, v4;
	s16 =	sadd.s32 $0x100, s16  }
0x3a7: {  	v4 =	vld [tilespmem:s16+$0xFFFFFF80];
	v5 =	vadd.s32 v0, v6;
	_ =	sdelay $0x4  }
0x3a8: {  	[tilespmem:v5+s19+$0x0] =	vst.idx.msk $0xffff, v4  }
0x3a9: {  	v5 =	vadd.s32 v1, v6;
	v4 =	vld [tilespmem:s16+$0xFFFFFF90];
	_ =	sdelay $0x4  }
0x3aa: {  	[tilespmem:v5+s19+$0x0] =	vst.idx.msk $0xffff, v4  }
0x3ab: {  	v5 =	vadd.s32 v2, v6;
	v4 =	vld [tilespmem:s16+$0xFFFFFFA0];
	_ =	sdelay $0x4  }
0x3ac: {  	[tilespmem:v5+s19+$0x0] =	vst.idx.msk $0xffff, v4  }
0x3ad: {  	v5 =	vadd.s32 v3, v6;
	v4 =	vld [tilespmem:s16+$0xFFFFFFB0];
	_ =	sdelay $0x2  }
0x3ae: {  	s28 =	sadd.s32 $0x1, s25  }
0x3af: {  	v6 =	vmov s28  }
0x3b0: {  	[tilespmem:v5+s19+$0x0] =	vst.idx.msk $0xffff, v4;
	v4 =	vand.u32 $0x7D, v6  }
0x3b1: {  	v5 =	vld [tilespmem:s16+$0xFFFFFFC0];
	v6 =	vadd.s32 v0, v4;
	_ =	sdelay $0x4  }
0x3b2: {  	[tilespmem:v6+s19+$0x0] =	vst.idx.msk $0xffff, v5  }
0x3b3: {  	v6 =	vadd.s32 v1, v4;
	v5 =	vld [tilespmem:s16+$0xFFFFFFD0];
	_ =	sdelay $0x4  }
0x3b4: {  	[tilespmem:v6+s19+$0x0] =	vst.idx.msk $0xffff, v5  }
0x3b5: {  	v6 =	vadd.s32 v2, v4;
	v5 =	vld [tilespmem:s16+$0xFFFFFFE0];
	_ =	sdelay $0x4  }
0x3b6: {  	[tilespmem:v6+s19+$0x0] =	vst.idx.msk $0xffff, v5  }
0x3b7: {  	v4 =	vadd.s32 v3, v4;
	v5 =	vld [tilespmem:s16+$0xFFFFFFF0];
	_ =	sdelay $0x2  }
0x3b8: {  	s28 =	sadd.s32 $0x2, s25  }
0x3b9: {  	v6 =	vmov s28  }
0x3ba: {  	[tilespmem:v4+s19+$0x0] =	vst.idx.msk $0xffff, v5;
	v4 =	vand.u32 $0x7E, v6  }
0x3bb: {  	v5 =	vld [tilespmem:s16+$0x0];
	v6 =	vadd.s32 v0, v4;
	_ =	sdelay $0x4  }
0x3bc: {  	[tilespmem:v6+s19+$0x0] =	vst.idx.msk $0xffff, v5  }
0x3bd: {  	v6 =	vadd.s32 v1, v4;
	v5 =	vld [tilespmem:s16+$0x10];
	_ =	sdelay $0x4  }
0x3be: {  	[tilespmem:v6+s19+$0x0] =	vst.idx.msk $0xffff, v5  }
0x3bf: {  	v6 =	vadd.s32 v2, v4;
	v5 =	vld [tilespmem:s16+$0x20];
	_ =	sdelay $0x4  }
0x3c0: {  	[tilespmem:v6+s19+$0x0] =	vst.idx.msk $0xffff, v5  }
0x3c1: {  	v4 =	vadd.s32 v3, v4;
	v5 =	vld [tilespmem:s16+$0x30];
	_ =	sdelay $0x2  }
0x3c2: {  	s28 =	sadd.s32 $0x3, s25;
	s25 =	smov.u32 s26  }
0x3c3: {  	v6 =	vmov s28  }
0x3c4: {  	[tilespmem:v4+s19+$0x0] =	vst.idx.msk $0xffff, v5;
	v5 =	vand.u32 $0x7F, v6  }
0x3c5: {  	v4 =	vld [tilespmem:s16+$0x40];
	v6 =	vadd.s32 v0, v5;
	_ =	sdelay $0x4  }
0x3c6: {  	[tilespmem:v6+s19+$0x0] =	vst.idx.msk $0xffff, v4  }
0x3c7: {  	v6 =	vadd.s32 v1, v5;
	v4 =	vld [tilespmem:s16+$0x50];
	_ =	sdelay $0x4  }
0x3c8: {  	[tilespmem:v6+s19+$0x0] =	vst.idx.msk $0xffff, v4  }
0x3c9: {  	v6 =	vadd.s32 v2, v5;
	v4 =	vld [tilespmem:s16+$0x60];
	_ =	sdelay $0x4  }
0x3ca: {  	[tilespmem:v6+s19+$0x0] =	vst.idx.msk $0xffff, v4  }
.Ltmp3:
0x3cb: {  	v5 =	vadd.s32 v3, v5;
	v4 =	vld [tilespmem:s16+$0x70];
	(pc) =	sbr.rel @p1 .LBB2_9-.Ltmp3, $2  }
0x3cc: {  	_ =	sdelay $0x2  }
0x3cd: {  	s26 =	sadd.s32 $0x4, s26;
	v6 =	vmov s25  }
0x3ce: {  	_ =	sdelay $0x3  }
0x3cf: {  	v6 =	vand.u32 $0x7C, v6;
	[tilespmem:v5+s19+$0x0] =	vst.idx.msk $0xffff, v4;
	s16 =	sadd.s32 $0x100, s16  }
0x3d0: {  	v4 =	vld [tilespmem:s16+$0xFFFFFF80];
	v5 =	vadd.s32 v0, v6;
	_ =	sdelay $0x4  }
0x3d1: {  	[tilespmem:v5+s19+$0x0] =	vst.idx.msk $0xffff, v4  }
0x3d2: {  	v5 =	vadd.s32 v1, v6;
	v4 =	vld [tilespmem:s16+$0xFFFFFF90];
	_ =	sdelay $0x4  }
0x3d3: {  	[tilespmem:v5+s19+$0x0] =	vst.idx.msk $0xffff, v4  }
0x3d4: {  	v5 =	vadd.s32 v2, v6;
	v4 =	vld [tilespmem:s16+$0xFFFFFFA0];
	_ =	sdelay $0x4  }
0x3d5: {  	[tilespmem:v5+s19+$0x0] =	vst.idx.msk $0xffff, v4  }
0x3d6: {  	v5 =	vadd.s32 v3, v6;
	v4 =	vld [tilespmem:s16+$0xFFFFFFB0];
	_ =	sdelay $0x2  }
0x3d7: {  	s26 =	sadd.s32 $0x1, s25  }
0x3d8: {  	v55 =	vmov s26  }
0x3d9: {  	[tilespmem:v5+s19+$0x0] =	vst.idx.msk $0xffff, v4;
	v4 =	vand.u32 $0x7D, v55  }
0x3da: {  	v5 =	vld [tilespmem:s16+$0xFFFFFFC0];
	v6 =	vadd.s32 v0, v4;
	_ =	sdelay $0x4  }
0x3db: {  	[tilespmem:v6+s19+$0x0] =	vst.idx.msk $0xffff, v5  }
0x3dc: {  	v56 =	vadd.s32 v1, v4;
	v5 =	vld [tilespmem:s16+$0xFFFFFFD0];
	_ =	sdelay $0x4  }
0x3dd: {  	[tilespmem:v56+s19+$0x0] =	vst.idx.msk $0xffff, v5  }
0x3de: {  	v57 =	vadd.s32 v2, v4;
	v5 =	vld [tilespmem:s16+$0xFFFFFFE0];
	_ =	sdelay $0x4  }
0x3df: {  	[tilespmem:v57+s19+$0x0] =	vst.idx.msk $0xffff, v5  }
0x3e0: {  	v4 =	vadd.s32 v3, v4;
	v5 =	vld [tilespmem:s16+$0xFFFFFFF0];
	_ =	sdelay $0x2  }
0x3e1: {  	s28 =	sadd.s32 $0x2, s25  }
0x3e2: {  	v58 =	vmov s28  }
0x3e3: {  	[tilespmem:v4+s19+$0x0] =	vst.idx.msk $0xffff, v5;
	v4 =	vand.u32 $0x7E, v58  }
0x3e4: {  	v5 =	vld [tilespmem:s16+$0x0];
	v6 =	vadd.s32 v0, v4;
	_ =	sdelay $0x4  }
0x3e5: {  	[tilespmem:v6+s19+$0x0] =	vst.idx.msk $0xffff, v5  }
0x3e6: {  	v59 =	vadd.s32 v1, v4;
	v5 =	vld [tilespmem:s16+$0x10];
	_ =	sdelay $0x4  }
0x3e7: {  	[tilespmem:v59+s19+$0x0] =	vst.idx.msk $0xffff, v5  }
0x3e8: {  	v60 =	vadd.s32 v2, v4;
	v5 =	vld [tilespmem:s16+$0x20];
	_ =	sdelay $0x4  }
0x3e9: {  	[tilespmem:v60+s19+$0x0] =	vst.idx.msk $0xffff, v5  }
0x3ea: {  	v4 =	vadd.s32 v3, v4;
	v5 =	vld [tilespmem:s16+$0x30];
	_ =	sdelay $0x2  }
0x3eb: {  	s2 =	sadd.s32 $0x3, s25  }
0x3ec: {  	v61 =	vmov s2  }
0x3ed: {  	[tilespmem:v4+s19+$0x0] =	vst.idx.msk $0xffff, v5;
	v4 =	vand.u32 $0x7F, v61  }
0x3ee: {  	v5 =	vld [tilespmem:s16+$0x40];
	v6 =	vadd.s32 v0, v4;
	_ =	sdelay $0x4  }
0x3ef: {  	[tilespmem:v6+s19+$0x0] =	vst.idx.msk $0xffff, v5  }
0x3f0: {  	v62 =	vadd.s32 v1, v4;
	v5 =	vld [tilespmem:s16+$0x50];
	_ =	sdelay $0x4  }
0x3f1: {  	[tilespmem:v62+s19+$0x0] =	vst.idx.msk $0xffff, v5  }
0x3f2: {  	v63 =	vadd.s32 v2, v4;
	v5 =	vld [tilespmem:s16+$0x60];
	_ =	sdelay $0x4  }
0x3f3: {  	[tilespmem:v63+s19+$0x0] =	vst.idx.msk $0xffff, v5  }
0x3f4: {  	v4 =	vadd.s32 v3, v4;
	v5 =	vld [tilespmem:s16+$0x70];
	_ =	sdelay $0x4  }
0x3f5: {  	s14 =	sadd.s32 @!p0 $0x380, s14;
	s25 =	simm.s32 @!p0 $0xC400;
	s16 =	simm.s32 @!p0 $0x80;
	[tilespmem:v4+s19+$0x0] =	vst.idx.msk $0xffff, v5  }
0x3f6: {  	[tilespmem:s25], [sflag:$0x4] =	stream.indirect.gather @!p0 [hbm4b:s4+s16], $0x40, s14, s16, $0xb8;
	[tilespmem:$0x12800] =	vst v63  }
0x3f7: {  	s25 =	sadd.s32 $0x3, s15  }
0x3f8: {  	s15 =	sshll.u32 s25, $0xA;
	s14 =	sshll.u32 s25, $0x7  }
0x3f9: {  	s15 =	sand.u32 $0xFFE0000, s15;
	s14 =	sand.u32 $0x3F80, s14  }
0x3fa: {  	s14 =	sor.u32 s14, s15  }
0x3fb: {  	s15 =	sadd.s32 s5, s14  }
0x3fc: {  	[hbm4b:s15+s3] =	stream.linear.scatter [tilespmem:s19], [sflag:$0x6], $0x80, $0x38;
	[tilespmem:$0x12800] =	vst v63  }
0x3fd: {  	s28 =	simm.s32 $0x10688;
	s26 =	sadd.s32 $0x10, s15  }
0x3fe: {  	[hbm4b:s26+s3] =	stream.linear.scatter [tilespmem:s28], [sflag:$0x6], $0x80, $0x38;
	[tilespmem:$0x12800] =	vst v63  }
0x3ff: {  	s2 =	smov.u32 s5;
	s25 =	simm.s32 $0x10710;
	s5 =	sadd.s32 $0x20, s15  }
0x400: {  	[hbm4b:s5+s3] =	stream.linear.scatter [tilespmem:s25], [sflag:$0x6], $0x80, $0x38;
	[tilespmem:$0x12800] =	vst v63  }
0x401: {  	s26 =	sadd.s32 $0x30, s15;
	s28 =	simm.s32 $0x10798  }
0x402: {  	[hbm4b:s26+s3] =	stream.linear.scatter [tilespmem:s28], [sflag:$0x6], $0x80, $0x38;
	[tilespmem:$0x12800] =	vst v63  }
0x403: {  	s5 =	sadd.s32 $0x40, s15;
	s25 =	simm.s32 $0x10820  }
0x404: {  	[hbm4b:s5+s3] =	stream.linear.scatter [tilespmem:s25], [sflag:$0x6], $0x80, $0x38;
	[tilespmem:$0x12800] =	vst v63  }
0x405: {  	s26 =	sadd.s32 $0x50, s15;
	s28 =	simm.s32 $0x108A8  }
0x406: {  	[hbm4b:s26+s3] =	stream.linear.scatter [tilespmem:s28], [sflag:$0x6], $0x80, $0x38;
	[tilespmem:$0x12800] =	vst v63  }
0x407: {  	s5 =	sadd.s32 $0x60, s15;
	s25 =	simm.s32 $0x10930  }
0x408: {  	[hbm4b:s5+s3] =	stream.linear.scatter [tilespmem:s25], [sflag:$0x6], $0x80, $0x38;
	[tilespmem:$0x12800] =	vst v63  }
0x409: {  	s15 =	sadd.s32 $0x70, s15;
	s26 =	simm.s32 $0x109B8  }
0x40a: {  	[hbm4b:s15+s3] =	stream.linear.scatter [tilespmem:s26], [sflag:$0x6], $0x80, $0x38;
	[tilespmem:$0x12800] =	vst v63  }
0x40b: {  	s28 =	simm.s32 $0x10A40;
	s15 =	sadd.s32 s14, s7  }
0x40c: {  	[hbm4b:s15+s3] =	stream.linear.scatter [tilespmem:s28], [sflag:$0x6], $0x80, $0x38;
	[tilespmem:$0x12800] =	vst v63  }
0x40d: {  	s25 =	simm.s32 $0x10AC8;
	s5 =	sadd.s32 $0x10, s15  }
0x40e: {  	[hbm4b:s5+s3] =	stream.linear.scatter [tilespmem:s25], [sflag:$0x6], $0x80, $0x38;
	[tilespmem:$0x12800] =	vst v63  }
0x40f: {  	s26 =	sadd.s32 $0x20, s15;
	s28 =	simm.s32 $0x10B50  }
0x410: {  	[hbm4b:s26+s3] =	stream.linear.scatter [tilespmem:s28], [sflag:$0x6], $0x80, $0x38;
	[tilespmem:$0x12800] =	vst v63  }
0x411: {  	s5 =	sadd.s32 $0x30, s15;
	s25 =	simm.s32 $0x10BD8  }
0x412: {  	[hbm4b:s5+s3] =	stream.linear.scatter [tilespmem:s25], [sflag:$0x6], $0x80, $0x38;
	[tilespmem:$0x12800] =	vst v63  }
0x413: {  	s26 =	sadd.s32 $0x40, s15;
	s28 =	simm.s32 $0x10C60  }
0x414: {  	[hbm4b:s26+s3] =	stream.linear.scatter [tilespmem:s28], [sflag:$0x6], $0x80, $0x38;
	[tilespmem:$0x12800] =	vst v63  }
0x415: {  	s5 =	sadd.s32 $0x50, s15;
	s25 =	simm.s32 $0x10CE8  }
0x416: {  	[hbm4b:s5+s3] =	stream.linear.scatter [tilespmem:s25], [sflag:$0x6], $0x80, $0x38;
	[tilespmem:$0x12800] =	vst v63  }
0x417: {  	s26 =	sadd.s32 $0x60, s15;
	s28 =	simm.s32 $0x10D70  }
0x418: {  	[hbm4b:s26+s3] =	stream.linear.scatter [tilespmem:s28], [sflag:$0x6], $0x80, $0x38;
	[tilespmem:$0x12800] =	vst v63  }
0x419: {  	s16 =	simm.s32 $0x10DF8;
	s15 =	sadd.s32 $0x70, s15  }
0x41a: {  	[hbm4b:s15+s3] =	stream.linear.scatter [tilespmem:s16], [sflag:$0x6], $0x80, $0x38;
	[tilespmem:$0x12800] =	vst v63  }
0x41b: {  	s25 =	simm.s32 $0x10E80;
	s15 =	sadd.s32 s14, s8  }
0x41c: {  	[hbm4b:s15+s3] =	stream.linear.scatter [tilespmem:s25], [sflag:$0x6], $0x80, $0x38;
	[tilespmem:$0x12800] =	vst v63  }
0x41d: {  	s28 =	simm.s32 $0x10F08;
	s26 =	sadd.s32 $0x10, s15  }
0x41e: {  	[hbm4b:s26+s3] =	stream.linear.scatter [tilespmem:s28], [sflag:$0x6], $0x80, $0x38;
	[tilespmem:$0x12800] =	vst v63  }
0x41f: {  	s5 =	sadd.s32 $0x20, s15;
	s25 =	simm.s32 $0x10F90  }
0x420: {  	[hbm4b:s5+s3] =	stream.linear.scatter [tilespmem:s25], [sflag:$0x6], $0x80, $0x38;
	[tilespmem:$0x12800] =	vst v63  }
0x421: {  	s26 =	sadd.s32 $0x30, s15;
	s28 =	simm.s32 $0x11018  }
0x422: {  	[hbm4b:s26+s3] =	stream.linear.scatter [tilespmem:s28], [sflag:$0x6], $0x80, $0x38;
	[tilespmem:$0x12800] =	vst v63  }
0x423: {  	s5 =	sadd.s32 $0x40, s15;
	s25 =	simm.s32 $0x110A0  }
0x424: {  	[hbm4b:s5+s3] =	stream.linear.scatter [tilespmem:s25], [sflag:$0x6], $0x80, $0x38;
	[tilespmem:$0x12800] =	vst v63  }
0x425: {  	s26 =	sadd.s32 $0x50, s15;
	s28 =	simm.s32 $0x11128  }
0x426: {  	[hbm4b:s26+s3] =	stream.linear.scatter [tilespmem:s28], [sflag:$0x6], $0x80, $0x38;
	[tilespmem:$0x12800] =	vst v63  }
0x427: {  	s5 =	sadd.s32 $0x60, s15;
	s25 =	simm.s32 $0x111B0  }
0x428: {  	[hbm4b:s5+s3] =	stream.linear.scatter [tilespmem:s25], [sflag:$0x6], $0x80, $0x38;
	[tilespmem:$0x12800] =	vst v63  }
0x429: {  	s15 =	sadd.s32 $0x70, s15;
	s26 =	simm.s32 $0x11238  }
0x42a: {  	[hbm4b:s15+s3] =	stream.linear.scatter [tilespmem:s26], [sflag:$0x6], $0x80, $0x38;
	[tilespmem:$0x12800] =	vst v63  }
0x42b: {  	s28 =	simm.s32 $0x112C0;
	s15 =	sadd.s32 s14, s9  }
0x42c: {  	[hbm4b:s15+s3] =	stream.linear.scatter [tilespmem:s28], [sflag:$0x6], $0x80, $0x38;
	[tilespmem:$0x12800] =	vst v63  }
0x42d: {  	s25 =	simm.s32 $0x11348;
	s5 =	sadd.s32 $0x10, s15  }
0x42e: {  	[hbm4b:s5+s3] =	stream.linear.scatter [tilespmem:s25], [sflag:$0x6], $0x80, $0x38;
	[tilespmem:$0x12800] =	vst v63  }
0x42f: {  	s26 =	sadd.s32 $0x20, s15;
	s28 =	simm.s32 $0x113D0  }
0x430: {  	[hbm4b:s26+s3] =	stream.linear.scatter [tilespmem:s28], [sflag:$0x6], $0x80, $0x38;
	[tilespmem:$0x12800] =	vst v63  }
0x431: {  	s5 =	sadd.s32 $0x30, s15;
	s25 =	simm.s32 $0x11458  }
0x432: {  	[hbm4b:s5+s3] =	stream.linear.scatter [tilespmem:s25], [sflag:$0x6], $0x80, $0x38;
	[tilespmem:$0x12800] =	vst v63  }
0x433: {  	s26 =	sadd.s32 $0x40, s15;
	s28 =	simm.s32 $0x114E0  }
0x434: {  	[hbm4b:s26+s3] =	stream.linear.scatter [tilespmem:s28], [sflag:$0x6], $0x80, $0x38;
	[tilespmem:$0x12800] =	vst v63  }
0x435: {  	s5 =	sadd.s32 $0x50, s15;
	s25 =	simm.s32 $0x11568  }
0x436: {  	[hbm4b:s5+s3] =	stream.linear.scatter [tilespmem:s25], [sflag:$0x6], $0x80, $0x38;
	[tilespmem:$0x12800] =	vst v63  }
0x437: {  	s26 =	sadd.s32 $0x60, s15;
	s28 =	simm.s32 $0x115F0  }
0x438: {  	[hbm4b:s26+s3] =	stream.linear.scatter [tilespmem:s28], [sflag:$0x6], $0x80, $0x38;
	[tilespmem:$0x12800] =	vst v63  }
0x439: {  	s16 =	simm.s32 $0x11678;
	s15 =	sadd.s32 $0x70, s15  }
0x43a: {  	[hbm4b:s15+s3] =	stream.linear.scatter [tilespmem:s16], [sflag:$0x6], $0x80, $0x38;
	[tilespmem:$0x12800] =	vst v63  }
0x43b: {  	s25 =	simm.s32 $0x11700;
	s15 =	sadd.s32 s14, s10  }
0x43c: {  	[hbm4b:s15+s3] =	stream.linear.scatter [tilespmem:s25], [sflag:$0x6], $0x80, $0x38;
	[tilespmem:$0x12800] =	vst v63  }
0x43d: {  	s28 =	simm.s32 $0x11788;
	s26 =	sadd.s32 $0x10, s15  }
0x43e: {  	[hbm4b:s26+s3] =	stream.linear.scatter [tilespmem:s28], [sflag:$0x6], $0x80, $0x38;
	[tilespmem:$0x12800] =	vst v63  }
0x43f: {  	s5 =	sadd.s32 $0x20, s15;
	s25 =	simm.s32 $0x11810  }
0x440: {  	[hbm4b:s5+s3] =	stream.linear.scatter [tilespmem:s25], [sflag:$0x6], $0x80, $0x38;
	[tilespmem:$0x12800] =	vst v63  }
0x441: {  	s26 =	sadd.s32 $0x30, s15;
	s28 =	simm.s32 $0x11898  }
0x442: {  	[hbm4b:s26+s3] =	stream.linear.scatter [tilespmem:s28], [sflag:$0x6], $0x80, $0x38;
	[tilespmem:$0x12800] =	vst v63  }
0x443: {  	s5 =	sadd.s32 $0x40, s15;
	s25 =	simm.s32 $0x11920  }
0x444: {  	[hbm4b:s5+s3] =	stream.linear.scatter [tilespmem:s25], [sflag:$0x6], $0x80, $0x38;
	[tilespmem:$0x12800] =	vst v63  }
0x445: {  	s26 =	sadd.s32 $0x50, s15;
	s28 =	simm.s32 $0x119A8  }
0x446: {  	[hbm4b:s26+s3] =	stream.linear.scatter [tilespmem:s28], [sflag:$0x6], $0x80, $0x38;
	[tilespmem:$0x12800] =	vst v63  }
0x447: {  	s5 =	sadd.s32 $0x60, s15;
	s25 =	simm.s32 $0x11A30  }
0x448: {  	[hbm4b:s5+s3] =	stream.linear.scatter [tilespmem:s25], [sflag:$0x6], $0x80, $0x38;
	[tilespmem:$0x12800] =	vst v63  }
0x449: {  	s15 =	sadd.s32 $0x70, s15;
	s26 =	simm.s32 $0x11AB8  }
0x44a: {  	[hbm4b:s15+s3] =	stream.linear.scatter [tilespmem:s26], [sflag:$0x6], $0x80, $0x38;
	[tilespmem:$0x12800] =	vst v63  }
0x44b: {  	s28 =	simm.s32 $0x11B40;
	s15 =	sadd.s32 s14, s11  }
0x44c: {  	[hbm4b:s15+s3] =	stream.linear.scatter [tilespmem:s28], [sflag:$0x6], $0x80, $0x38;
	[tilespmem:$0x12800] =	vst v63  }
0x44d: {  	s25 =	simm.s32 $0x11BC8;
	s5 =	sadd.s32 $0x10, s15  }
0x44e: {  	[hbm4b:s5+s3] =	stream.linear.scatter [tilespmem:s25], [sflag:$0x6], $0x80, $0x38;
	[tilespmem:$0x12800] =	vst v63  }
0x44f: {  	s26 =	sadd.s32 $0x20, s15;
	s28 =	simm.s32 $0x11C50  }
0x450: {  	[hbm4b:s26+s3] =	stream.linear.scatter [tilespmem:s28], [sflag:$0x6], $0x80, $0x38;
	[tilespmem:$0x12800] =	vst v63  }
0x451: {  	s5 =	sadd.s32 $0x30, s15;
	s25 =	simm.s32 $0x11CD8  }
0x452: {  	[hbm4b:s5+s3] =	stream.linear.scatter [tilespmem:s25], [sflag:$0x6], $0x80, $0x38;
	[tilespmem:$0x12800] =	vst v63  }
0x453: {  	s26 =	sadd.s32 $0x40, s15;
	s28 =	simm.s32 $0x11D60  }
0x454: {  	[hbm4b:s26+s3] =	stream.linear.scatter [tilespmem:s28], [sflag:$0x6], $0x80, $0x38;
	[tilespmem:$0x12800] =	vst v63  }
0x455: {  	s5 =	sadd.s32 $0x50, s15;
	s25 =	simm.s32 $0x11DE8  }
0x456: {  	[hbm4b:s5+s3] =	stream.linear.scatter [tilespmem:s25], [sflag:$0x6], $0x80, $0x38;
	[tilespmem:$0x12800] =	vst v63  }
0x457: {  	s26 =	sadd.s32 $0x60, s15;
	s28 =	simm.s32 $0x11E70  }
0x458: {  	[hbm4b:s26+s3] =	stream.linear.scatter [tilespmem:s28], [sflag:$0x6], $0x80, $0x38;
	[tilespmem:$0x12800] =	vst v63  }
0x459: {  	s16 =	simm.s32 $0x11EF8;
	s15 =	sadd.s32 $0x70, s15  }
0x45a: {  	[hbm4b:s15+s3] =	stream.linear.scatter [tilespmem:s16], [sflag:$0x6], $0x80, $0x38;
	[tilespmem:$0x12800] =	vst v63  }
0x45b: {  	s25 =	simm.s32 $0x11F80;
	s15 =	sadd.s32 s14, s12  }
0x45c: {  	[hbm4b:s15+s3] =	stream.linear.scatter [tilespmem:s25], [sflag:$0x6], $0x80, $0x38;
	[tilespmem:$0x12800] =	vst v63  }
0x45d: {  	s28 =	simm.s32 $0x12008;
	s26 =	sadd.s32 $0x10, s15  }
0x45e: {  	[hbm4b:s26+s3] =	stream.linear.scatter [tilespmem:s28], [sflag:$0x6], $0x80, $0x38;
	[tilespmem:$0x12800] =	vst v63  }
0x45f: {  	s5 =	sadd.s32 $0x20, s15;
	s25 =	simm.s32 $0x12090  }
0x460: {  	[hbm4b:s5+s3] =	stream.linear.scatter [tilespmem:s25], [sflag:$0x6], $0x80, $0x38;
	[tilespmem:$0x12800] =	vst v63  }
0x461: {  	s26 =	sadd.s32 $0x30, s15;
	s28 =	simm.s32 $0x12118  }
0x462: {  	[hbm4b:s26+s3] =	stream.linear.scatter [tilespmem:s28], [sflag:$0x6], $0x80, $0x38;
	[tilespmem:$0x12800] =	vst v63  }
0x463: {  	s5 =	sadd.s32 $0x40, s15;
	s25 =	simm.s32 $0x121A0  }
0x464: {  	[hbm4b:s5+s3] =	stream.linear.scatter [tilespmem:s25], [sflag:$0x6], $0x80, $0x38;
	[tilespmem:$0x12800] =	vst v63  }
0x465: {  	s26 =	sadd.s32 $0x50, s15;
	s28 =	simm.s32 $0x12228  }
0x466: {  	[hbm4b:s26+s3] =	stream.linear.scatter [tilespmem:s28], [sflag:$0x6], $0x80, $0x38;
	[tilespmem:$0x12800] =	vst v63  }
0x467: {  	s25 =	sadd.s32 $0x60, s15;
	s26 =	simm.s32 $0x122B0  }
0x468: {  	[hbm4b:s25+s3] =	stream.linear.scatter [tilespmem:s26], [sflag:$0x6], $0x80, $0x38;
	[tilespmem:$0x12800] =	vst v63  }
0x469: {  	s15 =	sadd.s32 $0x70, s15;
	s28 =	simm.s32 $0x12338  }
0x46a: {  	[hbm4b:s15+s3] =	stream.linear.scatter [tilespmem:s28], [sflag:$0x6], $0x80, $0x38;
	[tilespmem:$0x12800] =	vst v63  }
0x46b: {  	s14 =	sadd.s32 s14, s13;
	s15 =	simm.s32 $0x123C0  }
0x46c: {  	[hbm4b:s14+s3] =	stream.linear.scatter [tilespmem:s15], [sflag:$0x6], $0x80, $0x38;
	[tilespmem:$0x12800] =	vst v63  }
0x46d: {  	s16 =	sadd.s32 $0x10, s14;
	s25 =	simm.s32 $0x12448  }
0x46e: {  	[hbm4b:s16+s3] =	stream.linear.scatter [tilespmem:s25], [sflag:$0x6], $0x80, $0x38;
	[tilespmem:$0x12800] =	vst v63  }
0x46f: {  	s26 =	sadd.s32 $0x20, s14;
	s28 =	simm.s32 $0x124D0  }
0x470: {  	[hbm4b:s26+s3] =	stream.linear.scatter [tilespmem:s28], [sflag:$0x6], $0x80, $0x38;
	[tilespmem:$0x12800] =	vst v63  }
0x471: {  	s16 =	sadd.s32 $0x30, s14;
	s25 =	simm.s32 $0x12558  }
0x472: {  	[hbm4b:s16+s3] =	stream.linear.scatter [tilespmem:s25], [sflag:$0x6], $0x80, $0x38;
	[tilespmem:$0x12800] =	vst v63  }
0x473: {  	s6 =	sadd.s32 $0x1, s6;
	s26 =	sadd.s32 $0x40, s14;
	s28 =	simm.s32 $0x125E0  }
0x474: {  	[hbm4b:s26+s3] =	stream.linear.scatter [tilespmem:s28], [sflag:$0x6], $0x80, $0x38;
	[tilespmem:$0x12800] =	vst v63  }
0x475: {  	p0 =	sne.s32 s6, $0x32;
	s5 =	sadd.s32 $0x50, s14;
	s16 =	simm.s32 $0x12668  }
0x476: {  	[hbm4b:s5+s3] =	stream.linear.scatter [tilespmem:s16], [sflag:$0x6], $0x80, $0x38;
	[tilespmem:$0x12800] =	vst v63  }
.Ltmp4:
0x477: {  	_ = 	snop;
	(pc) =	sbr.rel @p0 .LBB2_2-.Ltmp4, $4  }
0x478: {  	s25 =	sadd.s32 $0x60, s14;
	s26 =	simm.s32 $0x126F0  }
0x479: {  	[hbm4b:s25+s3] =	stream.linear.scatter [tilespmem:s26], [sflag:$0x6], $0x80, $0x38;
	[tilespmem:$0x12800] =	vst v63  }
0x47a: {  	s14 =	sadd.s32 $0x70, s14;
	s28 =	simm.s32 $0x12778;
	s5 =	rddreg [dreg:$0x5]  }
0x47b: {  	[hbm4b:s14+s3] =	stream.linear.scatter [tilespmem:s28], [sflag:$0x6], $0x80, $0x38;
	[tilespmem:$0x12800] =	vst v63  }
0x47c: {  	_ =	swait.ge [sflag:s20], $0x400  }
0x47d: {  	[sflag:s20] =	ssyncset.done $0x0  }
0x47e: {  	[sflag:s20] =	ssyncadd.s32 $0xFFFFFC00  }
0x47f: {  	_ =	swait.ge [sflag:s20], $0x400  }
0x480: {  	[sflag:s20] =	ssyncset.done $0x0  }
0x481: {  	[sflag:s20] =	ssyncadd.s32 $0xFFFFFC00  }
0x482: {  	_ =	swait.ge [sflag:s20], $0x400  }
0x483: {  	[sflag:s20] =	ssyncset.done $0x0  }
0x484: {  	[sflag:s20] =	ssyncadd.s32 $0xFFFFFC00  }
0x485: {  	_ =	swait.ge [sflag:s20], $0x400  }
0x486: {  	[sflag:s20] =	ssyncset.done $0x0  }
0x487: {  	[sflag:s20] =	ssyncadd.s32 $0xFFFFFC00  }
0x488: {  	_ =	swait.ge [sflag:s20], $0x400  }
0x489: {  	[sflag:s20] =	ssyncset.done $0x0  }
0x48a: {  	[sflag:s20] =	ssyncadd.s32 $0xFFFFFC00  }
0x48b: {  	_ =	swait.ge [sflag:s20], $0x400  }
0x48c: {  	[sflag:s20] =	ssyncset.done $0x0  }
0x48d: {  	[sflag:s20] =	ssyncadd.s32 $0xFFFFFC00  }
0x48e: {  	_ =	swait.ge [sflag:s20], $0x400  }
0x48f: {  	[sflag:s20] =	ssyncset.done $0x0  }
0x490: {  	[sflag:s20] =	ssyncadd.s32 $0xFFFFFC00  }
0x491: {  	_ =	swait.ge [sflag:s20], $0x400  }
0x492: {  	[sflag:s20] =	ssyncset.done $0x0  }
0x493: {  	[sflag:s20] =	ssyncadd.s32 $0xFFFFFC00  }
0x494: {  	_ =	swait.ge [sflag:s22], $0x400  }
0x495: {  	[sflag:s22] =	ssyncset.done $0x0  }
0x496: {  	[sflag:s22] =	ssyncadd.s32 $0xFFFFFC00  }
0x497: {  	_ =	swait.ge [sflag:s22], $0x400  }
0x498: {  	[sflag:s22] =	ssyncset.done $0x0  }
0x499: {  	[sflag:s22] =	ssyncadd.s32 $0xFFFFFC00  }
0x49a: {  	_ =	swait.ge [sflag:s22], $0x400  }
0x49b: {  	[sflag:s22] =	ssyncset.done $0x0  }
0x49c: {  	[sflag:s22] =	ssyncadd.s32 $0xFFFFFC00  }
0x49d: {  	_ =	swait.ge [sflag:s22], $0x400  }
0x49e: {  	[sflag:s22] =	ssyncset.done $0x0  }
0x49f: {  	[sflag:s22] =	ssyncadd.s32 $0xFFFFFC00  }
0x4a0: {  	_ =	swait.ge [sflag:s22], $0x400  }
0x4a1: {  	[sflag:s22] =	ssyncset.done $0x0  }
0x4a2: {  	[sflag:s22] =	ssyncadd.s32 $0xFFFFFC00  }
0x4a3: {  	_ =	swait.ge [sflag:s22], $0x400  }
0x4a4: {  	[sflag:s22] =	ssyncset.done $0x0  }
0x4a5: {  	[sflag:s22] =	ssyncadd.s32 $0xFFFFFC00  }
0x4a6: {  	_ =	swait.ge [sflag:s22], $0x400  }
0x4a7: {  	[sflag:s22] =	ssyncset.done $0x0  }
0x4a8: {  	[sflag:s22] =	ssyncadd.s32 $0xFFFFFC00  }
0x4a9: {  	_ =	swait.ge [sflag:s22], $0x400  }
0x4aa: {  	s14 =	rddreg [dreg:$0x6]  }
0x4ab: {  	s6 =	rddreg [dreg:$0x4];
	s14 =	sadd.s32 $0x1, s14  }
0x4ac: {  	p0 =	sne.s32 s14, s6  }
.Ltmp5:
0x4ad: {  	_ = 	snop;
	(pc) =	sbr.rel @p0 .LBB2_1-.Ltmp5, $3  }
0x4ae: {  	_ =	sdelay $0x1  }
0x4af: {  	[sflag:s22] =	ssyncset.done $0x0  }
0x4b0: {  	[sflag:s22] =	ssyncadd.s32 $0xFFFFFC00  }
0x4b1: {  	_ =	sfence.sel $0x180000  }
0x4b2: {  	[bflag:$0x0] =	sbarrier.arrive $0xFFFF  }
0x4b3: {  	_ =	strace $0x9000004A  }
0x4b4: {  	s0 =	stileid.u32;
	[bflag:$0x2] =	sbarrier.arrive $0xFFFF  }
0x4b5: {  	p0 =	sne.s32 s0, $0x0;
	s0 =	rddreg [dreg:$0x2]  }
0x4b6: {  	s0 =	sadd.s32 @!p0 $0x100000, s0  }
0x4b7: {  	[sflag:s0] =	ssyncadd.tile.s32 @!p0 $0x1;
	_ =	shalt  }
.Lfunc_end2:
_tile_overlayer_lowered:
.L_overlay_start_2:
0x4b8: {  	(tag) =	ssettag $0x2  }
0x4b9: {  	s0 =	rddreg [dreg:$0x0];
	s2 =	stileid.u32  }
0x4ba: {  	s1 =	rddreg [dreg:$0x1];
	p0 =	sne.s32 s2, $0x0  }
0x4bb: {  	s3 =	rddreg [dreg:$0x2];
	[bflag:$0x3] =	sbarrier.arrive $0xFFFF;
	s2 =	simm.s32 @!p0 $0x1C07  }
0x4bc: {  	[timem:s3], [sflag:s2] =	dma.local @!p0 [hbm:s0], s1  }
0x4bd: {  	s0 =	simm.s32 @!p0 $0x7  }
0x4be: {  	_ =	swait.ge @!p0 [sflag:s0], s1  }
0x4bf: {  	s1 =	ssub.s32 @!p0 $0x0, s1;
	[sflag:s0] =	ssyncset.done @!p0 $0x0  }
0x4c0: {  	[sflag:s0] =	ssyncadd.s32 @!p0 s1  }
0x4c1: {  	[bflag:$0x3] =	sbarrier.arrive $0xFFFF  }
0x4c2: {  	_ =	shalt  }

// kernel: sparse-core-data-format-call.cloned.1.call-start
scs
called_computation_lowered:
.L_overlay_start_0:
0x0: {  	s2 =	sld [smem:$0x3FD9]  }
0x1: {  	s3 =	sld [smem:$0x3FFE];
	_ =	sdelay $0x1  }
0x2: {  	s1 =	srdreg.scid  }
0x3: {  	s0 =	sand.u32 $0x1, s1  }
0x4: {  	s18 =	sshll.u32 s0, $0xA;
	s2 =	sadd.s32 s3, s2  }
0x5: {  	s2 =	sadd.s32 s2, s18  }
0x6: {  	[smem:$0x3FC6] =	sst s2  }
0x7: {  	_ = 	snop  }
0x8: {  	s2 =	sld [smem:$0x3FC8];
	(tm) =	ssettm $0x1  }
0x9: {  	s19 =	sld [smem:$0x3FFB];
	_ =	sdelay $0x3  }
0xa: {  	_ =	strace s19  }
0xb: {  	s3 =	sld [smem:$0x3FFC];
	_ =	sdelay $0x3  }
0xc: {  	_ =	strace s3  }
0xd: {  	s3 =	sld [smem:$0x3FFD];
	_ =	sdelay $0x3  }
0xe: {  	_ =	strace s3  }
0xf: {  	_ =	strace $0x8FFFFFFF  }
0x10: {  	s20 =	sld [smem:$0x3FDB];
	_ =	sdelay $0x1  }
0x11: {  	s4 =	simm.s32 $_scs_section_size  }
0x12: {  	s5 =	simm.s32 $_size__tile_overlayer_lowered;
	s6 =	simm.s32 $_tile_overlayer_lowered  }
0x13: {  	s23 =	simm.s32 $0x1BFF;
	s22 =	sshll.u32 s6, $0x1;
	s3 =	sadd.s32 s4, s20  }
0x14: {  	s7 =	simm.s32 $0x0;
	s21 =	sshll.u32 s5, $0x1;
	s5 =	sadd.s32 s22, s3  }
0x15: {  	[timem:s7], [sflag:s23] =	dma.local [hbm:s5], s21  }
0x16: {  	_ =	swait.ge [sflag:s23], s21  }
0x17: {  	s4 =	ssub.s32 $0x0, s21;
	[sflag:s23] =	ssyncset.done $0x0  }
0x18: {  	[sflag:s23] =	ssyncadd.s32 s4;
	_ =	sdelay $0x1  }
0x19: {  	s24 =	simm.s32 $0x1B8B  }
0x1a: {  	_ =	swait.ge [sflag:s24], $0x1  }
0x1b: {  	[sflag:s24] =	ssyncset.done $0x0  }
0x1c: {  	s26 =	simm.s32 $0x1B8E;
	s25 =	sld [smem:$0x3FFE];
	[sflag:s24] =	ssyncadd.s32 $0xFFFFFFFF  }
0x1d: {  	s27 =	simm.s32 $execute0_lowered;
	[smem:$0x3FD2] =	sst s26  }
0x1e: {  	s5 =	sshll.u32 s27, $0x1;
	_ =	strace $0x80000046;
	[dreg:$0x1] =	wrdreg $0xFFFFFFFF  }
0x1f: {  	s28 =	simm.s32 $_size_execute0_lowered;
	s3 =	sadd.s32 s3, s5;
	[dreg:$0x0] =	wrdreg $0x0  }
0x20: {  	s5 =	sshll.u32 s28, $0x1;
	[dreg:$0x2] =	wrdreg s3  }
0x21: {  	[dreg:$0x3] =	wrdreg s5  }
0x22: {  	[dreg:$0x4] =	wrdreg $0xC0  }
0x23: {  	_ =	task [dreg:s7], $0x5FFFF  }
0x24: {  	[dreg:$0x1] =	wrdreg $0xFFFFFFFF  }
0x25: {  	[dreg:$0x0] =	wrdreg $0x60  }
0x26: {  	[dreg:$0x2] =	wrdreg s2  }
0x27: {  	[dreg:$0x3] =	wrdreg s25  }
0x28: {  	[dreg:$0x4] =	wrdreg $0x9  }
0x29: {  	_ =	task.clear_ibuf [dreg:s7], $0x5FFFF;
	_ =	strace $0x90000046  }
0x2a: {  	s29 =	simm.s32 $0x9;
	_ =	strace $0x80000048  }
0x2b: {  	_ =	swait.ge [sflag:s29], $0x1  }
0x2c: {  	[sflag:s29] =	ssyncadd.s32 $0xFFFFFFFF  }
0x2d: {  	_ =	strace $0x90000048  }
0x2e: {  	_ =	sfence  }
0x2f: {  	s30 =	sld [smem:$0x0];
	_ =	sdelay $0x2  }
0x30: {  	s31 =	sshll.u32 s1, $0xD;
	s1 =	sshrl.u32 s1, $0x2  }
0x31: {  	s3 =	sand.u32 $0x4000, s31;
	s1 =	sadd.s32 s1, s30  }
0x32: {  	s0 =	sor.u32 s3, s0;
	s1 =	sshll.u32 s1, $0x11  }
0x33: {  	s0 =	sor.u32 s1, s0  }
0x34: {  	s0 =	sadd.s32 $0x8F2B, s0  }
0x35: {  	[sflag:s0] =	ssyncadd.remote.s32 $0x1  }
0x36: {  	_ =	sfence.sel $0xFFFF  }
0x37: {  	[dreg:$0x0] =	wrdreg $0xFFFFFFFF;
	(pc) =	sbr.abs _section_cstart, $3  }
0x38: {  	[dreg:$0x1] =	wrdreg $0xFFFFFFFF  }
0x39: {  	_ =	task.clear_ibuf [dreg:s7], $0x2FFFF;
	_ =	strace $0x9FFFFFFF  }
0x3a: {  	(tm) =	ssettm $0x7FFFFFFF  }
0x3b: {  	_ =	shalt  }
tec
execute0_lowered:
.L_overlay_start_1:
0x0: {  	(tag) =	ssettag $0x1  }
0x1: {  	s0 =	srdreg.scid;
	s2 =	rddreg [dreg:$0x0]  }
0x2: {  	s5 =	rddreg [dreg:$0x1];
	s1 =	stileid.u32  }
0x3: {  	s4 =	simm.s32 $0x1;
	s6 =	simm.s32 $0x2;
	s15 =	simm.s32 $0x0  }
0x4: {  	p0 =	por $0x0, $0x0;
	s8 =	simm.s32 $0x80;
	s0 =	sshll.u32 s0, $0x4  }
0x5: {  	s14 =	simm.s32 $0x0;
	s9 =	simm.s32 $0x0;
	s3 =	sand.u32 $0x10, s0  }
.Ltmp0:
0x6: {  	s10 =	simm.s32 $0x0;
	s3 =	sor.u32 s1, s3;
	(pc) =	sbr.rel .LBB1_1-.Ltmp0, $4  }
0x7: {  	s0 =	rddreg [dreg:$0x2];
	_ =	strace $0x80000047;
	s3 =	sshll.u32 s3, $0x7  }
0x8: {  	s12 =	simm.s32 $0x0;
	[sflag:s4] =	ssyncpa.u1 $0x0;
	s7 =	ssub.s32 $0xF4200, s3  }
0x9: {  	s13 =	simm.s32 $0x0;
	[sflag:s6] =	ssyncpa.u1 $0x0;
	s6 =	sshrl.u32 s7, $0xC  }
0xa: {  	s5 =	sadd.s32 $0xA00, s5;
	s11 =	smov.u32 s3;
	s7 =	sadd.s32 $0x2, s6  }
.LBB1_5:
0xb: {  	p1 =	slt.u32 s13, $0x2  }
0xc: {  	s17 =	smov.u32 s15;
	p2 =	sgt.s32 @!p1 s15, $0xF41C0;
	s16 =	sshra.s32 @!p1 s15, $0x1F  }
0xd: {  	p3 =	sgt.s32 @!p1 s14, $0x40;
	s18 =	sshra.s32 @!p1 s14, $0x1F;
	p2 =	por !p2, p1  }
0xe: {  	s15 =	sand.u32 @!p1 s16, s15;
	p3 =	por !p3, p1;
	s16 =	smov.u32 s14  }
0xf: {  	s14 =	sand.u32 @!p1 s18, s14;
	s17 =	simm.s32 @p2 $0xF41C0;
	s16 =	simm.s32 @p3 $0x40  }
0x10: {  	s15 =	ssub.s32 @!p1 s17, s15;
	s14 =	ssub.s32 @!p1 s16, s14  }
0x11: {  	s18 =	smov.u32 s12;
	s16 =	sadd.s32 @!p1 $0xFFF0BE40, s15;
	s17 =	sadd.s32 @!p1 $0xFFFFFFC0, s14  }
0x12: {  	s15 =	ssub.s32 @!p1 $0xF4240, s15;
	p2 =	sgt.s32 @!p1 s16, $0x7F;
	p3 =	sgt.s32 @!p1 s17, $0x3F  }
0x13: {  	s14 =	ssub.s32 @!p1 $0x80, s14;
	p2 =	por !p2, p1;
	p3 =	por !p3, p1  }
0x14: {  	s16 =	sadd.s32 $0x1000, s11;
	s15 =	simm.s32 @!p2 $0x0;
	s14 =	simm.s32 @!p3 $0x0  }
0x15: {  	p2 =	sgt.s32 s16, $0xF423F;
	s14 =	smul.u32 @!p1 s14, s15;
	s15 =	sadd.s32 $0x40, s12  }
0x16: {  	s18 =	smov.u32 @p2 s15  }
0x17: {  	s16 =	smov.u32 @p2 s3;
	p2 =	sgt.s32 s18, $0x3F  }
0x18: {  	s18 =	simm.s32 @p2 $0x0;
	p2 =	sne.s32 s13, s7  }
.Ltmp1:
0x19: {  	p0 =	por !p0, !p0;
	s17 =	simm.s32 @!p1 $0x2;
	(pc) =	sbr.rel @!p2 .LBB1_6-.Ltmp1, $4  }
0x1a: {  	s15 =	smov.u32 s9;
	s9 =	smov.u32 s11;
	s14 =	sand.u32 @!p1 $0x3FFFFFFF, s14  }
0x1b: {  	s11 =	smov.u32 s16;
	_ =	swait.ge @!p1 [sflag:s17], s14;
	s19 =	ssub.s32 @!p1 $0x0, s14  }
0x1c: {  	s14 =	smov.u32 s10;
	s13 =	sadd.s32 $0x1, s13;
	[sflag:s17] =	ssyncset.done @!p1 $0x0  }
0x1d: {  	s10 =	smov.u32 s12;
	s12 =	smov.u32 s18;
	[sflag:s17] =	ssyncadd.s32 @!p1 s19  }
.LBB1_1:
0x1e: {  	p1 =	sgt.u32 s13, s6  }
0x1f: {  	s16 =	sshrl.u32 @!p1 s12, $0x3  }
0x20: {  	s17 =	sshll.u32 @!p1 s11, $0x3;
	s16 =	smul.u32 @!p1 $0x7A1400, s16  }
0x21: {  	s18 =	sshll.u32 @!p1 s12, $0x7;
	s17 =	sand.u32 @!p1 $0xFFFFFC00, s17  }
0x22: {  	s16 =	sadd.s32 @!p1 s16, s17;
	s17 =	sand.u32 @!p1 $0x380, s18  }
0x23: {  	s18 =	sand.u32 @!p1 $0x7F, s11;
	s16 =	sor.u32 @!p1 s17, s16  }
0x24: {  	s17 =	sor.u32 @!p1 s18, s16  }
0x25: {  	s18 =	smulhi.u32 @!p1 $0x218D6287, s17;
	_ =	sdelay $0x1  }
0x26: {  	s16 =	smulhi.u32 @!p1 $0x218D6287, s16;
	s18 =	sshrl.u32 @!p1 s18, $0x11  }
0x27: {  	s18 =	smul.u32 @!p1 $0xF4280, s18  }
0x28: {  	s19 =	sxor.u32 @!p1 $0xFFFFFFFF, s13;
	s16 =	sshrl.u32 @!p1 s16, $0x11  }
0x29: {  	s19 =	sshll.u32 @!p1 s19, $0xD;
	s16 =	sand.u32 @!p1 $0x3F, s16;
	s17 =	ssub.s32 @!p1 s17, s18  }
0x2a: {  	s16 =	smul.u32 @!p1 $0x1E850, s16;
	s18 =	sshrl.u32 @!p1 s17, $0x3;
	s17 =	sand.u32 @!p1 $0x7, s17  }
0x2b: {  	s19 =	sand.u32 @!p1 $0x2000, s19;
	s18 =	sadd.s32 @!p1 s2, s18;
	s17 =	sshll.u32 @!p1 s17, $0x12  }
0x2c: {  	s16 =	sadd.s32 @!p1 s16, s18;
	s17 =	sor.u32 @!p1 $0x400, s17;
	s18 =	simm.s32 @!p1 $0x7A1400  }
0x2d: {  	[tilespmem:s19], [sflag:$0x1] =	stream.strided.gather @!p1 [hbm4b:s16+s17], $0x2000, s18, s17, $0x38;
	[tilespmem:$0x8100] =	vst v63  }
0x2e: {  	p1 =	seq.s32 s13, $0x0  }
0x2f: {  	p2 =	sge.u32 @!p1 s13, s7  }
0x30: {  	p1 =	por p1, p2  }
.Ltmp2:
0x31: {  	_ = 	snop;
	(pc) =	sbr.rel @p1 .LBB1_5-.Ltmp2, $1  }
0x32: {  	_ =	sdelay $0x3  }
0x33: {  	s16 =	simm.s32 $0x1  }
0x34: {  	_ =	swait.ge [sflag:s4], $0x2000;
	s16 =	simm.s32 @!p0 $0x0  }
0x35: {  	[sflag:s4] =	ssyncset.done $0x0;
	s17 =	sshll.u32 s16, $0xD  }
0x36: {  	[sflag:s4] =	ssyncadd.s32 $0xFFFFE000;
	s17 =	sor.u32 $0x40, s17  }
0x37: {  	s16 =	smul.u32 $0x8200, s16;
	v0 =	vld [tilespmem:s17+$0x30]  }
0x38: {  	v1 =	vld [tilespmem:s17+$0xFFFFFFD0]  }
0x39: {  	s16 =	sshrl.u32 s16, $0x2;
	v5 =	vld [tilespmem:s17+$0xFFFFFFE0]  }
0x3a: {  	v6 =	vld [tilespmem:s17+$0xFFFFFFF0];
	s19 =	sor.u32 $0x4000, s16  }
0x3b: {  	s31 =	sand.u32 $0x1, s13;
	v4 =	vld [tilespmem:s17+$0x0];
	s18 =	sadd.s32 $0x0, s19  }
0x3c: {  	v3 =	vld [tilespmem:s17+$0x10];
	s16 =	smul.u32 $0x8200, s31;
	[tilespmem:s18+$0x1C70 ss:$0x41] =	vst.msk $0xffff, v0  }
0x3d: {  	v2 =	vld [tilespmem:s17+$0x20];
	[tilespmem:s18+$0x410 ss:$0x41] =	vst.msk $0xffff, v1  }
0x3e: {  	s16 =	sshrl.u32 s16, $0x2;
	v1 =	vld [tilespmem:s17+$0xFFFFFFC0];
	[tilespmem:s18+$0x820 ss:$0x41] =	vst.msk $0xffff, v5;
	s17 =	sadd.s32 $0x80, s17  }
0x3f: {  	s20 =	simm.s32 $0x4;
	s21 =	simm.s32 $0x8;
	s16 =	sor.u32 $0x4000, s16;
	[tilespmem:s18+$0xC30 ss:$0x41] =	vst.msk $0xffff, v6;
	v0 =	vld [tilespmem:s17+$0x30]  }
.LBB1_3:
0x40: {  	p1 =	sne.s32 s21, $0xFC;
	v5 =	vld [tilespmem:s17+$0xFFFFFFD0];
	[tilespmem:s18+$0x1040 ss:$0x41] =	vst.msk $0xffff, v4  }
0x41: {  	v6 =	vld [tilespmem:s17+$0xFFFFFFE0];
	[tilespmem:s18+$0x1450 ss:$0x41] =	vst.msk $0xffff, v3  }
0x42: {  	s22 =	sshra.s32 s20, $0x2;
	s20 =	smov.u32 s21;
	v7 =	vld [tilespmem:s17+$0xFFFFFFF0];
	[tilespmem:s18+$0x1860 ss:$0x41] =	vst.msk $0xffff, v2  }
.Ltmp3:
0x43: {  	v4 =	vld [tilespmem:s17+$0x0];
	[tilespmem:s18+$0x0 ss:$0x41] =	vst.msk $0xffff, v1;
	s18 =	sadd.s32 s22, s19;
	(pc) =	sbr.rel @p1 .LBB1_3-.Ltmp3, $4  }
0x44: {  	v3 =	vld [tilespmem:s17+$0x10];
	[tilespmem:s18+$0x1C70 ss:$0x41] =	vst.msk $0xffff, v0  }
0x45: {  	[tilespmem:s18+$0x410 ss:$0x41] =	vst.msk $0xffff, v5;
	v2 =	vld [tilespmem:s17+$0x20]  }
0x46: {  	v1 =	vld [tilespmem:s17+$0xFFFFFFC0];
	[tilespmem:s18+$0x820 ss:$0x41] =	vst.msk $0xffff, v6;
	s17 =	sadd.s32 $0x80, s17  }
0x47: {  	s21 =	sadd.s32 $0x4, s21;
	v0 =	vld [tilespmem:s17+$0x30];
	[tilespmem:s18+$0xC30 ss:$0x41] =	vst.msk $0xffff, v7  }
0x48: {  	s21 =	sshll.u32 s9, $0x7;
	s22 =	sshll.u32 s10, $0x3;
	s20 =	sshra.s32 s20, $0x2  }
0x49: {  	p1 =	sgt.s32 s9, $0xF41C0;
	s30 =	sshra.s32 s9, $0x1F;
	s25 =	sshra.s32 s10, $0x1F  }
0x4a: {  	v5 =	vld [tilespmem:s17+$0xFFFFFFD0];
	s28 =	sshrl.u32 s10, $0x3;
	s23 =	sand.u32 $0xFFFFFC00, s21;
	s22 =	sand.u32 $0xFFFFFC00, s22  }
0x4b: {  	[tilespmem:s18+$0x1040 ss:$0x41] =	vst.msk $0xffff, v4;
	v58 =	vld [tilespmem:s17+$0xFFFFFFE0];
	s21 =	sand.u32 $0x380, s21;
	s19 =	sadd.s32 s20, s19;
	s22 =	sadd.s32 s22, s23  }
0x4c: {  	v59 =	vld [tilespmem:s17+$0xFFFFFFF0];
	[tilespmem:s18+$0x1450 ss:$0x41] =	vst.msk $0xffff, v3;
	s29 =	sor.u32 s21, s22;
	s21 =	smov.u32 s9;
	s22 =	sand.u32 s30, s9  }
0x4d: {  	v60 =	vld [tilespmem:s17+$0x0];
	[tilespmem:s18+$0x1860 ss:$0x41] =	vst.msk $0xffff, v2;
	s30 =	sand.u32 $0x7, s10;
	s20 =	sshrl.u32 s29, $0x7;
	s21 =	simm.s32 @!p1 $0xF41C0  }
0x4e: {  	v61 =	vld [tilespmem:s17+$0x10];
	[tilespmem:s18+$0x0 ss:$0x41] =	vst.msk $0xffff, v1;
	p1 =	sgt.s32 s10, $0x40;
	s24 =	ssub.s32 s21, s22;
	s21 =	smov.u32 s10  }
0x4f: {  	v62 =	vld [tilespmem:s17+$0x20];
	[tilespmem:s19+$0x1C70 ss:$0x41] =	vst.msk $0xffff, v0;
	s31 =	smulhi.u32 $0x218DEF5, s20;
	s22 =	sand.u32 s25, s10;
	s21 =	simm.s32 @!p1 $0x40  }
0x50: {  	v63 =	vld [tilespmem:s17+$0xFFFFFFC0];
	[tilespmem:s19+$0x410 ss:$0x41] =	vst.msk $0xffff, v5;
	s26 =	sadd.s32 $0xFFF0BE40, s24;
	s17 =	ssub.s32 $0xF4240, s24;
	s21 =	ssub.s32 s21, s22  }
0x51: {  	[tilespmem:s19+$0x820 ss:$0x41] =	vst.msk $0xffff, v58;
	s23 =	sshrl.u32 s31, $0xD;
	p1 =	sgt.s32 s26, $0x7F;
	s27 =	sadd.s32 $0xFFFFFFC0, s21  }
0x52: {  	[tilespmem:s19+$0xC30 ss:$0x41] =	vst.msk $0xffff, v59;
	s23 =	smul.u32 $0xF4240, s23;
	s18 =	ssub.s32 $0x80, s21;
	p2 =	sgt.s32 s27, $0x3F  }
.Ltmp4:
0x53: {  	[tilespmem:s19+$0x1040 ss:$0x41] =	vst.msk $0xffff, v60;
	s17 =	simm.s32 @p1 $0x0;
	s18 =	simm.s32 @p2 $0x0;
	(pc) =	sbr.rel .LBB1_5-.Ltmp4, $4  }
0x54: {  	s29 =	sand.u32 $0xF, s28;
	[tilespmem:s19+$0x1450 ss:$0x41] =	vst.msk $0xffff, v61;
	s20 =	ssub.s32 s20, s23;
	s17 =	smul.u32 s18, s17  }
0x55: {  	[tilespmem:s19+$0x1860 ss:$0x41] =	vst.msk $0xffff, v62;
	s21 =	sshll.u32 s30, $0x12;
	s20 =	sshll.u32 s20, $0x4;
	s18 =	sadd.s32 s5, s29  }
0x56: {  	[tilespmem:s19+$0x0 ss:$0x41] =	vst.msk $0xffff, v63;
	s31 =	sor.u32 $0x40, s21;
	s18 =	sadd.s32 s20, s18;
	s17 =	sand.u32 $0x3FFFFFFF, s17  }
0x57: {  	[hbm4b:s18+s31] =	stream.strided.scatter [tilespmem:s16], [sflag:$0x2], s17, s8, s31, $0x18;
	[tilespmem:$0x8100] =	vst v63  }
.LBB1_6:
0x58: {  	_ =	sfence.sel $0x180000  }
0x59: {  	s2 =	simm.s32 $0x1;
	[bflag:$0x0] =	sbarrier.arrive $0xFFFF  }
0x5a: {  	s31 =	simm.s32 $0x2;
	[sflag:s2] =	ssyncpa.u1 $0x1  }
0x5b: {  	[sflag:s31] =	ssyncpa.u1 $0x1  }
0x5c: {  	p0 =	sne.s32 s1, $0x0;
	_ =	strace $0x90000047  }
0x5d: {  	s0 =	sadd.s32 @!p0 $0x100000, s0;
	[bflag:$0x2] =	sbarrier.arrive $0xFFFF  }
0x5e: {  	[sflag:s0] =	ssyncadd.tile.s32 @!p0 $0x1;
	_ =	shalt  }
.Lfunc_end1:
_tile_overlayer_lowered:
.L_overlay_start_2:
0x5f: {  	(tag) =	ssettag $0x2  }
0x60: {  	s0 =	rddreg [dreg:$0x0];
	s2 =	stileid.u32  }
0x61: {  	s1 =	rddreg [dreg:$0x1];
	p0 =	sne.s32 s2, $0x0  }
0x62: {  	s3 =	rddreg [dreg:$0x2];
	[bflag:$0x3] =	sbarrier.arrive $0xFFFF;
	s2 =	simm.s32 @!p0 $0x1C01  }
0x63: {  	[timem:s3], [sflag:s2] =	dma.local @!p0 [hbm:s0], s1  }
0x64: {  	s0 =	simm.s32 @!p0 $0x1  }
0x65: {  	_ =	swait.ge @!p0 [sflag:s0], s1  }
0x66: {  	s1 =	ssub.s32 @!p0 $0x0, s1;
	[sflag:s0] =	ssyncset.done @!p0 $0x0  }
0x67: {  	[sflag:s0] =	ssyncadd.s32 @!p0 s1  }
0x68: {  	[bflag:$0x3] =	sbarrier.arrive $0xFFFF  }
0x69: {  	_ =	shalt  }

</sc_bundles>
